<compile_context>
chip_gen: v7x
topology: tpu7x:2x2x1
jax: 0.10.2.dev20260603
libtpu: 0.0.44.dev20260713+nightly
codegen_flags: <defaults>
</compile_context>

<pallas_src>
import functools

import jax
import jax.numpy as jnp
from jax import lax
from jax.experimental import pallas as pl
from jax.experimental.pallas import tpu as pltpu
from jax.experimental.pallas import tpu_sc as plsc

_D = 64
_SEQ = 200
_BATCH = 1024
_SCALE = 8.0

_VOCAB = 1000000
_NC = 2
_NS = 16
_NW = _NC * _NS
_SEQS_PER_W = _BATCH // _NW
_IDX_PER_W = _SEQS_PER_W * _SEQ
_CHUNK_A = 104
_CHUNK_B = _SEQ - _CHUNK_A


def _embed_sc(x_flat, table_pad, pos):
  mesh = plsc.VectorSubcoreMesh(core_axis_name="c", subcore_axis_name="s")

  @functools.partial(
      pl.kernel,
      out_type=jax.ShapeDtypeStruct((_BATCH * _SEQ, 2 * _D), jnp.float32),
      mesh=mesh,
      compiler_params=pltpu.CompilerParams(use_tc_tiling_on_sc=True),
      scratch_types=[
          pltpu.VMEM((_IDX_PER_W,), jnp.int32),
          pltpu.VMEM((_SEQ, _D), jnp.float32),
          pltpu.VMEM((_SEQ, 2 * _D), jnp.float32),
          pltpu.VMEM((_SEQ, 2 * _D), jnp.float32),
          pltpu.SemaphoreType.DMA,
          pltpu.SemaphoreType.DMA,
          pltpu.SemaphoreType.DMA,
          pltpu.SemaphoreType.DMA,
      ],
  )
  def k(x_hbm, tab_hbm, pos_hbm, out_hbm,
        idx_v, pos_v, rows0, rows1, sg0, sg1, sw0, sw1):
    w = lax.axis_index("s") * _NC + lax.axis_index("c")
    base = w * _IDX_PER_W

    pltpu.sync_copy(x_hbm.at[pl.ds(base, _IDX_PER_W)], idx_v)
    pltpu.sync_copy(pos_hbm.at[pl.ds(0, _SEQ)], pos_v)

    rows = (rows0, rows1)
    sg = (sg0, sg1)
    sw = (sw0, sw1)

    def gather_descs(s, p):
      off = s * _SEQ
      return (
          pltpu.make_async_copy(
              tab_hbm.at[idx_v.at[pl.ds(off, _CHUNK_A)]],
              rows[p].at[pl.ds(0, _CHUNK_A)], sg[p]),
          pltpu.make_async_copy(
              tab_hbm.at[idx_v.at[pl.ds(off + _CHUNK_A, _CHUNK_B)]],
              rows[p].at[pl.ds(_CHUNK_A, _CHUNK_B)], sg[p]),
      )

    def writeback_desc(s, p):
      out_off = (base + s * _SEQ)
      return pltpu.make_async_copy(
          rows[p], out_hbm.at[pl.ds(out_off, _SEQ)], sw[p])

    def compute(p):
      rv = rows[p]

      def body(r, carry):
        for g in range(_D // 16):
          sl = pl.ds(g * 16, 16)
          rv[r, sl] = rv[r, sl] * _SCALE + pos_v[r, sl]
        return carry

      lax.fori_loop(0, _SEQ, body, 0)

    for d in gather_descs(0, 0):
      d.start()
    for s in range(_SEQS_PER_W):
      p = s % 2
      if s + 1 < _SEQS_PER_W:
        if s >= 1:
          writeback_desc(s - 1, 1 - p).wait()
        for d in gather_descs(s + 1, 1 - p):
          d.start()
      for d in gather_descs(s, p):
        d.wait()
      compute(p)
      writeback_desc(s, p).start()
    writeback_desc(_SEQS_PER_W - 2, 0).wait()
    writeback_desc(_SEQS_PER_W - 1, 1).wait()

  return k


def kernel(x, word_embed_weight, pos_embed_weight):
  x_flat = x.reshape(-1)
  tab_pad = jnp.pad(word_embed_weight, ((0, 0), (0, _D)))
  out = _embed_sc(x_flat, tab_pad, pos_embed_weight)(
      x_flat, tab_pad, pos_embed_weight)
  return out[:, :_D].reshape(_BATCH, _SEQ, _D)

# --- scband reference (transcript-rebuilt; emitter-appended) ---
"""Pipeline reference for scband-token-embedding-8950711844934 (READ-ONLY COPY).

The authoritative reference and input builder live on the scoring server;
editing this copy changes nothing except your own understanding.
"""

import jax, jax.numpy as jnp
import numpy as np

VOCAB = 1000000
EMBED_DIM = 64
MAX_LEN = 512
BATCH = 1024
SEQ = 200
SCALE = 64.0


def setup_inputs(seed: int = 0) -> dict:
    key = jax.random.key(seed)
    k1, k2, k3 = jax.random.split(key, 3)
    x = jax.random.randint(k1, (BATCH, SEQ), 0, VOCAB, dtype=jnp.int32)
    word_embed_weight = jax.random.normal(k2, (VOCAB, EMBED_DIM), dtype=jnp.float32)
    pos_embed_weight = jax.random.normal(k3, (MAX_LEN, EMBED_DIM), dtype=jnp.float32)
    return {"x": x, "word_embed_weight": word_embed_weight, "pos_embed_weight": pos_embed_weight}


def reference(x, word_embed_weight, pos_embed_weight):
    # Faithful translation of TokenEmbedding.forward (eval mode: dropout=0 -> identity)
    T = x.shape[1]
    positions = jnp.arange(MAX_LEN)[None, :]  # registered buffer
    pos = positions[:, :T]  # [1, T]
    word_embed = jnp.take(word_embed_weight, x, axis=0)        # [B, T, D] gather
    pos_embed = jnp.take(pos_embed_weight, pos, axis=0)        # [1, T, D] gather
    scale = jnp.sqrt(jnp.asarray([SCALE], dtype=jnp.float32))  # registered buffer sqrt(scale)
    embed = pos_embed + word_embed * scale
    return embed

if __name__ == "__main__":
    import jax
    _d = setup_inputs()
    print(jax.jit(kernel)(*tuple(_d.values())))

</pallas_src>

<mosaic_0001>
#map = affine_map<(d0, d1) -> (0)>
#map1 = affine_map<(d0, d1) -> (0, 0)>
module attributes {stable_mosaic.version = 14 : i64} {
  func.func @k(%arg0: i32, %arg1: i32, %arg2: memref<204800xi32, #tpu.memory_space<hbm>>, %arg3: memref<1000000x128xf32, #tpu.memory_space<hbm>>, %arg4: memref<512x64xf32, #tpu.memory_space<hbm>>, %arg5: memref<204800x128xf32, #tpu.memory_space<hbm>>, %arg6: memref<6400xi32, #tpu.memory_space<vmem>>, %arg7: memref<200x64xf32, #tpu.memory_space<vmem>>, %arg8: memref<200x128xf32, #tpu.memory_space<vmem>>, %arg9: memref<200x128xf32, #tpu.memory_space<vmem>>, %arg10: memref<!tpu.dma_semaphore, #tpu.memory_space<semaphore_mem>>, %arg11: memref<!tpu.dma_semaphore, #tpu.memory_space<semaphore_mem>>, %arg12: memref<!tpu.dma_semaphore, #tpu.memory_space<semaphore_mem>>, %arg13: memref<!tpu.dma_semaphore, #tpu.memory_space<semaphore_mem>>) attributes {dimension_semantics = [#tpu.dimension_semantics<core_parallel>, #tpu.dimension_semantics<subcore_parallel>], iteration_bounds = array<i64: 2, 16>, scalar_prefetch = 0 : i64, scratch_operands = 8 : i64, tpu.core_type = #tpu.core_type<sc_vector_subcore>, window_params = [{transform_indices = #map}, {transform_indices = #map1}, {transform_indices = #map1}, {transform_indices = #map1}]} {
    %mul3A = arith.constant 2 : i32
    %mul3A_0 = arith.muli %arg1, %mul3A : i32
    %add3A = arith.addi %mul3A_0, %arg0 : i32
    %mul3A_1 = arith.constant 6400 : i32
    %mul3A_2 = arith.muli %add3A, %mul3A_1 : i32
    "tpu.region"() ({
      %run_scoped3A = tpu.sem_alloc : memref<!tpu.dma_semaphore, #tpu.memory_space<semaphore_mem>>
      %dma_start3A_1600 = tpu.memref_slice %arg2[%mul3A_2] : memref<204800xi32, #tpu.memory_space<hbm>> -> memref<6400xi32, #tpu.memory_space<hbm>>
      %dma_start3A_1601 = tpu.memref_slice %arg2[%mul3A_2] : memref<204800xi32, #tpu.memory_space<hbm>> -> memref<6400xi32, #tpu.memory_space<hbm>>
      tpu.enqueue_dma source(%dma_start3A_1601 : memref<6400xi32, #tpu.memory_space<hbm>>) target(%arg6 : memref<6400xi32, #tpu.memory_space<vmem>>) target_semaphore(%run_scoped3A : memref<!tpu.dma_semaphore, #tpu.memory_space<semaphore_mem>>)
      %dma_wait3A_1602 = tpu.memref_slice %arg2[%mul3A_2] : memref<204800xi32, #tpu.memory_space<hbm>> -> memref<6400xi32, #tpu.memory_space<hbm>>
      %dma_wait3A_1603 = tpu.memref_slice %arg2[%mul3A_2] : memref<204800xi32, #tpu.memory_space<hbm>> -> memref<6400xi32, #tpu.memory_space<hbm>>
      tpu.wait_dma2 semaphore(%run_scoped3A : memref<!tpu.dma_semaphore, #tpu.memory_space<semaphore_mem>>) src(%dma_wait3A_1603 : memref<6400xi32, #tpu.memory_space<hbm>>) dst(%arg6 : memref<6400xi32, #tpu.memory_space<vmem>>)
      tpu.yield
    }) : () -> ()
    "tpu.region"() ({
      %run_scoped3A = tpu.sem_alloc : memref<!tpu.dma_semaphore, #tpu.memory_space<semaphore_mem>>
      %dma_start3A_1600 = arith.constant 0 : i32
      %dma_start3A_1601 = arith.constant 0 : i32
      %dma_start3A_1602 = tpu.memref_slice %arg4[%dma_start3A_1600, %dma_start3A_1601] : memref<512x64xf32, #tpu.memory_space<hbm>> -> memref<200x64xf32, #tpu.memory_space<hbm>>
      %dma_start3A_1603 = arith.constant 0 : i32
      %dma_start3A_1604 = arith.constant 0 : i32
      %dma_start3A_1605 = tpu.memref_slice %arg4[%dma_start3A_1603, %dma_start3A_1604] : memref<512x64xf32, #tpu.memory_space<hbm>> -> memref<200x64xf32, #tpu.memory_space<hbm>>
      tpu.enqueue_dma source(%dma_start3A_1605 : memref<200x64xf32, #tpu.memory_space<hbm>>) target(%arg7 : memref<200x64xf32, #tpu.memory_space<vmem>>) target_semaphore(%run_scoped3A : memref<!tpu.dma_semaphore, #tpu.memory_space<semaphore_mem>>)
      %dma_wait3A_1606 = arith.constant 0 : i32
      %dma_wait3A_1607 = arith.constant 0 : i32
      %dma_wait3A_1608 = tpu.memref_slice %arg4[%dma_wait3A_1606, %dma_wait3A_1607] : memref<512x64xf32, #tpu.memory_space<hbm>> -> memref<200x64xf32, #tpu.memory_space<hbm>>
      %dma_wait3A_1609 = arith.constant 0 : i32
      %dma_wait3A_1610 = arith.constant 0 : i32
      %dma_wait3A_1611 = tpu.memref_slice %arg4[%dma_wait3A_1609, %dma_wait3A_1610] : memref<512x64xf32, #tpu.memory_space<hbm>> -> memref<200x64xf32, #tpu.memory_space<hbm>>
      tpu.wait_dma2 semaphore(%run_scoped3A : memref<!tpu.dma_semaphore, #tpu.memory_space<semaphore_mem>>) src(%dma_wait3A_1611 : memref<200x64xf32, #tpu.memory_space<hbm>>) dst(%arg7 : memref<200x64xf32, #tpu.memory_space<vmem>>)
      tpu.yield
    }) : () -> ()
    %dma_start3A = arith.constant 0 : i32
    %dma_start3A_3 = arith.constant 0 : i32
    %dma_start3A_4 = tpu.memref_slice %arg8[%dma_start3A, %dma_start3A_3] : memref<200x128xf32, #tpu.memory_space<vmem>> -> memref<104x128xf32, #tpu.memory_space<vmem>>
    %dma_start3A_5 = arith.constant 0 : i32
    %dma_start3A_6 = tpu.memref_slice %arg6[%dma_start3A_5] : memref<6400xi32, #tpu.memory_space<vmem>> -> memref<104xi32, #tpu.memory_space<vmem>>
    %dma_start3A_7 = arith.constant 0 : i32
    %dma_start3A_8 = arith.constant 0 : i32
    %dma_start3A_9 = tpu.memref_slice %arg3[%dma_start3A_7, %dma_start3A_8] : memref<1000000x128xf32, #tpu.memory_space<hbm>> -> memref<1000000x128xf32, #tpu.memory_space<hbm>>
    tpu.enqueue_indirect_dma source(%dma_start3A_9 : memref<1000000x128xf32, #tpu.memory_space<hbm>>) target(%dma_start3A_4 : memref<104x128xf32, #tpu.memory_space<vmem>>) offsets(%dma_start3A_6 : memref<104xi32, #tpu.memory_space<vmem>>) semaphore(%arg10 : memref<!tpu.dma_semaphore, #tpu.memory_space<semaphore_mem>>)
    %dma_start3A_10 = arith.constant 104 : i32
    %dma_start3A_11 = arith.constant 0 : i32
    %dma_start3A_12 = tpu.memref_slice %arg8[%dma_start3A_10, %dma_start3A_11] : memref<200x128xf32, #tpu.memory_space<vmem>> -> memref<96x128xf32, #tpu.memory_space<vmem>>
    %dma_start3A_13 = arith.constant 104 : i32
    %dma_start3A_14 = tpu.memref_slice %arg6[%dma_start3A_13] : memref<6400xi32, #tpu.memory_space<vmem>> -> memref<96xi32, #tpu.memory_space<vmem>>
    %dma_start3A_15 = arith.constant 0 : i32
    %dma_start3A_16 = arith.constant 0 : i32
    %dma_start3A_17 = tpu.memref_slice %arg3[%dma_start3A_15, %dma_start3A_16] : memref<1000000x128xf32, #tpu.memory_space<hbm>> -> memref<1000000x128xf32, #tpu.memory_space<hbm>>
    tpu.enqueue_indirect_dma source(%dma_start3A_17 : memref<1000000x128xf32, #tpu.memory_space<hbm>>) target(%dma_start3A_12 : memref<96x128xf32, #tpu.memory_space<vmem>>) offsets(%dma_start3A_14 : memref<96xi32, #tpu.memory_space<vmem>>) semaphore(%arg10 : memref<!tpu.dma_semaphore, #tpu.memory_space<semaphore_mem>>)
    %dma_start3A_18 = arith.constant 0 : i32
    %dma_start3A_19 = arith.constant 0 : i32
    %dma_start3A_20 = tpu.memref_slice %arg9[%dma_start3A_18, %dma_start3A_19] : memref<200x128xf32, #tpu.memory_space<vmem>> -> memref<104x128xf32, #tpu.memory_space<vmem>>
    %dma_start3A_21 = arith.constant 200 : i32
    %dma_start3A_22 = tpu.memref_slice %arg6[%dma_start3A_21] : memref<6400xi32, #tpu.memory_space<vmem>> -> memref<104xi32, #tpu.memory_space<vmem>>
    %dma_start3A_23 = arith.constant 0 : i32
    %dma_start3A_24 = arith.constant 0 : i32
    %dma_start3A_25 = tpu.memref_slice %arg3[%dma_start3A_23, %dma_start3A_24] : memref<1000000x128xf32, #tpu.memory_space<hbm>> -> memref<1000000x128xf32, #tpu.memory_space<hbm>>
    tpu.enqueue_indirect_dma source(%dma_start3A_25 : memref<1000000x128xf32, #tpu.memory_space<hbm>>) target(%dma_start3A_20 : memref<104x128xf32, #tpu.memory_space<vmem>>) offsets(%dma_start3A_22 : memref<104xi32, #tpu.memory_space<vmem>>) semaphore(%arg11 : memref<!tpu.dma_semaphore, #tpu.memory_space<semaphore_mem>>)
    %dma_start3A_26 = arith.constant 104 : i32
    %dma_start3A_27 = arith.constant 0 : i32
    %dma_start3A_28 = tpu.memref_slice %arg9[%dma_start3A_26, %dma_start3A_27] : memref<200x128xf32, #tpu.memory_space<vmem>> -> memref<96x128xf32, #tpu.memory_space<vmem>>
    %dma_start3A_29 = arith.constant 304 : i32
    %dma_start3A_30 = tpu.memref_slice %arg6[%dma_start3A_29] : memref<6400xi32, #tpu.memory_space<vmem>> -> memref<96xi32, #tpu.memory_space<vmem>>
    %dma_start3A_31 = arith.constant 0 : i32
    %dma_start3A_32 = arith.constant 0 : i32
    %dma_start3A_33 = tpu.memref_slice %arg3[%dma_start3A_31, %dma_start3A_32] : memref<1000000x128xf32, #tpu.memory_space<hbm>> -> memref<1000000x128xf32, #tpu.memory_space<hbm>>
    tpu.enqueue_indirect_dma source(%dma_start3A_33 : memref<1000000x128xf32, #tpu.memory_space<hbm>>) target(%dma_start3A_28 : memref<96x128xf32, #tpu.memory_space<vmem>>) offsets(%dma_start3A_30 : memref<96xi32, #tpu.memory_space<vmem>>) semaphore(%arg11 : memref<!tpu.dma_semaphore, #tpu.memory_space<semaphore_mem>>)
    %dma_wait3A = arith.constant 0 : i32
    %dma_wait3A_34 = arith.constant 0 : i32
    %dma_wait3A_35 = tpu.memref_slice %arg8[%dma_wait3A, %dma_wait3A_34] : memref<200x128xf32, #tpu.memory_space<vmem>> -> memref<104x128xf32, #tpu.memory_space<vmem>>
    %dma_wait3A_36 = arith.constant 0 : i32
    %dma_wait3A_37 = tpu.memref_slice %arg6[%dma_wait3A_36] : memref<6400xi32, #tpu.memory_space<vmem>> -> memref<104xi32, #tpu.memory_space<vmem>>
    %dma_wait3A_38 = arith.constant 0 : i32
    %dma_wait3A_39 = arith.constant 0 : i32
    %dma_wait3A_40 = tpu.memref_slice %arg3[%dma_wait3A_38, %dma_wait3A_39] : memref<1000000x128xf32, #tpu.memory_space<hbm>> -> memref<1000000x128xf32, #tpu.memory_space<hbm>>
    tpu.wait_indirect_dma semaphore(%arg10 : memref<!tpu.dma_semaphore, #tpu.memory_space<semaphore_mem>>) src(%dma_wait3A_40 : memref<1000000x128xf32, #tpu.memory_space<hbm>>) dst(%dma_wait3A_35 : memref<104x128xf32, #tpu.memory_space<vmem>>)
    %dma_wait3A_41 = arith.constant 104 : i32
    %dma_wait3A_42 = arith.constant 0 : i32
    %dma_wait3A_43 = tpu.memref_slice %arg8[%dma_wait3A_41, %dma_wait3A_42] : memref<200x128xf32, #tpu.memory_space<vmem>> -> memref<96x128xf32, #tpu.memory_space<vmem>>
    %dma_wait3A_44 = arith.constant 104 : i32
    %dma_wait3A_45 = tpu.memref_slice %arg6[%dma_wait3A_44] : memref<6400xi32, #tpu.memory_space<vmem>> -> memref<96xi32, #tpu.memory_space<vmem>>
    %dma_wait3A_46 = arith.constant 0 : i32
    %dma_wait3A_47 = arith.constant 0 : i32
    %dma_wait3A_48 = tpu.memref_slice %arg3[%dma_wait3A_46, %dma_wait3A_47] : memref<1000000x128xf32, #tpu.memory_space<hbm>> -> memref<1000000x128xf32, #tpu.memory_space<hbm>>
    tpu.wait_indirect_dma semaphore(%arg10 : memref<!tpu.dma_semaphore, #tpu.memory_space<semaphore_mem>>) src(%dma_wait3A_48 : memref<1000000x128xf32, #tpu.memory_space<hbm>>) dst(%dma_wait3A_43 : memref<96x128xf32, #tpu.memory_space<vmem>>)
    %scan3A = arith.constant 0 : i32
    %scan3A_49 = arith.constant 0 : i32
    %scan3A_50 = arith.constant 200 : i32
    %scan3A_51 = arith.addi %scan3A_49, %scan3A_50 : i32
    %scan3A_52 = arith.constant 1 : i32
    scf.for %scan3A_1600 = %scan3A_49 to %scan3A_51 step %scan3A_52  : i32 {
      %get3A = arith.index_cast %scan3A_1600 : i32 to index
      %get3A_1601 = arith.constant 0 : index
      %get3A_1602 = tpu.vector_load %arg8[%get3A, %get3A_1601] {strides = array<i32>} : memref<200x128xf32, #tpu.memory_space<vmem>>, vector<1x16xf32>,
      %get3A_1603 = vector.shape_cast %get3A_1602 : vector<1x16xf32> to vector<16xf32>
      %mul3A_1604 = arith.constant 8.000000e+00 : f32
      %mul3A_1605 = vector.broadcast %mul3A_1604 : f32 to vector<16xf32>
      %mul3A_1606 = arith.mulf %get3A_1603, %mul3A_1605 : vector<16xf32>
      %get3A_1607 = arith.index_cast %scan3A_1600 : i32 to index
      %get3A_1608 = arith.constant 0 : index
      %get3A_1609 = tpu.vector_load %arg7[%get3A_1607, %get3A_1608] {strides = array<i32>} : memref<200x64xf32, #tpu.memory_space<vmem>>, vector<1x16xf32>,
      %get3A_1610 = vector.shape_cast %get3A_1609 : vector<1x16xf32> to vector<16xf32>
      %add3A_1611 = arith.addf %mul3A_1606, %get3A_1610 : vector<16xf32>
      %swap3A = arith.index_cast %scan3A_1600 : i32 to index
      %swap3A_1612 = arith.constant 0 : index
      %swap3A_1613 = tpu.vector_load %arg8[%swap3A, %swap3A_1612] {strides = array<i32>} : memref<200x128xf32, #tpu.memory_space<vmem>>, vector<1x16xf32>,
      %swap3A_1614 = vector.shape_cast %swap3A_1613 : vector<1x16xf32> to vector<16xf32>
      %swap3A_1615 = vector.shape_cast %add3A_1611 : vector<16xf32> to vector<1x16xf32>
      tpu.vector_store %arg8[%swap3A, %swap3A_1612], %swap3A_1615 {strides = array<i32>} : memref<200x128xf32, #tpu.memory_space<vmem>>, vector<1x16xf32>,
      %get3A_1616 = arith.index_cast %scan3A_1600 : i32 to index
      %get3A_1617 = arith.constant 16 : index
      %get3A_1618 = tpu.vector_load %arg8[%get3A_1616, %get3A_1617] {strides = array<i32>} : memref<200x128xf32, #tpu.memory_space<vmem>>, vector<1x16xf32>,
      %get3A_1619 = vector.shape_cast %get3A_1618 : vector<1x16xf32> to vector<16xf32>
      %mul3A_1620 = arith.constant 8.000000e+00 : f32
      %mul3A_1621 = vector.broadcast %mul3A_1620 : f32 to vector<16xf32>
      %mul3A_1622 = arith.mulf %get3A_1619, %mul3A_1621 : vector<16xf32>
      %get3A_1623 = arith.index_cast %scan3A_1600 : i32 to index
      %get3A_1624 = arith.constant 16 : index
      %get3A_1625 = tpu.vector_load %arg7[%get3A_1623, %get3A_1624] {strides = array<i32>} : memref<200x64xf32, #tpu.memory_space<vmem>>, vector<1x16xf32>,
      %get3A_1626 = vector.shape_cast %get3A_1625 : vector<1x16xf32> to vector<16xf32>
      %add3A_1627 = arith.addf %mul3A_1622, %get3A_1626 : vector<16xf32>
      %swap3A_1628 = arith.index_cast %scan3A_1600 : i32 to index
      %swap3A_1629 = arith.constant 16 : index
      %swap3A_1630 = tpu.vector_load %arg8[%swap3A_1628, %swap3A_1629] {strides = array<i32>} : memref<200x128xf32, #tpu.memory_space<vmem>>, vector<1x16xf32>,
      %swap3A_1631 = vector.shape_cast %swap3A_1630 : vector<1x16xf32> to vector<16xf32>
      %swap3A_1632 = vector.shape_cast %add3A_1627 : vector<16xf32> to vector<1x16xf32>
      tpu.vector_store %arg8[%swap3A_1628, %swap3A_1629], %swap3A_1632 {strides = array<i32>} : memref<200x128xf32, #tpu.memory_space<vmem>>, vector<1x16xf32>,
      %get3A_1633 = arith.index_cast %scan3A_1600 : i32 to index
      %get3A_1634 = arith.constant 32 : index
      %get3A_1635 = tpu.vector_load %arg8[%get3A_1633, %get3A_1634] {strides = array<i32>} : memref<200x128xf32, #tpu.memory_space<vmem>>, vector<1x16xf32>,
      %get3A_1636 = vector.shape_cast %get3A_1635 : vector<1x16xf32> to vector<16xf32>
      %mul3A_1637 = arith.constant 8.000000e+00 : f32
      %mul3A_1638 = vector.broadcast %mul3A_1637 : f32 to vector<16xf32>
      %mul3A_1639 = arith.mulf %get3A_1636, %mul3A_1638 : vector<16xf32>
      %get3A_1640 = arith.index_cast %scan3A_1600 : i32 to index
      %get3A_1641 = arith.constant 32 : index
      %get3A_1642 = tpu.vector_load %arg7[%get3A_1640, %get3A_1641] {strides = array<i32>} : memref<200x64xf32, #tpu.memory_space<vmem>>, vector<1x16xf32>,
      %get3A_1643 = vector.shape_cast %get3A_1642 : vector<1x16xf32> to vector<16xf32>
      %add3A_1644 = arith.addf %mul3A_1639, %get3A_1643 : vector<16xf32>
      %swap3A_1645 = arith.index_cast %scan3A_1600 : i32 to index
      %swap3A_1646 = arith.constant 32 : index
      %swap3A_1647 = tpu.vector_load %arg8[%swap3A_1645, %swap3A_1646] {strides = array<i32>} : memref<200x128xf32, #tpu.memory_space<vmem>>, vector<1x16xf32>,
      %swap3A_1648 = vector.shape_cast %swap3A_1647 : vector<1x16xf32> to vector<16xf32>
      %swap3A_1649 = vector.shape_cast %add3A_1644 : vector<16xf32> to vector<1x16xf32>
      tpu.vector_store %arg8[%swap3A_1645, %swap3A_1646], %swap3A_1649 {strides = array<i32>} : memref<200x128xf32, #tpu.memory_space<vmem>>, vector<1x16xf32>,
      %get3A_1650 = arith.index_cast %scan3A_1600 : i32 to index
      %get3A_1651 = arith.constant 48 : index
      %get3A_1652 = tpu.vector_load %arg8[%get3A_1650, %get3A_1651] {strides = array<i32>} : memref<200x128xf32, #tpu.memory_space<vmem>>, vector<1x16xf32>,
      %get3A_1653 = vector.shape_cast %get3A_1652 : vector<1x16xf32> to vector<16xf32>
      %mul3A_1654 = arith.constant 8.000000e+00 : f32
      %mul3A_1655 = vector.broadcast %mul3A_1654 : f32 to vector<16xf32>
      %mul3A_1656 = arith.mulf %get3A_1653, %mul3A_1655 : vector<16xf32>
      %get3A_1657 = arith.index_cast %scan3A_1600 : i32 to index
      %get3A_1658 = arith.constant 48 : index
      %get3A_1659 = tpu.vector_load %arg7[%get3A_1657, %get3A_1658] {strides = array<i32>} : memref<200x64xf32, #tpu.memory_space<vmem>>, vector<1x16xf32>,
      %get3A_1660 = vector.shape_cast %get3A_1659 : vector<1x16xf32> to vector<16xf32>
      %add3A_1661 = arith.addf %mul3A_1656, %get3A_1660 : vector<16xf32>
      %swap3A_1662 = arith.index_cast %scan3A_1600 : i32 to index
      %swap3A_1663 = arith.constant 48 : index
      %swap3A_1664 = tpu.vector_load %arg8[%swap3A_1662, %swap3A_1663] {strides = array<i32>} : memref<200x128xf32, #tpu.memory_space<vmem>>, vector<1x16xf32>,
      %swap3A_1665 = vector.shape_cast %swap3A_1664 : vector<1x16xf32> to vector<16xf32>
      %swap3A_1666 = vector.shape_cast %add3A_1661 : vector<16xf32> to vector<1x16xf32>
      tpu.vector_store %arg8[%swap3A_1662, %swap3A_1663], %swap3A_1666 {strides = array<i32>} : memref<200x128xf32, #tpu.memory_space<vmem>>, vector<1x16xf32>,
    }
    %scan3A_53 = arith.constant 200 : i32
    %add3A_54 = arith.constant 0 : i32
    %add3A_55 = arith.addi %mul3A_2, %add3A_54 : i32
    %dma_start3A_56 = arith.constant 0 : i32
    %dma_start3A_57 = tpu.memref_slice %arg5[%add3A_55, %dma_start3A_56] : memref<204800x128xf32, #tpu.memory_space<hbm>> -> memref<200x128xf32, #tpu.memory_space<hbm>>
    %dma_start3A_58 = arith.constant 0 : i32
    %dma_start3A_59 = tpu.memref_slice %arg5[%add3A_55, %dma_start3A_58] : memref<204800x128xf32, #tpu.memory_space<hbm>> -> memref<200x128xf32, #tpu.memory_space<hbm>>
    tpu.enqueue_dma source(%arg8 : memref<200x128xf32, #tpu.memory_space<vmem>>) target(%dma_start3A_59 : memref<200x128xf32, #tpu.memory_space<hbm>>) target_semaphore(%arg12 : memref<!tpu.dma_semaphore, #tpu.memory_space<semaphore_mem>>)
    %add3A_60 = arith.constant 0 : i32
    %add3A_61 = arith.addi %mul3A_2, %add3A_60 : i32
    %dma_wait3A_62 = arith.constant 0 : i32
    %dma_wait3A_63 = tpu.memref_slice %arg5[%add3A_61, %dma_wait3A_62] : memref<204800x128xf32, #tpu.memory_space<hbm>> -> memref<200x128xf32, #tpu.memory_space<hbm>>
    %dma_wait3A_64 = arith.constant 0 : i32
    %dma_wait3A_65 = tpu.memref_slice %arg5[%add3A_61, %dma_wait3A_64] : memref<204800x128xf32, #tpu.memory_space<hbm>> -> memref<200x128xf32, #tpu.memory_space<hbm>>
    tpu.wait_dma2 semaphore(%arg12 : memref<!tpu.dma_semaphore, #tpu.memory_space<semaphore_mem>>) src(%arg8 : memref<200x128xf32, #tpu.memory_space<vmem>>) dst(%dma_wait3A_65 : memref<200x128xf32, #tpu.memory_space<hbm>>)
    %dma_start3A_66 = arith.constant 0 : i32
    %dma_start3A_67 = arith.constant 0 : i32
    %dma_start3A_68 = tpu.memref_slice %arg8[%dma_start3A_66, %dma_start3A_67] : memref<200x128xf32, #tpu.memory_space<vmem>> -> memref<104x128xf32, #tpu.memory_space<vmem>>
    %dma_start3A_69 = arith.constant 400 : i32
    %dma_start3A_70 = tpu.memref_slice %arg6[%dma_start3A_69] : memref<6400xi32, #tpu.memory_space<vmem>> -> memref<104xi32, #tpu.memory_space<vmem>>
    %dma_start3A_71 = arith.constant 0 : i32
    %dma_start3A_72 = arith.constant 0 : i32
    %dma_start3A_73 = tpu.memref_slice %arg3[%dma_start3A_71, %dma_start3A_72] : memref<1000000x128xf32, #tpu.memory_space<hbm>> -> memref<1000000x128xf32, #tpu.memory_space<hbm>>
    tpu.enqueue_indirect_dma source(%dma_start3A_73 : memref<1000000x128xf32, #tpu.memory_space<hbm>>) target(%dma_start3A_68 : memref<104x128xf32, #tpu.memory_space<vmem>>) offsets(%dma_start3A_70 : memref<104xi32, #tpu.memory_space<vmem>>) semaphore(%arg10 : memref<!tpu.dma_semaphore, #tpu.memory_space<semaphore_mem>>)
    %dma_start3A_74 = arith.constant 104 : i32
    %dma_start3A_75 = arith.constant 0 : i32
    %dma_start3A_76 = tpu.memref_slice %arg8[%dma_start3A_74, %dma_start3A_75] : memref<200x128xf32, #tpu.memory_space<vmem>> -> memref<96x128xf32, #tpu.memory_space<vmem>>
    %dma_start3A_77 = arith.constant 504 : i32
    %dma_start3A_78 = tpu.memref_slice %arg6[%dma_start3A_77] : memref<6400xi32, #tpu.memory_space<vmem>> -> memref<96xi32, #tpu.memory_space<vmem>>
    %dma_start3A_79 = arith.constant 0 : i32
    %dma_start3A_80 = arith.constant 0 : i32
    %dma_start3A_81 = tpu.memref_slice %arg3[%dma_start3A_79, %dma_start3A_80] : memref<1000000x128xf32, #tpu.memory_space<hbm>> -> memref<1000000x128xf32, #tpu.memory_space<hbm>>
    tpu.enqueue_indirect_dma source(%dma_start3A_81 : memref<1000000x128xf32, #tpu.memory_space<hbm>>) target(%dma_start3A_76 : memref<96x128xf32, #tpu.memory_space<vmem>>) offsets(%dma_start3A_78 : memref<96xi32, #tpu.memory_space<vmem>>) semaphore(%arg10 : memref<!tpu.dma_semaphore, #tpu.memory_space<semaphore_mem>>)
    %dma_wait3A_82 = arith.constant 0 : i32
    %dma_wait3A_83 = arith.constant 0 : i32
    %dma_wait3A_84 = tpu.memref_slice %arg9[%dma_wait3A_82, %dma_wait3A_83] : memref<200x128xf32, #tpu.memory_space<vmem>> -> memref<104x128xf32, #tpu.memory_space<vmem>>
    %dma_wait3A_85 = arith.constant 200 : i32
    %dma_wait3A_86 = tpu.memref_slice %arg6[%dma_wait3A_85] : memref<6400xi32, #tpu.memory_space<vmem>> -> memref<104xi32, #tpu.memory_space<vmem>>
    %dma_wait3A_87 = arith.constant 0 : i32
    %dma_wait3A_88 = arith.constant 0 : i32
    %dma_wait3A_89 = tpu.memref_slice %arg3[%dma_wait3A_87, %dma_wait3A_88] : memref<1000000x128xf32, #tpu.memory_space<hbm>> -> memref<1000000x128xf32, #tpu.memory_space<hbm>>
    tpu.wait_indirect_dma semaphore(%arg11 : memref<!tpu.dma_semaphore, #tpu.memory_space<semaphore_mem>>) src(%dma_wait3A_89 : memref<1000000x128xf32, #tpu.memory_space<hbm>>) dst(%dma_wait3A_84 : memref<104x128xf32, #tpu.memory_space<vmem>>)
    %dma_wait3A_90 = arith.constant 104 : i32
    %dma_wait3A_91 = arith.constant 0 : i32
    %dma_wait3A_92 = tpu.memref_slice %arg9[%dma_wait3A_90, %dma_wait3A_91] : memref<200x128xf32, #tpu.memory_space<vmem>> -> memref<96x128xf32, #tpu.memory_space<vmem>>
    %dma_wait3A_93 = arith.constant 304 : i32
    %dma_wait3A_94 = tpu.memref_slice %arg6[%dma_wait3A_93] : memref<6400xi32, #tpu.memory_space<vmem>> -> memref<96xi32, #tpu.memory_space<vmem>>
    %dma_wait3A_95 = arith.constant 0 : i32
    %dma_wait3A_96 = arith.constant 0 : i32
    %dma_wait3A_97 = tpu.memref_slice %arg3[%dma_wait3A_95, %dma_wait3A_96] : memref<1000000x128xf32, #tpu.memory_space<hbm>> -> memref<1000000x128xf32, #tpu.memory_space<hbm>>
    tpu.wait_indirect_dma semaphore(%arg11 : memref<!tpu.dma_semaphore, #tpu.memory_space<semaphore_mem>>) src(%dma_wait3A_97 : memref<1000000x128xf32, #tpu.memory_space<hbm>>) dst(%dma_wait3A_92 : memref<96x128xf32, #tpu.memory_space<vmem>>)
    %scan3A_98 = arith.constant 0 : i32
    %scan3A_99 = arith.constant 0 : i32
    %scan3A_100 = arith.constant 200 : i32
    %scan3A_101 = arith.addi %scan3A_99, %scan3A_100 : i32
    %scan3A_102 = arith.constant 1 : i32
    scf.for %scan3A_1600 = %scan3A_99 to %scan3A_101 step %scan3A_102  : i32 {
      %get3A = arith.index_cast %scan3A_1600 : i32 to index
      %get3A_1601 = arith.constant 0 : index
      %get3A_1602 = tpu.vector_load %arg9[%get3A, %get3A_1601] {strides = array<i32>} : memref<200x128xf32, #tpu.memory_space<vmem>>, vector<1x16xf32>,
      %get3A_1603 = vector.shape_cast %get3A_1602 : vector<1x16xf32> to vector<16xf32>
      %mul3A_1604 = arith.constant 8.000000e+00 : f32
      %mul3A_1605 = vector.broadcast %mul3A_1604 : f32 to vector<16xf32>
      %mul3A_1606 = arith.mulf %get3A_1603, %mul3A_1605 : vector<16xf32>
      %get3A_1607 = arith.index_cast %scan3A_1600 : i32 to index
      %get3A_1608 = arith.constant 0 : index
      %get3A_1609 = tpu.vector_load %arg7[%get3A_1607, %get3A_1608] {strides = array<i32>} : memref<200x64xf32, #tpu.memory_space<vmem>>, vector<1x16xf32>,
      %get3A_1610 = vector.shape_cast %get3A_1609 : vector<1x16xf32> to vector<16xf32>
      %add3A_1611 = arith.addf %mul3A_1606, %get3A_1610 : vector<16xf32>
      %swap3A = arith.index_cast %scan3A_1600 : i32 to index
      %swap3A_1612 = arith.constant 0 : index
      %swap3A_1613 = tpu.vector_load %arg9[%swap3A, %swap3A_1612] {strides = array<i32>} : memref<200x128xf32, #tpu.memory_space<vmem>>, vector<1x16xf32>,
      %swap3A_1614 = vector.shape_cast %swap3A_1613 : vector<1x16xf32> to vector<16xf32>
      %swap3A_1615 = vector.shape_cast %add3A_1611 : vector<16xf32> to vector<1x16xf32>
      tpu.vector_store %arg9[%swap3A, %swap3A_1612], %swap3A_1615 {strides = array<i32>} : memref<200x128xf32, #tpu.memory_space<vmem>>, vector<1x16xf32>,
      %get3A_1616 = arith.index_cast %scan3A_1600 : i32 to index
      %get3A_1617 = arith.constant 16 : index
      %get3A_1618 = tpu.vector_load %arg9[%get3A_1616, %get3A_1617] {strides = array<i32>} : memref<200x128xf32, #tpu.memory_space<vmem>>, vector<1x16xf32>,
      %get3A_1619 = vector.shape_cast %get3A_1618 : vector<1x16xf32> to vector<16xf32>
      %mul3A_1620 = arith.constant 8.000000e+00 : f32
      %mul3A_1621 = vector.broadcast %mul3A_1620 : f32 to vector<16xf32>
      %mul3A_1622 = arith.mulf %get3A_1619, %mul3A_1621 : vector<16xf32>
      %get3A_1623 = arith.index_cast %scan3A_1600 : i32 to index
      %get3A_1624 = arith.constant 16 : index
      %get3A_1625 = tpu.vector_load %arg7[%get3A_1623, %get3A_1624] {strides = array<i32>} : memref<200x64xf32, #tpu.memory_space<vmem>>, vector<1x16xf32>,
      %get3A_1626 = vector.shape_cast %get3A_1625 : vector<1x16xf32> to vector<16xf32>
      %add3A_1627 = arith.addf %mul3A_1622, %get3A_1626 : vector<16xf32>
      %swap3A_1628 = arith.index_cast %scan3A_1600 : i32 to index
      %swap3A_1629 = arith.constant 16 : index
      %swap3A_1630 = tpu.vector_load %arg9[%swap3A_1628, %swap3A_1629] {strides = array<i32>} : memref<200x128xf32, #tpu.memory_space<vmem>>, vector<1x16xf32>,
      %swap3A_1631 = vector.shape_cast %swap3A_1630 : vector<1x16xf32> to vector<16xf32>
      %swap3A_1632 = vector.shape_cast %add3A_1627 : vector<16xf32> to vector<1x16xf32>
      tpu.vector_store %arg9[%swap3A_1628, %swap3A_1629], %swap3A_1632 {strides = array<i32>} : memref<200x128xf32, #tpu.memory_space<vmem>>, vector<1x16xf32>,
      %get3A_1633 = arith.index_cast %scan3A_1600 : i32 to index
      %get3A_1634 = arith.constant 32 : index
      %get3A_1635 = tpu.vector_load %arg9[%get3A_1633, %get3A_1634] {strides = array<i32>} : memref<200x128xf32, #tpu.memory_space<vmem>>, vector<1x16xf32>,
      %get3A_1636 = vector.shape_cast %get3A_1635 : vector<1x16xf32> to vector<16xf32>
      %mul3A_1637 = arith.constant 8.000000e+00 : f32
      %mul3A_1638 = vector.broadcast %mul3A_1637 : f32 to vector<16xf32>
      %mul3A_1639 = arith.mulf %get3A_1636, %mul3A_1638 : vector<16xf32>
      %get3A_1640 = arith.index_cast %scan3A_1600 : i32 to index
      %get3A_1641 = arith.constant 32 : index
      %get3A_1642 = tpu.vector_load %arg7[%get3A_1640, %get3A_1641] {strides = array<i32>} : memref<200x64xf32, #tpu.memory_space<vmem>>, vector<1x16xf32>,
      %get3A_1643 = vector.shape_cast %get3A_1642 : vector<1x16xf32> to vector<16xf32>
      %add3A_1644 = arith.addf %mul3A_1639, %get3A_1643 : vector<16xf32>
      %swap3A_1645 = arith.index_cast %scan3A_1600 : i32 to index
      %swap3A_1646 = arith.constant 32 : index
      %swap3A_1647 = tpu.vector_load %arg9[%swap3A_1645, %swap3A_1646] {strides = array<i32>} : memref<200x128xf32, #tpu.memory_space<vmem>>, vector<1x16xf32>,
      %swap3A_1648 = vector.shape_cast %swap3A_1647 : vector<1x16xf32> to vector<16xf32>
      %swap3A_1649 = vector.shape_cast %add3A_1644 : vector<16xf32> to vector<1x16xf32>
      tpu.vector_store %arg9[%swap3A_1645, %swap3A_1646], %swap3A_1649 {strides = array<i32>} : memref<200x128xf32, #tpu.memory_space<vmem>>, vector<1x16xf32>,
      %get3A_1650 = arith.index_cast %scan3A_1600 : i32 to index
      %get3A_1651 = arith.constant 48 : index
      %get3A_1652 = tpu.vector_load %arg9[%get3A_1650, %get3A_1651] {strides = array<i32>} : memref<200x128xf32, #tpu.memory_space<vmem>>, vector<1x16xf32>,
      %get3A_1653 = vector.shape_cast %get3A_1652 : vector<1x16xf32> to vector<16xf32>
      %mul3A_1654 = arith.constant 8.000000e+00 : f32
      %mul3A_1655 = vector.broadcast %mul3A_1654 : f32 to vector<16xf32>
      %mul3A_1656 = arith.mulf %get3A_1653, %mul3A_1655 : vector<16xf32>
      %get3A_1657 = arith.index_cast %scan3A_1600 : i32 to index
      %get3A_1658 = arith.constant 48 : index
      %get3A_1659 = tpu.vector_load %arg7[%get3A_1657, %get3A_1658] {strides = array<i32>} : memref<200x64xf32, #tpu.memory_space<vmem>>, vector<1x16xf32>,
      %get3A_1660 = vector.shape_cast %get3A_1659 : vector<1x16xf32> to vector<16xf32>
      %add3A_1661 = arith.addf %mul3A_1656, %get3A_1660 : vector<16xf32>
      %swap3A_1662 = arith.index_cast %scan3A_1600 : i32 to index
      %swap3A_1663 = arith.constant 48 : index
      %swap3A_1664 = tpu.vector_load %arg9[%swap3A_1662, %swap3A_1663] {strides = array<i32>} : memref<200x128xf32, #tpu.memory_space<vmem>>, vector<1x16xf32>,
      %swap3A_1665 = vector.shape_cast %swap3A_1664 : vector<1x16xf32> to vector<16xf32>
      %swap3A_1666 = vector.shape_cast %add3A_1661 : vector<16xf32> to vector<1x16xf32>
      tpu.vector_store %arg9[%swap3A_1662, %swap3A_1663], %swap3A_1666 {strides = array<i32>} : memref<200x128xf32, #tpu.memory_space<vmem>>, vector<1x16xf32>,
    }
    %scan3A_103 = arith.constant 200 : i32
    %add3A_104 = arith.constant 200 : i32
    %add3A_105 = arith.addi %mul3A_2, %add3A_104 : i32
    %dma_start3A_106 = arith.constant 0 : i32
    %dma_start3A_107 = tpu.memref_slice %arg5[%add3A_105, %dma_start3A_106] : memref<204800x128xf32, #tpu.memory_space<hbm>> -> memref<200x128xf32, #tpu.memory_space<hbm>>
    %dma_start3A_108 = arith.constant 0 : i32
    %dma_start3A_109 = tpu.memref_slice %arg5[%add3A_105, %dma_start3A_108] : memref<204800x128xf32, #tpu.memory_space<hbm>> -> memref<200x128xf32, #tpu.memory_space<hbm>>
    tpu.enqueue_dma source(%arg9 : memref<200x128xf32, #tpu.memory_space<vmem>>) target(%dma_start3A_109 : memref<200x128xf32, #tpu.memory_space<hbm>>) target_semaphore(%arg13 : memref<!tpu.dma_semaphore, #tpu.memory_space<semaphore_mem>>)
    %add3A_110 = arith.constant 200 : i32
    %add3A_111 = arith.addi %mul3A_2, %add3A_110 : i32
    %dma_wait3A_112 = arith.constant 0 : i32
    %dma_wait3A_113 = tpu.memref_slice %arg5[%add3A_111, %dma_wait3A_112] : memref<204800x128xf32, #tpu.memory_space<hbm>> -> memref<200x128xf32, #tpu.memory_space<hbm>>
    %dma_wait3A_114 = arith.constant 0 : i32
    %dma_wait3A_115 = tpu.memref_slice %arg5[%add3A_111, %dma_wait3A_114] : memref<204800x128xf32, #tpu.memory_space<hbm>> -> memref<200x128xf32, #tpu.memory_space<hbm>>
    tpu.wait_dma2 semaphore(%arg13 : memref<!tpu.dma_semaphore, #tpu.memory_space<semaphore_mem>>) src(%arg9 : memref<200x128xf32, #tpu.memory_space<vmem>>) dst(%dma_wait3A_115 : memref<200x128xf32, #tpu.memory_space<hbm>>)
    %dma_start3A_116 = arith.constant 0 : i32
    %dma_start3A_117 = arith.constant 0 : i32
    %dma_start3A_118 = tpu.memref_slice %arg9[%dma_start3A_116, %dma_start3A_117] : memref<200x128xf32, #tpu.memory_space<vmem>> -> memref<104x128xf32, #tpu.memory_space<vmem>>
    %dma_start3A_119 = arith.constant 600 : i32
    %dma_start3A_120 = tpu.memref_slice %arg6[%dma_start3A_119] : memref<6400xi32, #tpu.memory_space<vmem>> -> memref<104xi32, #tpu.memory_space<vmem>>
    %dma_start3A_121 = arith.constant 0 : i32
    %dma_start3A_122 = arith.constant 0 : i32
    %dma_start3A_123 = tpu.memref_slice %arg3[%dma_start3A_121, %dma_start3A_122] : memref<1000000x128xf32, #tpu.memory_space<hbm>> -> memref<1000000x128xf32, #tpu.memory_space<hbm>>
    tpu.enqueue_indirect_dma source(%dma_start3A_123 : memref<1000000x128xf32, #tpu.memory_space<hbm>>) target(%dma_start3A_118 : memref<104x128xf32, #tpu.memory_space<vmem>>) offsets(%dma_start3A_120 : memref<104xi32, #tpu.memory_space<vmem>>) semaphore(%arg11 : memref<!tpu.dma_semaphore, #tpu.memory_space<semaphore_mem>>)
    %dma_start3A_124 = arith.constant 104 : i32
    %dma_start3A_125 = arith.constant 0 : i32
    %dma_start3A_126 = tpu.memref_slice %arg9[%dma_start3A_124, %dma_start3A_125] : memref<200x128xf32, #tpu.memory_space<vmem>> -> memref<96x128xf32, #tpu.memory_space<vmem>>
    %dma_start3A_127 = arith.constant 704 : i32
    %dma_start3A_128 = tpu.memref_slice %arg6[%dma_start3A_127] : memref<6400xi32, #tpu.memory_space<vmem>> -> memref<96xi32, #tpu.memory_space<vmem>>
    %dma_start3A_129 = arith.constant 0 : i32
    %dma_start3A_130 = arith.constant 0 : i32
    %dma_start3A_131 = tpu.memref_slice %arg3[%dma_start3A_129, %dma_start3A_130] : memref<1000000x128xf32, #tpu.memory_space<hbm>> -> memref<1000000x128xf32, #tpu.memory_space<hbm>>
    tpu.enqueue_indirect_dma source(%dma_start3A_131 : memref<1000000x128xf32, #tpu.memory_space<hbm>>) target(%dma_start3A_126 : memref<96x128xf32, #tpu.memory_space<vmem>>) offsets(%dma_start3A_128 : memref<96xi32, #tpu.memory_space<vmem>>) semaphore(%arg11 : memref<!tpu.dma_semaphore, #tpu.memory_space<semaphore_mem>>)
    %dma_wait3A_132 = arith.constant 0 : i32
    %dma_wait3A_133 = arith.constant 0 : i32
    %dma_wait3A_134 = tpu.memref_slice %arg8[%dma_wait3A_132, %dma_wait3A_133] : memref<200x128xf32, #tpu.memory_space<vmem>> -> memref<104x128xf32, #tpu.memory_space<vmem>>
    %dma_wait3A_135 = arith.constant 400 : i32
    %dma_wait3A_136 = tpu.memref_slice %arg6[%dma_wait3A_135] : memref<6400xi32, #tpu.memory_space<vmem>> -> memref<104xi32, #tpu.memory_space<vmem>>
    %dma_wait3A_137 = arith.constant 0 : i32
    %dma_wait3A_138 = arith.constant 0 : i32
    %dma_wait3A_139 = tpu.memref_slice %arg3[%dma_wait3A_137, %dma_wait3A_138] : memref<1000000x128xf32, #tpu.memory_space<hbm>> -> memref<1000000x128xf32, #tpu.memory_space<hbm>>
    tpu.wait_indirect_dma semaphore(%arg10 : memref<!tpu.dma_semaphore, #tpu.memory_space<semaphore_mem>>) src(%dma_wait3A_139 : memref<1000000x128xf32, #tpu.memory_space<hbm>>) dst(%dma_wait3A_134 : memref<104x128xf32, #tpu.memory_space<vmem>>)
    %dma_wait3A_140 = arith.constant 104 : i32
    %dma_wait3A_141 = arith.constant 0 : i32
    %dma_wait3A_142 = tpu.memref_slice %arg8[%dma_wait3A_140, %dma_wait3A_141] : memref<200x128xf32, #tpu.memory_space<vmem>> -> memref<96x128xf32, #tpu.memory_space<vmem>>
    %dma_wait3A_143 = arith.constant 504 : i32
    %dma_wait3A_144 = tpu.memref_slice %arg6[%dma_wait3A_143] : memref<6400xi32, #tpu.memory_space<vmem>> -> memref<96xi32, #tpu.memory_space<vmem>>
    %dma_wait3A_145 = arith.constant 0 : i32
    %dma_wait3A_146 = arith.constant 0 : i32
    %dma_wait3A_147 = tpu.memref_slice %arg3[%dma_wait3A_145, %dma_wait3A_146] : memref<1000000x128xf32, #tpu.memory_space<hbm>> -> memref<1000000x128xf32, #tpu.memory_space<hbm>>
    tpu.wait_indirect_dma semaphore(%arg10 : memref<!tpu.dma_semaphore, #tpu.memory_space<semaphore_mem>>) src(%dma_wait3A_147 : memref<1000000x128xf32, #tpu.memory_space<hbm>>) dst(%dma_wait3A_142 : memref<96x128xf32, #tpu.memory_space<vmem>>)
    %scan3A_148 = arith.constant 0 : i32
    %scan3A_149 = arith.constant 0 : i32
    %scan3A_150 = arith.constant 200 : i32
    %scan3A_151 = arith.addi %scan3A_149, %scan3A_150 : i32
    %scan3A_152 = arith.constant 1 : i32
    scf.for %scan3A_1600 = %scan3A_149 to %scan3A_151 step %scan3A_152  : i32 {
      %get3A = arith.index_cast %scan3A_1600 : i32 to index
      %get3A_1601 = arith.constant 0 : index
      %get3A_1602 = tpu.vector_load %arg8[%get3A, %get3A_1601] {strides = array<i32>} : memref<200x128xf32, #tpu.memory_space<vmem>>, vector<1x16xf32>,
      %get3A_1603 = vector.shape_cast %get3A_1602 : vector<1x16xf32> to vector<16xf32>
      %mul3A_1604 = arith.constant 8.000000e+00 : f32
      %mul3A_1605 = vector.broadcast %mul3A_1604 : f32 to vector<16xf32>
      %mul3A_1606 = arith.mulf %get3A_1603, %mul3A_1605 : vector<16xf32>
      %get3A_1607 = arith.index_cast %scan3A_1600 : i32 to index
      %get3A_1608 = arith.constant 0 : index
      %get3A_1609 = tpu.vector_load %arg7[%get3A_1607, %get3A_1608] {strides = array<i32>} : memref<200x64xf32, #tpu.memory_space<vmem>>, vector<1x16xf32>,
      %get3A_1610 = vector.shape_cast %get3A_1609 : vector<1x16xf32> to vector<16xf32>
      %add3A_1611 = arith.addf %mul3A_1606, %get3A_1610 : vector<16xf32>
      %swap3A = arith.index_cast %scan3A_1600 : i32 to index
      %swap3A_1612 = arith.constant 0 : index
      %swap3A_1613 = tpu.vector_load %arg8[%swap3A, %swap3A_1612] {strides = array<i32>} : memref<200x128xf32, #tpu.memory_space<vmem>>, vector<1x16xf32>,
      %swap3A_1614 = vector.shape_cast %swap3A_1613 : vector<1x16xf32> to vector<16xf32>
      %swap3A_1615 = vector.shape_cast %add3A_1611 : vector<16xf32> to vector<1x16xf32>
      tpu.vector_store %arg8[%swap3A, %swap3A_1612], %swap3A_1615 {strides = array<i32>} : memref<200x128xf32, #tpu.memory_space<vmem>>, vector<1x16xf32>,
      %get3A_1616 = arith.index_cast %scan3A_1600 : i32 to index
      %get3A_1617 = arith.constant 16 : index
      %get3A_1618 = tpu.vector_load %arg8[%get3A_1616, %get3A_1617] {strides = array<i32>} : memref<200x128xf32, #tpu.memory_space<vmem>>, vector<1x16xf32>,
      %get3A_1619 = vector.shape_cast %get3A_1618 : vector<1x16xf32> to vector<16xf32>
      %mul3A_1620 = arith.constant 8.000000e+00 : f32
      %mul3A_1621 = vector.broadcast %mul3A_1620 : f32 to vector<16xf32>
      %mul3A_1622 = arith.mulf %get3A_1619, %mul3A_1621 : vector<16xf32>
      %get3A_1623 = arith.index_cast %scan3A_1600 : i32 to index
      %get3A_1624 = arith.constant 16 : index
      %get3A_1625 = tpu.vector_load %arg7[%get3A_1623, %get3A_1624] {strides = array<i32>} : memref<200x64xf32, #tpu.memory_space<vmem>>, vector<1x16xf32>,
      %get3A_1626 = vector.shape_cast %get3A_1625 : vector<1x16xf32> to vector<16xf32>
      %add3A_1627 = arith.addf %mul3A_1622, %get3A_1626 : vector<16xf32>
      %swap3A_1628 = arith.index_cast %scan3A_1600 : i32 to index
      %swap3A_1629 = arith.constant 16 : index
      %swap3A_1630 = tpu.vector_load %arg8[%swap3A_1628, %swap3A_1629] {strides = array<i32>} : memref<200x128xf32, #tpu.memory_space<vmem>>, vector<1x16xf32>,
      %swap3A_1631 = vector.shape_cast %swap3A_1630 : vector<1x16xf32> to vector<16xf32>
      %swap3A_1632 = vector.shape_cast %add3A_1627 : vector<16xf32> to vector<1x16xf32>
      tpu.vector_store %arg8[%swap3A_1628, %swap3A_1629], %swap3A_1632 {strides = array<i32>} : memref<200x128xf32, #tpu.memory_space<vmem>>, vector<1x16xf32>,
      %get3A_1633 = arith.index_cast %scan3A_1600 : i32 to index
      %get3A_1634 = arith.constant 32 : index
      %get3A_1635 = tpu.vector_load %arg8[%get3A_1633, %get3A_1634] {strides = array<i32>} : memref<200x128xf32, #tpu.memory_space<vmem>>, vector<1x16xf32>,
      %get3A_1636 = vector.shape_cast %get3A_1635 : vector<1x16xf32> to vector<16xf32>
      %mul3A_1637 = arith.constant 8.000000e+00 : f32
      %mul3A_1638 = vector.broadcast %mul3A_1637 : f32 to vector<16xf32>
      %mul3A_1639 = arith.mulf %get3A_1636, %mul3A_1638 : vector<16xf32>
      %get3A_1640 = arith.index_cast %scan3A_1600 : i32 to index
      %get3A_1641 = arith.constant 32 : index
      %get3A_1642 = tpu.vector_load %arg7[%get3A_1640, %get3A_1641] {strides = array<i32>} : memref<200x64xf32, #tpu.memory_space<vmem>>, vector<1x16xf32>,
      %get3A_1643 = vector.shape_cast %get3A_1642 : vector<1x16xf32> to vector<16xf32>
      %add3A_1644 = arith.addf %mul3A_1639, %get3A_1643 : vector<16xf32>
      %swap3A_1645 = arith.index_cast %scan3A_1600 : i32 to index
      %swap3A_1646 = arith.constant 32 : index
      %swap3A_1647 = tpu.vector_load %arg8[%swap3A_1645, %swap3A_1646] {strides = array<i32>} : memref<200x128xf32, #tpu.memory_space<vmem>>, vector<1x16xf32>,
      %swap3A_1648 = vector.shape_cast %swap3A_1647 : vector<1x16xf32> to vector<16xf32>
      %swap3A_1649 = vector.shape_cast %add3A_1644 : vector<16xf32> to vector<1x16xf32>
      tpu.vector_store %arg8[%swap3A_1645, %swap3A_1646], %swap3A_1649 {strides = array<i32>} : memref<200x128xf32, #tpu.memory_space<vmem>>, vector<1x16xf32>,
      %get3A_1650 = arith.index_cast %scan3A_1600 : i32 to index
      %get3A_1651 = arith.constant 48 : index
      %get3A_1652 = tpu.vector_load %arg8[%get3A_1650, %get3A_1651] {strides = array<i32>} : memref<200x128xf32, #tpu.memory_space<vmem>>, vector<1x16xf32>,
      %get3A_1653 = vector.shape_cast %get3A_1652 : vector<1x16xf32> to vector<16xf32>
      %mul3A_1654 = arith.constant 8.000000e+00 : f32
      %mul3A_1655 = vector.broadcast %mul3A_1654 : f32 to vector<16xf32>
      %mul3A_1656 = arith.mulf %get3A_1653, %mul3A_1655 : vector<16xf32>
      %get3A_1657 = arith.index_cast %scan3A_1600 : i32 to index
      %get3A_1658 = arith.constant 48 : index
      %get3A_1659 = tpu.vector_load %arg7[%get3A_1657, %get3A_1658] {strides = array<i32>} : memref<200x64xf32, #tpu.memory_space<vmem>>, vector<1x16xf32>,
      %get3A_1660 = vector.shape_cast %get3A_1659 : vector<1x16xf32> to vector<16xf32>
      %add3A_1661 = arith.addf %mul3A_1656, %get3A_1660 : vector<16xf32>
      %swap3A_1662 = arith.index_cast %scan3A_1600 : i32 to index
      %swap3A_1663 = arith.constant 48 : index
      %swap3A_1664 = tpu.vector_load %arg8[%swap3A_1662, %swap3A_1663] {strides = array<i32>} : memref<200x128xf32, #tpu.memory_space<vmem>>, vector<1x16xf32>,
      %swap3A_1665 = vector.shape_cast %swap3A_1664 : vector<1x16xf32> to vector<16xf32>
      %swap3A_1666 = vector.shape_cast %add3A_1661 : vector<16xf32> to vector<1x16xf32>
      tpu.vector_store %arg8[%swap3A_1662, %swap3A_1663], %swap3A_1666 {strides = array<i32>} : memref<200x128xf32, #tpu.memory_space<vmem>>, vector<1x16xf32>,
    }
    %scan3A_153 = arith.constant 200 : i32
    %add3A_154 = arith.constant 400 : i32
    %add3A_155 = arith.addi %mul3A_2, %add3A_154 : i32
    %dma_start3A_156 = arith.constant 0 : i32
    %dma_start3A_157 = tpu.memref_slice %arg5[%add3A_155, %dma_start3A_156] : memref<204800x128xf32, #tpu.memory_space<hbm>> -> memref<200x128xf32, #tpu.memory_space<hbm>>
    %dma_start3A_158 = arith.constant 0 : i32
    %dma_start3A_159 = tpu.memref_slice %arg5[%add3A_155, %dma_start3A_158] : memref<204800x128xf32, #tpu.memory_space<hbm>> -> memref<200x128xf32, #tpu.memory_space<hbm>>
    tpu.enqueue_dma source(%arg8 : memref<200x128xf32, #tpu.memory_space<vmem>>) target(%dma_start3A_159 : memref<200x128xf32, #tpu.memory_space<hbm>>) target_semaphore(%arg12 : memref<!tpu.dma_semaphore, #tpu.memory_space<semaphore_mem>>)
    %add3A_160 = arith.constant 400 : i32
    %add3A_161 = arith.addi %mul3A_2, %add3A_160 : i32
    %dma_wait3A_162 = arith.constant 0 : i32
    %dma_wait3A_163 = tpu.memref_slice %arg5[%add3A_161, %dma_wait3A_162] : memref<204800x128xf32, #tpu.memory_space<hbm>> -> memref<200x128xf32, #tpu.memory_space<hbm>>
    %dma_wait3A_164 = arith.constant 0 : i32
    %dma_wait3A_165 = tpu.memref_slice %arg5[%add3A_161, %dma_wait3A_164] : memref<204800x128xf32, #tpu.memory_space<hbm>> -> memref<200x128xf32, #tpu.memory_space<hbm>>
    tpu.wait_dma2 semaphore(%arg12 : memref<!tpu.dma_semaphore, #tpu.memory_space<semaphore_mem>>) src(%arg8 : memref<200x128xf32, #tpu.memory_space<vmem>>) dst(%dma_wait3A_165 : memref<200x128xf32, #tpu.memory_space<hbm>>)
    %dma_start3A_166 = arith.constant 0 : i32
    %dma_start3A_167 = arith.constant 0 : i32
    %dma_start3A_168 = tpu.memref_slice %arg8[%dma_start3A_166, %dma_start3A_167] : memref<200x128xf32, #tpu.memory_space<vmem>> -> memref<104x128xf32, #tpu.memory_space<vmem>>
    %dma_start3A_169 = arith.constant 800 : i32
    %dma_start3A_170 = tpu.memref_slice %arg6[%dma_start3A_169] : memref<6400xi32, #tpu.memory_space<vmem>> -> memref<104xi32, #tpu.memory_space<vmem>>
    %dma_start3A_171 = arith.constant 0 : i32
    %dma_start3A_172 = arith.constant 0 : i32
    %dma_start3A_173 = tpu.memref_slice %arg3[%dma_start3A_171, %dma_start3A_172] : memref<1000000x128xf32, #tpu.memory_space<hbm>> -> memref<1000000x128xf32, #tpu.memory_space<hbm>>
    tpu.enqueue_indirect_dma source(%dma_start3A_173 : memref<1000000x128xf32, #tpu.memory_space<hbm>>) target(%dma_start3A_168 : memref<104x128xf32, #tpu.memory_space<vmem>>) offsets(%dma_start3A_170 : memref<104xi32, #tpu.memory_space<vmem>>) semaphore(%arg10 : memref<!tpu.dma_semaphore, #tpu.memory_space<semaphore_mem>>)
    %dma_start3A_174 = arith.constant 104 : i32
    %dma_start3A_175 = arith.constant 0 : i32
    %dma_start3A_176 = tpu.memref_slice %arg8[%dma_start3A_174, %dma_start3A_175] : memref<200x128xf32, #tpu.memory_space<vmem>> -> memref<96x128xf32, #tpu.memory_space<vmem>>
    %dma_start3A_177 = arith.constant 904 : i32
    %dma_start3A_178 = tpu.memref_slice %arg6[%dma_start3A_177] : memref<6400xi32, #tpu.memory_space<vmem>> -> memref<96xi32, #tpu.memory_space<vmem>>
    %dma_start3A_179 = arith.constant 0 : i32
    %dma_start3A_180 = arith.constant 0 : i32
    %dma_start3A_181 = tpu.memref_slice %arg3[%dma_start3A_179, %dma_start3A_180] : memref<1000000x128xf32, #tpu.memory_space<hbm>> -> memref<1000000x128xf32, #tpu.memory_space<hbm>>
    tpu.enqueue_indirect_dma source(%dma_start3A_181 : memref<1000000x128xf32, #tpu.memory_space<hbm>>) target(%dma_start3A_176 : memref<96x128xf32, #tpu.memory_space<vmem>>) offsets(%dma_start3A_178 : memref<96xi32, #tpu.memory_space<vmem>>) semaphore(%arg10 : memref<!tpu.dma_semaphore, #tpu.memory_space<semaphore_mem>>)
    %dma_wait3A_182 = arith.constant 0 : i32
    %dma_wait3A_183 = arith.constant 0 : i32
    %dma_wait3A_184 = tpu.memref_slice %arg9[%dma_wait3A_182, %dma_wait3A_183] : memref<200x128xf32, #tpu.memory_space<vmem>> -> memref<104x128xf32, #tpu.memory_space<vmem>>
    %dma_wait3A_185 = arith.constant 600 : i32
    %dma_wait3A_186 = tpu.memref_slice %arg6[%dma_wait3A_185] : memref<6400xi32, #tpu.memory_space<vmem>> -> memref<104xi32, #tpu.memory_space<vmem>>
    %dma_wait3A_187 = arith.constant 0 : i32
    %dma_wait3A_188 = arith.constant 0 : i32
    %dma_wait3A_189 = tpu.memref_slice %arg3[%dma_wait3A_187, %dma_wait3A_188] : memref<1000000x128xf32, #tpu.memory_space<hbm>> -> memref<1000000x128xf32, #tpu.memory_space<hbm>>
    tpu.wait_indirect_dma semaphore(%arg11 : memref<!tpu.dma_semaphore, #tpu.memory_space<semaphore_mem>>) src(%dma_wait3A_189 : memref<1000000x128xf32, #tpu.memory_space<hbm>>) dst(%dma_wait3A_184 : memref<104x128xf32, #tpu.memory_space<vmem>>)
    %dma_wait3A_190 = arith.constant 104 : i32
    %dma_wait3A_191 = arith.constant 0 : i32
    %dma_wait3A_192 = tpu.memref_slice %arg9[%dma_wait3A_190, %dma_wait3A_191] : memref<200x128xf32, #tpu.memory_space<vmem>> -> memref<96x128xf32, #tpu.memory_space<vmem>>
    %dma_wait3A_193 = arith.constant 704 : i32
    %dma_wait3A_194 = tpu.memref_slice %arg6[%dma_wait3A_193] : memref<6400xi32, #tpu.memory_space<vmem>> -> memref<96xi32, #tpu.memory_space<vmem>>
    %dma_wait3A_195 = arith.constant 0 : i32
    %dma_wait3A_196 = arith.constant 0 : i32
    %dma_wait3A_197 = tpu.memref_slice %arg3[%dma_wait3A_195, %dma_wait3A_196] : memref<1000000x128xf32, #tpu.memory_space<hbm>> -> memref<1000000x128xf32, #tpu.memory_space<hbm>>
    tpu.wait_indirect_dma semaphore(%arg11 : memref<!tpu.dma_semaphore, #tpu.memory_space<semaphore_mem>>) src(%dma_wait3A_197 : memref<1000000x128xf32, #tpu.memory_space<hbm>>) dst(%dma_wait3A_192 : memref<96x128xf32, #tpu.memory_space<vmem>>)
    %scan3A_198 = arith.constant 0 : i32
    %scan3A_199 = arith.constant 0 : i32
    %scan3A_200 = arith.constant 200 : i32
    %scan3A_201 = arith.addi %scan3A_199, %scan3A_200 : i32
    %scan3A_202 = arith.constant 1 : i32
    scf.for %scan3A_1600 = %scan3A_199 to %scan3A_201 step %scan3A_202  : i32 {
      %get3A = arith.index_cast %scan3A_1600 : i32 to index
      %get3A_1601 = arith.constant 0 : index
      %get3A_1602 = tpu.vector_load %arg9[%get3A, %get3A_1601] {strides = array<i32>} : memref<200x128xf32, #tpu.memory_space<vmem>>, vector<1x16xf32>,
      %get3A_1603 = vector.shape_cast %get3A_1602 : vector<1x16xf32> to vector<16xf32>
      %mul3A_1604 = arith.constant 8.000000e+00 : f32
      %mul3A_1605 = vector.broadcast %mul3A_1604 : f32 to vector<16xf32>
      %mul3A_1606 = arith.mulf %get3A_1603, %mul3A_1605 : vector<16xf32>
      %get3A_1607 = arith.index_cast %scan3A_1600 : i32 to index
      %get3A_1608 = arith.constant 0 : index
      %get3A_1609 = tpu.vector_load %arg7[%get3A_1607, %get3A_1608] {strides = array<i32>} : memref<200x64xf32, #tpu.memory_space<vmem>>, vector<1x16xf32>,
      %get3A_1610 = vector.shape_cast %get3A_1609 : vector<1x16xf32> to vector<16xf32>
      %add3A_1611 = arith.addf %mul3A_1606, %get3A_1610 : vector<16xf32>
      %swap3A = arith.index_cast %scan3A_1600 : i32 to index
      %swap3A_1612 = arith.constant 0 : index
      %swap3A_1613 = tpu.vector_load %arg9[%swap3A, %swap3A_1612] {strides = array<i32>} : memref<200x128xf32, #tpu.memory_space<vmem>>, vector<1x16xf32>,
      %swap3A_1614 = vector.shape_cast %swap3A_1613 : vector<1x16xf32> to vector<16xf32>
      %swap3A_1615 = vector.shape_cast %add3A_1611 : vector<16xf32> to vector<1x16xf32>
      tpu.vector_store %arg9[%swap3A, %swap3A_1612], %swap3A_1615 {strides = array<i32>} : memref<200x128xf32, #tpu.memory_space<vmem>>, vector<1x16xf32>,
      %get3A_1616 = arith.index_cast %scan3A_1600 : i32 to index
      %get3A_1617 = arith.constant 16 : index
      %get3A_1618 = tpu.vector_load %arg9[%get3A_1616, %get3A_1617] {strides = array<i32>} : memref<200x128xf32, #tpu.memory_space<vmem>>, vector<1x16xf32>,
      %get3A_1619 = vector.shape_cast %get3A_1618 : vector<1x16xf32> to vector<16xf32>
      %mul3A_1620 = arith.constant 8.000000e+00 : f32
      %mul3A_1621 = vector.broadcast %mul3A_1620 : f32 to vector<16xf32>
      %mul3A_1622 = arith.mulf %get3A_1619, %mul3A_1621 : vector<16xf32>
      %get3A_1623 = arith.index_cast %scan3A_1600 : i32 to index
      %get3A_1624 = arith.constant 16 : index
      %get3A_1625 = tpu.vector_load %arg7[%get3A_1623, %get3A_1624] {strides = array<i32>} : memref<200x64xf32, #tpu.memory_space<vmem>>, vector<1x16xf32>,
      %get3A_1626 = vector.shape_cast %get3A_1625 : vector<1x16xf32> to vector<16xf32>
      %add3A_1627 = arith.addf %mul3A_1622, %get3A_1626 : vector<16xf32>
      %swap3A_1628 = arith.index_cast %scan3A_1600 : i32 to index
      %swap3A_1629 = arith.constant 16 : index
      %swap3A_1630 = tpu.vector_load %arg9[%swap3A_1628, %swap3A_1629] {strides = array<i32>} : memref<200x128xf32, #tpu.memory_space<vmem>>, vector<1x16xf32>,
      %swap3A_1631 = vector.shape_cast %swap3A_1630 : vector<1x16xf32> to vector<16xf32>
      %swap3A_1632 = vector.shape_cast %add3A_1627 : vector<16xf32> to vector<1x16xf32>
      tpu.vector_store %arg9[%swap3A_1628, %swap3A_1629], %swap3A_1632 {strides = array<i32>} : memref<200x128xf32, #tpu.memory_space<vmem>>, vector<1x16xf32>,
      %get3A_1633 = arith.index_cast %scan3A_1600 : i32 to index
      %get3A_1634 = arith.constant 32 : index
      %get3A_1635 = tpu.vector_load %arg9[%get3A_1633, %get3A_1634] {strides = array<i32>} : memref<200x128xf32, #tpu.memory_space<vmem>>, vector<1x16xf32>,
      %get3A_1636 = vector.shape_cast %get3A_1635 : vector<1x16xf32> to vector<16xf32>
      %mul3A_1637 = arith.constant 8.000000e+00 : f32
      %mul3A_1638 = vector.broadcast %mul3A_1637 : f32 to vector<16xf32>
      %mul3A_1639 = arith.mulf %get3A_1636, %mul3A_1638 : vector<16xf32>
      %get3A_1640 = arith.index_cast %scan3A_1600 : i32 to index
      %get3A_1641 = arith.constant 32 : index
      %get3A_1642 = tpu.vector_load %arg7[%get3A_1640, %get3A_1641] {strides = array<i32>} : memref<200x64xf32, #tpu.memory_space<vmem>>, vector<1x16xf32>,
      %get3A_1643 = vector.shape_cast %get3A_1642 : vector<1x16xf32> to vector<16xf32>
      %add3A_1644 = arith.addf %mul3A_1639, %get3A_1643 : vector<16xf32>
      %swap3A_1645 = arith.index_cast %scan3A_1600 : i32 to index
      %swap3A_1646 = arith.constant 32 : index
      %swap3A_1647 = tpu.vector_load %arg9[%swap3A_1645, %swap3A_1646] {strides = array<i32>} : memref<200x128xf32, #tpu.memory_space<vmem>>, vector<1x16xf32>,
      %swap3A_1648 = vector.shape_cast %swap3A_1647 : vector<1x16xf32> to vector<16xf32>
      %swap3A_1649 = vector.shape_cast %add3A_1644 : vector<16xf32> to vector<1x16xf32>
      tpu.vector_store %arg9[%swap3A_1645, %swap3A_1646], %swap3A_1649 {strides = array<i32>} : memref<200x128xf32, #tpu.memory_space<vmem>>, vector<1x16xf32>,
      %get3A_1650 = arith.index_cast %scan3A_1600 : i32 to index
      %get3A_1651 = arith.constant 48 : index
      %get3A_1652 = tpu.vector_load %arg9[%get3A_1650, %get3A_1651] {strides = array<i32>} : memref<200x128xf32, #tpu.memory_space<vmem>>, vector<1x16xf32>,
      %get3A_1653 = vector.shape_cast %get3A_1652 : vector<1x16xf32> to vector<16xf32>
      %mul3A_1654 = arith.constant 8.000000e+00 : f32
      %mul3A_1655 = vector.broadcast %mul3A_1654 : f32 to vector<16xf32>
      %mul3A_1656 = arith.mulf %get3A_1653, %mul3A_1655 : vector<16xf32>
      %get3A_1657 = arith.index_cast %scan3A_1600 : i32 to index
      %get3A_1658 = arith.constant 48 : index
      %get3A_1659 = tpu.vector_load %arg7[%get3A_1657, %get3A_1658] {strides = array<i32>} : memref<200x64xf32, #tpu.memory_space<vmem>>, vector<1x16xf32>,
      %get3A_1660 = vector.shape_cast %get3A_1659 : vector<1x16xf32> to vector<16xf32>
      %add3A_1661 = arith.addf %mul3A_1656, %get3A_1660 : vector<16xf32>
      %swap3A_1662 = arith.index_cast %scan3A_1600 : i32 to index
      %swap3A_1663 = arith.constant 48 : index
      %swap3A_1664 = tpu.vector_load %arg9[%swap3A_1662, %swap3A_1663] {strides = array<i32>} : memref<200x128xf32, #tpu.memory_space<vmem>>, vector<1x16xf32>,
      %swap3A_1665 = vector.shape_cast %swap3A_1664 : vector<1x16xf32> to vector<16xf32>
      %swap3A_1666 = vector.shape_cast %add3A_1661 : vector<16xf32> to vector<1x16xf32>
      tpu.vector_store %arg9[%swap3A_1662, %swap3A_1663], %swap3A_1666 {strides = array<i32>} : memref<200x128xf32, #tpu.memory_space<vmem>>, vector<1x16xf32>,
    }
    %scan3A_203 = arith.constant 200 : i32
    %add3A_204 = arith.constant 600 : i32
    %add3A_205 = arith.addi %mul3A_2, %add3A_204 : i32
    %dma_start3A_206 = arith.constant 0 : i32
    %dma_start3A_207 = tpu.memref_slice %arg5[%add3A_205, %dma_start3A_206] : memref<204800x128xf32, #tpu.memory_space<hbm>> -> memref<200x128xf32, #tpu.memory_space<hbm>>
    %dma_start3A_208 = arith.constant 0 : i32
    %dma_start3A_209 = tpu.memref_slice %arg5[%add3A_205, %dma_start3A_208] : memref<204800x128xf32, #tpu.memory_space<hbm>> -> memref<200x128xf32, #tpu.memory_space<hbm>>
    tpu.enqueue_dma source(%arg9 : memref<200x128xf32, #tpu.memory_space<vmem>>) target(%dma_start3A_209 : memref<200x128xf32, #tpu.memory_space<hbm>>) target_semaphore(%arg13 : memref<!tpu.dma_semaphore, #tpu.memory_space<semaphore_mem>>)
    %add3A_210 = arith.constant 600 : i32
    %add3A_211 = arith.addi %mul3A_2, %add3A_210 : i32
    %dma_wait3A_212 = arith.constant 0 : i32
    %dma_wait3A_213 = tpu.memref_slice %arg5[%add3A_211, %dma_wait3A_212] : memref<204800x128xf32, #tpu.memory_space<hbm>> -> memref<200x128xf32, #tpu.memory_space<hbm>>
    %dma_wait3A_214 = arith.constant 0 : i32
    %dma_wait3A_215 = tpu.memref_slice %arg5[%add3A_211, %dma_wait3A_214] : memref<204800x128xf32, #tpu.memory_space<hbm>> -> memref<200x128xf32, #tpu.memory_space<hbm>>
    tpu.wait_dma2 semaphore(%arg13 : memref<!tpu.dma_semaphore, #tpu.memory_space<semaphore_mem>>) src(%arg9 : memref<200x128xf32, #tpu.memory_space<vmem>>) dst(%dma_wait3A_215 : memref<200x128xf32, #tpu.memory_space<hbm>>)
    %dma_start3A_216 = arith.constant 0 : i32
    %dma_start3A_217 = arith.constant 0 : i32
    %dma_start3A_218 = tpu.memref_slice %arg9[%dma_start3A_216, %dma_start3A_217] : memref<200x128xf32, #tpu.memory_space<vmem>> -> memref<104x128xf32, #tpu.memory_space<vmem>>
    %dma_start3A_219 = arith.constant 1000 : i32
    %dma_start3A_220 = tpu.memref_slice %arg6[%dma_start3A_219] : memref<6400xi32, #tpu.memory_space<vmem>> -> memref<104xi32, #tpu.memory_space<vmem>>
    %dma_start3A_221 = arith.constant 0 : i32
    %dma_start3A_222 = arith.constant 0 : i32
    %dma_start3A_223 = tpu.memref_slice %arg3[%dma_start3A_221, %dma_start3A_222] : memref<1000000x128xf32, #tpu.memory_space<hbm>> -> memref<1000000x128xf32, #tpu.memory_space<hbm>>
    tpu.enqueue_indirect_dma source(%dma_start3A_223 : memref<1000000x128xf32, #tpu.memory_space<hbm>>) target(%dma_start3A_218 : memref<104x128xf32, #tpu.memory_space<vmem>>) offsets(%dma_start3A_220 : memref<104xi32, #tpu.memory_space<vmem>>) semaphore(%arg11 : memref<!tpu.dma_semaphore, #tpu.memory_space<semaphore_mem>>)
    %dma_start3A_224 = arith.constant 104 : i32
    %dma_start3A_225 = arith.constant 0 : i32
    %dma_start3A_226 = tpu.memref_slice %arg9[%dma_start3A_224, %dma_start3A_225] : memref<200x128xf32, #tpu.memory_space<vmem>> -> memref<96x128xf32, #tpu.memory_space<vmem>>
    %dma_start3A_227 = arith.constant 1104 : i32
    %dma_start3A_228 = tpu.memref_slice %arg6[%dma_start3A_227] : memref<6400xi32, #tpu.memory_space<vmem>> -> memref<96xi32, #tpu.memory_space<vmem>>
    %dma_start3A_229 = arith.constant 0 : i32
    %dma_start3A_230 = arith.constant 0 : i32
    %dma_start3A_231 = tpu.memref_slice %arg3[%dma_start3A_229, %dma_start3A_230] : memref<1000000x128xf32, #tpu.memory_space<hbm>> -> memref<1000000x128xf32, #tpu.memory_space<hbm>>
    tpu.enqueue_indirect_dma source(%dma_start3A_231 : memref<1000000x128xf32, #tpu.memory_space<hbm>>) target(%dma_start3A_226 : memref<96x128xf32, #tpu.memory_space<vmem>>) offsets(%dma_start3A_228 : memref<96xi32, #tpu.memory_space<vmem>>) semaphore(%arg11 : memref<!tpu.dma_semaphore, #tpu.memory_space<semaphore_mem>>)
    %dma_wait3A_232 = arith.constant 0 : i32
    %dma_wait3A_233 = arith.constant 0 : i32
    %dma_wait3A_234 = tpu.memref_slice %arg8[%dma_wait3A_232, %dma_wait3A_233] : memref<200x128xf32, #tpu.memory_space<vmem>> -> memref<104x128xf32, #tpu.memory_space<vmem>>
    %dma_wait3A_235 = arith.constant 800 : i32
    %dma_wait3A_236 = tpu.memref_slice %arg6[%dma_wait3A_235] : memref<6400xi32, #tpu.memory_space<vmem>> -> memref<104xi32, #tpu.memory_space<vmem>>
    %dma_wait3A_237 = arith.constant 0 : i32
    %dma_wait3A_238 = arith.constant 0 : i32
    %dma_wait3A_239 = tpu.memref_slice %arg3[%dma_wait3A_237, %dma_wait3A_238] : memref<1000000x128xf32, #tpu.memory_space<hbm>> -> memref<1000000x128xf32, #tpu.memory_space<hbm>>
    tpu.wait_indirect_dma semaphore(%arg10 : memref<!tpu.dma_semaphore, #tpu.memory_space<semaphore_mem>>) src(%dma_wait3A_239 : memref<1000000x128xf32, #tpu.memory_space<hbm>>) dst(%dma_wait3A_234 : memref<104x128xf32, #tpu.memory_space<vmem>>)
    %dma_wait3A_240 = arith.constant 104 : i32
    %dma_wait3A_241 = arith.constant 0 : i32
    %dma_wait3A_242 = tpu.memref_slice %arg8[%dma_wait3A_240, %dma_wait3A_241] : memref<200x128xf32, #tpu.memory_space<vmem>> -> memref<96x128xf32, #tpu.memory_space<vmem>>
    %dma_wait3A_243 = arith.constant 904 : i32
    %dma_wait3A_244 = tpu.memref_slice %arg6[%dma_wait3A_243] : memref<6400xi32, #tpu.memory_space<vmem>> -> memref<96xi32, #tpu.memory_space<vmem>>
    %dma_wait3A_245 = arith.constant 0 : i32
    %dma_wait3A_246 = arith.constant 0 : i32
    %dma_wait3A_247 = tpu.memref_slice %arg3[%dma_wait3A_245, %dma_wait3A_246] : memref<1000000x128xf32, #tpu.memory_space<hbm>> -> memref<1000000x128xf32, #tpu.memory_space<hbm>>
    tpu.wait_indirect_dma semaphore(%arg10 : memref<!tpu.dma_semaphore, #tpu.memory_space<semaphore_mem>>) src(%dma_wait3A_247 : memref<1000000x128xf32, #tpu.memory_space<hbm>>) dst(%dma_wait3A_242 : memref<96x128xf32, #tpu.memory_space<vmem>>)
    %scan3A_248 = arith.constant 0 : i32
    %scan3A_249 = arith.constant 0 : i32
    %scan3A_250 = arith.constant 200 : i32
    %scan3A_251 = arith.addi %scan3A_249, %scan3A_250 : i32
    %scan3A_252 = arith.constant 1 : i32
    scf.for %scan3A_1600 = %scan3A_249 to %scan3A_251 step %scan3A_252  : i32 {
      %get3A = arith.index_cast %scan3A_1600 : i32 to index
      %get3A_1601 = arith.constant 0 : index
      %get3A_1602 = tpu.vector_load %arg8[%get3A, %get3A_1601] {strides = array<i32>} : memref<200x128xf32, #tpu.memory_space<vmem>>, vector<1x16xf32>,
      %get3A_1603 = vector.shape_cast %get3A_1602 : vector<1x16xf32> to vector<16xf32>
      %mul3A_1604 = arith.constant 8.000000e+00 : f32
      %mul3A_1605 = vector.broadcast %mul3A_1604 : f32 to vector<16xf32>
      %mul3A_1606 = arith.mulf %get3A_1603, %mul3A_1605 : vector<16xf32>
      %get3A_1607 = arith.index_cast %scan3A_1600 : i32 to index
      %get3A_1608 = arith.constant 0 : index
      %get3A_1609 = tpu.vector_load %arg7[%get3A_1607, %get3A_1608] {strides = array<i32>} : memref<200x64xf32, #tpu.memory_space<vmem>>, vector<1x16xf32>,
      %get3A_1610 = vector.shape_cast %get3A_1609 : vector<1x16xf32> to vector<16xf32>
      %add3A_1611 = arith.addf %mul3A_1606, %get3A_1610 : vector<16xf32>
      %swap3A = arith.index_cast %scan3A_1600 : i32 to index
      %swap3A_1612 = arith.constant 0 : index
      %swap3A_1613 = tpu.vector_load %arg8[%swap3A, %swap3A_1612] {strides = array<i32>} : memref<200x128xf32, #tpu.memory_space<vmem>>, vector<1x16xf32>,
      %swap3A_1614 = vector.shape_cast %swap3A_1613 : vector<1x16xf32> to vector<16xf32>
      %swap3A_1615 = vector.shape_cast %add3A_1611 : vector<16xf32> to vector<1x16xf32>
      tpu.vector_store %arg8[%swap3A, %swap3A_1612], %swap3A_1615 {strides = array<i32>} : memref<200x128xf32, #tpu.memory_space<vmem>>, vector<1x16xf32>,
      %get3A_1616 = arith.index_cast %scan3A_1600 : i32 to index
      %get3A_1617 = arith.constant 16 : index
      %get3A_1618 = tpu.vector_load %arg8[%get3A_1616, %get3A_1617] {strides = array<i32>} : memref<200x128xf32, #tpu.memory_space<vmem>>, vector<1x16xf32>,
      %get3A_1619 = vector.shape_cast %get3A_1618 : vector<1x16xf32> to vector<16xf32>
      %mul3A_1620 = arith.constant 8.000000e+00 : f32
      %mul3A_1621 = vector.broadcast %mul3A_1620 : f32 to vector<16xf32>
      %mul3A_1622 = arith.mulf %get3A_1619, %mul3A_1621 : vector<16xf32>
      %get3A_1623 = arith.index_cast %scan3A_1600 : i32 to index
      %get3A_1624 = arith.constant 16 : index
      %get3A_1625 = tpu.vector_load %arg7[%get3A_1623, %get3A_1624] {strides = array<i32>} : memref<200x64xf32, #tpu.memory_space<vmem>>, vector<1x16xf32>,
      %get3A_1626 = vector.shape_cast %get3A_1625 : vector<1x16xf32> to vector<16xf32>
      %add3A_1627 = arith.addf %mul3A_1622, %get3A_1626 : vector<16xf32>
      %swap3A_1628 = arith.index_cast %scan3A_1600 : i32 to index
      %swap3A_1629 = arith.constant 16 : index
      %swap3A_1630 = tpu.vector_load %arg8[%swap3A_1628, %swap3A_1629] {strides = array<i32>} : memref<200x128xf32, #tpu.memory_space<vmem>>, vector<1x16xf32>,
      %swap3A_1631 = vector.shape_cast %swap3A_1630 : vector<1x16xf32> to vector<16xf32>
      %swap3A_1632 = vector.shape_cast %add3A_1627 : vector<16xf32> to vector<1x16xf32>
      tpu.vector_store %arg8[%swap3A_1628, %swap3A_1629], %swap3A_1632 {strides = array<i32>} : memref<200x128xf32, #tpu.memory_space<vmem>>, vector<1x16xf32>,
      %get3A_1633 = arith.index_cast %scan3A_1600 : i32 to index
      %get3A_1634 = arith.constant 32 : index
      %get3A_1635 = tpu.vector_load %arg8[%get3A_1633, %get3A_1634] {strides = array<i32>} : memref<200x128xf32, #tpu.memory_space<vmem>>, vector<1x16xf32>,
      %get3A_1636 = vector.shape_cast %get3A_1635 : vector<1x16xf32> to vector<16xf32>
      %mul3A_1637 = arith.constant 8.000000e+00 : f32
      %mul3A_1638 = vector.broadcast %mul3A_1637 : f32 to vector<16xf32>
      %mul3A_1639 = arith.mulf %get3A_1636, %mul3A_1638 : vector<16xf32>
      %get3A_1640 = arith.index_cast %scan3A_1600 : i32 to index
      %get3A_1641 = arith.constant 32 : index
      %get3A_1642 = tpu.vector_load %arg7[%get3A_1640, %get3A_1641] {strides = array<i32>} : memref<200x64xf32, #tpu.memory_space<vmem>>, vector<1x16xf32>,
      %get3A_1643 = vector.shape_cast %get3A_1642 : vector<1x16xf32> to vector<16xf32>
      %add3A_1644 = arith.addf %mul3A_1639, %get3A_1643 : vector<16xf32>
      %swap3A_1645 = arith.index_cast %scan3A_1600 : i32 to index
      %swap3A_1646 = arith.constant 32 : index
      %swap3A_1647 = tpu.vector_load %arg8[%swap3A_1645, %swap3A_1646] {strides = array<i32>} : memref<200x128xf32, #tpu.memory_space<vmem>>, vector<1x16xf32>,
      %swap3A_1648 = vector.shape_cast %swap3A_1647 : vector<1x16xf32> to vector<16xf32>
      %swap3A_1649 = vector.shape_cast %add3A_1644 : vector<16xf32> to vector<1x16xf32>
      tpu.vector_store %arg8[%swap3A_1645, %swap3A_1646], %swap3A_1649 {strides = array<i32>} : memref<200x128xf32, #tpu.memory_space<vmem>>, vector<1x16xf32>,
      %get3A_1650 = arith.index_cast %scan3A_1600 : i32 to index
      %get3A_1651 = arith.constant 48 : index
      %get3A_1652 = tpu.vector_load %arg8[%get3A_1650, %get3A_1651] {strides = array<i32>} : memref<200x128xf32, #tpu.memory_space<vmem>>, vector<1x16xf32>,
      %get3A_1653 = vector.shape_cast %get3A_1652 : vector<1x16xf32> to vector<16xf32>
      %mul3A_1654 = arith.constant 8.000000e+00 : f32
      %mul3A_1655 = vector.broadcast %mul3A_1654 : f32 to vector<16xf32>
      %mul3A_1656 = arith.mulf %get3A_1653, %mul3A_1655 : vector<16xf32>
      %get3A_1657 = arith.index_cast %scan3A_1600 : i32 to index
      %get3A_1658 = arith.constant 48 : index
      %get3A_1659 = tpu.vector_load %arg7[%get3A_1657, %get3A_1658] {strides = array<i32>} : memref<200x64xf32, #tpu.memory_space<vmem>>, vector<1x16xf32>,
      %get3A_1660 = vector.shape_cast %get3A_1659 : vector<1x16xf32> to vector<16xf32>
      %add3A_1661 = arith.addf %mul3A_1656, %get3A_1660 : vector<16xf32>
      %swap3A_1662 = arith.index_cast %scan3A_1600 : i32 to index
      %swap3A_1663 = arith.constant 48 : index
      %swap3A_1664 = tpu.vector_load %arg8[%swap3A_1662, %swap3A_1663] {strides = array<i32>} : memref<200x128xf32, #tpu.memory_space<vmem>>, vector<1x16xf32>,
      %swap3A_1665 = vector.shape_cast %swap3A_1664 : vector<1x16xf32> to vector<16xf32>
      %swap3A_1666 = vector.shape_cast %add3A_1661 : vector<16xf32> to vector<1x16xf32>
      tpu.vector_store %arg8[%swap3A_1662, %swap3A_1663], %swap3A_1666 {strides = array<i32>} : memref<200x128xf32, #tpu.memory_space<vmem>>, vector<1x16xf32>,
    }
    %scan3A_253 = arith.constant 200 : i32
    %add3A_254 = arith.constant 800 : i32
    %add3A_255 = arith.addi %mul3A_2, %add3A_254 : i32
    %dma_start3A_256 = arith.constant 0 : i32
    %dma_start3A_257 = tpu.memref_slice %arg5[%add3A_255, %dma_start3A_256] : memref<204800x128xf32, #tpu.memory_space<hbm>> -> memref<200x128xf32, #tpu.memory_space<hbm>>
    %dma_start3A_258 = arith.constant 0 : i32
    %dma_start3A_259 = tpu.memref_slice %arg5[%add3A_255, %dma_start3A_258] : memref<204800x128xf32, #tpu.memory_space<hbm>> -> memref<200x128xf32, #tpu.memory_space<hbm>>
    tpu.enqueue_dma source(%arg8 : memref<200x128xf32, #tpu.memory_space<vmem>>) target(%dma_start3A_259 : memref<200x128xf32, #tpu.memory_space<hbm>>) target_semaphore(%arg12 : memref<!tpu.dma_semaphore, #tpu.memory_space<semaphore_mem>>)
    %add3A_260 = arith.constant 800 : i32
    %add3A_261 = arith.addi %mul3A_2, %add3A_260 : i32
    %dma_wait3A_262 = arith.constant 0 : i32
    %dma_wait3A_263 = tpu.memref_slice %arg5[%add3A_261, %dma_wait3A_262] : memref<204800x128xf32, #tpu.memory_space<hbm>> -> memref<200x128xf32, #tpu.memory_space<hbm>>
    %dma_wait3A_264 = arith.constant 0 : i32
    %dma_wait3A_265 = tpu.memref_slice %arg5[%add3A_261, %dma_wait3A_264] : memref<204800x128xf32, #tpu.memory_space<hbm>> -> memref<200x128xf32, #tpu.memory_space<hbm>>
    tpu.wait_dma2 semaphore(%arg12 : memref<!tpu.dma_semaphore, #tpu.memory_space<semaphore_mem>>) src(%arg8 : memref<200x128xf32, #tpu.memory_space<vmem>>) dst(%dma_wait3A_265 : memref<200x128xf32, #tpu.memory_space<hbm>>)
    %dma_start3A_266 = arith.constant 0 : i32
    %dma_start3A_267 = arith.constant 0 : i32
    %dma_start3A_268 = tpu.memref_slice %arg8[%dma_start3A_266, %dma_start3A_267] : memref<200x128xf32, #tpu.memory_space<vmem>> -> memref<104x128xf32, #tpu.memory_space<vmem>>
    %dma_start3A_269 = arith.constant 1200 : i32
    %dma_start3A_270 = tpu.memref_slice %arg6[%dma_start3A_269] : memref<6400xi32, #tpu.memory_space<vmem>> -> memref<104xi32, #tpu.memory_space<vmem>>
    %dma_start3A_271 = arith.constant 0 : i32
    %dma_start3A_272 = arith.constant 0 : i32
    %dma_start3A_273 = tpu.memref_slice %arg3[%dma_start3A_271, %dma_start3A_272] : memref<1000000x128xf32, #tpu.memory_space<hbm>> -> memref<1000000x128xf32, #tpu.memory_space<hbm>>
    tpu.enqueue_indirect_dma source(%dma_start3A_273 : memref<1000000x128xf32, #tpu.memory_space<hbm>>) target(%dma_start3A_268 : memref<104x128xf32, #tpu.memory_space<vmem>>) offsets(%dma_start3A_270 : memref<104xi32, #tpu.memory_space<vmem>>) semaphore(%arg10 : memref<!tpu.dma_semaphore, #tpu.memory_space<semaphore_mem>>)
    %dma_start3A_274 = arith.constant 104 : i32
    %dma_start3A_275 = arith.constant 0 : i32
    %dma_start3A_276 = tpu.memref_slice %arg8[%dma_start3A_274, %dma_start3A_275] : memref<200x128xf32, #tpu.memory_space<vmem>> -> memref<96x128xf32, #tpu.memory_space<vmem>>
    %dma_start3A_277 = arith.constant 1304 : i32
    %dma_start3A_278 = tpu.memref_slice %arg6[%dma_start3A_277] : memref<6400xi32, #tpu.memory_space<vmem>> -> memref<96xi32, #tpu.memory_space<vmem>>
    %dma_start3A_279 = arith.constant 0 : i32
    %dma_start3A_280 = arith.constant 0 : i32
    %dma_start3A_281 = tpu.memref_slice %arg3[%dma_start3A_279, %dma_start3A_280] : memref<1000000x128xf32, #tpu.memory_space<hbm>> -> memref<1000000x128xf32, #tpu.memory_space<hbm>>
    tpu.enqueue_indirect_dma source(%dma_start3A_281 : memref<1000000x128xf32, #tpu.memory_space<hbm>>) target(%dma_start3A_276 : memref<96x128xf32, #tpu.memory_space<vmem>>) offsets(%dma_start3A_278 : memref<96xi32, #tpu.memory_space<vmem>>) semaphore(%arg10 : memref<!tpu.dma_semaphore, #tpu.memory_space<semaphore_mem>>)
    %dma_wait3A_282 = arith.constant 0 : i32
    %dma_wait3A_283 = arith.constant 0 : i32
    %dma_wait3A_284 = tpu.memref_slice %arg9[%dma_wait3A_282, %dma_wait3A_283] : memref<200x128xf32, #tpu.memory_space<vmem>> -> memref<104x128xf32, #tpu.memory_space<vmem>>
    %dma_wait3A_285 = arith.constant 1000 : i32
    %dma_wait3A_286 = tpu.memref_slice %arg6[%dma_wait3A_285] : memref<6400xi32, #tpu.memory_space<vmem>> -> memref<104xi32, #tpu.memory_space<vmem>>
    %dma_wait3A_287 = arith.constant 0 : i32
    %dma_wait3A_288 = arith.constant 0 : i32
    %dma_wait3A_289 = tpu.memref_slice %arg3[%dma_wait3A_287, %dma_wait3A_288] : memref<1000000x128xf32, #tpu.memory_space<hbm>> -> memref<1000000x128xf32, #tpu.memory_space<hbm>>
    tpu.wait_indirect_dma semaphore(%arg11 : memref<!tpu.dma_semaphore, #tpu.memory_space<semaphore_mem>>) src(%dma_wait3A_289 : memref<1000000x128xf32, #tpu.memory_space<hbm>>) dst(%dma_wait3A_284 : memref<104x128xf32, #tpu.memory_space<vmem>>)
    %dma_wait3A_290 = arith.constant 104 : i32
    %dma_wait3A_291 = arith.constant 0 : i32
    %dma_wait3A_292 = tpu.memref_slice %arg9[%dma_wait3A_290, %dma_wait3A_291] : memref<200x128xf32, #tpu.memory_space<vmem>> -> memref<96x128xf32, #tpu.memory_space<vmem>>
    %dma_wait3A_293 = arith.constant 1104 : i32
    %dma_wait3A_294 = tpu.memref_slice %arg6[%dma_wait3A_293] : memref<6400xi32, #tpu.memory_space<vmem>> -> memref<96xi32, #tpu.memory_space<vmem>>
    %dma_wait3A_295 = arith.constant 0 : i32
    %dma_wait3A_296 = arith.constant 0 : i32
    %dma_wait3A_297 = tpu.memref_slice %arg3[%dma_wait3A_295, %dma_wait3A_296] : memref<1000000x128xf32, #tpu.memory_space<hbm>> -> memref<1000000x128xf32, #tpu.memory_space<hbm>>
    tpu.wait_indirect_dma semaphore(%arg11 : memref<!tpu.dma_semaphore, #tpu.memory_space<semaphore_mem>>) src(%dma_wait3A_297 : memref<1000000x128xf32, #tpu.memory_space<hbm>>) dst(%dma_wait3A_292 : memref<96x128xf32, #tpu.memory_space<vmem>>)
    %scan3A_298 = arith.constant 0 : i32
    %scan3A_299 = arith.constant 0 : i32
    %scan3A_300 = arith.constant 200 : i32
    %scan3A_301 = arith.addi %scan3A_299, %scan3A_300 : i32
    %scan3A_302 = arith.constant 1 : i32
    scf.for %scan3A_1600 = %scan3A_299 to %scan3A_301 step %scan3A_302  : i32 {
      %get3A = arith.index_cast %scan3A_1600 : i32 to index
      %get3A_1601 = arith.constant 0 : index
      %get3A_1602 = tpu.vector_load %arg9[%get3A, %get3A_1601] {strides = array<i32>} : memref<200x128xf32, #tpu.memory_space<vmem>>, vector<1x16xf32>,
      %get3A_1603 = vector.shape_cast %get3A_1602 : vector<1x16xf32> to vector<16xf32>
      %mul3A_1604 = arith.constant 8.000000e+00 : f32
      %mul3A_1605 = vector.broadcast %mul3A_1604 : f32 to vector<16xf32>
      %mul3A_1606 = arith.mulf %get3A_1603, %mul3A_1605 : vector<16xf32>
      %get3A_1607 = arith.index_cast %scan3A_1600 : i32 to index
      %get3A_1608 = arith.constant 0 : index
      %get3A_1609 = tpu.vector_load %arg7[%get3A_1607, %get3A_1608] {strides = array<i32>} : memref<200x64xf32, #tpu.memory_space<vmem>>, vector<1x16xf32>,
      %get3A_1610 = vector.shape_cast %get3A_1609 : vector<1x16xf32> to vector<16xf32>
      %add3A_1611 = arith.addf %mul3A_1606, %get3A_1610 : vector<16xf32>
      %swap3A = arith.index_cast %scan3A_1600 : i32 to index
      %swap3A_1612 = arith.constant 0 : index
      %swap3A_1613 = tpu.vector_load %arg9[%swap3A, %swap3A_1612] {strides = array<i32>} : memref<200x128xf32, #tpu.memory_space<vmem>>, vector<1x16xf32>,
      %swap3A_1614 = vector.shape_cast %swap3A_1613 : vector<1x16xf32> to vector<16xf32>
      %swap3A_1615 = vector.shape_cast %add3A_1611 : vector<16xf32> to vector<1x16xf32>
      tpu.vector_store %arg9[%swap3A, %swap3A_1612], %swap3A_1615 {strides = array<i32>} : memref<200x128xf32, #tpu.memory_space<vmem>>, vector<1x16xf32>,
      %get3A_1616 = arith.index_cast %scan3A_1600 : i32 to index
      %get3A_1617 = arith.constant 16 : index
      %get3A_1618 = tpu.vector_load %arg9[%get3A_1616, %get3A_1617] {strides = array<i32>} : memref<200x128xf32, #tpu.memory_space<vmem>>, vector<1x16xf32>,
      %get3A_1619 = vector.shape_cast %get3A_1618 : vector<1x16xf32> to vector<16xf32>
      %mul3A_1620 = arith.constant 8.000000e+00 : f32
      %mul3A_1621 = vector.broadcast %mul3A_1620 : f32 to vector<16xf32>
      %mul3A_1622 = arith.mulf %get3A_1619, %mul3A_1621 : vector<16xf32>
      %get3A_1623 = arith.index_cast %scan3A_1600 : i32 to index
      %get3A_1624 = arith.constant 16 : index
      %get3A_1625 = tpu.vector_load %arg7[%get3A_1623, %get3A_1624] {strides = array<i32>} : memref<200x64xf32, #tpu.memory_space<vmem>>, vector<1x16xf32>,
      %get3A_1626 = vector.shape_cast %get3A_1625 : vector<1x16xf32> to vector<16xf32>
      %add3A_1627 = arith.addf %mul3A_1622, %get3A_1626 : vector<16xf32>
      %swap3A_1628 = arith.index_cast %scan3A_1600 : i32 to index
      %swap3A_1629 = arith.constant 16 : index
      %swap3A_1630 = tpu.vector_load %arg9[%swap3A_1628, %swap3A_1629] {strides = array<i32>} : memref<200x128xf32, #tpu.memory_space<vmem>>, vector<1x16xf32>,
      %swap3A_1631 = vector.shape_cast %swap3A_1630 : vector<1x16xf32> to vector<16xf32>
      %swap3A_1632 = vector.shape_cast %add3A_1627 : vector<16xf32> to vector<1x16xf32>
      tpu.vector_store %arg9[%swap3A_1628, %swap3A_1629], %swap3A_1632 {strides = array<i32>} : memref<200x128xf32, #tpu.memory_space<vmem>>, vector<1x16xf32>,
      %get3A_1633 = arith.index_cast %scan3A_1600 : i32 to index
      %get3A_1634 = arith.constant 32 : index
      %get3A_1635 = tpu.vector_load %arg9[%get3A_1633, %get3A_1634] {strides = array<i32>} : memref<200x128xf32, #tpu.memory_space<vmem>>, vector<1x16xf32>,
      %get3A_1636 = vector.shape_cast %get3A_1635 : vector<1x16xf32> to vector<16xf32>
      %mul3A_1637 = arith.constant 8.000000e+00 : f32
      %mul3A_1638 = vector.broadcast %mul3A_1637 : f32 to vector<16xf32>
      %mul3A_1639 = arith.mulf %get3A_1636, %mul3A_1638 : vector<16xf32>
      %get3A_1640 = arith.index_cast %scan3A_1600 : i32 to index
      %get3A_1641 = arith.constant 32 : index
      %get3A_1642 = tpu.vector_load %arg7[%get3A_1640, %get3A_1641] {strides = array<i32>} : memref<200x64xf32, #tpu.memory_space<vmem>>, vector<1x16xf32>,
      %get3A_1643 = vector.shape_cast %get3A_1642 : vector<1x16xf32> to vector<16xf32>
      %add3A_1644 = arith.addf %mul3A_1639, %get3A_1643 : vector<16xf32>
      %swap3A_1645 = arith.index_cast %scan3A_1600 : i32 to index
      %swap3A_1646 = arith.constant 32 : index
      %swap3A_1647 = tpu.vector_load %arg9[%swap3A_1645, %swap3A_1646] {strides = array<i32>} : memref<200x128xf32, #tpu.memory_space<vmem>>, vector<1x16xf32>,
      %swap3A_1648 = vector.shape_cast %swap3A_1647 : vector<1x16xf32> to vector<16xf32>
      %swap3A_1649 = vector.shape_cast %add3A_1644 : vector<16xf32> to vector<1x16xf32>
      tpu.vector_store %arg9[%swap3A_1645, %swap3A_1646], %swap3A_1649 {strides = array<i32>} : memref<200x128xf32, #tpu.memory_space<vmem>>, vector<1x16xf32>,
      %get3A_1650 = arith.index_cast %scan3A_1600 : i32 to index
      %get3A_1651 = arith.constant 48 : index
      %get3A_1652 = tpu.vector_load %arg9[%get3A_1650, %get3A_1651] {strides = array<i32>} : memref<200x128xf32, #tpu.memory_space<vmem>>, vector<1x16xf32>,
      %get3A_1653 = vector.shape_cast %get3A_1652 : vector<1x16xf32> to vector<16xf32>
      %mul3A_1654 = arith.constant 8.000000e+00 : f32
      %mul3A_1655 = vector.broadcast %mul3A_1654 : f32 to vector<16xf32>
      %mul3A_1656 = arith.mulf %get3A_1653, %mul3A_1655 : vector<16xf32>
      %get3A_1657 = arith.index_cast %scan3A_1600 : i32 to index
      %get3A_1658 = arith.constant 48 : index
      %get3A_1659 = tpu.vector_load %arg7[%get3A_1657, %get3A_1658] {strides = array<i32>} : memref<200x64xf32, #tpu.memory_space<vmem>>, vector<1x16xf32>,
      %get3A_1660 = vector.shape_cast %get3A_1659 : vector<1x16xf32> to vector<16xf32>
      %add3A_1661 = arith.addf %mul3A_1656, %get3A_1660 : vector<16xf32>
      %swap3A_1662 = arith.index_cast %scan3A_1600 : i32 to index
      %swap3A_1663 = arith.constant 48 : index
      %swap3A_1664 = tpu.vector_load %arg9[%swap3A_1662, %swap3A_1663] {strides = array<i32>} : memref<200x128xf32, #tpu.memory_space<vmem>>, vector<1x16xf32>,
      %swap3A_1665 = vector.shape_cast %swap3A_1664 : vector<1x16xf32> to vector<16xf32>
      %swap3A_1666 = vector.shape_cast %add3A_1661 : vector<16xf32> to vector<1x16xf32>
      tpu.vector_store %arg9[%swap3A_1662, %swap3A_1663], %swap3A_1666 {strides = array<i32>} : memref<200x128xf32, #tpu.memory_space<vmem>>, vector<1x16xf32>,
    }
    %scan3A_303 = arith.constant 200 : i32
    %add3A_304 = arith.constant 1000 : i32
    %add3A_305 = arith.addi %mul3A_2, %add3A_304 : i32
    %dma_start3A_306 = arith.constant 0 : i32
    %dma_start3A_307 = tpu.memref_slice %arg5[%add3A_305, %dma_start3A_306] : memref<204800x128xf32, #tpu.memory_space<hbm>> -> memref<200x128xf32, #tpu.memory_space<hbm>>
    %dma_start3A_308 = arith.constant 0 : i32
    %dma_start3A_309 = tpu.memref_slice %arg5[%add3A_305, %dma_start3A_308] : memref<204800x128xf32, #tpu.memory_space<hbm>> -> memref<200x128xf32, #tpu.memory_space<hbm>>
    tpu.enqueue_dma source(%arg9 : memref<200x128xf32, #tpu.memory_space<vmem>>) target(%dma_start3A_309 : memref<200x128xf32, #tpu.memory_space<hbm>>) target_semaphore(%arg13 : memref<!tpu.dma_semaphore, #tpu.memory_space<semaphore_mem>>)
    %add3A_310 = arith.constant 1000 : i32
    %add3A_311 = arith.addi %mul3A_2, %add3A_310 : i32
    %dma_wait3A_312 = arith.constant 0 : i32
    %dma_wait3A_313 = tpu.memref_slice %arg5[%add3A_311, %dma_wait3A_312] : memref<204800x128xf32, #tpu.memory_space<hbm>> -> memref<200x128xf32, #tpu.memory_space<hbm>>
    %dma_wait3A_314 = arith.constant 0 : i32
    %dma_wait3A_315 = tpu.memref_slice %arg5[%add3A_311, %dma_wait3A_314] : memref<204800x128xf32, #tpu.memory_space<hbm>> -> memref<200x128xf32, #tpu.memory_space<hbm>>
    tpu.wait_dma2 semaphore(%arg13 : memref<!tpu.dma_semaphore, #tpu.memory_space<semaphore_mem>>) src(%arg9 : memref<200x128xf32, #tpu.memory_space<vmem>>) dst(%dma_wait3A_315 : memref<200x128xf32, #tpu.memory_space<hbm>>)
    %dma_start3A_316 = arith.constant 0 : i32
    %dma_start3A_317 = arith.constant 0 : i32
    %dma_start3A_318 = tpu.memref_slice %arg9[%dma_start3A_316, %dma_start3A_317] : memref<200x128xf32, #tpu.memory_space<vmem>> -> memref<104x128xf32, #tpu.memory_space<vmem>>
    %dma_start3A_319 = arith.constant 1400 : i32
    %dma_start3A_320 = tpu.memref_slice %arg6[%dma_start3A_319] : memref<6400xi32, #tpu.memory_space<vmem>> -> memref<104xi32, #tpu.memory_space<vmem>>
    %dma_start3A_321 = arith.constant 0 : i32
    %dma_start3A_322 = arith.constant 0 : i32
    %dma_start3A_323 = tpu.memref_slice %arg3[%dma_start3A_321, %dma_start3A_322] : memref<1000000x128xf32, #tpu.memory_space<hbm>> -> memref<1000000x128xf32, #tpu.memory_space<hbm>>
    tpu.enqueue_indirect_dma source(%dma_start3A_323 : memref<1000000x128xf32, #tpu.memory_space<hbm>>) target(%dma_start3A_318 : memref<104x128xf32, #tpu.memory_space<vmem>>) offsets(%dma_start3A_320 : memref<104xi32, #tpu.memory_space<vmem>>) semaphore(%arg11 : memref<!tpu.dma_semaphore, #tpu.memory_space<semaphore_mem>>)
    %dma_start3A_324 = arith.constant 104 : i32
    %dma_start3A_325 = arith.constant 0 : i32
    %dma_start3A_326 = tpu.memref_slice %arg9[%dma_start3A_324, %dma_start3A_325] : memref<200x128xf32, #tpu.memory_space<vmem>> -> memref<96x128xf32, #tpu.memory_space<vmem>>
    %dma_start3A_327 = arith.constant 1504 : i32
    %dma_start3A_328 = tpu.memref_slice %arg6[%dma_start3A_327] : memref<6400xi32, #tpu.memory_space<vmem>> -> memref<96xi32, #tpu.memory_space<vmem>>
    %dma_start3A_329 = arith.constant 0 : i32
    %dma_start3A_330 = arith.constant 0 : i32
    %dma_start3A_331 = tpu.memref_slice %arg3[%dma_start3A_329, %dma_start3A_330] : memref<1000000x128xf32, #tpu.memory_space<hbm>> -> memref<1000000x128xf32, #tpu.memory_space<hbm>>
    tpu.enqueue_indirect_dma source(%dma_start3A_331 : memref<1000000x128xf32, #tpu.memory_space<hbm>>) target(%dma_start3A_326 : memref<96x128xf32, #tpu.memory_space<vmem>>) offsets(%dma_start3A_328 : memref<96xi32, #tpu.memory_space<vmem>>) semaphore(%arg11 : memref<!tpu.dma_semaphore, #tpu.memory_space<semaphore_mem>>)
    %dma_wait3A_332 = arith.constant 0 : i32
    %dma_wait3A_333 = arith.constant 0 : i32
    %dma_wait3A_334 = tpu.memref_slice %arg8[%dma_wait3A_332, %dma_wait3A_333] : memref<200x128xf32, #tpu.memory_space<vmem>> -> memref<104x128xf32, #tpu.memory_space<vmem>>
    %dma_wait3A_335 = arith.constant 1200 : i32
    %dma_wait3A_336 = tpu.memref_slice %arg6[%dma_wait3A_335] : memref<6400xi32, #tpu.memory_space<vmem>> -> memref<104xi32, #tpu.memory_space<vmem>>
    %dma_wait3A_337 = arith.constant 0 : i32
    %dma_wait3A_338 = arith.constant 0 : i32
    %dma_wait3A_339 = tpu.memref_slice %arg3[%dma_wait3A_337, %dma_wait3A_338] : memref<1000000x128xf32, #tpu.memory_space<hbm>> -> memref<1000000x128xf32, #tpu.memory_space<hbm>>
    tpu.wait_indirect_dma semaphore(%arg10 : memref<!tpu.dma_semaphore, #tpu.memory_space<semaphore_mem>>) src(%dma_wait3A_339 : memref<1000000x128xf32, #tpu.memory_space<hbm>>) dst(%dma_wait3A_334 : memref<104x128xf32, #tpu.memory_space<vmem>>)
    %dma_wait3A_340 = arith.constant 104 : i32
    %dma_wait3A_341 = arith.constant 0 : i32
    %dma_wait3A_342 = tpu.memref_slice %arg8[%dma_wait3A_340, %dma_wait3A_341] : memref<200x128xf32, #tpu.memory_space<vmem>> -> memref<96x128xf32, #tpu.memory_space<vmem>>
    %dma_wait3A_343 = arith.constant 1304 : i32
    %dma_wait3A_344 = tpu.memref_slice %arg6[%dma_wait3A_343] : memref<6400xi32, #tpu.memory_space<vmem>> -> memref<96xi32, #tpu.memory_space<vmem>>
    %dma_wait3A_345 = arith.constant 0 : i32
    %dma_wait3A_346 = arith.constant 0 : i32
    %dma_wait3A_347 = tpu.memref_slice %arg3[%dma_wait3A_345, %dma_wait3A_346] : memref<1000000x128xf32, #tpu.memory_space<hbm>> -> memref<1000000x128xf32, #tpu.memory_space<hbm>>
    tpu.wait_indirect_dma semaphore(%arg10 : memref<!tpu.dma_semaphore, #tpu.memory_space<semaphore_mem>>) src(%dma_wait3A_347 : memref<1000000x128xf32, #tpu.memory_space<hbm>>) dst(%dma_wait3A_342 : memref<96x128xf32, #tpu.memory_space<vmem>>)
    %scan3A_348 = arith.constant 0 : i32
    %scan3A_349 = arith.constant 0 : i32
    %scan3A_350 = arith.constant 200 : i32
    %scan3A_351 = arith.addi %scan3A_349, %scan3A_350 : i32
    %scan3A_352 = arith.constant 1 : i32
    scf.for %scan3A_1600 = %scan3A_349 to %scan3A_351 step %scan3A_352  : i32 {
      %get3A = arith.index_cast %scan3A_1600 : i32 to index
      %get3A_1601 = arith.constant 0 : index
      %get3A_1602 = tpu.vector_load %arg8[%get3A, %get3A_1601] {strides = array<i32>} : memref<200x128xf32, #tpu.memory_space<vmem>>, vector<1x16xf32>,
      %get3A_1603 = vector.shape_cast %get3A_1602 : vector<1x16xf32> to vector<16xf32>
      %mul3A_1604 = arith.constant 8.000000e+00 : f32
      %mul3A_1605 = vector.broadcast %mul3A_1604 : f32 to vector<16xf32>
      %mul3A_1606 = arith.mulf %get3A_1603, %mul3A_1605 : vector<16xf32>
      %get3A_1607 = arith.index_cast %scan3A_1600 : i32 to index
      %get3A_1608 = arith.constant 0 : index
      %get3A_1609 = tpu.vector_load %arg7[%get3A_1607, %get3A_1608] {strides = array<i32>} : memref<200x64xf32, #tpu.memory_space<vmem>>, vector<1x16xf32>,
      %get3A_1610 = vector.shape_cast %get3A_1609 : vector<1x16xf32> to vector<16xf32>
      %add3A_1611 = arith.addf %mul3A_1606, %get3A_1610 : vector<16xf32>
      %swap3A = arith.index_cast %scan3A_1600 : i32 to index
      %swap3A_1612 = arith.constant 0 : index
      %swap3A_1613 = tpu.vector_load %arg8[%swap3A, %swap3A_1612] {strides = array<i32>} : memref<200x128xf32, #tpu.memory_space<vmem>>, vector<1x16xf32>,
      %swap3A_1614 = vector.shape_cast %swap3A_1613 : vector<1x16xf32> to vector<16xf32>
      %swap3A_1615 = vector.shape_cast %add3A_1611 : vector<16xf32> to vector<1x16xf32>
      tpu.vector_store %arg8[%swap3A, %swap3A_1612], %swap3A_1615 {strides = array<i32>} : memref<200x128xf32, #tpu.memory_space<vmem>>, vector<1x16xf32>,
      %get3A_1616 = arith.index_cast %scan3A_1600 : i32 to index
      %get3A_1617 = arith.constant 16 : index
      %get3A_1618 = tpu.vector_load %arg8[%get3A_1616, %get3A_1617] {strides = array<i32>} : memref<200x128xf32, #tpu.memory_space<vmem>>, vector<1x16xf32>,
      %get3A_1619 = vector.shape_cast %get3A_1618 : vector<1x16xf32> to vector<16xf32>
      %mul3A_1620 = arith.constant 8.000000e+00 : f32
      %mul3A_1621 = vector.broadcast %mul3A_1620 : f32 to vector<16xf32>
      %mul3A_1622 = arith.mulf %get3A_1619, %mul3A_1621 : vector<16xf32>
      %get3A_1623 = arith.index_cast %scan3A_1600 : i32 to index
      %get3A_1624 = arith.constant 16 : index
      %get3A_1625 = tpu.vector_load %arg7[%get3A_1623, %get3A_1624] {strides = array<i32>} : memref<200x64xf32, #tpu.memory_space<vmem>>, vector<1x16xf32>,
      %get3A_1626 = vector.shape_cast %get3A_1625 : vector<1x16xf32> to vector<16xf32>
      %add3A_1627 = arith.addf %mul3A_1622, %get3A_1626 : vector<16xf32>
      %swap3A_1628 = arith.index_cast %scan3A_1600 : i32 to index
      %swap3A_1629 = arith.constant 16 : index
      %swap3A_1630 = tpu.vector_load %arg8[%swap3A_1628, %swap3A_1629] {strides = array<i32>} : memref<200x128xf32, #tpu.memory_space<vmem>>, vector<1x16xf32>,
      %swap3A_1631 = vector.shape_cast %swap3A_1630 : vector<1x16xf32> to vector<16xf32>
      %swap3A_1632 = vector.shape_cast %add3A_1627 : vector<16xf32> to vector<1x16xf32>
      tpu.vector_store %arg8[%swap3A_1628, %swap3A_1629], %swap3A_1632 {strides = array<i32>} : memref<200x128xf32, #tpu.memory_space<vmem>>, vector<1x16xf32>,
      %get3A_1633 = arith.index_cast %scan3A_1600 : i32 to index
      %get3A_1634 = arith.constant 32 : index
      %get3A_1635 = tpu.vector_load %arg8[%get3A_1633, %get3A_1634] {strides = array<i32>} : memref<200x128xf32, #tpu.memory_space<vmem>>, vector<1x16xf32>,
      %get3A_1636 = vector.shape_cast %get3A_1635 : vector<1x16xf32> to vector<16xf32>
      %mul3A_1637 = arith.constant 8.000000e+00 : f32
      %mul3A_1638 = vector.broadcast %mul3A_1637 : f32 to vector<16xf32>
      %mul3A_1639 = arith.mulf %get3A_1636, %mul3A_1638 : vector<16xf32>
      %get3A_1640 = arith.index_cast %scan3A_1600 : i32 to index
      %get3A_1641 = arith.constant 32 : index
      %get3A_1642 = tpu.vector_load %arg7[%get3A_1640, %get3A_1641] {strides = array<i32>} : memref<200x64xf32, #tpu.memory_space<vmem>>, vector<1x16xf32>,
      %get3A_1643 = vector.shape_cast %get3A_1642 : vector<1x16xf32> to vector<16xf32>
      %add3A_1644 = arith.addf %mul3A_1639, %get3A_1643 : vector<16xf32>
      %swap3A_1645 = arith.index_cast %scan3A_1600 : i32 to index
      %swap3A_1646 = arith.constant 32 : index
      %swap3A_1647 = tpu.vector_load %arg8[%swap3A_1645, %swap3A_1646] {strides = array<i32>} : memref<200x128xf32, #tpu.memory_space<vmem>>, vector<1x16xf32>,
      %swap3A_1648 = vector.shape_cast %swap3A_1647 : vector<1x16xf32> to vector<16xf32>
      %swap3A_1649 = vector.shape_cast %add3A_1644 : vector<16xf32> to vector<1x16xf32>
      tpu.vector_store %arg8[%swap3A_1645, %swap3A_1646], %swap3A_1649 {strides = array<i32>} : memref<200x128xf32, #tpu.memory_space<vmem>>, vector<1x16xf32>,
      %get3A_1650 = arith.index_cast %scan3A_1600 : i32 to index
      %get3A_1651 = arith.constant 48 : index
      %get3A_1652 = tpu.vector_load %arg8[%get3A_1650, %get3A_1651] {strides = array<i32>} : memref<200x128xf32, #tpu.memory_space<vmem>>, vector<1x16xf32>,
      %get3A_1653 = vector.shape_cast %get3A_1652 : vector<1x16xf32> to vector<16xf32>
      %mul3A_1654 = arith.constant 8.000000e+00 : f32
      %mul3A_1655 = vector.broadcast %mul3A_1654 : f32 to vector<16xf32>
      %mul3A_1656 = arith.mulf %get3A_1653, %mul3A_1655 : vector<16xf32>
      %get3A_1657 = arith.index_cast %scan3A_1600 : i32 to index
      %get3A_1658 = arith.constant 48 : index
      %get3A_1659 = tpu.vector_load %arg7[%get3A_1657, %get3A_1658] {strides = array<i32>} : memref<200x64xf32, #tpu.memory_space<vmem>>, vector<1x16xf32>,
      %get3A_1660 = vector.shape_cast %get3A_1659 : vector<1x16xf32> to vector<16xf32>
      %add3A_1661 = arith.addf %mul3A_1656, %get3A_1660 : vector<16xf32>
      %swap3A_1662 = arith.index_cast %scan3A_1600 : i32 to index
      %swap3A_1663 = arith.constant 48 : index
      %swap3A_1664 = tpu.vector_load %arg8[%swap3A_1662, %swap3A_1663] {strides = array<i32>} : memref<200x128xf32, #tpu.memory_space<vmem>>, vector<1x16xf32>,
      %swap3A_1665 = vector.shape_cast %swap3A_1664 : vector<1x16xf32> to vector<16xf32>
      %swap3A_1666 = vector.shape_cast %add3A_1661 : vector<16xf32> to vector<1x16xf32>
      tpu.vector_store %arg8[%swap3A_1662, %swap3A_1663], %swap3A_1666 {strides = array<i32>} : memref<200x128xf32, #tpu.memory_space<vmem>>, vector<1x16xf32>,
    }
    %scan3A_353 = arith.constant 200 : i32
    %add3A_354 = arith.constant 1200 : i32
    %add3A_355 = arith.addi %mul3A_2, %add3A_354 : i32
    %dma_start3A_356 = arith.constant 0 : i32
    %dma_start3A_357 = tpu.memref_slice %arg5[%add3A_355, %dma_start3A_356] : memref<204800x128xf32, #tpu.memory_space<hbm>> -> memref<200x128xf32, #tpu.memory_space<hbm>>
    %dma_start3A_358 = arith.constant 0 : i32
    %dma_start3A_359 = tpu.memref_slice %arg5[%add3A_355, %dma_start3A_358] : memref<204800x128xf32, #tpu.memory_space<hbm>> -> memref<200x128xf32, #tpu.memory_space<hbm>>
    tpu.enqueue_dma source(%arg8 : memref<200x128xf32, #tpu.memory_space<vmem>>) target(%dma_start3A_359 : memref<200x128xf32, #tpu.memory_space<hbm>>) target_semaphore(%arg12 : memref<!tpu.dma_semaphore, #tpu.memory_space<semaphore_mem>>)
    %add3A_360 = arith.constant 1200 : i32
    %add3A_361 = arith.addi %mul3A_2, %add3A_360 : i32
    %dma_wait3A_362 = arith.constant 0 : i32
    %dma_wait3A_363 = tpu.memref_slice %arg5[%add3A_361, %dma_wait3A_362] : memref<204800x128xf32, #tpu.memory_space<hbm>> -> memref<200x128xf32, #tpu.memory_space<hbm>>
    %dma_wait3A_364 = arith.constant 0 : i32
    %dma_wait3A_365 = tpu.memref_slice %arg5[%add3A_361, %dma_wait3A_364] : memref<204800x128xf32, #tpu.memory_space<hbm>> -> memref<200x128xf32, #tpu.memory_space<hbm>>
    tpu.wait_dma2 semaphore(%arg12 : memref<!tpu.dma_semaphore, #tpu.memory_space<semaphore_mem>>) src(%arg8 : memref<200x128xf32, #tpu.memory_space<vmem>>) dst(%dma_wait3A_365 : memref<200x128xf32, #tpu.memory_space<hbm>>)
    %dma_start3A_366 = arith.constant 0 : i32
    %dma_start3A_367 = arith.constant 0 : i32
    %dma_start3A_368 = tpu.memref_slice %arg8[%dma_start3A_366, %dma_start3A_367] : memref<200x128xf32, #tpu.memory_space<vmem>> -> memref<104x128xf32, #tpu.memory_space<vmem>>
    %dma_start3A_369 = arith.constant 1600 : i32
    %dma_start3A_370 = tpu.memref_slice %arg6[%dma_start3A_369] : memref<6400xi32, #tpu.memory_space<vmem>> -> memref<104xi32, #tpu.memory_space<vmem>>
    %dma_start3A_371 = arith.constant 0 : i32
    %dma_start3A_372 = arith.constant 0 : i32
    %dma_start3A_373 = tpu.memref_slice %arg3[%dma_start3A_371, %dma_start3A_372] : memref<1000000x128xf32, #tpu.memory_space<hbm>> -> memref<1000000x128xf32, #tpu.memory_space<hbm>>
    tpu.enqueue_indirect_dma source(%dma_start3A_373 : memref<1000000x128xf32, #tpu.memory_space<hbm>>) target(%dma_start3A_368 : memref<104x128xf32, #tpu.memory_space<vmem>>) offsets(%dma_start3A_370 : memref<104xi32, #tpu.memory_space<vmem>>) semaphore(%arg10 : memref<!tpu.dma_semaphore, #tpu.memory_space<semaphore_mem>>)
    %dma_start3A_374 = arith.constant 104 : i32
    %dma_start3A_375 = arith.constant 0 : i32
    %dma_start3A_376 = tpu.memref_slice %arg8[%dma_start3A_374, %dma_start3A_375] : memref<200x128xf32, #tpu.memory_space<vmem>> -> memref<96x128xf32, #tpu.memory_space<vmem>>
    %dma_start3A_377 = arith.constant 1704 : i32
    %dma_start3A_378 = tpu.memref_slice %arg6[%dma_start3A_377] : memref<6400xi32, #tpu.memory_space<vmem>> -> memref<96xi32, #tpu.memory_space<vmem>>
    %dma_start3A_379 = arith.constant 0 : i32
    %dma_start3A_380 = arith.constant 0 : i32
    %dma_start3A_381 = tpu.memref_slice %arg3[%dma_start3A_379, %dma_start3A_380] : memref<1000000x128xf32, #tpu.memory_space<hbm>> -> memref<1000000x128xf32, #tpu.memory_space<hbm>>
    tpu.enqueue_indirect_dma source(%dma_start3A_381 : memref<1000000x128xf32, #tpu.memory_space<hbm>>) target(%dma_start3A_376 : memref<96x128xf32, #tpu.memory_space<vmem>>) offsets(%dma_start3A_378 : memref<96xi32, #tpu.memory_space<vmem>>) semaphore(%arg10 : memref<!tpu.dma_semaphore, #tpu.memory_space<semaphore_mem>>)
    %dma_wait3A_382 = arith.constant 0 : i32
    %dma_wait3A_383 = arith.constant 0 : i32
    %dma_wait3A_384 = tpu.memref_slice %arg9[%dma_wait3A_382, %dma_wait3A_383] : memref<200x128xf32, #tpu.memory_space<vmem>> -> memref<104x128xf32, #tpu.memory_space<vmem>>
    %dma_wait3A_385 = arith.constant 1400 : i32
    %dma_wait3A_386 = tpu.memref_slice %arg6[%dma_wait3A_385] : memref<6400xi32, #tpu.memory_space<vmem>> -> memref<104xi32, #tpu.memory_space<vmem>>
    %dma_wait3A_387 = arith.constant 0 : i32
    %dma_wait3A_388 = arith.constant 0 : i32
    %dma_wait3A_389 = tpu.memref_slice %arg3[%dma_wait3A_387, %dma_wait3A_388] : memref<1000000x128xf32, #tpu.memory_space<hbm>> -> memref<1000000x128xf32, #tpu.memory_space<hbm>>
    tpu.wait_indirect_dma semaphore(%arg11 : memref<!tpu.dma_semaphore, #tpu.memory_space<semaphore_mem>>) src(%dma_wait3A_389 : memref<1000000x128xf32, #tpu.memory_space<hbm>>) dst(%dma_wait3A_384 : memref<104x128xf32, #tpu.memory_space<vmem>>)
    %dma_wait3A_390 = arith.constant 104 : i32
    %dma_wait3A_391 = arith.constant 0 : i32
    %dma_wait3A_392 = tpu.memref_slice %arg9[%dma_wait3A_390, %dma_wait3A_391] : memref<200x128xf32, #tpu.memory_space<vmem>> -> memref<96x128xf32, #tpu.memory_space<vmem>>
    %dma_wait3A_393 = arith.constant 1504 : i32
    %dma_wait3A_394 = tpu.memref_slice %arg6[%dma_wait3A_393] : memref<6400xi32, #tpu.memory_space<vmem>> -> memref<96xi32, #tpu.memory_space<vmem>>
    %dma_wait3A_395 = arith.constant 0 : i32
    %dma_wait3A_396 = arith.constant 0 : i32
    %dma_wait3A_397 = tpu.memref_slice %arg3[%dma_wait3A_395, %dma_wait3A_396] : memref<1000000x128xf32, #tpu.memory_space<hbm>> -> memref<1000000x128xf32, #tpu.memory_space<hbm>>
    tpu.wait_indirect_dma semaphore(%arg11 : memref<!tpu.dma_semaphore, #tpu.memory_space<semaphore_mem>>) src(%dma_wait3A_397 : memref<1000000x128xf32, #tpu.memory_space<hbm>>) dst(%dma_wait3A_392 : memref<96x128xf32, #tpu.memory_space<vmem>>)
    %scan3A_398 = arith.constant 0 : i32
    %scan3A_399 = arith.constant 0 : i32
    %scan3A_400 = arith.constant 200 : i32
    %scan3A_401 = arith.addi %scan3A_399, %scan3A_400 : i32
    %scan3A_402 = arith.constant 1 : i32
    scf.for %scan3A_1600 = %scan3A_399 to %scan3A_401 step %scan3A_402  : i32 {
      %get3A = arith.index_cast %scan3A_1600 : i32 to index
      %get3A_1601 = arith.constant 0 : index
      %get3A_1602 = tpu.vector_load %arg9[%get3A, %get3A_1601] {strides = array<i32>} : memref<200x128xf32, #tpu.memory_space<vmem>>, vector<1x16xf32>,
      %get3A_1603 = vector.shape_cast %get3A_1602 : vector<1x16xf32> to vector<16xf32>
      %mul3A_1604 = arith.constant 8.000000e+00 : f32
      %mul3A_1605 = vector.broadcast %mul3A_1604 : f32 to vector<16xf32>
      %mul3A_1606 = arith.mulf %get3A_1603, %mul3A_1605 : vector<16xf32>
      %get3A_1607 = arith.index_cast %scan3A_1600 : i32 to index
      %get3A_1608 = arith.constant 0 : index
      %get3A_1609 = tpu.vector_load %arg7[%get3A_1607, %get3A_1608] {strides = array<i32>} : memref<200x64xf32, #tpu.memory_space<vmem>>, vector<1x16xf32>,
      %get3A_1610 = vector.shape_cast %get3A_1609 : vector<1x16xf32> to vector<16xf32>
      %add3A_1611 = arith.addf %mul3A_1606, %get3A_1610 : vector<16xf32>
      %swap3A = arith.index_cast %scan3A_1600 : i32 to index
      %swap3A_1612 = arith.constant 0 : index
      %swap3A_1613 = tpu.vector_load %arg9[%swap3A, %swap3A_1612] {strides = array<i32>} : memref<200x128xf32, #tpu.memory_space<vmem>>, vector<1x16xf32>,
      %swap3A_1614 = vector.shape_cast %swap3A_1613 : vector<1x16xf32> to vector<16xf32>
      %swap3A_1615 = vector.shape_cast %add3A_1611 : vector<16xf32> to vector<1x16xf32>
      tpu.vector_store %arg9[%swap3A, %swap3A_1612], %swap3A_1615 {strides = array<i32>} : memref<200x128xf32, #tpu.memory_space<vmem>>, vector<1x16xf32>,
      %get3A_1616 = arith.index_cast %scan3A_1600 : i32 to index
      %get3A_1617 = arith.constant 16 : index
      %get3A_1618 = tpu.vector_load %arg9[%get3A_1616, %get3A_1617] {strides = array<i32>} : memref<200x128xf32, #tpu.memory_space<vmem>>, vector<1x16xf32>,
      %get3A_1619 = vector.shape_cast %get3A_1618 : vector<1x16xf32> to vector<16xf32>
      %mul3A_1620 = arith.constant 8.000000e+00 : f32
      %mul3A_1621 = vector.broadcast %mul3A_1620 : f32 to vector<16xf32>
      %mul3A_1622 = arith.mulf %get3A_1619, %mul3A_1621 : vector<16xf32>
      %get3A_1623 = arith.index_cast %scan3A_1600 : i32 to index
      %get3A_1624 = arith.constant 16 : index
      %get3A_1625 = tpu.vector_load %arg7[%get3A_1623, %get3A_1624] {strides = array<i32>} : memref<200x64xf32, #tpu.memory_space<vmem>>, vector<1x16xf32>,
      %get3A_1626 = vector.shape_cast %get3A_1625 : vector<1x16xf32> to vector<16xf32>
      %add3A_1627 = arith.addf %mul3A_1622, %get3A_1626 : vector<16xf32>
      %swap3A_1628 = arith.index_cast %scan3A_1600 : i32 to index
      %swap3A_1629 = arith.constant 16 : index
      %swap3A_1630 = tpu.vector_load %arg9[%swap3A_1628, %swap3A_1629] {strides = array<i32>} : memref<200x128xf32, #tpu.memory_space<vmem>>, vector<1x16xf32>,
      %swap3A_1631 = vector.shape_cast %swap3A_1630 : vector<1x16xf32> to vector<16xf32>
      %swap3A_1632 = vector.shape_cast %add3A_1627 : vector<16xf32> to vector<1x16xf32>
      tpu.vector_store %arg9[%swap3A_1628, %swap3A_1629], %swap3A_1632 {strides = array<i32>} : memref<200x128xf32, #tpu.memory_space<vmem>>, vector<1x16xf32>,
      %get3A_1633 = arith.index_cast %scan3A_1600 : i32 to index
      %get3A_1634 = arith.constant 32 : index
      %get3A_1635 = tpu.vector_load %arg9[%get3A_1633, %get3A_1634] {strides = array<i32>} : memref<200x128xf32, #tpu.memory_space<vmem>>, vector<1x16xf32>,
      %get3A_1636 = vector.shape_cast %get3A_1635 : vector<1x16xf32> to vector<16xf32>
      %mul3A_1637 = arith.constant 8.000000e+00 : f32
      %mul3A_1638 = vector.broadcast %mul3A_1637 : f32 to vector<16xf32>
      %mul3A_1639 = arith.mulf %get3A_1636, %mul3A_1638 : vector<16xf32>
      %get3A_1640 = arith.index_cast %scan3A_1600 : i32 to index
      %get3A_1641 = arith.constant 32 : index
      %get3A_1642 = tpu.vector_load %arg7[%get3A_1640, %get3A_1641] {strides = array<i32>} : memref<200x64xf32, #tpu.memory_space<vmem>>, vector<1x16xf32>,
      %get3A_1643 = vector.shape_cast %get3A_1642 : vector<1x16xf32> to vector<16xf32>
      %add3A_1644 = arith.addf %mul3A_1639, %get3A_1643 : vector<16xf32>
      %swap3A_1645 = arith.index_cast %scan3A_1600 : i32 to index
      %swap3A_1646 = arith.constant 32 : index
      %swap3A_1647 = tpu.vector_load %arg9[%swap3A_1645, %swap3A_1646] {strides = array<i32>} : memref<200x128xf32, #tpu.memory_space<vmem>>, vector<1x16xf32>,
      %swap3A_1648 = vector.shape_cast %swap3A_1647 : vector<1x16xf32> to vector<16xf32>
      %swap3A_1649 = vector.shape_cast %add3A_1644 : vector<16xf32> to vector<1x16xf32>
      tpu.vector_store %arg9[%swap3A_1645, %swap3A_1646], %swap3A_1649 {strides = array<i32>} : memref<200x128xf32, #tpu.memory_space<vmem>>, vector<1x16xf32>,
      %get3A_1650 = arith.index_cast %scan3A_1600 : i32 to index
      %get3A_1651 = arith.constant 48 : index
      %get3A_1652 = tpu.vector_load %arg9[%get3A_1650, %get3A_1651] {strides = array<i32>} : memref<200x128xf32, #tpu.memory_space<vmem>>, vector<1x16xf32>,
      %get3A_1653 = vector.shape_cast %get3A_1652 : vector<1x16xf32> to vector<16xf32>
      %mul3A_1654 = arith.constant 8.000000e+00 : f32
      %mul3A_1655 = vector.broadcast %mul3A_1654 : f32 to vector<16xf32>
      %mul3A_1656 = arith.mulf %get3A_1653, %mul3A_1655 : vector<16xf32>
      %get3A_1657 = arith.index_cast %scan3A_1600 : i32 to index
      %get3A_1658 = arith.constant 48 : index
      %get3A_1659 = tpu.vector_load %arg7[%get3A_1657, %get3A_1658] {strides = array<i32>} : memref<200x64xf32, #tpu.memory_space<vmem>>, vector<1x16xf32>,
      %get3A_1660 = vector.shape_cast %get3A_1659 : vector<1x16xf32> to vector<16xf32>
      %add3A_1661 = arith.addf %mul3A_1656, %get3A_1660 : vector<16xf32>
      %swap3A_1662 = arith.index_cast %scan3A_1600 : i32 to index
      %swap3A_1663 = arith.constant 48 : index
      %swap3A_1664 = tpu.vector_load %arg9[%swap3A_1662, %swap3A_1663] {strides = array<i32>} : memref<200x128xf32, #tpu.memory_space<vmem>>, vector<1x16xf32>,
      %swap3A_1665 = vector.shape_cast %swap3A_1664 : vector<1x16xf32> to vector<16xf32>
      %swap3A_1666 = vector.shape_cast %add3A_1661 : vector<16xf32> to vector<1x16xf32>
      tpu.vector_store %arg9[%swap3A_1662, %swap3A_1663], %swap3A_1666 {strides = array<i32>} : memref<200x128xf32, #tpu.memory_space<vmem>>, vector<1x16xf32>,
    }
    %scan3A_403 = arith.constant 200 : i32
    %add3A_404 = arith.constant 1400 : i32
    %add3A_405 = arith.addi %mul3A_2, %add3A_404 : i32
    %dma_start3A_406 = arith.constant 0 : i32
    %dma_start3A_407 = tpu.memref_slice %arg5[%add3A_405, %dma_start3A_406] : memref<204800x128xf32, #tpu.memory_space<hbm>> -> memref<200x128xf32, #tpu.memory_space<hbm>>
    %dma_start3A_408 = arith.constant 0 : i32
    %dma_start3A_409 = tpu.memref_slice %arg5[%add3A_405, %dma_start3A_408] : memref<204800x128xf32, #tpu.memory_space<hbm>> -> memref<200x128xf32, #tpu.memory_space<hbm>>
    tpu.enqueue_dma source(%arg9 : memref<200x128xf32, #tpu.memory_space<vmem>>) target(%dma_start3A_409 : memref<200x128xf32, #tpu.memory_space<hbm>>) target_semaphore(%arg13 : memref<!tpu.dma_semaphore, #tpu.memory_space<semaphore_mem>>)
    %add3A_410 = arith.constant 1400 : i32
    %add3A_411 = arith.addi %mul3A_2, %add3A_410 : i32
    %dma_wait3A_412 = arith.constant 0 : i32
    %dma_wait3A_413 = tpu.memref_slice %arg5[%add3A_411, %dma_wait3A_412] : memref<204800x128xf32, #tpu.memory_space<hbm>> -> memref<200x128xf32, #tpu.memory_space<hbm>>
    %dma_wait3A_414 = arith.constant 0 : i32
    %dma_wait3A_415 = tpu.memref_slice %arg5[%add3A_411, %dma_wait3A_414] : memref<204800x128xf32, #tpu.memory_space<hbm>> -> memref<200x128xf32, #tpu.memory_space<hbm>>
    tpu.wait_dma2 semaphore(%arg13 : memref<!tpu.dma_semaphore, #tpu.memory_space<semaphore_mem>>) src(%arg9 : memref<200x128xf32, #tpu.memory_space<vmem>>) dst(%dma_wait3A_415 : memref<200x128xf32, #tpu.memory_space<hbm>>)
    %dma_start3A_416 = arith.constant 0 : i32
    %dma_start3A_417 = arith.constant 0 : i32
    %dma_start3A_418 = tpu.memref_slice %arg9[%dma_start3A_416, %dma_start3A_417] : memref<200x128xf32, #tpu.memory_space<vmem>> -> memref<104x128xf32, #tpu.memory_space<vmem>>
    %dma_start3A_419 = arith.constant 1800 : i32
    %dma_start3A_420 = tpu.memref_slice %arg6[%dma_start3A_419] : memref<6400xi32, #tpu.memory_space<vmem>> -> memref<104xi32, #tpu.memory_space<vmem>>
    %dma_start3A_421 = arith.constant 0 : i32
    %dma_start3A_422 = arith.constant 0 : i32
    %dma_start3A_423 = tpu.memref_slice %arg3[%dma_start3A_421, %dma_start3A_422] : memref<1000000x128xf32, #tpu.memory_space<hbm>> -> memref<1000000x128xf32, #tpu.memory_space<hbm>>
    tpu.enqueue_indirect_dma source(%dma_start3A_423 : memref<1000000x128xf32, #tpu.memory_space<hbm>>) target(%dma_start3A_418 : memref<104x128xf32, #tpu.memory_space<vmem>>) offsets(%dma_start3A_420 : memref<104xi32, #tpu.memory_space<vmem>>) semaphore(%arg11 : memref<!tpu.dma_semaphore, #tpu.memory_space<semaphore_mem>>)
    %dma_start3A_424 = arith.constant 104 : i32
    %dma_start3A_425 = arith.constant 0 : i32
    %dma_start3A_426 = tpu.memref_slice %arg9[%dma_start3A_424, %dma_start3A_425] : memref<200x128xf32, #tpu.memory_space<vmem>> -> memref<96x128xf32, #tpu.memory_space<vmem>>
    %dma_start3A_427 = arith.constant 1904 : i32
    %dma_start3A_428 = tpu.memref_slice %arg6[%dma_start3A_427] : memref<6400xi32, #tpu.memory_space<vmem>> -> memref<96xi32, #tpu.memory_space<vmem>>
    %dma_start3A_429 = arith.constant 0 : i32
    %dma_start3A_430 = arith.constant 0 : i32
    %dma_start3A_431 = tpu.memref_slice %arg3[%dma_start3A_429, %dma_start3A_430] : memref<1000000x128xf32, #tpu.memory_space<hbm>> -> memref<1000000x128xf32, #tpu.memory_space<hbm>>
    tpu.enqueue_indirect_dma source(%dma_start3A_431 : memref<1000000x128xf32, #tpu.memory_space<hbm>>) target(%dma_start3A_426 : memref<96x128xf32, #tpu.memory_space<vmem>>) offsets(%dma_start3A_428 : memref<96xi32, #tpu.memory_space<vmem>>) semaphore(%arg11 : memref<!tpu.dma_semaphore, #tpu.memory_space<semaphore_mem>>)
    %dma_wait3A_432 = arith.constant 0 : i32
    %dma_wait3A_433 = arith.constant 0 : i32
    %dma_wait3A_434 = tpu.memref_slice %arg8[%dma_wait3A_432, %dma_wait3A_433] : memref<200x128xf32, #tpu.memory_space<vmem>> -> memref<104x128xf32, #tpu.memory_space<vmem>>
    %dma_wait3A_435 = arith.constant 1600 : i32
    %dma_wait3A_436 = tpu.memref_slice %arg6[%dma_wait3A_435] : memref<6400xi32, #tpu.memory_space<vmem>> -> memref<104xi32, #tpu.memory_space<vmem>>
    %dma_wait3A_437 = arith.constant 0 : i32
    %dma_wait3A_438 = arith.constant 0 : i32
    %dma_wait3A_439 = tpu.memref_slice %arg3[%dma_wait3A_437, %dma_wait3A_438] : memref<1000000x128xf32, #tpu.memory_space<hbm>> -> memref<1000000x128xf32, #tpu.memory_space<hbm>>
    tpu.wait_indirect_dma semaphore(%arg10 : memref<!tpu.dma_semaphore, #tpu.memory_space<semaphore_mem>>) src(%dma_wait3A_439 : memref<1000000x128xf32, #tpu.memory_space<hbm>>) dst(%dma_wait3A_434 : memref<104x128xf32, #tpu.memory_space<vmem>>)
    %dma_wait3A_440 = arith.constant 104 : i32
    %dma_wait3A_441 = arith.constant 0 : i32
    %dma_wait3A_442 = tpu.memref_slice %arg8[%dma_wait3A_440, %dma_wait3A_441] : memref<200x128xf32, #tpu.memory_space<vmem>> -> memref<96x128xf32, #tpu.memory_space<vmem>>
    %dma_wait3A_443 = arith.constant 1704 : i32
    %dma_wait3A_444 = tpu.memref_slice %arg6[%dma_wait3A_443] : memref<6400xi32, #tpu.memory_space<vmem>> -> memref<96xi32, #tpu.memory_space<vmem>>
    %dma_wait3A_445 = arith.constant 0 : i32
    %dma_wait3A_446 = arith.constant 0 : i32
    %dma_wait3A_447 = tpu.memref_slice %arg3[%dma_wait3A_445, %dma_wait3A_446] : memref<1000000x128xf32, #tpu.memory_space<hbm>> -> memref<1000000x128xf32, #tpu.memory_space<hbm>>
    tpu.wait_indirect_dma semaphore(%arg10 : memref<!tpu.dma_semaphore, #tpu.memory_space<semaphore_mem>>) src(%dma_wait3A_447 : memref<1000000x128xf32, #tpu.memory_space<hbm>>) dst(%dma_wait3A_442 : memref<96x128xf32, #tpu.memory_space<vmem>>)
    %scan3A_448 = arith.constant 0 : i32
    %scan3A_449 = arith.constant 0 : i32
    %scan3A_450 = arith.constant 200 : i32
    %scan3A_451 = arith.addi %scan3A_449, %scan3A_450 : i32
    %scan3A_452 = arith.constant 1 : i32
    scf.for %scan3A_1600 = %scan3A_449 to %scan3A_451 step %scan3A_452  : i32 {
      %get3A = arith.index_cast %scan3A_1600 : i32 to index
      %get3A_1601 = arith.constant 0 : index
      %get3A_1602 = tpu.vector_load %arg8[%get3A, %get3A_1601] {strides = array<i32>} : memref<200x128xf32, #tpu.memory_space<vmem>>, vector<1x16xf32>,
      %get3A_1603 = vector.shape_cast %get3A_1602 : vector<1x16xf32> to vector<16xf32>
      %mul3A_1604 = arith.constant 8.000000e+00 : f32
      %mul3A_1605 = vector.broadcast %mul3A_1604 : f32 to vector<16xf32>
      %mul3A_1606 = arith.mulf %get3A_1603, %mul3A_1605 : vector<16xf32>
      %get3A_1607 = arith.index_cast %scan3A_1600 : i32 to index
      %get3A_1608 = arith.constant 0 : index
      %get3A_1609 = tpu.vector_load %arg7[%get3A_1607, %get3A_1608] {strides = array<i32>} : memref<200x64xf32, #tpu.memory_space<vmem>>, vector<1x16xf32>,
      %get3A_1610 = vector.shape_cast %get3A_1609 : vector<1x16xf32> to vector<16xf32>
      %add3A_1611 = arith.addf %mul3A_1606, %get3A_1610 : vector<16xf32>
      %swap3A = arith.index_cast %scan3A_1600 : i32 to index
      %swap3A_1612 = arith.constant 0 : index
      %swap3A_1613 = tpu.vector_load %arg8[%swap3A, %swap3A_1612] {strides = array<i32>} : memref<200x128xf32, #tpu.memory_space<vmem>>, vector<1x16xf32>,
      %swap3A_1614 = vector.shape_cast %swap3A_1613 : vector<1x16xf32> to vector<16xf32>
      %swap3A_1615 = vector.shape_cast %add3A_1611 : vector<16xf32> to vector<1x16xf32>
      tpu.vector_store %arg8[%swap3A, %swap3A_1612], %swap3A_1615 {strides = array<i32>} : memref<200x128xf32, #tpu.memory_space<vmem>>, vector<1x16xf32>,
      %get3A_1616 = arith.index_cast %scan3A_1600 : i32 to index
      %get3A_1617 = arith.constant 16 : index
      %get3A_1618 = tpu.vector_load %arg8[%get3A_1616, %get3A_1617] {strides = array<i32>} : memref<200x128xf32, #tpu.memory_space<vmem>>, vector<1x16xf32>,
      %get3A_1619 = vector.shape_cast %get3A_1618 : vector<1x16xf32> to vector<16xf32>
      %mul3A_1620 = arith.constant 8.000000e+00 : f32
      %mul3A_1621 = vector.broadcast %mul3A_1620 : f32 to vector<16xf32>
      %mul3A_1622 = arith.mulf %get3A_1619, %mul3A_1621 : vector<16xf32>
      %get3A_1623 = arith.index_cast %scan3A_1600 : i32 to index
      %get3A_1624 = arith.constant 16 : index
      %get3A_1625 = tpu.vector_load %arg7[%get3A_1623, %get3A_1624] {strides = array<i32>} : memref<200x64xf32, #tpu.memory_space<vmem>>, vector<1x16xf32>,
      %get3A_1626 = vector.shape_cast %get3A_1625 : vector<1x16xf32> to vector<16xf32>
      %add3A_1627 = arith.addf %mul3A_1622, %get3A_1626 : vector<16xf32>
      %swap3A_1628 = arith.index_cast %scan3A_1600 : i32 to index
      %swap3A_1629 = arith.constant 16 : index
      %swap3A_1630 = tpu.vector_load %arg8[%swap3A_1628, %swap3A_1629] {strides = array<i32>} : memref<200x128xf32, #tpu.memory_space<vmem>>, vector<1x16xf32>,
      %swap3A_1631 = vector.shape_cast %swap3A_1630 : vector<1x16xf32> to vector<16xf32>
      %swap3A_1632 = vector.shape_cast %add3A_1627 : vector<16xf32> to vector<1x16xf32>
      tpu.vector_store %arg8[%swap3A_1628, %swap3A_1629], %swap3A_1632 {strides = array<i32>} : memref<200x128xf32, #tpu.memory_space<vmem>>, vector<1x16xf32>,
      %get3A_1633 = arith.index_cast %scan3A_1600 : i32 to index
      %get3A_1634 = arith.constant 32 : index
      %get3A_1635 = tpu.vector_load %arg8[%get3A_1633, %get3A_1634] {strides = array<i32>} : memref<200x128xf32, #tpu.memory_space<vmem>>, vector<1x16xf32>,
      %get3A_1636 = vector.shape_cast %get3A_1635 : vector<1x16xf32> to vector<16xf32>
      %mul3A_1637 = arith.constant 8.000000e+00 : f32
      %mul3A_1638 = vector.broadcast %mul3A_1637 : f32 to vector<16xf32>
      %mul3A_1639 = arith.mulf %get3A_1636, %mul3A_1638 : vector<16xf32>
      %get3A_1640 = arith.index_cast %scan3A_1600 : i32 to index
      %get3A_1641 = arith.constant 32 : index
      %get3A_1642 = tpu.vector_load %arg7[%get3A_1640, %get3A_1641] {strides = array<i32>} : memref<200x64xf32, #tpu.memory_space<vmem>>, vector<1x16xf32>,
      %get3A_1643 = vector.shape_cast %get3A_1642 : vector<1x16xf32> to vector<16xf32>
      %add3A_1644 = arith.addf %mul3A_1639, %get3A_1643 : vector<16xf32>
      %swap3A_1645 = arith.index_cast %scan3A_1600 : i32 to index
      %swap3A_1646 = arith.constant 32 : index
      %swap3A_1647 = tpu.vector_load %arg8[%swap3A_1645, %swap3A_1646] {strides = array<i32>} : memref<200x128xf32, #tpu.memory_space<vmem>>, vector<1x16xf32>,
      %swap3A_1648 = vector.shape_cast %swap3A_1647 : vector<1x16xf32> to vector<16xf32>
      %swap3A_1649 = vector.shape_cast %add3A_1644 : vector<16xf32> to vector<1x16xf32>
      tpu.vector_store %arg8[%swap3A_1645, %swap3A_1646], %swap3A_1649 {strides = array<i32>} : memref<200x128xf32, #tpu.memory_space<vmem>>, vector<1x16xf32>,
      %get3A_1650 = arith.index_cast %scan3A_1600 : i32 to index
      %get3A_1651 = arith.constant 48 : index
      %get3A_1652 = tpu.vector_load %arg8[%get3A_1650, %get3A_1651] {strides = array<i32>} : memref<200x128xf32, #tpu.memory_space<vmem>>, vector<1x16xf32>,
      %get3A_1653 = vector.shape_cast %get3A_1652 : vector<1x16xf32> to vector<16xf32>
      %mul3A_1654 = arith.constant 8.000000e+00 : f32
      %mul3A_1655 = vector.broadcast %mul3A_1654 : f32 to vector<16xf32>
      %mul3A_1656 = arith.mulf %get3A_1653, %mul3A_1655 : vector<16xf32>
      %get3A_1657 = arith.index_cast %scan3A_1600 : i32 to index
      %get3A_1658 = arith.constant 48 : index
      %get3A_1659 = tpu.vector_load %arg7[%get3A_1657, %get3A_1658] {strides = array<i32>} : memref<200x64xf32, #tpu.memory_space<vmem>>, vector<1x16xf32>,
      %get3A_1660 = vector.shape_cast %get3A_1659 : vector<1x16xf32> to vector<16xf32>
      %add3A_1661 = arith.addf %mul3A_1656, %get3A_1660 : vector<16xf32>
      %swap3A_1662 = arith.index_cast %scan3A_1600 : i32 to index
      %swap3A_1663 = arith.constant 48 : index
      %swap3A_1664 = tpu.vector_load %arg8[%swap3A_1662, %swap3A_1663] {strides = array<i32>} : memref<200x128xf32, #tpu.memory_space<vmem>>, vector<1x16xf32>,
      %swap3A_1665 = vector.shape_cast %swap3A_1664 : vector<1x16xf32> to vector<16xf32>
      %swap3A_1666 = vector.shape_cast %add3A_1661 : vector<16xf32> to vector<1x16xf32>
      tpu.vector_store %arg8[%swap3A_1662, %swap3A_1663], %swap3A_1666 {strides = array<i32>} : memref<200x128xf32, #tpu.memory_space<vmem>>, vector<1x16xf32>,
    }
    %scan3A_453 = arith.constant 200 : i32
    %add3A_454 = arith.constant 1600 : i32
    %add3A_455 = arith.addi %mul3A_2, %add3A_454 : i32
    %dma_start3A_456 = arith.constant 0 : i32
    %dma_start3A_457 = tpu.memref_slice %arg5[%add3A_455, %dma_start3A_456] : memref<204800x128xf32, #tpu.memory_space<hbm>> -> memref<200x128xf32, #tpu.memory_space<hbm>>
    %dma_start3A_458 = arith.constant 0 : i32
    %dma_start3A_459 = tpu.memref_slice %arg5[%add3A_455, %dma_start3A_458] : memref<204800x128xf32, #tpu.memory_space<hbm>> -> memref<200x128xf32, #tpu.memory_space<hbm>>
    tpu.enqueue_dma source(%arg8 : memref<200x128xf32, #tpu.memory_space<vmem>>) target(%dma_start3A_459 : memref<200x128xf32, #tpu.memory_space<hbm>>) target_semaphore(%arg12 : memref<!tpu.dma_semaphore, #tpu.memory_space<semaphore_mem>>)
    %add3A_460 = arith.constant 1600 : i32
    %add3A_461 = arith.addi %mul3A_2, %add3A_460 : i32
    %dma_wait3A_462 = arith.constant 0 : i32
    %dma_wait3A_463 = tpu.memref_slice %arg5[%add3A_461, %dma_wait3A_462] : memref<204800x128xf32, #tpu.memory_space<hbm>> -> memref<200x128xf32, #tpu.memory_space<hbm>>
    %dma_wait3A_464 = arith.constant 0 : i32
    %dma_wait3A_465 = tpu.memref_slice %arg5[%add3A_461, %dma_wait3A_464] : memref<204800x128xf32, #tpu.memory_space<hbm>> -> memref<200x128xf32, #tpu.memory_space<hbm>>
    tpu.wait_dma2 semaphore(%arg12 : memref<!tpu.dma_semaphore, #tpu.memory_space<semaphore_mem>>) src(%arg8 : memref<200x128xf32, #tpu.memory_space<vmem>>) dst(%dma_wait3A_465 : memref<200x128xf32, #tpu.memory_space<hbm>>)
    %dma_start3A_466 = arith.constant 0 : i32
    %dma_start3A_467 = arith.constant 0 : i32
    %dma_start3A_468 = tpu.memref_slice %arg8[%dma_start3A_466, %dma_start3A_467] : memref<200x128xf32, #tpu.memory_space<vmem>> -> memref<104x128xf32, #tpu.memory_space<vmem>>
    %dma_start3A_469 = arith.constant 2000 : i32
    %dma_start3A_470 = tpu.memref_slice %arg6[%dma_start3A_469] : memref<6400xi32, #tpu.memory_space<vmem>> -> memref<104xi32, #tpu.memory_space<vmem>>
    %dma_start3A_471 = arith.constant 0 : i32
    %dma_start3A_472 = arith.constant 0 : i32
    %dma_start3A_473 = tpu.memref_slice %arg3[%dma_start3A_471, %dma_start3A_472] : memref<1000000x128xf32, #tpu.memory_space<hbm>> -> memref<1000000x128xf32, #tpu.memory_space<hbm>>
    tpu.enqueue_indirect_dma source(%dma_start3A_473 : memref<1000000x128xf32, #tpu.memory_space<hbm>>) target(%dma_start3A_468 : memref<104x128xf32, #tpu.memory_space<vmem>>) offsets(%dma_start3A_470 : memref<104xi32, #tpu.memory_space<vmem>>) semaphore(%arg10 : memref<!tpu.dma_semaphore, #tpu.memory_space<semaphore_mem>>)
    %dma_start3A_474 = arith.constant 104 : i32
    %dma_start3A_475 = arith.constant 0 : i32
    %dma_start3A_476 = tpu.memref_slice %arg8[%dma_start3A_474, %dma_start3A_475] : memref<200x128xf32, #tpu.memory_space<vmem>> -> memref<96x128xf32, #tpu.memory_space<vmem>>
    %dma_start3A_477 = arith.constant 2104 : i32
    %dma_start3A_478 = tpu.memref_slice %arg6[%dma_start3A_477] : memref<6400xi32, #tpu.memory_space<vmem>> -> memref<96xi32, #tpu.memory_space<vmem>>
    %dma_start3A_479 = arith.constant 0 : i32
    %dma_start3A_480 = arith.constant 0 : i32
    %dma_start3A_481 = tpu.memref_slice %arg3[%dma_start3A_479, %dma_start3A_480] : memref<1000000x128xf32, #tpu.memory_space<hbm>> -> memref<1000000x128xf32, #tpu.memory_space<hbm>>
    tpu.enqueue_indirect_dma source(%dma_start3A_481 : memref<1000000x128xf32, #tpu.memory_space<hbm>>) target(%dma_start3A_476 : memref<96x128xf32, #tpu.memory_space<vmem>>) offsets(%dma_start3A_478 : memref<96xi32, #tpu.memory_space<vmem>>) semaphore(%arg10 : memref<!tpu.dma_semaphore, #tpu.memory_space<semaphore_mem>>)
    %dma_wait3A_482 = arith.constant 0 : i32
    %dma_wait3A_483 = arith.constant 0 : i32
    %dma_wait3A_484 = tpu.memref_slice %arg9[%dma_wait3A_482, %dma_wait3A_483] : memref<200x128xf32, #tpu.memory_space<vmem>> -> memref<104x128xf32, #tpu.memory_space<vmem>>
    %dma_wait3A_485 = arith.constant 1800 : i32
    %dma_wait3A_486 = tpu.memref_slice %arg6[%dma_wait3A_485] : memref<6400xi32, #tpu.memory_space<vmem>> -> memref<104xi32, #tpu.memory_space<vmem>>
    %dma_wait3A_487 = arith.constant 0 : i32
    %dma_wait3A_488 = arith.constant 0 : i32
    %dma_wait3A_489 = tpu.memref_slice %arg3[%dma_wait3A_487, %dma_wait3A_488] : memref<1000000x128xf32, #tpu.memory_space<hbm>> -> memref<1000000x128xf32, #tpu.memory_space<hbm>>
    tpu.wait_indirect_dma semaphore(%arg11 : memref<!tpu.dma_semaphore, #tpu.memory_space<semaphore_mem>>) src(%dma_wait3A_489 : memref<1000000x128xf32, #tpu.memory_space<hbm>>) dst(%dma_wait3A_484 : memref<104x128xf32, #tpu.memory_space<vmem>>)
    %dma_wait3A_490 = arith.constant 104 : i32
    %dma_wait3A_491 = arith.constant 0 : i32
    %dma_wait3A_492 = tpu.memref_slice %arg9[%dma_wait3A_490, %dma_wait3A_491] : memref<200x128xf32, #tpu.memory_space<vmem>> -> memref<96x128xf32, #tpu.memory_space<vmem>>
    %dma_wait3A_493 = arith.constant 1904 : i32
    %dma_wait3A_494 = tpu.memref_slice %arg6[%dma_wait3A_493] : memref<6400xi32, #tpu.memory_space<vmem>> -> memref<96xi32, #tpu.memory_space<vmem>>
    %dma_wait3A_495 = arith.constant 0 : i32
    %dma_wait3A_496 = arith.constant 0 : i32
    %dma_wait3A_497 = tpu.memref_slice %arg3[%dma_wait3A_495, %dma_wait3A_496] : memref<1000000x128xf32, #tpu.memory_space<hbm>> -> memref<1000000x128xf32, #tpu.memory_space<hbm>>
    tpu.wait_indirect_dma semaphore(%arg11 : memref<!tpu.dma_semaphore, #tpu.memory_space<semaphore_mem>>) src(%dma_wait3A_497 : memref<1000000x128xf32, #tpu.memory_space<hbm>>) dst(%dma_wait3A_492 : memref<96x128xf32, #tpu.memory_space<vmem>>)
    %scan3A_498 = arith.constant 0 : i32
    %scan3A_499 = arith.constant 0 : i32
    %scan3A_500 = arith.constant 200 : i32
    %scan3A_501 = arith.addi %scan3A_499, %scan3A_500 : i32
    %scan3A_502 = arith.constant 1 : i32
    scf.for %scan3A_1600 = %scan3A_499 to %scan3A_501 step %scan3A_502  : i32 {
      %get3A = arith.index_cast %scan3A_1600 : i32 to index
      %get3A_1601 = arith.constant 0 : index
      %get3A_1602 = tpu.vector_load %arg9[%get3A, %get3A_1601] {strides = array<i32>} : memref<200x128xf32, #tpu.memory_space<vmem>>, vector<1x16xf32>,
      %get3A_1603 = vector.shape_cast %get3A_1602 : vector<1x16xf32> to vector<16xf32>
      %mul3A_1604 = arith.constant 8.000000e+00 : f32
      %mul3A_1605 = vector.broadcast %mul3A_1604 : f32 to vector<16xf32>
      %mul3A_1606 = arith.mulf %get3A_1603, %mul3A_1605 : vector<16xf32>
      %get3A_1607 = arith.index_cast %scan3A_1600 : i32 to index
      %get3A_1608 = arith.constant 0 : index
      %get3A_1609 = tpu.vector_load %arg7[%get3A_1607, %get3A_1608] {strides = array<i32>} : memref<200x64xf32, #tpu.memory_space<vmem>>, vector<1x16xf32>,
      %get3A_1610 = vector.shape_cast %get3A_1609 : vector<1x16xf32> to vector<16xf32>
      %add3A_1611 = arith.addf %mul3A_1606, %get3A_1610 : vector<16xf32>
      %swap3A = arith.index_cast %scan3A_1600 : i32 to index
      %swap3A_1612 = arith.constant 0 : index
      %swap3A_1613 = tpu.vector_load %arg9[%swap3A, %swap3A_1612] {strides = array<i32>} : memref<200x128xf32, #tpu.memory_space<vmem>>, vector<1x16xf32>,
      %swap3A_1614 = vector.shape_cast %swap3A_1613 : vector<1x16xf32> to vector<16xf32>
      %swap3A_1615 = vector.shape_cast %add3A_1611 : vector<16xf32> to vector<1x16xf32>
      tpu.vector_store %arg9[%swap3A, %swap3A_1612], %swap3A_1615 {strides = array<i32>} : memref<200x128xf32, #tpu.memory_space<vmem>>, vector<1x16xf32>,
      %get3A_1616 = arith.index_cast %scan3A_1600 : i32 to index
      %get3A_1617 = arith.constant 16 : index
      %get3A_1618 = tpu.vector_load %arg9[%get3A_1616, %get3A_1617] {strides = array<i32>} : memref<200x128xf32, #tpu.memory_space<vmem>>, vector<1x16xf32>,
      %get3A_1619 = vector.shape_cast %get3A_1618 : vector<1x16xf32> to vector<16xf32>
      %mul3A_1620 = arith.constant 8.000000e+00 : f32
      %mul3A_1621 = vector.broadcast %mul3A_1620 : f32 to vector<16xf32>
      %mul3A_1622 = arith.mulf %get3A_1619, %mul3A_1621 : vector<16xf32>
      %get3A_1623 = arith.index_cast %scan3A_1600 : i32 to index
      %get3A_1624 = arith.constant 16 : index
      %get3A_1625 = tpu.vector_load %arg7[%get3A_1623, %get3A_1624] {strides = array<i32>} : memref<200x64xf32, #tpu.memory_space<vmem>>, vector<1x16xf32>,
      %get3A_1626 = vector.shape_cast %get3A_1625 : vector<1x16xf32> to vector<16xf32>
      %add3A_1627 = arith.addf %mul3A_1622, %get3A_1626 : vector<16xf32>
      %swap3A_1628 = arith.index_cast %scan3A_1600 : i32 to index
      %swap3A_1629 = arith.constant 16 : index
      %swap3A_1630 = tpu.vector_load %arg9[%swap3A_1628, %swap3A_1629] {strides = array<i32>} : memref<200x128xf32, #tpu.memory_space<vmem>>, vector<1x16xf32>,
      %swap3A_1631 = vector.shape_cast %swap3A_1630 : vector<1x16xf32> to vector<16xf32>
      %swap3A_1632 = vector.shape_cast %add3A_1627 : vector<16xf32> to vector<1x16xf32>
      tpu.vector_store %arg9[%swap3A_1628, %swap3A_1629], %swap3A_1632 {strides = array<i32>} : memref<200x128xf32, #tpu.memory_space<vmem>>, vector<1x16xf32>,
      %get3A_1633 = arith.index_cast %scan3A_1600 : i32 to index
      %get3A_1634 = arith.constant 32 : index
      %get3A_1635 = tpu.vector_load %arg9[%get3A_1633, %get3A_1634] {strides = array<i32>} : memref<200x128xf32, #tpu.memory_space<vmem>>, vector<1x16xf32>,
      %get3A_1636 = vector.shape_cast %get3A_1635 : vector<1x16xf32> to vector<16xf32>
      %mul3A_1637 = arith.constant 8.000000e+00 : f32
      %mul3A_1638 = vector.broadcast %mul3A_1637 : f32 to vector<16xf32>
      %mul3A_1639 = arith.mulf %get3A_1636, %mul3A_1638 : vector<16xf32>
      %get3A_1640 = arith.index_cast %scan3A_1600 : i32 to index
      %get3A_1641 = arith.constant 32 : index
      %get3A_1642 = tpu.vector_load %arg7[%get3A_1640, %get3A_1641] {strides = array<i32>} : memref<200x64xf32, #tpu.memory_space<vmem>>, vector<1x16xf32>,
      %get3A_1643 = vector.shape_cast %get3A_1642 : vector<1x16xf32> to vector<16xf32>
      %add3A_1644 = arith.addf %mul3A_1639, %get3A_1643 : vector<16xf32>
      %swap3A_1645 = arith.index_cast %scan3A_1600 : i32 to index
      %swap3A_1646 = arith.constant 32 : index
      %swap3A_1647 = tpu.vector_load %arg9[%swap3A_1645, %swap3A_1646] {strides = array<i32>} : memref<200x128xf32, #tpu.memory_space<vmem>>, vector<1x16xf32>,
      %swap3A_1648 = vector.shape_cast %swap3A_1647 : vector<1x16xf32> to vector<16xf32>
      %swap3A_1649 = vector.shape_cast %add3A_1644 : vector<16xf32> to vector<1x16xf32>
      tpu.vector_store %arg9[%swap3A_1645, %swap3A_1646], %swap3A_1649 {strides = array<i32>} : memref<200x128xf32, #tpu.memory_space<vmem>>, vector<1x16xf32>,
      %get3A_1650 = arith.index_cast %scan3A_1600 : i32 to index
      %get3A_1651 = arith.constant 48 : index
      %get3A_1652 = tpu.vector_load %arg9[%get3A_1650, %get3A_1651] {strides = array<i32>} : memref<200x128xf32, #tpu.memory_space<vmem>>, vector<1x16xf32>,
      %get3A_1653 = vector.shape_cast %get3A_1652 : vector<1x16xf32> to vector<16xf32>
      %mul3A_1654 = arith.constant 8.000000e+00 : f32
      %mul3A_1655 = vector.broadcast %mul3A_1654 : f32 to vector<16xf32>
      %mul3A_1656 = arith.mulf %get3A_1653, %mul3A_1655 : vector<16xf32>
      %get3A_1657 = arith.index_cast %scan3A_1600 : i32 to index
      %get3A_1658 = arith.constant 48 : index
      %get3A_1659 = tpu.vector_load %arg7[%get3A_1657, %get3A_1658] {strides = array<i32>} : memref<200x64xf32, #tpu.memory_space<vmem>>, vector<1x16xf32>,
      %get3A_1660 = vector.shape_cast %get3A_1659 : vector<1x16xf32> to vector<16xf32>
      %add3A_1661 = arith.addf %mul3A_1656, %get3A_1660 : vector<16xf32>
      %swap3A_1662 = arith.index_cast %scan3A_1600 : i32 to index
      %swap3A_1663 = arith.constant 48 : index
      %swap3A_1664 = tpu.vector_load %arg9[%swap3A_1662, %swap3A_1663] {strides = array<i32>} : memref<200x128xf32, #tpu.memory_space<vmem>>, vector<1x16xf32>,
      %swap3A_1665 = vector.shape_cast %swap3A_1664 : vector<1x16xf32> to vector<16xf32>
      %swap3A_1666 = vector.shape_cast %add3A_1661 : vector<16xf32> to vector<1x16xf32>
      tpu.vector_store %arg9[%swap3A_1662, %swap3A_1663], %swap3A_1666 {strides = array<i32>} : memref<200x128xf32, #tpu.memory_space<vmem>>, vector<1x16xf32>,
    }
    %scan3A_503 = arith.constant 200 : i32
    %add3A_504 = arith.constant 1800 : i32
    %add3A_505 = arith.addi %mul3A_2, %add3A_504 : i32
    %dma_start3A_506 = arith.constant 0 : i32
    %dma_start3A_507 = tpu.memref_slice %arg5[%add3A_505, %dma_start3A_506] : memref<204800x128xf32, #tpu.memory_space<hbm>> -> memref<200x128xf32, #tpu.memory_space<hbm>>
    %dma_start3A_508 = arith.constant 0 : i32
    %dma_start3A_509 = tpu.memref_slice %arg5[%add3A_505, %dma_start3A_508] : memref<204800x128xf32, #tpu.memory_space<hbm>> -> memref<200x128xf32, #tpu.memory_space<hbm>>
    tpu.enqueue_dma source(%arg9 : memref<200x128xf32, #tpu.memory_space<vmem>>) target(%dma_start3A_509 : memref<200x128xf32, #tpu.memory_space<hbm>>) target_semaphore(%arg13 : memref<!tpu.dma_semaphore, #tpu.memory_space<semaphore_mem>>)
    %add3A_510 = arith.constant 1800 : i32
    %add3A_511 = arith.addi %mul3A_2, %add3A_510 : i32
    %dma_wait3A_512 = arith.constant 0 : i32
    %dma_wait3A_513 = tpu.memref_slice %arg5[%add3A_511, %dma_wait3A_512] : memref<204800x128xf32, #tpu.memory_space<hbm>> -> memref<200x128xf32, #tpu.memory_space<hbm>>
    %dma_wait3A_514 = arith.constant 0 : i32
    %dma_wait3A_515 = tpu.memref_slice %arg5[%add3A_511, %dma_wait3A_514] : memref<204800x128xf32, #tpu.memory_space<hbm>> -> memref<200x128xf32, #tpu.memory_space<hbm>>
    tpu.wait_dma2 semaphore(%arg13 : memref<!tpu.dma_semaphore, #tpu.memory_space<semaphore_mem>>) src(%arg9 : memref<200x128xf32, #tpu.memory_space<vmem>>) dst(%dma_wait3A_515 : memref<200x128xf32, #tpu.memory_space<hbm>>)
    %dma_start3A_516 = arith.constant 0 : i32
    %dma_start3A_517 = arith.constant 0 : i32
    %dma_start3A_518 = tpu.memref_slice %arg9[%dma_start3A_516, %dma_start3A_517] : memref<200x128xf32, #tpu.memory_space<vmem>> -> memref<104x128xf32, #tpu.memory_space<vmem>>
    %dma_start3A_519 = arith.constant 2200 : i32
    %dma_start3A_520 = tpu.memref_slice %arg6[%dma_start3A_519] : memref<6400xi32, #tpu.memory_space<vmem>> -> memref<104xi32, #tpu.memory_space<vmem>>
    %dma_start3A_521 = arith.constant 0 : i32
    %dma_start3A_522 = arith.constant 0 : i32
    %dma_start3A_523 = tpu.memref_slice %arg3[%dma_start3A_521, %dma_start3A_522] : memref<1000000x128xf32, #tpu.memory_space<hbm>> -> memref<1000000x128xf32, #tpu.memory_space<hbm>>
    tpu.enqueue_indirect_dma source(%dma_start3A_523 : memref<1000000x128xf32, #tpu.memory_space<hbm>>) target(%dma_start3A_518 : memref<104x128xf32, #tpu.memory_space<vmem>>) offsets(%dma_start3A_520 : memref<104xi32, #tpu.memory_space<vmem>>) semaphore(%arg11 : memref<!tpu.dma_semaphore, #tpu.memory_space<semaphore_mem>>)
    %dma_start3A_524 = arith.constant 104 : i32
    %dma_start3A_525 = arith.constant 0 : i32
    %dma_start3A_526 = tpu.memref_slice %arg9[%dma_start3A_524, %dma_start3A_525] : memref<200x128xf32, #tpu.memory_space<vmem>> -> memref<96x128xf32, #tpu.memory_space<vmem>>
    %dma_start3A_527 = arith.constant 2304 : i32
    %dma_start3A_528 = tpu.memref_slice %arg6[%dma_start3A_527] : memref<6400xi32, #tpu.memory_space<vmem>> -> memref<96xi32, #tpu.memory_space<vmem>>
    %dma_start3A_529 = arith.constant 0 : i32
    %dma_start3A_530 = arith.constant 0 : i32
    %dma_start3A_531 = tpu.memref_slice %arg3[%dma_start3A_529, %dma_start3A_530] : memref<1000000x128xf32, #tpu.memory_space<hbm>> -> memref<1000000x128xf32, #tpu.memory_space<hbm>>
    tpu.enqueue_indirect_dma source(%dma_start3A_531 : memref<1000000x128xf32, #tpu.memory_space<hbm>>) target(%dma_start3A_526 : memref<96x128xf32, #tpu.memory_space<vmem>>) offsets(%dma_start3A_528 : memref<96xi32, #tpu.memory_space<vmem>>) semaphore(%arg11 : memref<!tpu.dma_semaphore, #tpu.memory_space<semaphore_mem>>)
    %dma_wait3A_532 = arith.constant 0 : i32
    %dma_wait3A_533 = arith.constant 0 : i32
    %dma_wait3A_534 = tpu.memref_slice %arg8[%dma_wait3A_532, %dma_wait3A_533] : memref<200x128xf32, #tpu.memory_space<vmem>> -> memref<104x128xf32, #tpu.memory_space<vmem>>
    %dma_wait3A_535 = arith.constant 2000 : i32
    %dma_wait3A_536 = tpu.memref_slice %arg6[%dma_wait3A_535] : memref<6400xi32, #tpu.memory_space<vmem>> -> memref<104xi32, #tpu.memory_space<vmem>>
    %dma_wait3A_537 = arith.constant 0 : i32
    %dma_wait3A_538 = arith.constant 0 : i32
    %dma_wait3A_539 = tpu.memref_slice %arg3[%dma_wait3A_537, %dma_wait3A_538] : memref<1000000x128xf32, #tpu.memory_space<hbm>> -> memref<1000000x128xf32, #tpu.memory_space<hbm>>
    tpu.wait_indirect_dma semaphore(%arg10 : memref<!tpu.dma_semaphore, #tpu.memory_space<semaphore_mem>>) src(%dma_wait3A_539 : memref<1000000x128xf32, #tpu.memory_space<hbm>>) dst(%dma_wait3A_534 : memref<104x128xf32, #tpu.memory_space<vmem>>)
    %dma_wait3A_540 = arith.constant 104 : i32
    %dma_wait3A_541 = arith.constant 0 : i32
    %dma_wait3A_542 = tpu.memref_slice %arg8[%dma_wait3A_540, %dma_wait3A_541] : memref<200x128xf32, #tpu.memory_space<vmem>> -> memref<96x128xf32, #tpu.memory_space<vmem>>
    %dma_wait3A_543 = arith.constant 2104 : i32
    %dma_wait3A_544 = tpu.memref_slice %arg6[%dma_wait3A_543] : memref<6400xi32, #tpu.memory_space<vmem>> -> memref<96xi32, #tpu.memory_space<vmem>>
    %dma_wait3A_545 = arith.constant 0 : i32
    %dma_wait3A_546 = arith.constant 0 : i32
    %dma_wait3A_547 = tpu.memref_slice %arg3[%dma_wait3A_545, %dma_wait3A_546] : memref<1000000x128xf32, #tpu.memory_space<hbm>> -> memref<1000000x128xf32, #tpu.memory_space<hbm>>
    tpu.wait_indirect_dma semaphore(%arg10 : memref<!tpu.dma_semaphore, #tpu.memory_space<semaphore_mem>>) src(%dma_wait3A_547 : memref<1000000x128xf32, #tpu.memory_space<hbm>>) dst(%dma_wait3A_542 : memref<96x128xf32, #tpu.memory_space<vmem>>)
    %scan3A_548 = arith.constant 0 : i32
    %scan3A_549 = arith.constant 0 : i32
    %scan3A_550 = arith.constant 200 : i32
    %scan3A_551 = arith.addi %scan3A_549, %scan3A_550 : i32
    %scan3A_552 = arith.constant 1 : i32
    scf.for %scan3A_1600 = %scan3A_549 to %scan3A_551 step %scan3A_552  : i32 {
      %get3A = arith.index_cast %scan3A_1600 : i32 to index
      %get3A_1601 = arith.constant 0 : index
      %get3A_1602 = tpu.vector_load %arg8[%get3A, %get3A_1601] {strides = array<i32>} : memref<200x128xf32, #tpu.memory_space<vmem>>, vector<1x16xf32>,
      %get3A_1603 = vector.shape_cast %get3A_1602 : vector<1x16xf32> to vector<16xf32>
      %mul3A_1604 = arith.constant 8.000000e+00 : f32
      %mul3A_1605 = vector.broadcast %mul3A_1604 : f32 to vector<16xf32>
      %mul3A_1606 = arith.mulf %get3A_1603, %mul3A_1605 : vector<16xf32>
      %get3A_1607 = arith.index_cast %scan3A_1600 : i32 to index
      %get3A_1608 = arith.constant 0 : index
      %get3A_1609 = tpu.vector_load %arg7[%get3A_1607, %get3A_1608] {strides = array<i32>} : memref<200x64xf32, #tpu.memory_space<vmem>>, vector<1x16xf32>,
      %get3A_1610 = vector.shape_cast %get3A_1609 : vector<1x16xf32> to vector<16xf32>
      %add3A_1611 = arith.addf %mul3A_1606, %get3A_1610 : vector<16xf32>
      %swap3A = arith.index_cast %scan3A_1600 : i32 to index
      %swap3A_1612 = arith.constant 0 : index
      %swap3A_1613 = tpu.vector_load %arg8[%swap3A, %swap3A_1612] {strides = array<i32>} : memref<200x128xf32, #tpu.memory_space<vmem>>, vector<1x16xf32>,
      %swap3A_1614 = vector.shape_cast %swap3A_1613 : vector<1x16xf32> to vector<16xf32>
      %swap3A_1615 = vector.shape_cast %add3A_1611 : vector<16xf32> to vector<1x16xf32>
      tpu.vector_store %arg8[%swap3A, %swap3A_1612], %swap3A_1615 {strides = array<i32>} : memref<200x128xf32, #tpu.memory_space<vmem>>, vector<1x16xf32>,
      %get3A_1616 = arith.index_cast %scan3A_1600 : i32 to index
      %get3A_1617 = arith.constant 16 : index
      %get3A_1618 = tpu.vector_load %arg8[%get3A_1616, %get3A_1617] {strides = array<i32>} : memref<200x128xf32, #tpu.memory_space<vmem>>, vector<1x16xf32>,
      %get3A_1619 = vector.shape_cast %get3A_1618 : vector<1x16xf32> to vector<16xf32>
      %mul3A_1620 = arith.constant 8.000000e+00 : f32
      %mul3A_1621 = vector.broadcast %mul3A_1620 : f32 to vector<16xf32>
      %mul3A_1622 = arith.mulf %get3A_1619, %mul3A_1621 : vector<16xf32>
      %get3A_1623 = arith.index_cast %scan3A_1600 : i32 to index
      %get3A_1624 = arith.constant 16 : index
      %get3A_1625 = tpu.vector_load %arg7[%get3A_1623, %get3A_1624] {strides = array<i32>} : memref<200x64xf32, #tpu.memory_space<vmem>>, vector<1x16xf32>,
      %get3A_1626 = vector.shape_cast %get3A_1625 : vector<1x16xf32> to vector<16xf32>
      %add3A_1627 = arith.addf %mul3A_1622, %get3A_1626 : vector<16xf32>
      %swap3A_1628 = arith.index_cast %scan3A_1600 : i32 to index
      %swap3A_1629 = arith.constant 16 : index
      %swap3A_1630 = tpu.vector_load %arg8[%swap3A_1628, %swap3A_1629] {strides = array<i32>} : memref<200x128xf32, #tpu.memory_space<vmem>>, vector<1x16xf32>,
      %swap3A_1631 = vector.shape_cast %swap3A_1630 : vector<1x16xf32> to vector<16xf32>
      %swap3A_1632 = vector.shape_cast %add3A_1627 : vector<16xf32> to vector<1x16xf32>
      tpu.vector_store %arg8[%swap3A_1628, %swap3A_1629], %swap3A_1632 {strides = array<i32>} : memref<200x128xf32, #tpu.memory_space<vmem>>, vector<1x16xf32>,
      %get3A_1633 = arith.index_cast %scan3A_1600 : i32 to index
      %get3A_1634 = arith.constant 32 : index
      %get3A_1635 = tpu.vector_load %arg8[%get3A_1633, %get3A_1634] {strides = array<i32>} : memref<200x128xf32, #tpu.memory_space<vmem>>, vector<1x16xf32>,
      %get3A_1636 = vector.shape_cast %get3A_1635 : vector<1x16xf32> to vector<16xf32>
      %mul3A_1637 = arith.constant 8.000000e+00 : f32
      %mul3A_1638 = vector.broadcast %mul3A_1637 : f32 to vector<16xf32>
      %mul3A_1639 = arith.mulf %get3A_1636, %mul3A_1638 : vector<16xf32>
      %get3A_1640 = arith.index_cast %scan3A_1600 : i32 to index
      %get3A_1641 = arith.constant 32 : index
      %get3A_1642 = tpu.vector_load %arg7[%get3A_1640, %get3A_1641] {strides = array<i32>} : memref<200x64xf32, #tpu.memory_space<vmem>>, vector<1x16xf32>,
      %get3A_1643 = vector.shape_cast %get3A_1642 : vector<1x16xf32> to vector<16xf32>
      %add3A_1644 = arith.addf %mul3A_1639, %get3A_1643 : vector<16xf32>
      %swap3A_1645 = arith.index_cast %scan3A_1600 : i32 to index
      %swap3A_1646 = arith.constant 32 : index
      %swap3A_1647 = tpu.vector_load %arg8[%swap3A_1645, %swap3A_1646] {strides = array<i32>} : memref<200x128xf32, #tpu.memory_space<vmem>>, vector<1x16xf32>,
      %swap3A_1648 = vector.shape_cast %swap3A_1647 : vector<1x16xf32> to vector<16xf32>
      %swap3A_1649 = vector.shape_cast %add3A_1644 : vector<16xf32> to vector<1x16xf32>
      tpu.vector_store %arg8[%swap3A_1645, %swap3A_1646], %swap3A_1649 {strides = array<i32>} : memref<200x128xf32, #tpu.memory_space<vmem>>, vector<1x16xf32>,
      %get3A_1650 = arith.index_cast %scan3A_1600 : i32 to index
      %get3A_1651 = arith.constant 48 : index
      %get3A_1652 = tpu.vector_load %arg8[%get3A_1650, %get3A_1651] {strides = array<i32>} : memref<200x128xf32, #tpu.memory_space<vmem>>, vector<1x16xf32>,
      %get3A_1653 = vector.shape_cast %get3A_1652 : vector<1x16xf32> to vector<16xf32>
      %mul3A_1654 = arith.constant 8.000000e+00 : f32
      %mul3A_1655 = vector.broadcast %mul3A_1654 : f32 to vector<16xf32>
      %mul3A_1656 = arith.mulf %get3A_1653, %mul3A_1655 : vector<16xf32>
      %get3A_1657 = arith.index_cast %scan3A_1600 : i32 to index
      %get3A_1658 = arith.constant 48 : index
      %get3A_1659 = tpu.vector_load %arg7[%get3A_1657, %get3A_1658] {strides = array<i32>} : memref<200x64xf32, #tpu.memory_space<vmem>>, vector<1x16xf32>,
      %get3A_1660 = vector.shape_cast %get3A_1659 : vector<1x16xf32> to vector<16xf32>
      %add3A_1661 = arith.addf %mul3A_1656, %get3A_1660 : vector<16xf32>
      %swap3A_1662 = arith.index_cast %scan3A_1600 : i32 to index
      %swap3A_1663 = arith.constant 48 : index
      %swap3A_1664 = tpu.vector_load %arg8[%swap3A_1662, %swap3A_1663] {strides = array<i32>} : memref<200x128xf32, #tpu.memory_space<vmem>>, vector<1x16xf32>,
      %swap3A_1665 = vector.shape_cast %swap3A_1664 : vector<1x16xf32> to vector<16xf32>
      %swap3A_1666 = vector.shape_cast %add3A_1661 : vector<16xf32> to vector<1x16xf32>
      tpu.vector_store %arg8[%swap3A_1662, %swap3A_1663], %swap3A_1666 {strides = array<i32>} : memref<200x128xf32, #tpu.memory_space<vmem>>, vector<1x16xf32>,
    }
    %scan3A_553 = arith.constant 200 : i32
    %add3A_554 = arith.constant 2000 : i32
    %add3A_555 = arith.addi %mul3A_2, %add3A_554 : i32
    %dma_start3A_556 = arith.constant 0 : i32
    %dma_start3A_557 = tpu.memref_slice %arg5[%add3A_555, %dma_start3A_556] : memref<204800x128xf32, #tpu.memory_space<hbm>> -> memref<200x128xf32, #tpu.memory_space<hbm>>
    %dma_start3A_558 = arith.constant 0 : i32
    %dma_start3A_559 = tpu.memref_slice %arg5[%add3A_555, %dma_start3A_558] : memref<204800x128xf32, #tpu.memory_space<hbm>> -> memref<200x128xf32, #tpu.memory_space<hbm>>
    tpu.enqueue_dma source(%arg8 : memref<200x128xf32, #tpu.memory_space<vmem>>) target(%dma_start3A_559 : memref<200x128xf32, #tpu.memory_space<hbm>>) target_semaphore(%arg12 : memref<!tpu.dma_semaphore, #tpu.memory_space<semaphore_mem>>)
    %add3A_560 = arith.constant 2000 : i32
    %add3A_561 = arith.addi %mul3A_2, %add3A_560 : i32
    %dma_wait3A_562 = arith.constant 0 : i32
    %dma_wait3A_563 = tpu.memref_slice %arg5[%add3A_561, %dma_wait3A_562] : memref<204800x128xf32, #tpu.memory_space<hbm>> -> memref<200x128xf32, #tpu.memory_space<hbm>>
    %dma_wait3A_564 = arith.constant 0 : i32
    %dma_wait3A_565 = tpu.memref_slice %arg5[%add3A_561, %dma_wait3A_564] : memref<204800x128xf32, #tpu.memory_space<hbm>> -> memref<200x128xf32, #tpu.memory_space<hbm>>
    tpu.wait_dma2 semaphore(%arg12 : memref<!tpu.dma_semaphore, #tpu.memory_space<semaphore_mem>>) src(%arg8 : memref<200x128xf32, #tpu.memory_space<vmem>>) dst(%dma_wait3A_565 : memref<200x128xf32, #tpu.memory_space<hbm>>)
    %dma_start3A_566 = arith.constant 0 : i32
    %dma_start3A_567 = arith.constant 0 : i32
    %dma_start3A_568 = tpu.memref_slice %arg8[%dma_start3A_566, %dma_start3A_567] : memref<200x128xf32, #tpu.memory_space<vmem>> -> memref<104x128xf32, #tpu.memory_space<vmem>>
    %dma_start3A_569 = arith.constant 2400 : i32
    %dma_start3A_570 = tpu.memref_slice %arg6[%dma_start3A_569] : memref<6400xi32, #tpu.memory_space<vmem>> -> memref<104xi32, #tpu.memory_space<vmem>>
    %dma_start3A_571 = arith.constant 0 : i32
    %dma_start3A_572 = arith.constant 0 : i32
    %dma_start3A_573 = tpu.memref_slice %arg3[%dma_start3A_571, %dma_start3A_572] : memref<1000000x128xf32, #tpu.memory_space<hbm>> -> memref<1000000x128xf32, #tpu.memory_space<hbm>>
    tpu.enqueue_indirect_dma source(%dma_start3A_573 : memref<1000000x128xf32, #tpu.memory_space<hbm>>) target(%dma_start3A_568 : memref<104x128xf32, #tpu.memory_space<vmem>>) offsets(%dma_start3A_570 : memref<104xi32, #tpu.memory_space<vmem>>) semaphore(%arg10 : memref<!tpu.dma_semaphore, #tpu.memory_space<semaphore_mem>>)
    %dma_start3A_574 = arith.constant 104 : i32
    %dma_start3A_575 = arith.constant 0 : i32
    %dma_start3A_576 = tpu.memref_slice %arg8[%dma_start3A_574, %dma_start3A_575] : memref<200x128xf32, #tpu.memory_space<vmem>> -> memref<96x128xf32, #tpu.memory_space<vmem>>
    %dma_start3A_577 = arith.constant 2504 : i32
    %dma_start3A_578 = tpu.memref_slice %arg6[%dma_start3A_577] : memref<6400xi32, #tpu.memory_space<vmem>> -> memref<96xi32, #tpu.memory_space<vmem>>
    %dma_start3A_579 = arith.constant 0 : i32
    %dma_start3A_580 = arith.constant 0 : i32
    %dma_start3A_581 = tpu.memref_slice %arg3[%dma_start3A_579, %dma_start3A_580] : memref<1000000x128xf32, #tpu.memory_space<hbm>> -> memref<1000000x128xf32, #tpu.memory_space<hbm>>
    tpu.enqueue_indirect_dma source(%dma_start3A_581 : memref<1000000x128xf32, #tpu.memory_space<hbm>>) target(%dma_start3A_576 : memref<96x128xf32, #tpu.memory_space<vmem>>) offsets(%dma_start3A_578 : memref<96xi32, #tpu.memory_space<vmem>>) semaphore(%arg10 : memref<!tpu.dma_semaphore, #tpu.memory_space<semaphore_mem>>)
    %dma_wait3A_582 = arith.constant 0 : i32
    %dma_wait3A_583 = arith.constant 0 : i32
    %dma_wait3A_584 = tpu.memref_slice %arg9[%dma_wait3A_582, %dma_wait3A_583] : memref<200x128xf32, #tpu.memory_space<vmem>> -> memref<104x128xf32, #tpu.memory_space<vmem>>
    %dma_wait3A_585 = arith.constant 2200 : i32
    %dma_wait3A_586 = tpu.memref_slice %arg6[%dma_wait3A_585] : memref<6400xi32, #tpu.memory_space<vmem>> -> memref<104xi32, #tpu.memory_space<vmem>>
    %dma_wait3A_587 = arith.constant 0 : i32
    %dma_wait3A_588 = arith.constant 0 : i32
    %dma_wait3A_589 = tpu.memref_slice %arg3[%dma_wait3A_587, %dma_wait3A_588] : memref<1000000x128xf32, #tpu.memory_space<hbm>> -> memref<1000000x128xf32, #tpu.memory_space<hbm>>
    tpu.wait_indirect_dma semaphore(%arg11 : memref<!tpu.dma_semaphore, #tpu.memory_space<semaphore_mem>>) src(%dma_wait3A_589 : memref<1000000x128xf32, #tpu.memory_space<hbm>>) dst(%dma_wait3A_584 : memref<104x128xf32, #tpu.memory_space<vmem>>)
    %dma_wait3A_590 = arith.constant 104 : i32
    %dma_wait3A_591 = arith.constant 0 : i32
    %dma_wait3A_592 = tpu.memref_slice %arg9[%dma_wait3A_590, %dma_wait3A_591] : memref<200x128xf32, #tpu.memory_space<vmem>> -> memref<96x128xf32, #tpu.memory_space<vmem>>
    %dma_wait3A_593 = arith.constant 2304 : i32
    %dma_wait3A_594 = tpu.memref_slice %arg6[%dma_wait3A_593] : memref<6400xi32, #tpu.memory_space<vmem>> -> memref<96xi32, #tpu.memory_space<vmem>>
    %dma_wait3A_595 = arith.constant 0 : i32
    %dma_wait3A_596 = arith.constant 0 : i32
    %dma_wait3A_597 = tpu.memref_slice %arg3[%dma_wait3A_595, %dma_wait3A_596] : memref<1000000x128xf32, #tpu.memory_space<hbm>> -> memref<1000000x128xf32, #tpu.memory_space<hbm>>
    tpu.wait_indirect_dma semaphore(%arg11 : memref<!tpu.dma_semaphore, #tpu.memory_space<semaphore_mem>>) src(%dma_wait3A_597 : memref<1000000x128xf32, #tpu.memory_space<hbm>>) dst(%dma_wait3A_592 : memref<96x128xf32, #tpu.memory_space<vmem>>)
    %scan3A_598 = arith.constant 0 : i32
    %scan3A_599 = arith.constant 0 : i32
    %scan3A_600 = arith.constant 200 : i32
    %scan3A_601 = arith.addi %scan3A_599, %scan3A_600 : i32
    %scan3A_602 = arith.constant 1 : i32
    scf.for %scan3A_1600 = %scan3A_599 to %scan3A_601 step %scan3A_602  : i32 {
      %get3A = arith.index_cast %scan3A_1600 : i32 to index
      %get3A_1601 = arith.constant 0 : index
      %get3A_1602 = tpu.vector_load %arg9[%get3A, %get3A_1601] {strides = array<i32>} : memref<200x128xf32, #tpu.memory_space<vmem>>, vector<1x16xf32>,
      %get3A_1603 = vector.shape_cast %get3A_1602 : vector<1x16xf32> to vector<16xf32>
      %mul3A_1604 = arith.constant 8.000000e+00 : f32
      %mul3A_1605 = vector.broadcast %mul3A_1604 : f32 to vector<16xf32>
      %mul3A_1606 = arith.mulf %get3A_1603, %mul3A_1605 : vector<16xf32>
      %get3A_1607 = arith.index_cast %scan3A_1600 : i32 to index
      %get3A_1608 = arith.constant 0 : index
      %get3A_1609 = tpu.vector_load %arg7[%get3A_1607, %get3A_1608] {strides = array<i32>} : memref<200x64xf32, #tpu.memory_space<vmem>>, vector<1x16xf32>,
      %get3A_1610 = vector.shape_cast %get3A_1609 : vector<1x16xf32> to vector<16xf32>
      %add3A_1611 = arith.addf %mul3A_1606, %get3A_1610 : vector<16xf32>
      %swap3A = arith.index_cast %scan3A_1600 : i32 to index
      %swap3A_1612 = arith.constant 0 : index
      %swap3A_1613 = tpu.vector_load %arg9[%swap3A, %swap3A_1612] {strides = array<i32>} : memref<200x128xf32, #tpu.memory_space<vmem>>, vector<1x16xf32>,
      %swap3A_1614 = vector.shape_cast %swap3A_1613 : vector<1x16xf32> to vector<16xf32>
      %swap3A_1615 = vector.shape_cast %add3A_1611 : vector<16xf32> to vector<1x16xf32>
      tpu.vector_store %arg9[%swap3A, %swap3A_1612], %swap3A_1615 {strides = array<i32>} : memref<200x128xf32, #tpu.memory_space<vmem>>, vector<1x16xf32>,
      %get3A_1616 = arith.index_cast %scan3A_1600 : i32 to index
      %get3A_1617 = arith.constant 16 : index
      %get3A_1618 = tpu.vector_load %arg9[%get3A_1616, %get3A_1617] {strides = array<i32>} : memref<200x128xf32, #tpu.memory_space<vmem>>, vector<1x16xf32>,
      %get3A_1619 = vector.shape_cast %get3A_1618 : vector<1x16xf32> to vector<16xf32>
      %mul3A_1620 = arith.constant 8.000000e+00 : f32
      %mul3A_1621 = vector.broadcast %mul3A_1620 : f32 to vector<16xf32>
      %mul3A_1622 = arith.mulf %get3A_1619, %mul3A_1621 : vector<16xf32>
      %get3A_1623 = arith.index_cast %scan3A_1600 : i32 to index
      %get3A_1624 = arith.constant 16 : index
      %get3A_1625 = tpu.vector_load %arg7[%get3A_1623, %get3A_1624] {strides = array<i32>} : memref<200x64xf32, #tpu.memory_space<vmem>>, vector<1x16xf32>,
      %get3A_1626 = vector.shape_cast %get3A_1625 : vector<1x16xf32> to vector<16xf32>
      %add3A_1627 = arith.addf %mul3A_1622, %get3A_1626 : vector<16xf32>
      %swap3A_1628 = arith.index_cast %scan3A_1600 : i32 to index
      %swap3A_1629 = arith.constant 16 : index
      %swap3A_1630 = tpu.vector_load %arg9[%swap3A_1628, %swap3A_1629] {strides = array<i32>} : memref<200x128xf32, #tpu.memory_space<vmem>>, vector<1x16xf32>,
      %swap3A_1631 = vector.shape_cast %swap3A_1630 : vector<1x16xf32> to vector<16xf32>
      %swap3A_1632 = vector.shape_cast %add3A_1627 : vector<16xf32> to vector<1x16xf32>
      tpu.vector_store %arg9[%swap3A_1628, %swap3A_1629], %swap3A_1632 {strides = array<i32>} : memref<200x128xf32, #tpu.memory_space<vmem>>, vector<1x16xf32>,
      %get3A_1633 = arith.index_cast %scan3A_1600 : i32 to index
      %get3A_1634 = arith.constant 32 : index
      %get3A_1635 = tpu.vector_load %arg9[%get3A_1633, %get3A_1634] {strides = array<i32>} : memref<200x128xf32, #tpu.memory_space<vmem>>, vector<1x16xf32>,
      %get3A_1636 = vector.shape_cast %get3A_1635 : vector<1x16xf32> to vector<16xf32>
      %mul3A_1637 = arith.constant 8.000000e+00 : f32
      %mul3A_1638 = vector.broadcast %mul3A_1637 : f32 to vector<16xf32>
      %mul3A_1639 = arith.mulf %get3A_1636, %mul3A_1638 : vector<16xf32>
      %get3A_1640 = arith.index_cast %scan3A_1600 : i32 to index
      %get3A_1641 = arith.constant 32 : index
      %get3A_1642 = tpu.vector_load %arg7[%get3A_1640, %get3A_1641] {strides = array<i32>} : memref<200x64xf32, #tpu.memory_space<vmem>>, vector<1x16xf32>,
      %get3A_1643 = vector.shape_cast %get3A_1642 : vector<1x16xf32> to vector<16xf32>
      %add3A_1644 = arith.addf %mul3A_1639, %get3A_1643 : vector<16xf32>
      %swap3A_1645 = arith.index_cast %scan3A_1600 : i32 to index
      %swap3A_1646 = arith.constant 32 : index
      %swap3A_1647 = tpu.vector_load %arg9[%swap3A_1645, %swap3A_1646] {strides = array<i32>} : memref<200x128xf32, #tpu.memory_space<vmem>>, vector<1x16xf32>,
      %swap3A_1648 = vector.shape_cast %swap3A_1647 : vector<1x16xf32> to vector<16xf32>
      %swap3A_1649 = vector.shape_cast %add3A_1644 : vector<16xf32> to vector<1x16xf32>
      tpu.vector_store %arg9[%swap3A_1645, %swap3A_1646], %swap3A_1649 {strides = array<i32>} : memref<200x128xf32, #tpu.memory_space<vmem>>, vector<1x16xf32>,
      %get3A_1650 = arith.index_cast %scan3A_1600 : i32 to index
      %get3A_1651 = arith.constant 48 : index
      %get3A_1652 = tpu.vector_load %arg9[%get3A_1650, %get3A_1651] {strides = array<i32>} : memref<200x128xf32, #tpu.memory_space<vmem>>, vector<1x16xf32>,
      %get3A_1653 = vector.shape_cast %get3A_1652 : vector<1x16xf32> to vector<16xf32>
      %mul3A_1654 = arith.constant 8.000000e+00 : f32
      %mul3A_1655 = vector.broadcast %mul3A_1654 : f32 to vector<16xf32>
      %mul3A_1656 = arith.mulf %get3A_1653, %mul3A_1655 : vector<16xf32>
      %get3A_1657 = arith.index_cast %scan3A_1600 : i32 to index
      %get3A_1658 = arith.constant 48 : index
      %get3A_1659 = tpu.vector_load %arg7[%get3A_1657, %get3A_1658] {strides = array<i32>} : memref<200x64xf32, #tpu.memory_space<vmem>>, vector<1x16xf32>,
      %get3A_1660 = vector.shape_cast %get3A_1659 : vector<1x16xf32> to vector<16xf32>
      %add3A_1661 = arith.addf %mul3A_1656, %get3A_1660 : vector<16xf32>
      %swap3A_1662 = arith.index_cast %scan3A_1600 : i32 to index
      %swap3A_1663 = arith.constant 48 : index
      %swap3A_1664 = tpu.vector_load %arg9[%swap3A_1662, %swap3A_1663] {strides = array<i32>} : memref<200x128xf32, #tpu.memory_space<vmem>>, vector<1x16xf32>,
      %swap3A_1665 = vector.shape_cast %swap3A_1664 : vector<1x16xf32> to vector<16xf32>
      %swap3A_1666 = vector.shape_cast %add3A_1661 : vector<16xf32> to vector<1x16xf32>
      tpu.vector_store %arg9[%swap3A_1662, %swap3A_1663], %swap3A_1666 {strides = array<i32>} : memref<200x128xf32, #tpu.memory_space<vmem>>, vector<1x16xf32>,
    }
    %scan3A_603 = arith.constant 200 : i32
    %add3A_604 = arith.constant 2200 : i32
    %add3A_605 = arith.addi %mul3A_2, %add3A_604 : i32
    %dma_start3A_606 = arith.constant 0 : i32
    %dma_start3A_607 = tpu.memref_slice %arg5[%add3A_605, %dma_start3A_606] : memref<204800x128xf32, #tpu.memory_space<hbm>> -> memref<200x128xf32, #tpu.memory_space<hbm>>
    %dma_start3A_608 = arith.constant 0 : i32
    %dma_start3A_609 = tpu.memref_slice %arg5[%add3A_605, %dma_start3A_608] : memref<204800x128xf32, #tpu.memory_space<hbm>> -> memref<200x128xf32, #tpu.memory_space<hbm>>
    tpu.enqueue_dma source(%arg9 : memref<200x128xf32, #tpu.memory_space<vmem>>) target(%dma_start3A_609 : memref<200x128xf32, #tpu.memory_space<hbm>>) target_semaphore(%arg13 : memref<!tpu.dma_semaphore, #tpu.memory_space<semaphore_mem>>)
    %add3A_610 = arith.constant 2200 : i32
    %add3A_611 = arith.addi %mul3A_2, %add3A_610 : i32
    %dma_wait3A_612 = arith.constant 0 : i32
    %dma_wait3A_613 = tpu.memref_slice %arg5[%add3A_611, %dma_wait3A_612] : memref<204800x128xf32, #tpu.memory_space<hbm>> -> memref<200x128xf32, #tpu.memory_space<hbm>>
    %dma_wait3A_614 = arith.constant 0 : i32
    %dma_wait3A_615 = tpu.memref_slice %arg5[%add3A_611, %dma_wait3A_614] : memref<204800x128xf32, #tpu.memory_space<hbm>> -> memref<200x128xf32, #tpu.memory_space<hbm>>
    tpu.wait_dma2 semaphore(%arg13 : memref<!tpu.dma_semaphore, #tpu.memory_space<semaphore_mem>>) src(%arg9 : memref<200x128xf32, #tpu.memory_space<vmem>>) dst(%dma_wait3A_615 : memref<200x128xf32, #tpu.memory_space<hbm>>)
    %dma_start3A_616 = arith.constant 0 : i32
    %dma_start3A_617 = arith.constant 0 : i32
    %dma_start3A_618 = tpu.memref_slice %arg9[%dma_start3A_616, %dma_start3A_617] : memref<200x128xf32, #tpu.memory_space<vmem>> -> memref<104x128xf32, #tpu.memory_space<vmem>>
    %dma_start3A_619 = arith.constant 2600 : i32
    %dma_start3A_620 = tpu.memref_slice %arg6[%dma_start3A_619] : memref<6400xi32, #tpu.memory_space<vmem>> -> memref<104xi32, #tpu.memory_space<vmem>>
    %dma_start3A_621 = arith.constant 0 : i32
    %dma_start3A_622 = arith.constant 0 : i32
    %dma_start3A_623 = tpu.memref_slice %arg3[%dma_start3A_621, %dma_start3A_622] : memref<1000000x128xf32, #tpu.memory_space<hbm>> -> memref<1000000x128xf32, #tpu.memory_space<hbm>>
    tpu.enqueue_indirect_dma source(%dma_start3A_623 : memref<1000000x128xf32, #tpu.memory_space<hbm>>) target(%dma_start3A_618 : memref<104x128xf32, #tpu.memory_space<vmem>>) offsets(%dma_start3A_620 : memref<104xi32, #tpu.memory_space<vmem>>) semaphore(%arg11 : memref<!tpu.dma_semaphore, #tpu.memory_space<semaphore_mem>>)
    %dma_start3A_624 = arith.constant 104 : i32
    %dma_start3A_625 = arith.constant 0 : i32
    %dma_start3A_626 = tpu.memref_slice %arg9[%dma_start3A_624, %dma_start3A_625] : memref<200x128xf32, #tpu.memory_space<vmem>> -> memref<96x128xf32, #tpu.memory_space<vmem>>
    %dma_start3A_627 = arith.constant 2704 : i32
    %dma_start3A_628 = tpu.memref_slice %arg6[%dma_start3A_627] : memref<6400xi32, #tpu.memory_space<vmem>> -> memref<96xi32, #tpu.memory_space<vmem>>
    %dma_start3A_629 = arith.constant 0 : i32
    %dma_start3A_630 = arith.constant 0 : i32
    %dma_start3A_631 = tpu.memref_slice %arg3[%dma_start3A_629, %dma_start3A_630] : memref<1000000x128xf32, #tpu.memory_space<hbm>> -> memref<1000000x128xf32, #tpu.memory_space<hbm>>
    tpu.enqueue_indirect_dma source(%dma_start3A_631 : memref<1000000x128xf32, #tpu.memory_space<hbm>>) target(%dma_start3A_626 : memref<96x128xf32, #tpu.memory_space<vmem>>) offsets(%dma_start3A_628 : memref<96xi32, #tpu.memory_space<vmem>>) semaphore(%arg11 : memref<!tpu.dma_semaphore, #tpu.memory_space<semaphore_mem>>)
    %dma_wait3A_632 = arith.constant 0 : i32
    %dma_wait3A_633 = arith.constant 0 : i32
    %dma_wait3A_634 = tpu.memref_slice %arg8[%dma_wait3A_632, %dma_wait3A_633] : memref<200x128xf32, #tpu.memory_space<vmem>> -> memref<104x128xf32, #tpu.memory_space<vmem>>
    %dma_wait3A_635 = arith.constant 2400 : i32
    %dma_wait3A_636 = tpu.memref_slice %arg6[%dma_wait3A_635] : memref<6400xi32, #tpu.memory_space<vmem>> -> memref<104xi32, #tpu.memory_space<vmem>>
    %dma_wait3A_637 = arith.constant 0 : i32
    %dma_wait3A_638 = arith.constant 0 : i32
    %dma_wait3A_639 = tpu.memref_slice %arg3[%dma_wait3A_637, %dma_wait3A_638] : memref<1000000x128xf32, #tpu.memory_space<hbm>> -> memref<1000000x128xf32, #tpu.memory_space<hbm>>
    tpu.wait_indirect_dma semaphore(%arg10 : memref<!tpu.dma_semaphore, #tpu.memory_space<semaphore_mem>>) src(%dma_wait3A_639 : memref<1000000x128xf32, #tpu.memory_space<hbm>>) dst(%dma_wait3A_634 : memref<104x128xf32, #tpu.memory_space<vmem>>)
    %dma_wait3A_640 = arith.constant 104 : i32
    %dma_wait3A_641 = arith.constant 0 : i32
    %dma_wait3A_642 = tpu.memref_slice %arg8[%dma_wait3A_640, %dma_wait3A_641] : memref<200x128xf32, #tpu.memory_space<vmem>> -> memref<96x128xf32, #tpu.memory_space<vmem>>
    %dma_wait3A_643 = arith.constant 2504 : i32
    %dma_wait3A_644 = tpu.memref_slice %arg6[%dma_wait3A_643] : memref<6400xi32, #tpu.memory_space<vmem>> -> memref<96xi32, #tpu.memory_space<vmem>>
    %dma_wait3A_645 = arith.constant 0 : i32
    %dma_wait3A_646 = arith.constant 0 : i32
    %dma_wait3A_647 = tpu.memref_slice %arg3[%dma_wait3A_645, %dma_wait3A_646] : memref<1000000x128xf32, #tpu.memory_space<hbm>> -> memref<1000000x128xf32, #tpu.memory_space<hbm>>
    tpu.wait_indirect_dma semaphore(%arg10 : memref<!tpu.dma_semaphore, #tpu.memory_space<semaphore_mem>>) src(%dma_wait3A_647 : memref<1000000x128xf32, #tpu.memory_space<hbm>>) dst(%dma_wait3A_642 : memref<96x128xf32, #tpu.memory_space<vmem>>)
    %scan3A_648 = arith.constant 0 : i32
    %scan3A_649 = arith.constant 0 : i32
    %scan3A_650 = arith.constant 200 : i32
    %scan3A_651 = arith.addi %scan3A_649, %scan3A_650 : i32
    %scan3A_652 = arith.constant 1 : i32
    scf.for %scan3A_1600 = %scan3A_649 to %scan3A_651 step %scan3A_652  : i32 {
      %get3A = arith.index_cast %scan3A_1600 : i32 to index
      %get3A_1601 = arith.constant 0 : index
      %get3A_1602 = tpu.vector_load %arg8[%get3A, %get3A_1601] {strides = array<i32>} : memref<200x128xf32, #tpu.memory_space<vmem>>, vector<1x16xf32>,
      %get3A_1603 = vector.shape_cast %get3A_1602 : vector<1x16xf32> to vector<16xf32>
      %mul3A_1604 = arith.constant 8.000000e+00 : f32
      %mul3A_1605 = vector.broadcast %mul3A_1604 : f32 to vector<16xf32>
      %mul3A_1606 = arith.mulf %get3A_1603, %mul3A_1605 : vector<16xf32>
      %get3A_1607 = arith.index_cast %scan3A_1600 : i32 to index
      %get3A_1608 = arith.constant 0 : index
      %get3A_1609 = tpu.vector_load %arg7[%get3A_1607, %get3A_1608] {strides = array<i32>} : memref<200x64xf32, #tpu.memory_space<vmem>>, vector<1x16xf32>,
      %get3A_1610 = vector.shape_cast %get3A_1609 : vector<1x16xf32> to vector<16xf32>
      %add3A_1611 = arith.addf %mul3A_1606, %get3A_1610 : vector<16xf32>
      %swap3A = arith.index_cast %scan3A_1600 : i32 to index
      %swap3A_1612 = arith.constant 0 : index
      %swap3A_1613 = tpu.vector_load %arg8[%swap3A, %swap3A_1612] {strides = array<i32>} : memref<200x128xf32, #tpu.memory_space<vmem>>, vector<1x16xf32>,
      %swap3A_1614 = vector.shape_cast %swap3A_1613 : vector<1x16xf32> to vector<16xf32>
      %swap3A_1615 = vector.shape_cast %add3A_1611 : vector<16xf32> to vector<1x16xf32>
      tpu.vector_store %arg8[%swap3A, %swap3A_1612], %swap3A_1615 {strides = array<i32>} : memref<200x128xf32, #tpu.memory_space<vmem>>, vector<1x16xf32>,
      %get3A_1616 = arith.index_cast %scan3A_1600 : i32 to index
      %get3A_1617 = arith.constant 16 : index
      %get3A_1618 = tpu.vector_load %arg8[%get3A_1616, %get3A_1617] {strides = array<i32>} : memref<200x128xf32, #tpu.memory_space<vmem>>, vector<1x16xf32>,
      %get3A_1619 = vector.shape_cast %get3A_1618 : vector<1x16xf32> to vector<16xf32>
      %mul3A_1620 = arith.constant 8.000000e+00 : f32
      %mul3A_1621 = vector.broadcast %mul3A_1620 : f32 to vector<16xf32>
      %mul3A_1622 = arith.mulf %get3A_1619, %mul3A_1621 : vector<16xf32>
      %get3A_1623 = arith.index_cast %scan3A_1600 : i32 to index
      %get3A_1624 = arith.constant 16 : index
      %get3A_1625 = tpu.vector_load %arg7[%get3A_1623, %get3A_1624] {strides = array<i32>} : memref<200x64xf32, #tpu.memory_space<vmem>>, vector<1x16xf32>,
      %get3A_1626 = vector.shape_cast %get3A_1625 : vector<1x16xf32> to vector<16xf32>
      %add3A_1627 = arith.addf %mul3A_1622, %get3A_1626 : vector<16xf32>
      %swap3A_1628 = arith.index_cast %scan3A_1600 : i32 to index
      %swap3A_1629 = arith.constant 16 : index
      %swap3A_1630 = tpu.vector_load %arg8[%swap3A_1628, %swap3A_1629] {strides = array<i32>} : memref<200x128xf32, #tpu.memory_space<vmem>>, vector<1x16xf32>,
      %swap3A_1631 = vector.shape_cast %swap3A_1630 : vector<1x16xf32> to vector<16xf32>
      %swap3A_1632 = vector.shape_cast %add3A_1627 : vector<16xf32> to vector<1x16xf32>
      tpu.vector_store %arg8[%swap3A_1628, %swap3A_1629], %swap3A_1632 {strides = array<i32>} : memref<200x128xf32, #tpu.memory_space<vmem>>, vector<1x16xf32>,
      %get3A_1633 = arith.index_cast %scan3A_1600 : i32 to index
      %get3A_1634 = arith.constant 32 : index
      %get3A_1635 = tpu.vector_load %arg8[%get3A_1633, %get3A_1634] {strides = array<i32>} : memref<200x128xf32, #tpu.memory_space<vmem>>, vector<1x16xf32>,
      %get3A_1636 = vector.shape_cast %get3A_1635 : vector<1x16xf32> to vector<16xf32>
      %mul3A_1637 = arith.constant 8.000000e+00 : f32
      %mul3A_1638 = vector.broadcast %mul3A_1637 : f32 to vector<16xf32>
      %mul3A_1639 = arith.mulf %get3A_1636, %mul3A_1638 : vector<16xf32>
      %get3A_1640 = arith.index_cast %scan3A_1600 : i32 to index
      %get3A_1641 = arith.constant 32 : index
      %get3A_1642 = tpu.vector_load %arg7[%get3A_1640, %get3A_1641] {strides = array<i32>} : memref<200x64xf32, #tpu.memory_space<vmem>>, vector<1x16xf32>,
      %get3A_1643 = vector.shape_cast %get3A_1642 : vector<1x16xf32> to vector<16xf32>
      %add3A_1644 = arith.addf %mul3A_1639, %get3A_1643 : vector<16xf32>
      %swap3A_1645 = arith.index_cast %scan3A_1600 : i32 to index
      %swap3A_1646 = arith.constant 32 : index
      %swap3A_1647 = tpu.vector_load %arg8[%swap3A_1645, %swap3A_1646] {strides = array<i32>} : memref<200x128xf32, #tpu.memory_space<vmem>>, vector<1x16xf32>,
      %swap3A_1648 = vector.shape_cast %swap3A_1647 : vector<1x16xf32> to vector<16xf32>
      %swap3A_1649 = vector.shape_cast %add3A_1644 : vector<16xf32> to vector<1x16xf32>
      tpu.vector_store %arg8[%swap3A_1645, %swap3A_1646], %swap3A_1649 {strides = array<i32>} : memref<200x128xf32, #tpu.memory_space<vmem>>, vector<1x16xf32>,
      %get3A_1650 = arith.index_cast %scan3A_1600 : i32 to index
      %get3A_1651 = arith.constant 48 : index
      %get3A_1652 = tpu.vector_load %arg8[%get3A_1650, %get3A_1651] {strides = array<i32>} : memref<200x128xf32, #tpu.memory_space<vmem>>, vector<1x16xf32>,
      %get3A_1653 = vector.shape_cast %get3A_1652 : vector<1x16xf32> to vector<16xf32>
      %mul3A_1654 = arith.constant 8.000000e+00 : f32
      %mul3A_1655 = vector.broadcast %mul3A_1654 : f32 to vector<16xf32>
      %mul3A_1656 = arith.mulf %get3A_1653, %mul3A_1655 : vector<16xf32>
      %get3A_1657 = arith.index_cast %scan3A_1600 : i32 to index
      %get3A_1658 = arith.constant 48 : index
      %get3A_1659 = tpu.vector_load %arg7[%get3A_1657, %get3A_1658] {strides = array<i32>} : memref<200x64xf32, #tpu.memory_space<vmem>>, vector<1x16xf32>,
      %get3A_1660 = vector.shape_cast %get3A_1659 : vector<1x16xf32> to vector<16xf32>
      %add3A_1661 = arith.addf %mul3A_1656, %get3A_1660 : vector<16xf32>
      %swap3A_1662 = arith.index_cast %scan3A_1600 : i32 to index
      %swap3A_1663 = arith.constant 48 : index
      %swap3A_1664 = tpu.vector_load %arg8[%swap3A_1662, %swap3A_1663] {strides = array<i32>} : memref<200x128xf32, #tpu.memory_space<vmem>>, vector<1x16xf32>,
      %swap3A_1665 = vector.shape_cast %swap3A_1664 : vector<1x16xf32> to vector<16xf32>
      %swap3A_1666 = vector.shape_cast %add3A_1661 : vector<16xf32> to vector<1x16xf32>
      tpu.vector_store %arg8[%swap3A_1662, %swap3A_1663], %swap3A_1666 {strides = array<i32>} : memref<200x128xf32, #tpu.memory_space<vmem>>, vector<1x16xf32>,
    }
    %scan3A_653 = arith.constant 200 : i32
    %add3A_654 = arith.constant 2400 : i32
    %add3A_655 = arith.addi %mul3A_2, %add3A_654 : i32
    %dma_start3A_656 = arith.constant 0 : i32
    %dma_start3A_657 = tpu.memref_slice %arg5[%add3A_655, %dma_start3A_656] : memref<204800x128xf32, #tpu.memory_space<hbm>> -> memref<200x128xf32, #tpu.memory_space<hbm>>
    %dma_start3A_658 = arith.constant 0 : i32
    %dma_start3A_659 = tpu.memref_slice %arg5[%add3A_655, %dma_start3A_658] : memref<204800x128xf32, #tpu.memory_space<hbm>> -> memref<200x128xf32, #tpu.memory_space<hbm>>
    tpu.enqueue_dma source(%arg8 : memref<200x128xf32, #tpu.memory_space<vmem>>) target(%dma_start3A_659 : memref<200x128xf32, #tpu.memory_space<hbm>>) target_semaphore(%arg12 : memref<!tpu.dma_semaphore, #tpu.memory_space<semaphore_mem>>)
    %add3A_660 = arith.constant 2400 : i32
    %add3A_661 = arith.addi %mul3A_2, %add3A_660 : i32
    %dma_wait3A_662 = arith.constant 0 : i32
    %dma_wait3A_663 = tpu.memref_slice %arg5[%add3A_661, %dma_wait3A_662] : memref<204800x128xf32, #tpu.memory_space<hbm>> -> memref<200x128xf32, #tpu.memory_space<hbm>>
    %dma_wait3A_664 = arith.constant 0 : i32
    %dma_wait3A_665 = tpu.memref_slice %arg5[%add3A_661, %dma_wait3A_664] : memref<204800x128xf32, #tpu.memory_space<hbm>> -> memref<200x128xf32, #tpu.memory_space<hbm>>
    tpu.wait_dma2 semaphore(%arg12 : memref<!tpu.dma_semaphore, #tpu.memory_space<semaphore_mem>>) src(%arg8 : memref<200x128xf32, #tpu.memory_space<vmem>>) dst(%dma_wait3A_665 : memref<200x128xf32, #tpu.memory_space<hbm>>)
    %dma_start3A_666 = arith.constant 0 : i32
    %dma_start3A_667 = arith.constant 0 : i32
    %dma_start3A_668 = tpu.memref_slice %arg8[%dma_start3A_666, %dma_start3A_667] : memref<200x128xf32, #tpu.memory_space<vmem>> -> memref<104x128xf32, #tpu.memory_space<vmem>>
    %dma_start3A_669 = arith.constant 2800 : i32
    %dma_start3A_670 = tpu.memref_slice %arg6[%dma_start3A_669] : memref<6400xi32, #tpu.memory_space<vmem>> -> memref<104xi32, #tpu.memory_space<vmem>>
    %dma_start3A_671 = arith.constant 0 : i32
    %dma_start3A_672 = arith.constant 0 : i32
    %dma_start3A_673 = tpu.memref_slice %arg3[%dma_start3A_671, %dma_start3A_672] : memref<1000000x128xf32, #tpu.memory_space<hbm>> -> memref<1000000x128xf32, #tpu.memory_space<hbm>>
    tpu.enqueue_indirect_dma source(%dma_start3A_673 : memref<1000000x128xf32, #tpu.memory_space<hbm>>) target(%dma_start3A_668 : memref<104x128xf32, #tpu.memory_space<vmem>>) offsets(%dma_start3A_670 : memref<104xi32, #tpu.memory_space<vmem>>) semaphore(%arg10 : memref<!tpu.dma_semaphore, #tpu.memory_space<semaphore_mem>>)
    %dma_start3A_674 = arith.constant 104 : i32
    %dma_start3A_675 = arith.constant 0 : i32
    %dma_start3A_676 = tpu.memref_slice %arg8[%dma_start3A_674, %dma_start3A_675] : memref<200x128xf32, #tpu.memory_space<vmem>> -> memref<96x128xf32, #tpu.memory_space<vmem>>
    %dma_start3A_677 = arith.constant 2904 : i32
    %dma_start3A_678 = tpu.memref_slice %arg6[%dma_start3A_677] : memref<6400xi32, #tpu.memory_space<vmem>> -> memref<96xi32, #tpu.memory_space<vmem>>
    %dma_start3A_679 = arith.constant 0 : i32
    %dma_start3A_680 = arith.constant 0 : i32
    %dma_start3A_681 = tpu.memref_slice %arg3[%dma_start3A_679, %dma_start3A_680] : memref<1000000x128xf32, #tpu.memory_space<hbm>> -> memref<1000000x128xf32, #tpu.memory_space<hbm>>
    tpu.enqueue_indirect_dma source(%dma_start3A_681 : memref<1000000x128xf32, #tpu.memory_space<hbm>>) target(%dma_start3A_676 : memref<96x128xf32, #tpu.memory_space<vmem>>) offsets(%dma_start3A_678 : memref<96xi32, #tpu.memory_space<vmem>>) semaphore(%arg10 : memref<!tpu.dma_semaphore, #tpu.memory_space<semaphore_mem>>)
    %dma_wait3A_682 = arith.constant 0 : i32
    %dma_wait3A_683 = arith.constant 0 : i32
    %dma_wait3A_684 = tpu.memref_slice %arg9[%dma_wait3A_682, %dma_wait3A_683] : memref<200x128xf32, #tpu.memory_space<vmem>> -> memref<104x128xf32, #tpu.memory_space<vmem>>
    %dma_wait3A_685 = arith.constant 2600 : i32
    %dma_wait3A_686 = tpu.memref_slice %arg6[%dma_wait3A_685] : memref<6400xi32, #tpu.memory_space<vmem>> -> memref<104xi32, #tpu.memory_space<vmem>>
    %dma_wait3A_687 = arith.constant 0 : i32
    %dma_wait3A_688 = arith.constant 0 : i32
    %dma_wait3A_689 = tpu.memref_slice %arg3[%dma_wait3A_687, %dma_wait3A_688] : memref<1000000x128xf32, #tpu.memory_space<hbm>> -> memref<1000000x128xf32, #tpu.memory_space<hbm>>
    tpu.wait_indirect_dma semaphore(%arg11 : memref<!tpu.dma_semaphore, #tpu.memory_space<semaphore_mem>>) src(%dma_wait3A_689 : memref<1000000x128xf32, #tpu.memory_space<hbm>>) dst(%dma_wait3A_684 : memref<104x128xf32, #tpu.memory_space<vmem>>)
    %dma_wait3A_690 = arith.constant 104 : i32
    %dma_wait3A_691 = arith.constant 0 : i32
    %dma_wait3A_692 = tpu.memref_slice %arg9[%dma_wait3A_690, %dma_wait3A_691] : memref<200x128xf32, #tpu.memory_space<vmem>> -> memref<96x128xf32, #tpu.memory_space<vmem>>
    %dma_wait3A_693 = arith.constant 2704 : i32
    %dma_wait3A_694 = tpu.memref_slice %arg6[%dma_wait3A_693] : memref<6400xi32, #tpu.memory_space<vmem>> -> memref<96xi32, #tpu.memory_space<vmem>>
    %dma_wait3A_695 = arith.constant 0 : i32
    %dma_wait3A_696 = arith.constant 0 : i32
    %dma_wait3A_697 = tpu.memref_slice %arg3[%dma_wait3A_695, %dma_wait3A_696] : memref<1000000x128xf32, #tpu.memory_space<hbm>> -> memref<1000000x128xf32, #tpu.memory_space<hbm>>
    tpu.wait_indirect_dma semaphore(%arg11 : memref<!tpu.dma_semaphore, #tpu.memory_space<semaphore_mem>>) src(%dma_wait3A_697 : memref<1000000x128xf32, #tpu.memory_space<hbm>>) dst(%dma_wait3A_692 : memref<96x128xf32, #tpu.memory_space<vmem>>)
    %scan3A_698 = arith.constant 0 : i32
    %scan3A_699 = arith.constant 0 : i32
    %scan3A_700 = arith.constant 200 : i32
    %scan3A_701 = arith.addi %scan3A_699, %scan3A_700 : i32
    %scan3A_702 = arith.constant 1 : i32
    scf.for %scan3A_1600 = %scan3A_699 to %scan3A_701 step %scan3A_702  : i32 {
      %get3A = arith.index_cast %scan3A_1600 : i32 to index
      %get3A_1601 = arith.constant 0 : index
      %get3A_1602 = tpu.vector_load %arg9[%get3A, %get3A_1601] {strides = array<i32>} : memref<200x128xf32, #tpu.memory_space<vmem>>, vector<1x16xf32>,
      %get3A_1603 = vector.shape_cast %get3A_1602 : vector<1x16xf32> to vector<16xf32>
      %mul3A_1604 = arith.constant 8.000000e+00 : f32
      %mul3A_1605 = vector.broadcast %mul3A_1604 : f32 to vector<16xf32>
      %mul3A_1606 = arith.mulf %get3A_1603, %mul3A_1605 : vector<16xf32>
      %get3A_1607 = arith.index_cast %scan3A_1600 : i32 to index
      %get3A_1608 = arith.constant 0 : index
      %get3A_1609 = tpu.vector_load %arg7[%get3A_1607, %get3A_1608] {strides = array<i32>} : memref<200x64xf32, #tpu.memory_space<vmem>>, vector<1x16xf32>,
      %get3A_1610 = vector.shape_cast %get3A_1609 : vector<1x16xf32> to vector<16xf32>
      %add3A_1611 = arith.addf %mul3A_1606, %get3A_1610 : vector<16xf32>
      %swap3A = arith.index_cast %scan3A_1600 : i32 to index
      %swap3A_1612 = arith.constant 0 : index
      %swap3A_1613 = tpu.vector_load %arg9[%swap3A, %swap3A_1612] {strides = array<i32>} : memref<200x128xf32, #tpu.memory_space<vmem>>, vector<1x16xf32>,
      %swap3A_1614 = vector.shape_cast %swap3A_1613 : vector<1x16xf32> to vector<16xf32>
      %swap3A_1615 = vector.shape_cast %add3A_1611 : vector<16xf32> to vector<1x16xf32>
      tpu.vector_store %arg9[%swap3A, %swap3A_1612], %swap3A_1615 {strides = array<i32>} : memref<200x128xf32, #tpu.memory_space<vmem>>, vector<1x16xf32>,
      %get3A_1616 = arith.index_cast %scan3A_1600 : i32 to index
      %get3A_1617 = arith.constant 16 : index
      %get3A_1618 = tpu.vector_load %arg9[%get3A_1616, %get3A_1617] {strides = array<i32>} : memref<200x128xf32, #tpu.memory_space<vmem>>, vector<1x16xf32>,
      %get3A_1619 = vector.shape_cast %get3A_1618 : vector<1x16xf32> to vector<16xf32>
      %mul3A_1620 = arith.constant 8.000000e+00 : f32
      %mul3A_1621 = vector.broadcast %mul3A_1620 : f32 to vector<16xf32>
      %mul3A_1622 = arith.mulf %get3A_1619, %mul3A_1621 : vector<16xf32>
      %get3A_1623 = arith.index_cast %scan3A_1600 : i32 to index
      %get3A_1624 = arith.constant 16 : index
      %get3A_1625 = tpu.vector_load %arg7[%get3A_1623, %get3A_1624] {strides = array<i32>} : memref<200x64xf32, #tpu.memory_space<vmem>>, vector<1x16xf32>,
      %get3A_1626 = vector.shape_cast %get3A_1625 : vector<1x16xf32> to vector<16xf32>
      %add3A_1627 = arith.addf %mul3A_1622, %get3A_1626 : vector<16xf32>
      %swap3A_1628 = arith.index_cast %scan3A_1600 : i32 to index
      %swap3A_1629 = arith.constant 16 : index
      %swap3A_1630 = tpu.vector_load %arg9[%swap3A_1628, %swap3A_1629] {strides = array<i32>} : memref<200x128xf32, #tpu.memory_space<vmem>>, vector<1x16xf32>,
      %swap3A_1631 = vector.shape_cast %swap3A_1630 : vector<1x16xf32> to vector<16xf32>
      %swap3A_1632 = vector.shape_cast %add3A_1627 : vector<16xf32> to vector<1x16xf32>
      tpu.vector_store %arg9[%swap3A_1628, %swap3A_1629], %swap3A_1632 {strides = array<i32>} : memref<200x128xf32, #tpu.memory_space<vmem>>, vector<1x16xf32>,
      %get3A_1633 = arith.index_cast %scan3A_1600 : i32 to index
      %get3A_1634 = arith.constant 32 : index
      %get3A_1635 = tpu.vector_load %arg9[%get3A_1633, %get3A_1634] {strides = array<i32>} : memref<200x128xf32, #tpu.memory_space<vmem>>, vector<1x16xf32>,
      %get3A_1636 = vector.shape_cast %get3A_1635 : vector<1x16xf32> to vector<16xf32>
      %mul3A_1637 = arith.constant 8.000000e+00 : f32
      %mul3A_1638 = vector.broadcast %mul3A_1637 : f32 to vector<16xf32>
      %mul3A_1639 = arith.mulf %get3A_1636, %mul3A_1638 : vector<16xf32>
      %get3A_1640 = arith.index_cast %scan3A_1600 : i32 to index
      %get3A_1641 = arith.constant 32 : index
      %get3A_1642 = tpu.vector_load %arg7[%get3A_1640, %get3A_1641] {strides = array<i32>} : memref<200x64xf32, #tpu.memory_space<vmem>>, vector<1x16xf32>,
      %get3A_1643 = vector.shape_cast %get3A_1642 : vector<1x16xf32> to vector<16xf32>
      %add3A_1644 = arith.addf %mul3A_1639, %get3A_1643 : vector<16xf32>
      %swap3A_1645 = arith.index_cast %scan3A_1600 : i32 to index
      %swap3A_1646 = arith.constant 32 : index
      %swap3A_1647 = tpu.vector_load %arg9[%swap3A_1645, %swap3A_1646] {strides = array<i32>} : memref<200x128xf32, #tpu.memory_space<vmem>>, vector<1x16xf32>,
      %swap3A_1648 = vector.shape_cast %swap3A_1647 : vector<1x16xf32> to vector<16xf32>
      %swap3A_1649 = vector.shape_cast %add3A_1644 : vector<16xf32> to vector<1x16xf32>
      tpu.vector_store %arg9[%swap3A_1645, %swap3A_1646], %swap3A_1649 {strides = array<i32>} : memref<200x128xf32, #tpu.memory_space<vmem>>, vector<1x16xf32>,
      %get3A_1650 = arith.index_cast %scan3A_1600 : i32 to index
      %get3A_1651 = arith.constant 48 : index
      %get3A_1652 = tpu.vector_load %arg9[%get3A_1650, %get3A_1651] {strides = array<i32>} : memref<200x128xf32, #tpu.memory_space<vmem>>, vector<1x16xf32>,
      %get3A_1653 = vector.shape_cast %get3A_1652 : vector<1x16xf32> to vector<16xf32>
      %mul3A_1654 = arith.constant 8.000000e+00 : f32
      %mul3A_1655 = vector.broadcast %mul3A_1654 : f32 to vector<16xf32>
      %mul3A_1656 = arith.mulf %get3A_1653, %mul3A_1655 : vector<16xf32>
      %get3A_1657 = arith.index_cast %scan3A_1600 : i32 to index
      %get3A_1658 = arith.constant 48 : index
      %get3A_1659 = tpu.vector_load %arg7[%get3A_1657, %get3A_1658] {strides = array<i32>} : memref<200x64xf32, #tpu.memory_space<vmem>>, vector<1x16xf32>,
      %get3A_1660 = vector.shape_cast %get3A_1659 : vector<1x16xf32> to vector<16xf32>
      %add3A_1661 = arith.addf %mul3A_1656, %get3A_1660 : vector<16xf32>
      %swap3A_1662 = arith.index_cast %scan3A_1600 : i32 to index
      %swap3A_1663 = arith.constant 48 : index
      %swap3A_1664 = tpu.vector_load %arg9[%swap3A_1662, %swap3A_1663] {strides = array<i32>} : memref<200x128xf32, #tpu.memory_space<vmem>>, vector<1x16xf32>,
      %swap3A_1665 = vector.shape_cast %swap3A_1664 : vector<1x16xf32> to vector<16xf32>
      %swap3A_1666 = vector.shape_cast %add3A_1661 : vector<16xf32> to vector<1x16xf32>
      tpu.vector_store %arg9[%swap3A_1662, %swap3A_1663], %swap3A_1666 {strides = array<i32>} : memref<200x128xf32, #tpu.memory_space<vmem>>, vector<1x16xf32>,
    }
    %scan3A_703 = arith.constant 200 : i32
    %add3A_704 = arith.constant 2600 : i32
    %add3A_705 = arith.addi %mul3A_2, %add3A_704 : i32
    %dma_start3A_706 = arith.constant 0 : i32
    %dma_start3A_707 = tpu.memref_slice %arg5[%add3A_705, %dma_start3A_706] : memref<204800x128xf32, #tpu.memory_space<hbm>> -> memref<200x128xf32, #tpu.memory_space<hbm>>
    %dma_start3A_708 = arith.constant 0 : i32
    %dma_start3A_709 = tpu.memref_slice %arg5[%add3A_705, %dma_start3A_708] : memref<204800x128xf32, #tpu.memory_space<hbm>> -> memref<200x128xf32, #tpu.memory_space<hbm>>
    tpu.enqueue_dma source(%arg9 : memref<200x128xf32, #tpu.memory_space<vmem>>) target(%dma_start3A_709 : memref<200x128xf32, #tpu.memory_space<hbm>>) target_semaphore(%arg13 : memref<!tpu.dma_semaphore, #tpu.memory_space<semaphore_mem>>)
    %add3A_710 = arith.constant 2600 : i32
    %add3A_711 = arith.addi %mul3A_2, %add3A_710 : i32
    %dma_wait3A_712 = arith.constant 0 : i32
    %dma_wait3A_713 = tpu.memref_slice %arg5[%add3A_711, %dma_wait3A_712] : memref<204800x128xf32, #tpu.memory_space<hbm>> -> memref<200x128xf32, #tpu.memory_space<hbm>>
    %dma_wait3A_714 = arith.constant 0 : i32
    %dma_wait3A_715 = tpu.memref_slice %arg5[%add3A_711, %dma_wait3A_714] : memref<204800x128xf32, #tpu.memory_space<hbm>> -> memref<200x128xf32, #tpu.memory_space<hbm>>
    tpu.wait_dma2 semaphore(%arg13 : memref<!tpu.dma_semaphore, #tpu.memory_space<semaphore_mem>>) src(%arg9 : memref<200x128xf32, #tpu.memory_space<vmem>>) dst(%dma_wait3A_715 : memref<200x128xf32, #tpu.memory_space<hbm>>)
    %dma_start3A_716 = arith.constant 0 : i32
    %dma_start3A_717 = arith.constant 0 : i32
    %dma_start3A_718 = tpu.memref_slice %arg9[%dma_start3A_716, %dma_start3A_717] : memref<200x128xf32, #tpu.memory_space<vmem>> -> memref<104x128xf32, #tpu.memory_space<vmem>>
    %dma_start3A_719 = arith.constant 3000 : i32
    %dma_start3A_720 = tpu.memref_slice %arg6[%dma_start3A_719] : memref<6400xi32, #tpu.memory_space<vmem>> -> memref<104xi32, #tpu.memory_space<vmem>>
    %dma_start3A_721 = arith.constant 0 : i32
    %dma_start3A_722 = arith.constant 0 : i32
    %dma_start3A_723 = tpu.memref_slice %arg3[%dma_start3A_721, %dma_start3A_722] : memref<1000000x128xf32, #tpu.memory_space<hbm>> -> memref<1000000x128xf32, #tpu.memory_space<hbm>>
    tpu.enqueue_indirect_dma source(%dma_start3A_723 : memref<1000000x128xf32, #tpu.memory_space<hbm>>) target(%dma_start3A_718 : memref<104x128xf32, #tpu.memory_space<vmem>>) offsets(%dma_start3A_720 : memref<104xi32, #tpu.memory_space<vmem>>) semaphore(%arg11 : memref<!tpu.dma_semaphore, #tpu.memory_space<semaphore_mem>>)
    %dma_start3A_724 = arith.constant 104 : i32
    %dma_start3A_725 = arith.constant 0 : i32
    %dma_start3A_726 = tpu.memref_slice %arg9[%dma_start3A_724, %dma_start3A_725] : memref<200x128xf32, #tpu.memory_space<vmem>> -> memref<96x128xf32, #tpu.memory_space<vmem>>
    %dma_start3A_727 = arith.constant 3104 : i32
    %dma_start3A_728 = tpu.memref_slice %arg6[%dma_start3A_727] : memref<6400xi32, #tpu.memory_space<vmem>> -> memref<96xi32, #tpu.memory_space<vmem>>
    %dma_start3A_729 = arith.constant 0 : i32
    %dma_start3A_730 = arith.constant 0 : i32
    %dma_start3A_731 = tpu.memref_slice %arg3[%dma_start3A_729, %dma_start3A_730] : memref<1000000x128xf32, #tpu.memory_space<hbm>> -> memref<1000000x128xf32, #tpu.memory_space<hbm>>
    tpu.enqueue_indirect_dma source(%dma_start3A_731 : memref<1000000x128xf32, #tpu.memory_space<hbm>>) target(%dma_start3A_726 : memref<96x128xf32, #tpu.memory_space<vmem>>) offsets(%dma_start3A_728 : memref<96xi32, #tpu.memory_space<vmem>>) semaphore(%arg11 : memref<!tpu.dma_semaphore, #tpu.memory_space<semaphore_mem>>)
    %dma_wait3A_732 = arith.constant 0 : i32
    %dma_wait3A_733 = arith.constant 0 : i32
    %dma_wait3A_734 = tpu.memref_slice %arg8[%dma_wait3A_732, %dma_wait3A_733] : memref<200x128xf32, #tpu.memory_space<vmem>> -> memref<104x128xf32, #tpu.memory_space<vmem>>
    %dma_wait3A_735 = arith.constant 2800 : i32
    %dma_wait3A_736 = tpu.memref_slice %arg6[%dma_wait3A_735] : memref<6400xi32, #tpu.memory_space<vmem>> -> memref<104xi32, #tpu.memory_space<vmem>>
    %dma_wait3A_737 = arith.constant 0 : i32
    %dma_wait3A_738 = arith.constant 0 : i32
    %dma_wait3A_739 = tpu.memref_slice %arg3[%dma_wait3A_737, %dma_wait3A_738] : memref<1000000x128xf32, #tpu.memory_space<hbm>> -> memref<1000000x128xf32, #tpu.memory_space<hbm>>
    tpu.wait_indirect_dma semaphore(%arg10 : memref<!tpu.dma_semaphore, #tpu.memory_space<semaphore_mem>>) src(%dma_wait3A_739 : memref<1000000x128xf32, #tpu.memory_space<hbm>>) dst(%dma_wait3A_734 : memref<104x128xf32, #tpu.memory_space<vmem>>)
    %dma_wait3A_740 = arith.constant 104 : i32
    %dma_wait3A_741 = arith.constant 0 : i32
    %dma_wait3A_742 = tpu.memref_slice %arg8[%dma_wait3A_740, %dma_wait3A_741] : memref<200x128xf32, #tpu.memory_space<vmem>> -> memref<96x128xf32, #tpu.memory_space<vmem>>
    %dma_wait3A_743 = arith.constant 2904 : i32
    %dma_wait3A_744 = tpu.memref_slice %arg6[%dma_wait3A_743] : memref<6400xi32, #tpu.memory_space<vmem>> -> memref<96xi32, #tpu.memory_space<vmem>>
    %dma_wait3A_745 = arith.constant 0 : i32
    %dma_wait3A_746 = arith.constant 0 : i32
    %dma_wait3A_747 = tpu.memref_slice %arg3[%dma_wait3A_745, %dma_wait3A_746] : memref<1000000x128xf32, #tpu.memory_space<hbm>> -> memref<1000000x128xf32, #tpu.memory_space<hbm>>
    tpu.wait_indirect_dma semaphore(%arg10 : memref<!tpu.dma_semaphore, #tpu.memory_space<semaphore_mem>>) src(%dma_wait3A_747 : memref<1000000x128xf32, #tpu.memory_space<hbm>>) dst(%dma_wait3A_742 : memref<96x128xf32, #tpu.memory_space<vmem>>)
    %scan3A_748 = arith.constant 0 : i32
    %scan3A_749 = arith.constant 0 : i32
    %scan3A_750 = arith.constant 200 : i32
    %scan3A_751 = arith.addi %scan3A_749, %scan3A_750 : i32
    %scan3A_752 = arith.constant 1 : i32
    scf.for %scan3A_1600 = %scan3A_749 to %scan3A_751 step %scan3A_752  : i32 {
      %get3A = arith.index_cast %scan3A_1600 : i32 to index
      %get3A_1601 = arith.constant 0 : index
      %get3A_1602 = tpu.vector_load %arg8[%get3A, %get3A_1601] {strides = array<i32>} : memref<200x128xf32, #tpu.memory_space<vmem>>, vector<1x16xf32>,
      %get3A_1603 = vector.shape_cast %get3A_1602 : vector<1x16xf32> to vector<16xf32>
      %mul3A_1604 = arith.constant 8.000000e+00 : f32
      %mul3A_1605 = vector.broadcast %mul3A_1604 : f32 to vector<16xf32>
      %mul3A_1606 = arith.mulf %get3A_1603, %mul3A_1605 : vector<16xf32>
      %get3A_1607 = arith.index_cast %scan3A_1600 : i32 to index
      %get3A_1608 = arith.constant 0 : index
      %get3A_1609 = tpu.vector_load %arg7[%get3A_1607, %get3A_1608] {strides = array<i32>} : memref<200x64xf32, #tpu.memory_space<vmem>>, vector<1x16xf32>,
      %get3A_1610 = vector.shape_cast %get3A_1609 : vector<1x16xf32> to vector<16xf32>
      %add3A_1611 = arith.addf %mul3A_1606, %get3A_1610 : vector<16xf32>
      %swap3A = arith.index_cast %scan3A_1600 : i32 to index
      %swap3A_1612 = arith.constant 0 : index
      %swap3A_1613 = tpu.vector_load %arg8[%swap3A, %swap3A_1612] {strides = array<i32>} : memref<200x128xf32, #tpu.memory_space<vmem>>, vector<1x16xf32>,
      %swap3A_1614 = vector.shape_cast %swap3A_1613 : vector<1x16xf32> to vector<16xf32>
      %swap3A_1615 = vector.shape_cast %add3A_1611 : vector<16xf32> to vector<1x16xf32>
      tpu.vector_store %arg8[%swap3A, %swap3A_1612], %swap3A_1615 {strides = array<i32>} : memref<200x128xf32, #tpu.memory_space<vmem>>, vector<1x16xf32>,
      %get3A_1616 = arith.index_cast %scan3A_1600 : i32 to index
      %get3A_1617 = arith.constant 16 : index
      %get3A_1618 = tpu.vector_load %arg8[%get3A_1616, %get3A_1617] {strides = array<i32>} : memref<200x128xf32, #tpu.memory_space<vmem>>, vector<1x16xf32>,
      %get3A_1619 = vector.shape_cast %get3A_1618 : vector<1x16xf32> to vector<16xf32>
      %mul3A_1620 = arith.constant 8.000000e+00 : f32
      %mul3A_1621 = vector.broadcast %mul3A_1620 : f32 to vector<16xf32>
      %mul3A_1622 = arith.mulf %get3A_1619, %mul3A_1621 : vector<16xf32>
      %get3A_1623 = arith.index_cast %scan3A_1600 : i32 to index
      %get3A_1624 = arith.constant 16 : index
      %get3A_1625 = tpu.vector_load %arg7[%get3A_1623, %get3A_1624] {strides = array<i32>} : memref<200x64xf32, #tpu.memory_space<vmem>>, vector<1x16xf32>,
      %get3A_1626 = vector.shape_cast %get3A_1625 : vector<1x16xf32> to vector<16xf32>
      %add3A_1627 = arith.addf %mul3A_1622, %get3A_1626 : vector<16xf32>
      %swap3A_1628 = arith.index_cast %scan3A_1600 : i32 to index
      %swap3A_1629 = arith.constant 16 : index
      %swap3A_1630 = tpu.vector_load %arg8[%swap3A_1628, %swap3A_1629] {strides = array<i32>} : memref<200x128xf32, #tpu.memory_space<vmem>>, vector<1x16xf32>,
      %swap3A_1631 = vector.shape_cast %swap3A_1630 : vector<1x16xf32> to vector<16xf32>
      %swap3A_1632 = vector.shape_cast %add3A_1627 : vector<16xf32> to vector<1x16xf32>
      tpu.vector_store %arg8[%swap3A_1628, %swap3A_1629], %swap3A_1632 {strides = array<i32>} : memref<200x128xf32, #tpu.memory_space<vmem>>, vector<1x16xf32>,
      %get3A_1633 = arith.index_cast %scan3A_1600 : i32 to index
      %get3A_1634 = arith.constant 32 : index
      %get3A_1635 = tpu.vector_load %arg8[%get3A_1633, %get3A_1634] {strides = array<i32>} : memref<200x128xf32, #tpu.memory_space<vmem>>, vector<1x16xf32>,
      %get3A_1636 = vector.shape_cast %get3A_1635 : vector<1x16xf32> to vector<16xf32>
      %mul3A_1637 = arith.constant 8.000000e+00 : f32
      %mul3A_1638 = vector.broadcast %mul3A_1637 : f32 to vector<16xf32>
      %mul3A_1639 = arith.mulf %get3A_1636, %mul3A_1638 : vector<16xf32>
      %get3A_1640 = arith.index_cast %scan3A_1600 : i32 to index
      %get3A_1641 = arith.constant 32 : index
      %get3A_1642 = tpu.vector_load %arg7[%get3A_1640, %get3A_1641] {strides = array<i32>} : memref<200x64xf32, #tpu.memory_space<vmem>>, vector<1x16xf32>,
      %get3A_1643 = vector.shape_cast %get3A_1642 : vector<1x16xf32> to vector<16xf32>
      %add3A_1644 = arith.addf %mul3A_1639, %get3A_1643 : vector<16xf32>
      %swap3A_1645 = arith.index_cast %scan3A_1600 : i32 to index
      %swap3A_1646 = arith.constant 32 : index
      %swap3A_1647 = tpu.vector_load %arg8[%swap3A_1645, %swap3A_1646] {strides = array<i32>} : memref<200x128xf32, #tpu.memory_space<vmem>>, vector<1x16xf32>,
      %swap3A_1648 = vector.shape_cast %swap3A_1647 : vector<1x16xf32> to vector<16xf32>
      %swap3A_1649 = vector.shape_cast %add3A_1644 : vector<16xf32> to vector<1x16xf32>
      tpu.vector_store %arg8[%swap3A_1645, %swap3A_1646], %swap3A_1649 {strides = array<i32>} : memref<200x128xf32, #tpu.memory_space<vmem>>, vector<1x16xf32>,
      %get3A_1650 = arith.index_cast %scan3A_1600 : i32 to index
      %get3A_1651 = arith.constant 48 : index
      %get3A_1652 = tpu.vector_load %arg8[%get3A_1650, %get3A_1651] {strides = array<i32>} : memref<200x128xf32, #tpu.memory_space<vmem>>, vector<1x16xf32>,
      %get3A_1653 = vector.shape_cast %get3A_1652 : vector<1x16xf32> to vector<16xf32>
      %mul3A_1654 = arith.constant 8.000000e+00 : f32
      %mul3A_1655 = vector.broadcast %mul3A_1654 : f32 to vector<16xf32>
      %mul3A_1656 = arith.mulf %get3A_1653, %mul3A_1655 : vector<16xf32>
      %get3A_1657 = arith.index_cast %scan3A_1600 : i32 to index
      %get3A_1658 = arith.constant 48 : index
      %get3A_1659 = tpu.vector_load %arg7[%get3A_1657, %get3A_1658] {strides = array<i32>} : memref<200x64xf32, #tpu.memory_space<vmem>>, vector<1x16xf32>,
      %get3A_1660 = vector.shape_cast %get3A_1659 : vector<1x16xf32> to vector<16xf32>
      %add3A_1661 = arith.addf %mul3A_1656, %get3A_1660 : vector<16xf32>
      %swap3A_1662 = arith.index_cast %scan3A_1600 : i32 to index
      %swap3A_1663 = arith.constant 48 : index
      %swap3A_1664 = tpu.vector_load %arg8[%swap3A_1662, %swap3A_1663] {strides = array<i32>} : memref<200x128xf32, #tpu.memory_space<vmem>>, vector<1x16xf32>,
      %swap3A_1665 = vector.shape_cast %swap3A_1664 : vector<1x16xf32> to vector<16xf32>
      %swap3A_1666 = vector.shape_cast %add3A_1661 : vector<16xf32> to vector<1x16xf32>
      tpu.vector_store %arg8[%swap3A_1662, %swap3A_1663], %swap3A_1666 {strides = array<i32>} : memref<200x128xf32, #tpu.memory_space<vmem>>, vector<1x16xf32>,
    }
    %scan3A_753 = arith.constant 200 : i32
    %add3A_754 = arith.constant 2800 : i32
    %add3A_755 = arith.addi %mul3A_2, %add3A_754 : i32
    %dma_start3A_756 = arith.constant 0 : i32
    %dma_start3A_757 = tpu.memref_slice %arg5[%add3A_755, %dma_start3A_756] : memref<204800x128xf32, #tpu.memory_space<hbm>> -> memref<200x128xf32, #tpu.memory_space<hbm>>
    %dma_start3A_758 = arith.constant 0 : i32
    %dma_start3A_759 = tpu.memref_slice %arg5[%add3A_755, %dma_start3A_758] : memref<204800x128xf32, #tpu.memory_space<hbm>> -> memref<200x128xf32, #tpu.memory_space<hbm>>
    tpu.enqueue_dma source(%arg8 : memref<200x128xf32, #tpu.memory_space<vmem>>) target(%dma_start3A_759 : memref<200x128xf32, #tpu.memory_space<hbm>>) target_semaphore(%arg12 : memref<!tpu.dma_semaphore, #tpu.memory_space<semaphore_mem>>)
    %add3A_760 = arith.constant 2800 : i32
    %add3A_761 = arith.addi %mul3A_2, %add3A_760 : i32
    %dma_wait3A_762 = arith.constant 0 : i32
    %dma_wait3A_763 = tpu.memref_slice %arg5[%add3A_761, %dma_wait3A_762] : memref<204800x128xf32, #tpu.memory_space<hbm>> -> memref<200x128xf32, #tpu.memory_space<hbm>>
    %dma_wait3A_764 = arith.constant 0 : i32
    %dma_wait3A_765 = tpu.memref_slice %arg5[%add3A_761, %dma_wait3A_764] : memref<204800x128xf32, #tpu.memory_space<hbm>> -> memref<200x128xf32, #tpu.memory_space<hbm>>
    tpu.wait_dma2 semaphore(%arg12 : memref<!tpu.dma_semaphore, #tpu.memory_space<semaphore_mem>>) src(%arg8 : memref<200x128xf32, #tpu.memory_space<vmem>>) dst(%dma_wait3A_765 : memref<200x128xf32, #tpu.memory_space<hbm>>)
    %dma_start3A_766 = arith.constant 0 : i32
    %dma_start3A_767 = arith.constant 0 : i32
    %dma_start3A_768 = tpu.memref_slice %arg8[%dma_start3A_766, %dma_start3A_767] : memref<200x128xf32, #tpu.memory_space<vmem>> -> memref<104x128xf32, #tpu.memory_space<vmem>>
    %dma_start3A_769 = arith.constant 3200 : i32
    %dma_start3A_770 = tpu.memref_slice %arg6[%dma_start3A_769] : memref<6400xi32, #tpu.memory_space<vmem>> -> memref<104xi32, #tpu.memory_space<vmem>>
    %dma_start3A_771 = arith.constant 0 : i32
    %dma_start3A_772 = arith.constant 0 : i32
    %dma_start3A_773 = tpu.memref_slice %arg3[%dma_start3A_771, %dma_start3A_772] : memref<1000000x128xf32, #tpu.memory_space<hbm>> -> memref<1000000x128xf32, #tpu.memory_space<hbm>>
    tpu.enqueue_indirect_dma source(%dma_start3A_773 : memref<1000000x128xf32, #tpu.memory_space<hbm>>) target(%dma_start3A_768 : memref<104x128xf32, #tpu.memory_space<vmem>>) offsets(%dma_start3A_770 : memref<104xi32, #tpu.memory_space<vmem>>) semaphore(%arg10 : memref<!tpu.dma_semaphore, #tpu.memory_space<semaphore_mem>>)
    %dma_start3A_774 = arith.constant 104 : i32
    %dma_start3A_775 = arith.constant 0 : i32
    %dma_start3A_776 = tpu.memref_slice %arg8[%dma_start3A_774, %dma_start3A_775] : memref<200x128xf32, #tpu.memory_space<vmem>> -> memref<96x128xf32, #tpu.memory_space<vmem>>
    %dma_start3A_777 = arith.constant 3304 : i32
    %dma_start3A_778 = tpu.memref_slice %arg6[%dma_start3A_777] : memref<6400xi32, #tpu.memory_space<vmem>> -> memref<96xi32, #tpu.memory_space<vmem>>
    %dma_start3A_779 = arith.constant 0 : i32
    %dma_start3A_780 = arith.constant 0 : i32
    %dma_start3A_781 = tpu.memref_slice %arg3[%dma_start3A_779, %dma_start3A_780] : memref<1000000x128xf32, #tpu.memory_space<hbm>> -> memref<1000000x128xf32, #tpu.memory_space<hbm>>
    tpu.enqueue_indirect_dma source(%dma_start3A_781 : memref<1000000x128xf32, #tpu.memory_space<hbm>>) target(%dma_start3A_776 : memref<96x128xf32, #tpu.memory_space<vmem>>) offsets(%dma_start3A_778 : memref<96xi32, #tpu.memory_space<vmem>>) semaphore(%arg10 : memref<!tpu.dma_semaphore, #tpu.memory_space<semaphore_mem>>)
    %dma_wait3A_782 = arith.constant 0 : i32
    %dma_wait3A_783 = arith.constant 0 : i32
    %dma_wait3A_784 = tpu.memref_slice %arg9[%dma_wait3A_782, %dma_wait3A_783] : memref<200x128xf32, #tpu.memory_space<vmem>> -> memref<104x128xf32, #tpu.memory_space<vmem>>
    %dma_wait3A_785 = arith.constant 3000 : i32
    %dma_wait3A_786 = tpu.memref_slice %arg6[%dma_wait3A_785] : memref<6400xi32, #tpu.memory_space<vmem>> -> memref<104xi32, #tpu.memory_space<vmem>>
    %dma_wait3A_787 = arith.constant 0 : i32
    %dma_wait3A_788 = arith.constant 0 : i32
    %dma_wait3A_789 = tpu.memref_slice %arg3[%dma_wait3A_787, %dma_wait3A_788] : memref<1000000x128xf32, #tpu.memory_space<hbm>> -> memref<1000000x128xf32, #tpu.memory_space<hbm>>
    tpu.wait_indirect_dma semaphore(%arg11 : memref<!tpu.dma_semaphore, #tpu.memory_space<semaphore_mem>>) src(%dma_wait3A_789 : memref<1000000x128xf32, #tpu.memory_space<hbm>>) dst(%dma_wait3A_784 : memref<104x128xf32, #tpu.memory_space<vmem>>)
    %dma_wait3A_790 = arith.constant 104 : i32
    %dma_wait3A_791 = arith.constant 0 : i32
    %dma_wait3A_792 = tpu.memref_slice %arg9[%dma_wait3A_790, %dma_wait3A_791] : memref<200x128xf32, #tpu.memory_space<vmem>> -> memref<96x128xf32, #tpu.memory_space<vmem>>
    %dma_wait3A_793 = arith.constant 3104 : i32
    %dma_wait3A_794 = tpu.memref_slice %arg6[%dma_wait3A_793] : memref<6400xi32, #tpu.memory_space<vmem>> -> memref<96xi32, #tpu.memory_space<vmem>>
    %dma_wait3A_795 = arith.constant 0 : i32
    %dma_wait3A_796 = arith.constant 0 : i32
    %dma_wait3A_797 = tpu.memref_slice %arg3[%dma_wait3A_795, %dma_wait3A_796] : memref<1000000x128xf32, #tpu.memory_space<hbm>> -> memref<1000000x128xf32, #tpu.memory_space<hbm>>
    tpu.wait_indirect_dma semaphore(%arg11 : memref<!tpu.dma_semaphore, #tpu.memory_space<semaphore_mem>>) src(%dma_wait3A_797 : memref<1000000x128xf32, #tpu.memory_space<hbm>>) dst(%dma_wait3A_792 : memref<96x128xf32, #tpu.memory_space<vmem>>)
    %scan3A_798 = arith.constant 0 : i32
    %scan3A_799 = arith.constant 0 : i32
    %scan3A_800 = arith.constant 200 : i32
    %scan3A_801 = arith.addi %scan3A_799, %scan3A_800 : i32
    %scan3A_802 = arith.constant 1 : i32
    scf.for %scan3A_1600 = %scan3A_799 to %scan3A_801 step %scan3A_802  : i32 {
      %get3A = arith.index_cast %scan3A_1600 : i32 to index
      %get3A_1601 = arith.constant 0 : index
      %get3A_1602 = tpu.vector_load %arg9[%get3A, %get3A_1601] {strides = array<i32>} : memref<200x128xf32, #tpu.memory_space<vmem>>, vector<1x16xf32>,
      %get3A_1603 = vector.shape_cast %get3A_1602 : vector<1x16xf32> to vector<16xf32>
      %mul3A_1604 = arith.constant 8.000000e+00 : f32
      %mul3A_1605 = vector.broadcast %mul3A_1604 : f32 to vector<16xf32>
      %mul3A_1606 = arith.mulf %get3A_1603, %mul3A_1605 : vector<16xf32>
      %get3A_1607 = arith.index_cast %scan3A_1600 : i32 to index
      %get3A_1608 = arith.constant 0 : index
      %get3A_1609 = tpu.vector_load %arg7[%get3A_1607, %get3A_1608] {strides = array<i32>} : memref<200x64xf32, #tpu.memory_space<vmem>>, vector<1x16xf32>,
      %get3A_1610 = vector.shape_cast %get3A_1609 : vector<1x16xf32> to vector<16xf32>
      %add3A_1611 = arith.addf %mul3A_1606, %get3A_1610 : vector<16xf32>
      %swap3A = arith.index_cast %scan3A_1600 : i32 to index
      %swap3A_1612 = arith.constant 0 : index
      %swap3A_1613 = tpu.vector_load %arg9[%swap3A, %swap3A_1612] {strides = array<i32>} : memref<200x128xf32, #tpu.memory_space<vmem>>, vector<1x16xf32>,
      %swap3A_1614 = vector.shape_cast %swap3A_1613 : vector<1x16xf32> to vector<16xf32>
      %swap3A_1615 = vector.shape_cast %add3A_1611 : vector<16xf32> to vector<1x16xf32>
      tpu.vector_store %arg9[%swap3A, %swap3A_1612], %swap3A_1615 {strides = array<i32>} : memref<200x128xf32, #tpu.memory_space<vmem>>, vector<1x16xf32>,
      %get3A_1616 = arith.index_cast %scan3A_1600 : i32 to index
      %get3A_1617 = arith.constant 16 : index
      %get3A_1618 = tpu.vector_load %arg9[%get3A_1616, %get3A_1617] {strides = array<i32>} : memref<200x128xf32, #tpu.memory_space<vmem>>, vector<1x16xf32>,
      %get3A_1619 = vector.shape_cast %get3A_1618 : vector<1x16xf32> to vector<16xf32>
      %mul3A_1620 = arith.constant 8.000000e+00 : f32
      %mul3A_1621 = vector.broadcast %mul3A_1620 : f32 to vector<16xf32>
      %mul3A_1622 = arith.mulf %get3A_1619, %mul3A_1621 : vector<16xf32>
      %get3A_1623 = arith.index_cast %scan3A_1600 : i32 to index
      %get3A_1624 = arith.constant 16 : index
      %get3A_1625 = tpu.vector_load %arg7[%get3A_1623, %get3A_1624] {strides = array<i32>} : memref<200x64xf32, #tpu.memory_space<vmem>>, vector<1x16xf32>,
      %get3A_1626 = vector.shape_cast %get3A_1625 : vector<1x16xf32> to vector<16xf32>
      %add3A_1627 = arith.addf %mul3A_1622, %get3A_1626 : vector<16xf32>
      %swap3A_1628 = arith.index_cast %scan3A_1600 : i32 to index
      %swap3A_1629 = arith.constant 16 : index
      %swap3A_1630 = tpu.vector_load %arg9[%swap3A_1628, %swap3A_1629] {strides = array<i32>} : memref<200x128xf32, #tpu.memory_space<vmem>>, vector<1x16xf32>,
      %swap3A_1631 = vector.shape_cast %swap3A_1630 : vector<1x16xf32> to vector<16xf32>
      %swap3A_1632 = vector.shape_cast %add3A_1627 : vector<16xf32> to vector<1x16xf32>
      tpu.vector_store %arg9[%swap3A_1628, %swap3A_1629], %swap3A_1632 {strides = array<i32>} : memref<200x128xf32, #tpu.memory_space<vmem>>, vector<1x16xf32>,
      %get3A_1633 = arith.index_cast %scan3A_1600 : i32 to index
      %get3A_1634 = arith.constant 32 : index
      %get3A_1635 = tpu.vector_load %arg9[%get3A_1633, %get3A_1634] {strides = array<i32>} : memref<200x128xf32, #tpu.memory_space<vmem>>, vector<1x16xf32>,
      %get3A_1636 = vector.shape_cast %get3A_1635 : vector<1x16xf32> to vector<16xf32>
      %mul3A_1637 = arith.constant 8.000000e+00 : f32
      %mul3A_1638 = vector.broadcast %mul3A_1637 : f32 to vector<16xf32>
      %mul3A_1639 = arith.mulf %get3A_1636, %mul3A_1638 : vector<16xf32>
      %get3A_1640 = arith.index_cast %scan3A_1600 : i32 to index
      %get3A_1641 = arith.constant 32 : index
      %get3A_1642 = tpu.vector_load %arg7[%get3A_1640, %get3A_1641] {strides = array<i32>} : memref<200x64xf32, #tpu.memory_space<vmem>>, vector<1x16xf32>,
      %get3A_1643 = vector.shape_cast %get3A_1642 : vector<1x16xf32> to vector<16xf32>
      %add3A_1644 = arith.addf %mul3A_1639, %get3A_1643 : vector<16xf32>
      %swap3A_1645 = arith.index_cast %scan3A_1600 : i32 to index
      %swap3A_1646 = arith.constant 32 : index
      %swap3A_1647 = tpu.vector_load %arg9[%swap3A_1645, %swap3A_1646] {strides = array<i32>} : memref<200x128xf32, #tpu.memory_space<vmem>>, vector<1x16xf32>,
      %swap3A_1648 = vector.shape_cast %swap3A_1647 : vector<1x16xf32> to vector<16xf32>
      %swap3A_1649 = vector.shape_cast %add3A_1644 : vector<16xf32> to vector<1x16xf32>
      tpu.vector_store %arg9[%swap3A_1645, %swap3A_1646], %swap3A_1649 {strides = array<i32>} : memref<200x128xf32, #tpu.memory_space<vmem>>, vector<1x16xf32>,
      %get3A_1650 = arith.index_cast %scan3A_1600 : i32 to index
      %get3A_1651 = arith.constant 48 : index
      %get3A_1652 = tpu.vector_load %arg9[%get3A_1650, %get3A_1651] {strides = array<i32>} : memref<200x128xf32, #tpu.memory_space<vmem>>, vector<1x16xf32>,
      %get3A_1653 = vector.shape_cast %get3A_1652 : vector<1x16xf32> to vector<16xf32>
      %mul3A_1654 = arith.constant 8.000000e+00 : f32
      %mul3A_1655 = vector.broadcast %mul3A_1654 : f32 to vector<16xf32>
      %mul3A_1656 = arith.mulf %get3A_1653, %mul3A_1655 : vector<16xf32>
      %get3A_1657 = arith.index_cast %scan3A_1600 : i32 to index
      %get3A_1658 = arith.constant 48 : index
      %get3A_1659 = tpu.vector_load %arg7[%get3A_1657, %get3A_1658] {strides = array<i32>} : memref<200x64xf32, #tpu.memory_space<vmem>>, vector<1x16xf32>,
      %get3A_1660 = vector.shape_cast %get3A_1659 : vector<1x16xf32> to vector<16xf32>
      %add3A_1661 = arith.addf %mul3A_1656, %get3A_1660 : vector<16xf32>
      %swap3A_1662 = arith.index_cast %scan3A_1600 : i32 to index
      %swap3A_1663 = arith.constant 48 : index
      %swap3A_1664 = tpu.vector_load %arg9[%swap3A_1662, %swap3A_1663] {strides = array<i32>} : memref<200x128xf32, #tpu.memory_space<vmem>>, vector<1x16xf32>,
      %swap3A_1665 = vector.shape_cast %swap3A_1664 : vector<1x16xf32> to vector<16xf32>
      %swap3A_1666 = vector.shape_cast %add3A_1661 : vector<16xf32> to vector<1x16xf32>
      tpu.vector_store %arg9[%swap3A_1662, %swap3A_1663], %swap3A_1666 {strides = array<i32>} : memref<200x128xf32, #tpu.memory_space<vmem>>, vector<1x16xf32>,
    }
    %scan3A_803 = arith.constant 200 : i32
    %add3A_804 = arith.constant 3000 : i32
    %add3A_805 = arith.addi %mul3A_2, %add3A_804 : i32
    %dma_start3A_806 = arith.constant 0 : i32
    %dma_start3A_807 = tpu.memref_slice %arg5[%add3A_805, %dma_start3A_806] : memref<204800x128xf32, #tpu.memory_space<hbm>> -> memref<200x128xf32, #tpu.memory_space<hbm>>
    %dma_start3A_808 = arith.constant 0 : i32
    %dma_start3A_809 = tpu.memref_slice %arg5[%add3A_805, %dma_start3A_808] : memref<204800x128xf32, #tpu.memory_space<hbm>> -> memref<200x128xf32, #tpu.memory_space<hbm>>
    tpu.enqueue_dma source(%arg9 : memref<200x128xf32, #tpu.memory_space<vmem>>) target(%dma_start3A_809 : memref<200x128xf32, #tpu.memory_space<hbm>>) target_semaphore(%arg13 : memref<!tpu.dma_semaphore, #tpu.memory_space<semaphore_mem>>)
    %add3A_810 = arith.constant 3000 : i32
    %add3A_811 = arith.addi %mul3A_2, %add3A_810 : i32
    %dma_wait3A_812 = arith.constant 0 : i32
    %dma_wait3A_813 = tpu.memref_slice %arg5[%add3A_811, %dma_wait3A_812] : memref<204800x128xf32, #tpu.memory_space<hbm>> -> memref<200x128xf32, #tpu.memory_space<hbm>>
    %dma_wait3A_814 = arith.constant 0 : i32
    %dma_wait3A_815 = tpu.memref_slice %arg5[%add3A_811, %dma_wait3A_814] : memref<204800x128xf32, #tpu.memory_space<hbm>> -> memref<200x128xf32, #tpu.memory_space<hbm>>
    tpu.wait_dma2 semaphore(%arg13 : memref<!tpu.dma_semaphore, #tpu.memory_space<semaphore_mem>>) src(%arg9 : memref<200x128xf32, #tpu.memory_space<vmem>>) dst(%dma_wait3A_815 : memref<200x128xf32, #tpu.memory_space<hbm>>)
    %dma_start3A_816 = arith.constant 0 : i32
    %dma_start3A_817 = arith.constant 0 : i32
    %dma_start3A_818 = tpu.memref_slice %arg9[%dma_start3A_816, %dma_start3A_817] : memref<200x128xf32, #tpu.memory_space<vmem>> -> memref<104x128xf32, #tpu.memory_space<vmem>>
    %dma_start3A_819 = arith.constant 3400 : i32
    %dma_start3A_820 = tpu.memref_slice %arg6[%dma_start3A_819] : memref<6400xi32, #tpu.memory_space<vmem>> -> memref<104xi32, #tpu.memory_space<vmem>>
    %dma_start3A_821 = arith.constant 0 : i32
    %dma_start3A_822 = arith.constant 0 : i32
    %dma_start3A_823 = tpu.memref_slice %arg3[%dma_start3A_821, %dma_start3A_822] : memref<1000000x128xf32, #tpu.memory_space<hbm>> -> memref<1000000x128xf32, #tpu.memory_space<hbm>>
    tpu.enqueue_indirect_dma source(%dma_start3A_823 : memref<1000000x128xf32, #tpu.memory_space<hbm>>) target(%dma_start3A_818 : memref<104x128xf32, #tpu.memory_space<vmem>>) offsets(%dma_start3A_820 : memref<104xi32, #tpu.memory_space<vmem>>) semaphore(%arg11 : memref<!tpu.dma_semaphore, #tpu.memory_space<semaphore_mem>>)
    %dma_start3A_824 = arith.constant 104 : i32
    %dma_start3A_825 = arith.constant 0 : i32
    %dma_start3A_826 = tpu.memref_slice %arg9[%dma_start3A_824, %dma_start3A_825] : memref<200x128xf32, #tpu.memory_space<vmem>> -> memref<96x128xf32, #tpu.memory_space<vmem>>
    %dma_start3A_827 = arith.constant 3504 : i32
    %dma_start3A_828 = tpu.memref_slice %arg6[%dma_start3A_827] : memref<6400xi32, #tpu.memory_space<vmem>> -> memref<96xi32, #tpu.memory_space<vmem>>
    %dma_start3A_829 = arith.constant 0 : i32
    %dma_start3A_830 = arith.constant 0 : i32
    %dma_start3A_831 = tpu.memref_slice %arg3[%dma_start3A_829, %dma_start3A_830] : memref<1000000x128xf32, #tpu.memory_space<hbm>> -> memref<1000000x128xf32, #tpu.memory_space<hbm>>
    tpu.enqueue_indirect_dma source(%dma_start3A_831 : memref<1000000x128xf32, #tpu.memory_space<hbm>>) target(%dma_start3A_826 : memref<96x128xf32, #tpu.memory_space<vmem>>) offsets(%dma_start3A_828 : memref<96xi32, #tpu.memory_space<vmem>>) semaphore(%arg11 : memref<!tpu.dma_semaphore, #tpu.memory_space<semaphore_mem>>)
    %dma_wait3A_832 = arith.constant 0 : i32
    %dma_wait3A_833 = arith.constant 0 : i32
    %dma_wait3A_834 = tpu.memref_slice %arg8[%dma_wait3A_832, %dma_wait3A_833] : memref<200x128xf32, #tpu.memory_space<vmem>> -> memref<104x128xf32, #tpu.memory_space<vmem>>
    %dma_wait3A_835 = arith.constant 3200 : i32
    %dma_wait3A_836 = tpu.memref_slice %arg6[%dma_wait3A_835] : memref<6400xi32, #tpu.memory_space<vmem>> -> memref<104xi32, #tpu.memory_space<vmem>>
    %dma_wait3A_837 = arith.constant 0 : i32
    %dma_wait3A_838 = arith.constant 0 : i32
    %dma_wait3A_839 = tpu.memref_slice %arg3[%dma_wait3A_837, %dma_wait3A_838] : memref<1000000x128xf32, #tpu.memory_space<hbm>> -> memref<1000000x128xf32, #tpu.memory_space<hbm>>
    tpu.wait_indirect_dma semaphore(%arg10 : memref<!tpu.dma_semaphore, #tpu.memory_space<semaphore_mem>>) src(%dma_wait3A_839 : memref<1000000x128xf32, #tpu.memory_space<hbm>>) dst(%dma_wait3A_834 : memref<104x128xf32, #tpu.memory_space<vmem>>)
    %dma_wait3A_840 = arith.constant 104 : i32
    %dma_wait3A_841 = arith.constant 0 : i32
    %dma_wait3A_842 = tpu.memref_slice %arg8[%dma_wait3A_840, %dma_wait3A_841] : memref<200x128xf32, #tpu.memory_space<vmem>> -> memref<96x128xf32, #tpu.memory_space<vmem>>
    %dma_wait3A_843 = arith.constant 3304 : i32
    %dma_wait3A_844 = tpu.memref_slice %arg6[%dma_wait3A_843] : memref<6400xi32, #tpu.memory_space<vmem>> -> memref<96xi32, #tpu.memory_space<vmem>>
    %dma_wait3A_845 = arith.constant 0 : i32
    %dma_wait3A_846 = arith.constant 0 : i32
    %dma_wait3A_847 = tpu.memref_slice %arg3[%dma_wait3A_845, %dma_wait3A_846] : memref<1000000x128xf32, #tpu.memory_space<hbm>> -> memref<1000000x128xf32, #tpu.memory_space<hbm>>
    tpu.wait_indirect_dma semaphore(%arg10 : memref<!tpu.dma_semaphore, #tpu.memory_space<semaphore_mem>>) src(%dma_wait3A_847 : memref<1000000x128xf32, #tpu.memory_space<hbm>>) dst(%dma_wait3A_842 : memref<96x128xf32, #tpu.memory_space<vmem>>)
    %scan3A_848 = arith.constant 0 : i32
    %scan3A_849 = arith.constant 0 : i32
    %scan3A_850 = arith.constant 200 : i32
    %scan3A_851 = arith.addi %scan3A_849, %scan3A_850 : i32
    %scan3A_852 = arith.constant 1 : i32
    scf.for %scan3A_1600 = %scan3A_849 to %scan3A_851 step %scan3A_852  : i32 {
      %get3A = arith.index_cast %scan3A_1600 : i32 to index
      %get3A_1601 = arith.constant 0 : index
      %get3A_1602 = tpu.vector_load %arg8[%get3A, %get3A_1601] {strides = array<i32>} : memref<200x128xf32, #tpu.memory_space<vmem>>, vector<1x16xf32>,
      %get3A_1603 = vector.shape_cast %get3A_1602 : vector<1x16xf32> to vector<16xf32>
      %mul3A_1604 = arith.constant 8.000000e+00 : f32
      %mul3A_1605 = vector.broadcast %mul3A_1604 : f32 to vector<16xf32>
      %mul3A_1606 = arith.mulf %get3A_1603, %mul3A_1605 : vector<16xf32>
      %get3A_1607 = arith.index_cast %scan3A_1600 : i32 to index
      %get3A_1608 = arith.constant 0 : index
      %get3A_1609 = tpu.vector_load %arg7[%get3A_1607, %get3A_1608] {strides = array<i32>} : memref<200x64xf32, #tpu.memory_space<vmem>>, vector<1x16xf32>,
      %get3A_1610 = vector.shape_cast %get3A_1609 : vector<1x16xf32> to vector<16xf32>
      %add3A_1611 = arith.addf %mul3A_1606, %get3A_1610 : vector<16xf32>
      %swap3A = arith.index_cast %scan3A_1600 : i32 to index
      %swap3A_1612 = arith.constant 0 : index
      %swap3A_1613 = tpu.vector_load %arg8[%swap3A, %swap3A_1612] {strides = array<i32>} : memref<200x128xf32, #tpu.memory_space<vmem>>, vector<1x16xf32>,
      %swap3A_1614 = vector.shape_cast %swap3A_1613 : vector<1x16xf32> to vector<16xf32>
      %swap3A_1615 = vector.shape_cast %add3A_1611 : vector<16xf32> to vector<1x16xf32>
      tpu.vector_store %arg8[%swap3A, %swap3A_1612], %swap3A_1615 {strides = array<i32>} : memref<200x128xf32, #tpu.memory_space<vmem>>, vector<1x16xf32>,
      %get3A_1616 = arith.index_cast %scan3A_1600 : i32 to index
      %get3A_1617 = arith.constant 16 : index
      %get3A_1618 = tpu.vector_load %arg8[%get3A_1616, %get3A_1617] {strides = array<i32>} : memref<200x128xf32, #tpu.memory_space<vmem>>, vector<1x16xf32>,
      %get3A_1619 = vector.shape_cast %get3A_1618 : vector<1x16xf32> to vector<16xf32>
      %mul3A_1620 = arith.constant 8.000000e+00 : f32
      %mul3A_1621 = vector.broadcast %mul3A_1620 : f32 to vector<16xf32>
      %mul3A_1622 = arith.mulf %get3A_1619, %mul3A_1621 : vector<16xf32>
      %get3A_1623 = arith.index_cast %scan3A_1600 : i32 to index
      %get3A_1624 = arith.constant 16 : index
      %get3A_1625 = tpu.vector_load %arg7[%get3A_1623, %get3A_1624] {strides = array<i32>} : memref<200x64xf32, #tpu.memory_space<vmem>>, vector<1x16xf32>,
      %get3A_1626 = vector.shape_cast %get3A_1625 : vector<1x16xf32> to vector<16xf32>
      %add3A_1627 = arith.addf %mul3A_1622, %get3A_1626 : vector<16xf32>
      %swap3A_1628 = arith.index_cast %scan3A_1600 : i32 to index
      %swap3A_1629 = arith.constant 16 : index
      %swap3A_1630 = tpu.vector_load %arg8[%swap3A_1628, %swap3A_1629] {strides = array<i32>} : memref<200x128xf32, #tpu.memory_space<vmem>>, vector<1x16xf32>,
      %swap3A_1631 = vector.shape_cast %swap3A_1630 : vector<1x16xf32> to vector<16xf32>
      %swap3A_1632 = vector.shape_cast %add3A_1627 : vector<16xf32> to vector<1x16xf32>
      tpu.vector_store %arg8[%swap3A_1628, %swap3A_1629], %swap3A_1632 {strides = array<i32>} : memref<200x128xf32, #tpu.memory_space<vmem>>, vector<1x16xf32>,
      %get3A_1633 = arith.index_cast %scan3A_1600 : i32 to index
      %get3A_1634 = arith.constant 32 : index
      %get3A_1635 = tpu.vector_load %arg8[%get3A_1633, %get3A_1634] {strides = array<i32>} : memref<200x128xf32, #tpu.memory_space<vmem>>, vector<1x16xf32>,
      %get3A_1636 = vector.shape_cast %get3A_1635 : vector<1x16xf32> to vector<16xf32>
      %mul3A_1637 = arith.constant 8.000000e+00 : f32
      %mul3A_1638 = vector.broadcast %mul3A_1637 : f32 to vector<16xf32>
      %mul3A_1639 = arith.mulf %get3A_1636, %mul3A_1638 : vector<16xf32>
      %get3A_1640 = arith.index_cast %scan3A_1600 : i32 to index
      %get3A_1641 = arith.constant 32 : index
      %get3A_1642 = tpu.vector_load %arg7[%get3A_1640, %get3A_1641] {strides = array<i32>} : memref<200x64xf32, #tpu.memory_space<vmem>>, vector<1x16xf32>,
      %get3A_1643 = vector.shape_cast %get3A_1642 : vector<1x16xf32> to vector<16xf32>
      %add3A_1644 = arith.addf %mul3A_1639, %get3A_1643 : vector<16xf32>
      %swap3A_1645 = arith.index_cast %scan3A_1600 : i32 to index
      %swap3A_1646 = arith.constant 32 : index
      %swap3A_1647 = tpu.vector_load %arg8[%swap3A_1645, %swap3A_1646] {strides = array<i32>} : memref<200x128xf32, #tpu.memory_space<vmem>>, vector<1x16xf32>,
      %swap3A_1648 = vector.shape_cast %swap3A_1647 : vector<1x16xf32> to vector<16xf32>
      %swap3A_1649 = vector.shape_cast %add3A_1644 : vector<16xf32> to vector<1x16xf32>
      tpu.vector_store %arg8[%swap3A_1645, %swap3A_1646], %swap3A_1649 {strides = array<i32>} : memref<200x128xf32, #tpu.memory_space<vmem>>, vector<1x16xf32>,
      %get3A_1650 = arith.index_cast %scan3A_1600 : i32 to index
      %get3A_1651 = arith.constant 48 : index
      %get3A_1652 = tpu.vector_load %arg8[%get3A_1650, %get3A_1651] {strides = array<i32>} : memref<200x128xf32, #tpu.memory_space<vmem>>, vector<1x16xf32>,
      %get3A_1653 = vector.shape_cast %get3A_1652 : vector<1x16xf32> to vector<16xf32>
      %mul3A_1654 = arith.constant 8.000000e+00 : f32
      %mul3A_1655 = vector.broadcast %mul3A_1654 : f32 to vector<16xf32>
      %mul3A_1656 = arith.mulf %get3A_1653, %mul3A_1655 : vector<16xf32>
      %get3A_1657 = arith.index_cast %scan3A_1600 : i32 to index
      %get3A_1658 = arith.constant 48 : index
      %get3A_1659 = tpu.vector_load %arg7[%get3A_1657, %get3A_1658] {strides = array<i32>} : memref<200x64xf32, #tpu.memory_space<vmem>>, vector<1x16xf32>,
      %get3A_1660 = vector.shape_cast %get3A_1659 : vector<1x16xf32> to vector<16xf32>
      %add3A_1661 = arith.addf %mul3A_1656, %get3A_1660 : vector<16xf32>
      %swap3A_1662 = arith.index_cast %scan3A_1600 : i32 to index
      %swap3A_1663 = arith.constant 48 : index
      %swap3A_1664 = tpu.vector_load %arg8[%swap3A_1662, %swap3A_1663] {strides = array<i32>} : memref<200x128xf32, #tpu.memory_space<vmem>>, vector<1x16xf32>,
      %swap3A_1665 = vector.shape_cast %swap3A_1664 : vector<1x16xf32> to vector<16xf32>
      %swap3A_1666 = vector.shape_cast %add3A_1661 : vector<16xf32> to vector<1x16xf32>
      tpu.vector_store %arg8[%swap3A_1662, %swap3A_1663], %swap3A_1666 {strides = array<i32>} : memref<200x128xf32, #tpu.memory_space<vmem>>, vector<1x16xf32>,
    }
    %scan3A_853 = arith.constant 200 : i32
    %add3A_854 = arith.constant 3200 : i32
    %add3A_855 = arith.addi %mul3A_2, %add3A_854 : i32
    %dma_start3A_856 = arith.constant 0 : i32
    %dma_start3A_857 = tpu.memref_slice %arg5[%add3A_855, %dma_start3A_856] : memref<204800x128xf32, #tpu.memory_space<hbm>> -> memref<200x128xf32, #tpu.memory_space<hbm>>
    %dma_start3A_858 = arith.constant 0 : i32
    %dma_start3A_859 = tpu.memref_slice %arg5[%add3A_855, %dma_start3A_858] : memref<204800x128xf32, #tpu.memory_space<hbm>> -> memref<200x128xf32, #tpu.memory_space<hbm>>
    tpu.enqueue_dma source(%arg8 : memref<200x128xf32, #tpu.memory_space<vmem>>) target(%dma_start3A_859 : memref<200x128xf32, #tpu.memory_space<hbm>>) target_semaphore(%arg12 : memref<!tpu.dma_semaphore, #tpu.memory_space<semaphore_mem>>)
    %add3A_860 = arith.constant 3200 : i32
    %add3A_861 = arith.addi %mul3A_2, %add3A_860 : i32
    %dma_wait3A_862 = arith.constant 0 : i32
    %dma_wait3A_863 = tpu.memref_slice %arg5[%add3A_861, %dma_wait3A_862] : memref<204800x128xf32, #tpu.memory_space<hbm>> -> memref<200x128xf32, #tpu.memory_space<hbm>>
    %dma_wait3A_864 = arith.constant 0 : i32
    %dma_wait3A_865 = tpu.memref_slice %arg5[%add3A_861, %dma_wait3A_864] : memref<204800x128xf32, #tpu.memory_space<hbm>> -> memref<200x128xf32, #tpu.memory_space<hbm>>
    tpu.wait_dma2 semaphore(%arg12 : memref<!tpu.dma_semaphore, #tpu.memory_space<semaphore_mem>>) src(%arg8 : memref<200x128xf32, #tpu.memory_space<vmem>>) dst(%dma_wait3A_865 : memref<200x128xf32, #tpu.memory_space<hbm>>)
    %dma_start3A_866 = arith.constant 0 : i32
    %dma_start3A_867 = arith.constant 0 : i32
    %dma_start3A_868 = tpu.memref_slice %arg8[%dma_start3A_866, %dma_start3A_867] : memref<200x128xf32, #tpu.memory_space<vmem>> -> memref<104x128xf32, #tpu.memory_space<vmem>>
    %dma_start3A_869 = arith.constant 3600 : i32
    %dma_start3A_870 = tpu.memref_slice %arg6[%dma_start3A_869] : memref<6400xi32, #tpu.memory_space<vmem>> -> memref<104xi32, #tpu.memory_space<vmem>>
    %dma_start3A_871 = arith.constant 0 : i32
    %dma_start3A_872 = arith.constant 0 : i32
    %dma_start3A_873 = tpu.memref_slice %arg3[%dma_start3A_871, %dma_start3A_872] : memref<1000000x128xf32, #tpu.memory_space<hbm>> -> memref<1000000x128xf32, #tpu.memory_space<hbm>>
    tpu.enqueue_indirect_dma source(%dma_start3A_873 : memref<1000000x128xf32, #tpu.memory_space<hbm>>) target(%dma_start3A_868 : memref<104x128xf32, #tpu.memory_space<vmem>>) offsets(%dma_start3A_870 : memref<104xi32, #tpu.memory_space<vmem>>) semaphore(%arg10 : memref<!tpu.dma_semaphore, #tpu.memory_space<semaphore_mem>>)
    %dma_start3A_874 = arith.constant 104 : i32
    %dma_start3A_875 = arith.constant 0 : i32
    %dma_start3A_876 = tpu.memref_slice %arg8[%dma_start3A_874, %dma_start3A_875] : memref<200x128xf32, #tpu.memory_space<vmem>> -> memref<96x128xf32, #tpu.memory_space<vmem>>
    %dma_start3A_877 = arith.constant 3704 : i32
    %dma_start3A_878 = tpu.memref_slice %arg6[%dma_start3A_877] : memref<6400xi32, #tpu.memory_space<vmem>> -> memref<96xi32, #tpu.memory_space<vmem>>
    %dma_start3A_879 = arith.constant 0 : i32
    %dma_start3A_880 = arith.constant 0 : i32
    %dma_start3A_881 = tpu.memref_slice %arg3[%dma_start3A_879, %dma_start3A_880] : memref<1000000x128xf32, #tpu.memory_space<hbm>> -> memref<1000000x128xf32, #tpu.memory_space<hbm>>
    tpu.enqueue_indirect_dma source(%dma_start3A_881 : memref<1000000x128xf32, #tpu.memory_space<hbm>>) target(%dma_start3A_876 : memref<96x128xf32, #tpu.memory_space<vmem>>) offsets(%dma_start3A_878 : memref<96xi32, #tpu.memory_space<vmem>>) semaphore(%arg10 : memref<!tpu.dma_semaphore, #tpu.memory_space<semaphore_mem>>)
    %dma_wait3A_882 = arith.constant 0 : i32
    %dma_wait3A_883 = arith.constant 0 : i32
    %dma_wait3A_884 = tpu.memref_slice %arg9[%dma_wait3A_882, %dma_wait3A_883] : memref<200x128xf32, #tpu.memory_space<vmem>> -> memref<104x128xf32, #tpu.memory_space<vmem>>
    %dma_wait3A_885 = arith.constant 3400 : i32
    %dma_wait3A_886 = tpu.memref_slice %arg6[%dma_wait3A_885] : memref<6400xi32, #tpu.memory_space<vmem>> -> memref<104xi32, #tpu.memory_space<vmem>>
    %dma_wait3A_887 = arith.constant 0 : i32
    %dma_wait3A_888 = arith.constant 0 : i32
    %dma_wait3A_889 = tpu.memref_slice %arg3[%dma_wait3A_887, %dma_wait3A_888] : memref<1000000x128xf32, #tpu.memory_space<hbm>> -> memref<1000000x128xf32, #tpu.memory_space<hbm>>
    tpu.wait_indirect_dma semaphore(%arg11 : memref<!tpu.dma_semaphore, #tpu.memory_space<semaphore_mem>>) src(%dma_wait3A_889 : memref<1000000x128xf32, #tpu.memory_space<hbm>>) dst(%dma_wait3A_884 : memref<104x128xf32, #tpu.memory_space<vmem>>)
    %dma_wait3A_890 = arith.constant 104 : i32
    %dma_wait3A_891 = arith.constant 0 : i32
    %dma_wait3A_892 = tpu.memref_slice %arg9[%dma_wait3A_890, %dma_wait3A_891] : memref<200x128xf32, #tpu.memory_space<vmem>> -> memref<96x128xf32, #tpu.memory_space<vmem>>
    %dma_wait3A_893 = arith.constant 3504 : i32
    %dma_wait3A_894 = tpu.memref_slice %arg6[%dma_wait3A_893] : memref<6400xi32, #tpu.memory_space<vmem>> -> memref<96xi32, #tpu.memory_space<vmem>>
    %dma_wait3A_895 = arith.constant 0 : i32
    %dma_wait3A_896 = arith.constant 0 : i32
    %dma_wait3A_897 = tpu.memref_slice %arg3[%dma_wait3A_895, %dma_wait3A_896] : memref<1000000x128xf32, #tpu.memory_space<hbm>> -> memref<1000000x128xf32, #tpu.memory_space<hbm>>
    tpu.wait_indirect_dma semaphore(%arg11 : memref<!tpu.dma_semaphore, #tpu.memory_space<semaphore_mem>>) src(%dma_wait3A_897 : memref<1000000x128xf32, #tpu.memory_space<hbm>>) dst(%dma_wait3A_892 : memref<96x128xf32, #tpu.memory_space<vmem>>)
    %scan3A_898 = arith.constant 0 : i32
    %scan3A_899 = arith.constant 0 : i32
    %scan3A_900 = arith.constant 200 : i32
    %scan3A_901 = arith.addi %scan3A_899, %scan3A_900 : i32
    %scan3A_902 = arith.constant 1 : i32
    scf.for %scan3A_1600 = %scan3A_899 to %scan3A_901 step %scan3A_902  : i32 {
      %get3A = arith.index_cast %scan3A_1600 : i32 to index
      %get3A_1601 = arith.constant 0 : index
      %get3A_1602 = tpu.vector_load %arg9[%get3A, %get3A_1601] {strides = array<i32>} : memref<200x128xf32, #tpu.memory_space<vmem>>, vector<1x16xf32>,
      %get3A_1603 = vector.shape_cast %get3A_1602 : vector<1x16xf32> to vector<16xf32>
      %mul3A_1604 = arith.constant 8.000000e+00 : f32
      %mul3A_1605 = vector.broadcast %mul3A_1604 : f32 to vector<16xf32>
      %mul3A_1606 = arith.mulf %get3A_1603, %mul3A_1605 : vector<16xf32>
      %get3A_1607 = arith.index_cast %scan3A_1600 : i32 to index
      %get3A_1608 = arith.constant 0 : index
      %get3A_1609 = tpu.vector_load %arg7[%get3A_1607, %get3A_1608] {strides = array<i32>} : memref<200x64xf32, #tpu.memory_space<vmem>>, vector<1x16xf32>,
      %get3A_1610 = vector.shape_cast %get3A_1609 : vector<1x16xf32> to vector<16xf32>
      %add3A_1611 = arith.addf %mul3A_1606, %get3A_1610 : vector<16xf32>
      %swap3A = arith.index_cast %scan3A_1600 : i32 to index
      %swap3A_1612 = arith.constant 0 : index
      %swap3A_1613 = tpu.vector_load %arg9[%swap3A, %swap3A_1612] {strides = array<i32>} : memref<200x128xf32, #tpu.memory_space<vmem>>, vector<1x16xf32>,
      %swap3A_1614 = vector.shape_cast %swap3A_1613 : vector<1x16xf32> to vector<16xf32>
      %swap3A_1615 = vector.shape_cast %add3A_1611 : vector<16xf32> to vector<1x16xf32>
      tpu.vector_store %arg9[%swap3A, %swap3A_1612], %swap3A_1615 {strides = array<i32>} : memref<200x128xf32, #tpu.memory_space<vmem>>, vector<1x16xf32>,
      %get3A_1616 = arith.index_cast %scan3A_1600 : i32 to index
      %get3A_1617 = arith.constant 16 : index
      %get3A_1618 = tpu.vector_load %arg9[%get3A_1616, %get3A_1617] {strides = array<i32>} : memref<200x128xf32, #tpu.memory_space<vmem>>, vector<1x16xf32>,
      %get3A_1619 = vector.shape_cast %get3A_1618 : vector<1x16xf32> to vector<16xf32>
      %mul3A_1620 = arith.constant 8.000000e+00 : f32
      %mul3A_1621 = vector.broadcast %mul3A_1620 : f32 to vector<16xf32>
      %mul3A_1622 = arith.mulf %get3A_1619, %mul3A_1621 : vector<16xf32>
      %get3A_1623 = arith.index_cast %scan3A_1600 : i32 to index
      %get3A_1624 = arith.constant 16 : index
      %get3A_1625 = tpu.vector_load %arg7[%get3A_1623, %get3A_1624] {strides = array<i32>} : memref<200x64xf32, #tpu.memory_space<vmem>>, vector<1x16xf32>,
      %get3A_1626 = vector.shape_cast %get3A_1625 : vector<1x16xf32> to vector<16xf32>
      %add3A_1627 = arith.addf %mul3A_1622, %get3A_1626 : vector<16xf32>
      %swap3A_1628 = arith.index_cast %scan3A_1600 : i32 to index
      %swap3A_1629 = arith.constant 16 : index
      %swap3A_1630 = tpu.vector_load %arg9[%swap3A_1628, %swap3A_1629] {strides = array<i32>} : memref<200x128xf32, #tpu.memory_space<vmem>>, vector<1x16xf32>,
      %swap3A_1631 = vector.shape_cast %swap3A_1630 : vector<1x16xf32> to vector<16xf32>
      %swap3A_1632 = vector.shape_cast %add3A_1627 : vector<16xf32> to vector<1x16xf32>
      tpu.vector_store %arg9[%swap3A_1628, %swap3A_1629], %swap3A_1632 {strides = array<i32>} : memref<200x128xf32, #tpu.memory_space<vmem>>, vector<1x16xf32>,
      %get3A_1633 = arith.index_cast %scan3A_1600 : i32 to index
      %get3A_1634 = arith.constant 32 : index
      %get3A_1635 = tpu.vector_load %arg9[%get3A_1633, %get3A_1634] {strides = array<i32>} : memref<200x128xf32, #tpu.memory_space<vmem>>, vector<1x16xf32>,
      %get3A_1636 = vector.shape_cast %get3A_1635 : vector<1x16xf32> to vector<16xf32>
      %mul3A_1637 = arith.constant 8.000000e+00 : f32
      %mul3A_1638 = vector.broadcast %mul3A_1637 : f32 to vector<16xf32>
      %mul3A_1639 = arith.mulf %get3A_1636, %mul3A_1638 : vector<16xf32>
      %get3A_1640 = arith.index_cast %scan3A_1600 : i32 to index
      %get3A_1641 = arith.constant 32 : index
      %get3A_1642 = tpu.vector_load %arg7[%get3A_1640, %get3A_1641] {strides = array<i32>} : memref<200x64xf32, #tpu.memory_space<vmem>>, vector<1x16xf32>,
      %get3A_1643 = vector.shape_cast %get3A_1642 : vector<1x16xf32> to vector<16xf32>
      %add3A_1644 = arith.addf %mul3A_1639, %get3A_1643 : vector<16xf32>
      %swap3A_1645 = arith.index_cast %scan3A_1600 : i32 to index
      %swap3A_1646 = arith.constant 32 : index
      %swap3A_1647 = tpu.vector_load %arg9[%swap3A_1645, %swap3A_1646] {strides = array<i32>} : memref<200x128xf32, #tpu.memory_space<vmem>>, vector<1x16xf32>,
      %swap3A_1648 = vector.shape_cast %swap3A_1647 : vector<1x16xf32> to vector<16xf32>
      %swap3A_1649 = vector.shape_cast %add3A_1644 : vector<16xf32> to vector<1x16xf32>
      tpu.vector_store %arg9[%swap3A_1645, %swap3A_1646], %swap3A_1649 {strides = array<i32>} : memref<200x128xf32, #tpu.memory_space<vmem>>, vector<1x16xf32>,
      %get3A_1650 = arith.index_cast %scan3A_1600 : i32 to index
      %get3A_1651 = arith.constant 48 : index
      %get3A_1652 = tpu.vector_load %arg9[%get3A_1650, %get3A_1651] {strides = array<i32>} : memref<200x128xf32, #tpu.memory_space<vmem>>, vector<1x16xf32>,
      %get3A_1653 = vector.shape_cast %get3A_1652 : vector<1x16xf32> to vector<16xf32>
      %mul3A_1654 = arith.constant 8.000000e+00 : f32
      %mul3A_1655 = vector.broadcast %mul3A_1654 : f32 to vector<16xf32>
      %mul3A_1656 = arith.mulf %get3A_1653, %mul3A_1655 : vector<16xf32>
      %get3A_1657 = arith.index_cast %scan3A_1600 : i32 to index
      %get3A_1658 = arith.constant 48 : index
      %get3A_1659 = tpu.vector_load %arg7[%get3A_1657, %get3A_1658] {strides = array<i32>} : memref<200x64xf32, #tpu.memory_space<vmem>>, vector<1x16xf32>,
      %get3A_1660 = vector.shape_cast %get3A_1659 : vector<1x16xf32> to vector<16xf32>
      %add3A_1661 = arith.addf %mul3A_1656, %get3A_1660 : vector<16xf32>
      %swap3A_1662 = arith.index_cast %scan3A_1600 : i32 to index
      %swap3A_1663 = arith.constant 48 : index
      %swap3A_1664 = tpu.vector_load %arg9[%swap3A_1662, %swap3A_1663] {strides = array<i32>} : memref<200x128xf32, #tpu.memory_space<vmem>>, vector<1x16xf32>,
      %swap3A_1665 = vector.shape_cast %swap3A_1664 : vector<1x16xf32> to vector<16xf32>
      %swap3A_1666 = vector.shape_cast %add3A_1661 : vector<16xf32> to vector<1x16xf32>
      tpu.vector_store %arg9[%swap3A_1662, %swap3A_1663], %swap3A_1666 {strides = array<i32>} : memref<200x128xf32, #tpu.memory_space<vmem>>, vector<1x16xf32>,
    }
    %scan3A_903 = arith.constant 200 : i32
    %add3A_904 = arith.constant 3400 : i32
    %add3A_905 = arith.addi %mul3A_2, %add3A_904 : i32
    %dma_start3A_906 = arith.constant 0 : i32
    %dma_start3A_907 = tpu.memref_slice %arg5[%add3A_905, %dma_start3A_906] : memref<204800x128xf32, #tpu.memory_space<hbm>> -> memref<200x128xf32, #tpu.memory_space<hbm>>
    %dma_start3A_908 = arith.constant 0 : i32
    %dma_start3A_909 = tpu.memref_slice %arg5[%add3A_905, %dma_start3A_908] : memref<204800x128xf32, #tpu.memory_space<hbm>> -> memref<200x128xf32, #tpu.memory_space<hbm>>
    tpu.enqueue_dma source(%arg9 : memref<200x128xf32, #tpu.memory_space<vmem>>) target(%dma_start3A_909 : memref<200x128xf32, #tpu.memory_space<hbm>>) target_semaphore(%arg13 : memref<!tpu.dma_semaphore, #tpu.memory_space<semaphore_mem>>)
    %add3A_910 = arith.constant 3400 : i32
    %add3A_911 = arith.addi %mul3A_2, %add3A_910 : i32
    %dma_wait3A_912 = arith.constant 0 : i32
    %dma_wait3A_913 = tpu.memref_slice %arg5[%add3A_911, %dma_wait3A_912] : memref<204800x128xf32, #tpu.memory_space<hbm>> -> memref<200x128xf32, #tpu.memory_space<hbm>>
    %dma_wait3A_914 = arith.constant 0 : i32
    %dma_wait3A_915 = tpu.memref_slice %arg5[%add3A_911, %dma_wait3A_914] : memref<204800x128xf32, #tpu.memory_space<hbm>> -> memref<200x128xf32, #tpu.memory_space<hbm>>
    tpu.wait_dma2 semaphore(%arg13 : memref<!tpu.dma_semaphore, #tpu.memory_space<semaphore_mem>>) src(%arg9 : memref<200x128xf32, #tpu.memory_space<vmem>>) dst(%dma_wait3A_915 : memref<200x128xf32, #tpu.memory_space<hbm>>)
    %dma_start3A_916 = arith.constant 0 : i32
    %dma_start3A_917 = arith.constant 0 : i32
    %dma_start3A_918 = tpu.memref_slice %arg9[%dma_start3A_916, %dma_start3A_917] : memref<200x128xf32, #tpu.memory_space<vmem>> -> memref<104x128xf32, #tpu.memory_space<vmem>>
    %dma_start3A_919 = arith.constant 3800 : i32
    %dma_start3A_920 = tpu.memref_slice %arg6[%dma_start3A_919] : memref<6400xi32, #tpu.memory_space<vmem>> -> memref<104xi32, #tpu.memory_space<vmem>>
    %dma_start3A_921 = arith.constant 0 : i32
    %dma_start3A_922 = arith.constant 0 : i32
    %dma_start3A_923 = tpu.memref_slice %arg3[%dma_start3A_921, %dma_start3A_922] : memref<1000000x128xf32, #tpu.memory_space<hbm>> -> memref<1000000x128xf32, #tpu.memory_space<hbm>>
    tpu.enqueue_indirect_dma source(%dma_start3A_923 : memref<1000000x128xf32, #tpu.memory_space<hbm>>) target(%dma_start3A_918 : memref<104x128xf32, #tpu.memory_space<vmem>>) offsets(%dma_start3A_920 : memref<104xi32, #tpu.memory_space<vmem>>) semaphore(%arg11 : memref<!tpu.dma_semaphore, #tpu.memory_space<semaphore_mem>>)
    %dma_start3A_924 = arith.constant 104 : i32
    %dma_start3A_925 = arith.constant 0 : i32
    %dma_start3A_926 = tpu.memref_slice %arg9[%dma_start3A_924, %dma_start3A_925] : memref<200x128xf32, #tpu.memory_space<vmem>> -> memref<96x128xf32, #tpu.memory_space<vmem>>
    %dma_start3A_927 = arith.constant 3904 : i32
    %dma_start3A_928 = tpu.memref_slice %arg6[%dma_start3A_927] : memref<6400xi32, #tpu.memory_space<vmem>> -> memref<96xi32, #tpu.memory_space<vmem>>
    %dma_start3A_929 = arith.constant 0 : i32
    %dma_start3A_930 = arith.constant 0 : i32
    %dma_start3A_931 = tpu.memref_slice %arg3[%dma_start3A_929, %dma_start3A_930] : memref<1000000x128xf32, #tpu.memory_space<hbm>> -> memref<1000000x128xf32, #tpu.memory_space<hbm>>
    tpu.enqueue_indirect_dma source(%dma_start3A_931 : memref<1000000x128xf32, #tpu.memory_space<hbm>>) target(%dma_start3A_926 : memref<96x128xf32, #tpu.memory_space<vmem>>) offsets(%dma_start3A_928 : memref<96xi32, #tpu.memory_space<vmem>>) semaphore(%arg11 : memref<!tpu.dma_semaphore, #tpu.memory_space<semaphore_mem>>)
    %dma_wait3A_932 = arith.constant 0 : i32
    %dma_wait3A_933 = arith.constant 0 : i32
    %dma_wait3A_934 = tpu.memref_slice %arg8[%dma_wait3A_932, %dma_wait3A_933] : memref<200x128xf32, #tpu.memory_space<vmem>> -> memref<104x128xf32, #tpu.memory_space<vmem>>
    %dma_wait3A_935 = arith.constant 3600 : i32
    %dma_wait3A_936 = tpu.memref_slice %arg6[%dma_wait3A_935] : memref<6400xi32, #tpu.memory_space<vmem>> -> memref<104xi32, #tpu.memory_space<vmem>>
    %dma_wait3A_937 = arith.constant 0 : i32
    %dma_wait3A_938 = arith.constant 0 : i32
    %dma_wait3A_939 = tpu.memref_slice %arg3[%dma_wait3A_937, %dma_wait3A_938] : memref<1000000x128xf32, #tpu.memory_space<hbm>> -> memref<1000000x128xf32, #tpu.memory_space<hbm>>
    tpu.wait_indirect_dma semaphore(%arg10 : memref<!tpu.dma_semaphore, #tpu.memory_space<semaphore_mem>>) src(%dma_wait3A_939 : memref<1000000x128xf32, #tpu.memory_space<hbm>>) dst(%dma_wait3A_934 : memref<104x128xf32, #tpu.memory_space<vmem>>)
    %dma_wait3A_940 = arith.constant 104 : i32
    %dma_wait3A_941 = arith.constant 0 : i32
    %dma_wait3A_942 = tpu.memref_slice %arg8[%dma_wait3A_940, %dma_wait3A_941] : memref<200x128xf32, #tpu.memory_space<vmem>> -> memref<96x128xf32, #tpu.memory_space<vmem>>
    %dma_wait3A_943 = arith.constant 3704 : i32
    %dma_wait3A_944 = tpu.memref_slice %arg6[%dma_wait3A_943] : memref<6400xi32, #tpu.memory_space<vmem>> -> memref<96xi32, #tpu.memory_space<vmem>>
    %dma_wait3A_945 = arith.constant 0 : i32
    %dma_wait3A_946 = arith.constant 0 : i32
    %dma_wait3A_947 = tpu.memref_slice %arg3[%dma_wait3A_945, %dma_wait3A_946] : memref<1000000x128xf32, #tpu.memory_space<hbm>> -> memref<1000000x128xf32, #tpu.memory_space<hbm>>
    tpu.wait_indirect_dma semaphore(%arg10 : memref<!tpu.dma_semaphore, #tpu.memory_space<semaphore_mem>>) src(%dma_wait3A_947 : memref<1000000x128xf32, #tpu.memory_space<hbm>>) dst(%dma_wait3A_942 : memref<96x128xf32, #tpu.memory_space<vmem>>)
    %scan3A_948 = arith.constant 0 : i32
    %scan3A_949 = arith.constant 0 : i32
    %scan3A_950 = arith.constant 200 : i32
    %scan3A_951 = arith.addi %scan3A_949, %scan3A_950 : i32
    %scan3A_952 = arith.constant 1 : i32
    scf.for %scan3A_1600 = %scan3A_949 to %scan3A_951 step %scan3A_952  : i32 {
      %get3A = arith.index_cast %scan3A_1600 : i32 to index
      %get3A_1601 = arith.constant 0 : index
      %get3A_1602 = tpu.vector_load %arg8[%get3A, %get3A_1601] {strides = array<i32>} : memref<200x128xf32, #tpu.memory_space<vmem>>, vector<1x16xf32>,
      %get3A_1603 = vector.shape_cast %get3A_1602 : vector<1x16xf32> to vector<16xf32>
      %mul3A_1604 = arith.constant 8.000000e+00 : f32
      %mul3A_1605 = vector.broadcast %mul3A_1604 : f32 to vector<16xf32>
      %mul3A_1606 = arith.mulf %get3A_1603, %mul3A_1605 : vector<16xf32>
      %get3A_1607 = arith.index_cast %scan3A_1600 : i32 to index
      %get3A_1608 = arith.constant 0 : index
      %get3A_1609 = tpu.vector_load %arg7[%get3A_1607, %get3A_1608] {strides = array<i32>} : memref<200x64xf32, #tpu.memory_space<vmem>>, vector<1x16xf32>,
      %get3A_1610 = vector.shape_cast %get3A_1609 : vector<1x16xf32> to vector<16xf32>
      %add3A_1611 = arith.addf %mul3A_1606, %get3A_1610 : vector<16xf32>
      %swap3A = arith.index_cast %scan3A_1600 : i32 to index
      %swap3A_1612 = arith.constant 0 : index
      %swap3A_1613 = tpu.vector_load %arg8[%swap3A, %swap3A_1612] {strides = array<i32>} : memref<200x128xf32, #tpu.memory_space<vmem>>, vector<1x16xf32>,
      %swap3A_1614 = vector.shape_cast %swap3A_1613 : vector<1x16xf32> to vector<16xf32>
      %swap3A_1615 = vector.shape_cast %add3A_1611 : vector<16xf32> to vector<1x16xf32>
      tpu.vector_store %arg8[%swap3A, %swap3A_1612], %swap3A_1615 {strides = array<i32>} : memref<200x128xf32, #tpu.memory_space<vmem>>, vector<1x16xf32>,
      %get3A_1616 = arith.index_cast %scan3A_1600 : i32 to index
      %get3A_1617 = arith.constant 16 : index
      %get3A_1618 = tpu.vector_load %arg8[%get3A_1616, %get3A_1617] {strides = array<i32>} : memref<200x128xf32, #tpu.memory_space<vmem>>, vector<1x16xf32>,
      %get3A_1619 = vector.shape_cast %get3A_1618 : vector<1x16xf32> to vector<16xf32>
      %mul3A_1620 = arith.constant 8.000000e+00 : f32
      %mul3A_1621 = vector.broadcast %mul3A_1620 : f32 to vector<16xf32>
      %mul3A_1622 = arith.mulf %get3A_1619, %mul3A_1621 : vector<16xf32>
      %get3A_1623 = arith.index_cast %scan3A_1600 : i32 to index
      %get3A_1624 = arith.constant 16 : index
      %get3A_1625 = tpu.vector_load %arg7[%get3A_1623, %get3A_1624] {strides = array<i32>} : memref<200x64xf32, #tpu.memory_space<vmem>>, vector<1x16xf32>,
      %get3A_1626 = vector.shape_cast %get3A_1625 : vector<1x16xf32> to vector<16xf32>
      %add3A_1627 = arith.addf %mul3A_1622, %get3A_1626 : vector<16xf32>
      %swap3A_1628 = arith.index_cast %scan3A_1600 : i32 to index
      %swap3A_1629 = arith.constant 16 : index
      %swap3A_1630 = tpu.vector_load %arg8[%swap3A_1628, %swap3A_1629] {strides = array<i32>} : memref<200x128xf32, #tpu.memory_space<vmem>>, vector<1x16xf32>,
      %swap3A_1631 = vector.shape_cast %swap3A_1630 : vector<1x16xf32> to vector<16xf32>
      %swap3A_1632 = vector.shape_cast %add3A_1627 : vector<16xf32> to vector<1x16xf32>
      tpu.vector_store %arg8[%swap3A_1628, %swap3A_1629], %swap3A_1632 {strides = array<i32>} : memref<200x128xf32, #tpu.memory_space<vmem>>, vector<1x16xf32>,
      %get3A_1633 = arith.index_cast %scan3A_1600 : i32 to index
      %get3A_1634 = arith.constant 32 : index
      %get3A_1635 = tpu.vector_load %arg8[%get3A_1633, %get3A_1634] {strides = array<i32>} : memref<200x128xf32, #tpu.memory_space<vmem>>, vector<1x16xf32>,
      %get3A_1636 = vector.shape_cast %get3A_1635 : vector<1x16xf32> to vector<16xf32>
      %mul3A_1637 = arith.constant 8.000000e+00 : f32
      %mul3A_1638 = vector.broadcast %mul3A_1637 : f32 to vector<16xf32>
      %mul3A_1639 = arith.mulf %get3A_1636, %mul3A_1638 : vector<16xf32>
      %get3A_1640 = arith.index_cast %scan3A_1600 : i32 to index
      %get3A_1641 = arith.constant 32 : index
      %get3A_1642 = tpu.vector_load %arg7[%get3A_1640, %get3A_1641] {strides = array<i32>} : memref<200x64xf32, #tpu.memory_space<vmem>>, vector<1x16xf32>,
      %get3A_1643 = vector.shape_cast %get3A_1642 : vector<1x16xf32> to vector<16xf32>
      %add3A_1644 = arith.addf %mul3A_1639, %get3A_1643 : vector<16xf32>
      %swap3A_1645 = arith.index_cast %scan3A_1600 : i32 to index
      %swap3A_1646 = arith.constant 32 : index
      %swap3A_1647 = tpu.vector_load %arg8[%swap3A_1645, %swap3A_1646] {strides = array<i32>} : memref<200x128xf32, #tpu.memory_space<vmem>>, vector<1x16xf32>,
      %swap3A_1648 = vector.shape_cast %swap3A_1647 : vector<1x16xf32> to vector<16xf32>
      %swap3A_1649 = vector.shape_cast %add3A_1644 : vector<16xf32> to vector<1x16xf32>
      tpu.vector_store %arg8[%swap3A_1645, %swap3A_1646], %swap3A_1649 {strides = array<i32>} : memref<200x128xf32, #tpu.memory_space<vmem>>, vector<1x16xf32>,
      %get3A_1650 = arith.index_cast %scan3A_1600 : i32 to index
      %get3A_1651 = arith.constant 48 : index
      %get3A_1652 = tpu.vector_load %arg8[%get3A_1650, %get3A_1651] {strides = array<i32>} : memref<200x128xf32, #tpu.memory_space<vmem>>, vector<1x16xf32>,
      %get3A_1653 = vector.shape_cast %get3A_1652 : vector<1x16xf32> to vector<16xf32>
      %mul3A_1654 = arith.constant 8.000000e+00 : f32
      %mul3A_1655 = vector.broadcast %mul3A_1654 : f32 to vector<16xf32>
      %mul3A_1656 = arith.mulf %get3A_1653, %mul3A_1655 : vector<16xf32>
      %get3A_1657 = arith.index_cast %scan3A_1600 : i32 to index
      %get3A_1658 = arith.constant 48 : index
      %get3A_1659 = tpu.vector_load %arg7[%get3A_1657, %get3A_1658] {strides = array<i32>} : memref<200x64xf32, #tpu.memory_space<vmem>>, vector<1x16xf32>,
      %get3A_1660 = vector.shape_cast %get3A_1659 : vector<1x16xf32> to vector<16xf32>
      %add3A_1661 = arith.addf %mul3A_1656, %get3A_1660 : vector<16xf32>
      %swap3A_1662 = arith.index_cast %scan3A_1600 : i32 to index
      %swap3A_1663 = arith.constant 48 : index
      %swap3A_1664 = tpu.vector_load %arg8[%swap3A_1662, %swap3A_1663] {strides = array<i32>} : memref<200x128xf32, #tpu.memory_space<vmem>>, vector<1x16xf32>,
      %swap3A_1665 = vector.shape_cast %swap3A_1664 : vector<1x16xf32> to vector<16xf32>
      %swap3A_1666 = vector.shape_cast %add3A_1661 : vector<16xf32> to vector<1x16xf32>
      tpu.vector_store %arg8[%swap3A_1662, %swap3A_1663], %swap3A_1666 {strides = array<i32>} : memref<200x128xf32, #tpu.memory_space<vmem>>, vector<1x16xf32>,
    }
    %scan3A_953 = arith.constant 200 : i32
    %add3A_954 = arith.constant 3600 : i32
    %add3A_955 = arith.addi %mul3A_2, %add3A_954 : i32
    %dma_start3A_956 = arith.constant 0 : i32
    %dma_start3A_957 = tpu.memref_slice %arg5[%add3A_955, %dma_start3A_956] : memref<204800x128xf32, #tpu.memory_space<hbm>> -> memref<200x128xf32, #tpu.memory_space<hbm>>
    %dma_start3A_958 = arith.constant 0 : i32
    %dma_start3A_959 = tpu.memref_slice %arg5[%add3A_955, %dma_start3A_958] : memref<204800x128xf32, #tpu.memory_space<hbm>> -> memref<200x128xf32, #tpu.memory_space<hbm>>
    tpu.enqueue_dma source(%arg8 : memref<200x128xf32, #tpu.memory_space<vmem>>) target(%dma_start3A_959 : memref<200x128xf32, #tpu.memory_space<hbm>>) target_semaphore(%arg12 : memref<!tpu.dma_semaphore, #tpu.memory_space<semaphore_mem>>)
    %add3A_960 = arith.constant 3600 : i32
    %add3A_961 = arith.addi %mul3A_2, %add3A_960 : i32
    %dma_wait3A_962 = arith.constant 0 : i32
    %dma_wait3A_963 = tpu.memref_slice %arg5[%add3A_961, %dma_wait3A_962] : memref<204800x128xf32, #tpu.memory_space<hbm>> -> memref<200x128xf32, #tpu.memory_space<hbm>>
    %dma_wait3A_964 = arith.constant 0 : i32
    %dma_wait3A_965 = tpu.memref_slice %arg5[%add3A_961, %dma_wait3A_964] : memref<204800x128xf32, #tpu.memory_space<hbm>> -> memref<200x128xf32, #tpu.memory_space<hbm>>
    tpu.wait_dma2 semaphore(%arg12 : memref<!tpu.dma_semaphore, #tpu.memory_space<semaphore_mem>>) src(%arg8 : memref<200x128xf32, #tpu.memory_space<vmem>>) dst(%dma_wait3A_965 : memref<200x128xf32, #tpu.memory_space<hbm>>)
    %dma_start3A_966 = arith.constant 0 : i32
    %dma_start3A_967 = arith.constant 0 : i32
    %dma_start3A_968 = tpu.memref_slice %arg8[%dma_start3A_966, %dma_start3A_967] : memref<200x128xf32, #tpu.memory_space<vmem>> -> memref<104x128xf32, #tpu.memory_space<vmem>>
    %dma_start3A_969 = arith.constant 4000 : i32
    %dma_start3A_970 = tpu.memref_slice %arg6[%dma_start3A_969] : memref<6400xi32, #tpu.memory_space<vmem>> -> memref<104xi32, #tpu.memory_space<vmem>>
    %dma_start3A_971 = arith.constant 0 : i32
    %dma_start3A_972 = arith.constant 0 : i32
    %dma_start3A_973 = tpu.memref_slice %arg3[%dma_start3A_971, %dma_start3A_972] : memref<1000000x128xf32, #tpu.memory_space<hbm>> -> memref<1000000x128xf32, #tpu.memory_space<hbm>>
    tpu.enqueue_indirect_dma source(%dma_start3A_973 : memref<1000000x128xf32, #tpu.memory_space<hbm>>) target(%dma_start3A_968 : memref<104x128xf32, #tpu.memory_space<vmem>>) offsets(%dma_start3A_970 : memref<104xi32, #tpu.memory_space<vmem>>) semaphore(%arg10 : memref<!tpu.dma_semaphore, #tpu.memory_space<semaphore_mem>>)
    %dma_start3A_974 = arith.constant 104 : i32
    %dma_start3A_975 = arith.constant 0 : i32
    %dma_start3A_976 = tpu.memref_slice %arg8[%dma_start3A_974, %dma_start3A_975] : memref<200x128xf32, #tpu.memory_space<vmem>> -> memref<96x128xf32, #tpu.memory_space<vmem>>
    %dma_start3A_977 = arith.constant 4104 : i32
    %dma_start3A_978 = tpu.memref_slice %arg6[%dma_start3A_977] : memref<6400xi32, #tpu.memory_space<vmem>> -> memref<96xi32, #tpu.memory_space<vmem>>
    %dma_start3A_979 = arith.constant 0 : i32
    %dma_start3A_980 = arith.constant 0 : i32
    %dma_start3A_981 = tpu.memref_slice %arg3[%dma_start3A_979, %dma_start3A_980] : memref<1000000x128xf32, #tpu.memory_space<hbm>> -> memref<1000000x128xf32, #tpu.memory_space<hbm>>
    tpu.enqueue_indirect_dma source(%dma_start3A_981 : memref<1000000x128xf32, #tpu.memory_space<hbm>>) target(%dma_start3A_976 : memref<96x128xf32, #tpu.memory_space<vmem>>) offsets(%dma_start3A_978 : memref<96xi32, #tpu.memory_space<vmem>>) semaphore(%arg10 : memref<!tpu.dma_semaphore, #tpu.memory_space<semaphore_mem>>)
    %dma_wait3A_982 = arith.constant 0 : i32
    %dma_wait3A_983 = arith.constant 0 : i32
    %dma_wait3A_984 = tpu.memref_slice %arg9[%dma_wait3A_982, %dma_wait3A_983] : memref<200x128xf32, #tpu.memory_space<vmem>> -> memref<104x128xf32, #tpu.memory_space<vmem>>
    %dma_wait3A_985 = arith.constant 3800 : i32
    %dma_wait3A_986 = tpu.memref_slice %arg6[%dma_wait3A_985] : memref<6400xi32, #tpu.memory_space<vmem>> -> memref<104xi32, #tpu.memory_space<vmem>>
    %dma_wait3A_987 = arith.constant 0 : i32
    %dma_wait3A_988 = arith.constant 0 : i32
    %dma_wait3A_989 = tpu.memref_slice %arg3[%dma_wait3A_987, %dma_wait3A_988] : memref<1000000x128xf32, #tpu.memory_space<hbm>> -> memref<1000000x128xf32, #tpu.memory_space<hbm>>
    tpu.wait_indirect_dma semaphore(%arg11 : memref<!tpu.dma_semaphore, #tpu.memory_space<semaphore_mem>>) src(%dma_wait3A_989 : memref<1000000x128xf32, #tpu.memory_space<hbm>>) dst(%dma_wait3A_984 : memref<104x128xf32, #tpu.memory_space<vmem>>)
    %dma_wait3A_990 = arith.constant 104 : i32
    %dma_wait3A_991 = arith.constant 0 : i32
    %dma_wait3A_992 = tpu.memref_slice %arg9[%dma_wait3A_990, %dma_wait3A_991] : memref<200x128xf32, #tpu.memory_space<vmem>> -> memref<96x128xf32, #tpu.memory_space<vmem>>
    %dma_wait3A_993 = arith.constant 3904 : i32
    %dma_wait3A_994 = tpu.memref_slice %arg6[%dma_wait3A_993] : memref<6400xi32, #tpu.memory_space<vmem>> -> memref<96xi32, #tpu.memory_space<vmem>>
    %dma_wait3A_995 = arith.constant 0 : i32
    %dma_wait3A_996 = arith.constant 0 : i32
    %dma_wait3A_997 = tpu.memref_slice %arg3[%dma_wait3A_995, %dma_wait3A_996] : memref<1000000x128xf32, #tpu.memory_space<hbm>> -> memref<1000000x128xf32, #tpu.memory_space<hbm>>
    tpu.wait_indirect_dma semaphore(%arg11 : memref<!tpu.dma_semaphore, #tpu.memory_space<semaphore_mem>>) src(%dma_wait3A_997 : memref<1000000x128xf32, #tpu.memory_space<hbm>>) dst(%dma_wait3A_992 : memref<96x128xf32, #tpu.memory_space<vmem>>)
    %scan3A_998 = arith.constant 0 : i32
    %scan3A_999 = arith.constant 0 : i32
    %scan3A_1000 = arith.constant 200 : i32
    %scan3A_1001 = arith.addi %scan3A_999, %scan3A_1000 : i32
    %scan3A_1002 = arith.constant 1 : i32
    scf.for %scan3A_1600 = %scan3A_999 to %scan3A_1001 step %scan3A_1002  : i32 {
      %get3A = arith.index_cast %scan3A_1600 : i32 to index
      %get3A_1601 = arith.constant 0 : index
      %get3A_1602 = tpu.vector_load %arg9[%get3A, %get3A_1601] {strides = array<i32>} : memref<200x128xf32, #tpu.memory_space<vmem>>, vector<1x16xf32>,
      %get3A_1603 = vector.shape_cast %get3A_1602 : vector<1x16xf32> to vector<16xf32>
      %mul3A_1604 = arith.constant 8.000000e+00 : f32
      %mul3A_1605 = vector.broadcast %mul3A_1604 : f32 to vector<16xf32>
      %mul3A_1606 = arith.mulf %get3A_1603, %mul3A_1605 : vector<16xf32>
      %get3A_1607 = arith.index_cast %scan3A_1600 : i32 to index
      %get3A_1608 = arith.constant 0 : index
      %get3A_1609 = tpu.vector_load %arg7[%get3A_1607, %get3A_1608] {strides = array<i32>} : memref<200x64xf32, #tpu.memory_space<vmem>>, vector<1x16xf32>,
      %get3A_1610 = vector.shape_cast %get3A_1609 : vector<1x16xf32> to vector<16xf32>
      %add3A_1611 = arith.addf %mul3A_1606, %get3A_1610 : vector<16xf32>
      %swap3A = arith.index_cast %scan3A_1600 : i32 to index
      %swap3A_1612 = arith.constant 0 : index
      %swap3A_1613 = tpu.vector_load %arg9[%swap3A, %swap3A_1612] {strides = array<i32>} : memref<200x128xf32, #tpu.memory_space<vmem>>, vector<1x16xf32>,
      %swap3A_1614 = vector.shape_cast %swap3A_1613 : vector<1x16xf32> to vector<16xf32>
      %swap3A_1615 = vector.shape_cast %add3A_1611 : vector<16xf32> to vector<1x16xf32>
      tpu.vector_store %arg9[%swap3A, %swap3A_1612], %swap3A_1615 {strides = array<i32>} : memref<200x128xf32, #tpu.memory_space<vmem>>, vector<1x16xf32>,
      %get3A_1616 = arith.index_cast %scan3A_1600 : i32 to index
      %get3A_1617 = arith.constant 16 : index
      %get3A_1618 = tpu.vector_load %arg9[%get3A_1616, %get3A_1617] {strides = array<i32>} : memref<200x128xf32, #tpu.memory_space<vmem>>, vector<1x16xf32>,
      %get3A_1619 = vector.shape_cast %get3A_1618 : vector<1x16xf32> to vector<16xf32>
      %mul3A_1620 = arith.constant 8.000000e+00 : f32
      %mul3A_1621 = vector.broadcast %mul3A_1620 : f32 to vector<16xf32>
      %mul3A_1622 = arith.mulf %get3A_1619, %mul3A_1621 : vector<16xf32>
      %get3A_1623 = arith.index_cast %scan3A_1600 : i32 to index
      %get3A_1624 = arith.constant 16 : index
      %get3A_1625 = tpu.vector_load %arg7[%get3A_1623, %get3A_1624] {strides = array<i32>} : memref<200x64xf32, #tpu.memory_space<vmem>>, vector<1x16xf32>,
      %get3A_1626 = vector.shape_cast %get3A_1625 : vector<1x16xf32> to vector<16xf32>
      %add3A_1627 = arith.addf %mul3A_1622, %get3A_1626 : vector<16xf32>
      %swap3A_1628 = arith.index_cast %scan3A_1600 : i32 to index
      %swap3A_1629 = arith.constant 16 : index
      %swap3A_1630 = tpu.vector_load %arg9[%swap3A_1628, %swap3A_1629] {strides = array<i32>} : memref<200x128xf32, #tpu.memory_space<vmem>>, vector<1x16xf32>,
      %swap3A_1631 = vector.shape_cast %swap3A_1630 : vector<1x16xf32> to vector<16xf32>
      %swap3A_1632 = vector.shape_cast %add3A_1627 : vector<16xf32> to vector<1x16xf32>
      tpu.vector_store %arg9[%swap3A_1628, %swap3A_1629], %swap3A_1632 {strides = array<i32>} : memref<200x128xf32, #tpu.memory_space<vmem>>, vector<1x16xf32>,
      %get3A_1633 = arith.index_cast %scan3A_1600 : i32 to index
      %get3A_1634 = arith.constant 32 : index
      %get3A_1635 = tpu.vector_load %arg9[%get3A_1633, %get3A_1634] {strides = array<i32>} : memref<200x128xf32, #tpu.memory_space<vmem>>, vector<1x16xf32>,
      %get3A_1636 = vector.shape_cast %get3A_1635 : vector<1x16xf32> to vector<16xf32>
      %mul3A_1637 = arith.constant 8.000000e+00 : f32
      %mul3A_1638 = vector.broadcast %mul3A_1637 : f32 to vector<16xf32>
      %mul3A_1639 = arith.mulf %get3A_1636, %mul3A_1638 : vector<16xf32>
      %get3A_1640 = arith.index_cast %scan3A_1600 : i32 to index
      %get3A_1641 = arith.constant 32 : index
      %get3A_1642 = tpu.vector_load %arg7[%get3A_1640, %get3A_1641] {strides = array<i32>} : memref<200x64xf32, #tpu.memory_space<vmem>>, vector<1x16xf32>,
      %get3A_1643 = vector.shape_cast %get3A_1642 : vector<1x16xf32> to vector<16xf32>
      %add3A_1644 = arith.addf %mul3A_1639, %get3A_1643 : vector<16xf32>
      %swap3A_1645 = arith.index_cast %scan3A_1600 : i32 to index
      %swap3A_1646 = arith.constant 32 : index
      %swap3A_1647 = tpu.vector_load %arg9[%swap3A_1645, %swap3A_1646] {strides = array<i32>} : memref<200x128xf32, #tpu.memory_space<vmem>>, vector<1x16xf32>,
      %swap3A_1648 = vector.shape_cast %swap3A_1647 : vector<1x16xf32> to vector<16xf32>
      %swap3A_1649 = vector.shape_cast %add3A_1644 : vector<16xf32> to vector<1x16xf32>
      tpu.vector_store %arg9[%swap3A_1645, %swap3A_1646], %swap3A_1649 {strides = array<i32>} : memref<200x128xf32, #tpu.memory_space<vmem>>, vector<1x16xf32>,
      %get3A_1650 = arith.index_cast %scan3A_1600 : i32 to index
      %get3A_1651 = arith.constant 48 : index
      %get3A_1652 = tpu.vector_load %arg9[%get3A_1650, %get3A_1651] {strides = array<i32>} : memref<200x128xf32, #tpu.memory_space<vmem>>, vector<1x16xf32>,
      %get3A_1653 = vector.shape_cast %get3A_1652 : vector<1x16xf32> to vector<16xf32>
      %mul3A_1654 = arith.constant 8.000000e+00 : f32
      %mul3A_1655 = vector.broadcast %mul3A_1654 : f32 to vector<16xf32>
      %mul3A_1656 = arith.mulf %get3A_1653, %mul3A_1655 : vector<16xf32>
      %get3A_1657 = arith.index_cast %scan3A_1600 : i32 to index
      %get3A_1658 = arith.constant 48 : index
      %get3A_1659 = tpu.vector_load %arg7[%get3A_1657, %get3A_1658] {strides = array<i32>} : memref<200x64xf32, #tpu.memory_space<vmem>>, vector<1x16xf32>,
      %get3A_1660 = vector.shape_cast %get3A_1659 : vector<1x16xf32> to vector<16xf32>
      %add3A_1661 = arith.addf %mul3A_1656, %get3A_1660 : vector<16xf32>
      %swap3A_1662 = arith.index_cast %scan3A_1600 : i32 to index
      %swap3A_1663 = arith.constant 48 : index
      %swap3A_1664 = tpu.vector_load %arg9[%swap3A_1662, %swap3A_1663] {strides = array<i32>} : memref<200x128xf32, #tpu.memory_space<vmem>>, vector<1x16xf32>,
      %swap3A_1665 = vector.shape_cast %swap3A_1664 : vector<1x16xf32> to vector<16xf32>
      %swap3A_1666 = vector.shape_cast %add3A_1661 : vector<16xf32> to vector<1x16xf32>
      tpu.vector_store %arg9[%swap3A_1662, %swap3A_1663], %swap3A_1666 {strides = array<i32>} : memref<200x128xf32, #tpu.memory_space<vmem>>, vector<1x16xf32>,
    }
    %scan3A_1003 = arith.constant 200 : i32
    %add3A_1004 = arith.constant 3800 : i32
    %add3A_1005 = arith.addi %mul3A_2, %add3A_1004 : i32
    %dma_start3A_1006 = arith.constant 0 : i32
    %dma_start3A_1007 = tpu.memref_slice %arg5[%add3A_1005, %dma_start3A_1006] : memref<204800x128xf32, #tpu.memory_space<hbm>> -> memref<200x128xf32, #tpu.memory_space<hbm>>
    %dma_start3A_1008 = arith.constant 0 : i32
    %dma_start3A_1009 = tpu.memref_slice %arg5[%add3A_1005, %dma_start3A_1008] : memref<204800x128xf32, #tpu.memory_space<hbm>> -> memref<200x128xf32, #tpu.memory_space<hbm>>
    tpu.enqueue_dma source(%arg9 : memref<200x128xf32, #tpu.memory_space<vmem>>) target(%dma_start3A_1009 : memref<200x128xf32, #tpu.memory_space<hbm>>) target_semaphore(%arg13 : memref<!tpu.dma_semaphore, #tpu.memory_space<semaphore_mem>>)
    %add3A_1010 = arith.constant 3800 : i32
    %add3A_1011 = arith.addi %mul3A_2, %add3A_1010 : i32
    %dma_wait3A_1012 = arith.constant 0 : i32
    %dma_wait3A_1013 = tpu.memref_slice %arg5[%add3A_1011, %dma_wait3A_1012] : memref<204800x128xf32, #tpu.memory_space<hbm>> -> memref<200x128xf32, #tpu.memory_space<hbm>>
    %dma_wait3A_1014 = arith.constant 0 : i32
    %dma_wait3A_1015 = tpu.memref_slice %arg5[%add3A_1011, %dma_wait3A_1014] : memref<204800x128xf32, #tpu.memory_space<hbm>> -> memref<200x128xf32, #tpu.memory_space<hbm>>
    tpu.wait_dma2 semaphore(%arg13 : memref<!tpu.dma_semaphore, #tpu.memory_space<semaphore_mem>>) src(%arg9 : memref<200x128xf32, #tpu.memory_space<vmem>>) dst(%dma_wait3A_1015 : memref<200x128xf32, #tpu.memory_space<hbm>>)
    %dma_start3A_1016 = arith.constant 0 : i32
    %dma_start3A_1017 = arith.constant 0 : i32
    %dma_start3A_1018 = tpu.memref_slice %arg9[%dma_start3A_1016, %dma_start3A_1017] : memref<200x128xf32, #tpu.memory_space<vmem>> -> memref<104x128xf32, #tpu.memory_space<vmem>>
    %dma_start3A_1019 = arith.constant 4200 : i32
    %dma_start3A_1020 = tpu.memref_slice %arg6[%dma_start3A_1019] : memref<6400xi32, #tpu.memory_space<vmem>> -> memref<104xi32, #tpu.memory_space<vmem>>
    %dma_start3A_1021 = arith.constant 0 : i32
    %dma_start3A_1022 = arith.constant 0 : i32
    %dma_start3A_1023 = tpu.memref_slice %arg3[%dma_start3A_1021, %dma_start3A_1022] : memref<1000000x128xf32, #tpu.memory_space<hbm>> -> memref<1000000x128xf32, #tpu.memory_space<hbm>>
    tpu.enqueue_indirect_dma source(%dma_start3A_1023 : memref<1000000x128xf32, #tpu.memory_space<hbm>>) target(%dma_start3A_1018 : memref<104x128xf32, #tpu.memory_space<vmem>>) offsets(%dma_start3A_1020 : memref<104xi32, #tpu.memory_space<vmem>>) semaphore(%arg11 : memref<!tpu.dma_semaphore, #tpu.memory_space<semaphore_mem>>)
    %dma_start3A_1024 = arith.constant 104 : i32
    %dma_start3A_1025 = arith.constant 0 : i32
    %dma_start3A_1026 = tpu.memref_slice %arg9[%dma_start3A_1024, %dma_start3A_1025] : memref<200x128xf32, #tpu.memory_space<vmem>> -> memref<96x128xf32, #tpu.memory_space<vmem>>
    %dma_start3A_1027 = arith.constant 4304 : i32
    %dma_start3A_1028 = tpu.memref_slice %arg6[%dma_start3A_1027] : memref<6400xi32, #tpu.memory_space<vmem>> -> memref<96xi32, #tpu.memory_space<vmem>>
    %dma_start3A_1029 = arith.constant 0 : i32
    %dma_start3A_1030 = arith.constant 0 : i32
    %dma_start3A_1031 = tpu.memref_slice %arg3[%dma_start3A_1029, %dma_start3A_1030] : memref<1000000x128xf32, #tpu.memory_space<hbm>> -> memref<1000000x128xf32, #tpu.memory_space<hbm>>
    tpu.enqueue_indirect_dma source(%dma_start3A_1031 : memref<1000000x128xf32, #tpu.memory_space<hbm>>) target(%dma_start3A_1026 : memref<96x128xf32, #tpu.memory_space<vmem>>) offsets(%dma_start3A_1028 : memref<96xi32, #tpu.memory_space<vmem>>) semaphore(%arg11 : memref<!tpu.dma_semaphore, #tpu.memory_space<semaphore_mem>>)
    %dma_wait3A_1032 = arith.constant 0 : i32
    %dma_wait3A_1033 = arith.constant 0 : i32
    %dma_wait3A_1034 = tpu.memref_slice %arg8[%dma_wait3A_1032, %dma_wait3A_1033] : memref<200x128xf32, #tpu.memory_space<vmem>> -> memref<104x128xf32, #tpu.memory_space<vmem>>
    %dma_wait3A_1035 = arith.constant 4000 : i32
    %dma_wait3A_1036 = tpu.memref_slice %arg6[%dma_wait3A_1035] : memref<6400xi32, #tpu.memory_space<vmem>> -> memref<104xi32, #tpu.memory_space<vmem>>
    %dma_wait3A_1037 = arith.constant 0 : i32
    %dma_wait3A_1038 = arith.constant 0 : i32
    %dma_wait3A_1039 = tpu.memref_slice %arg3[%dma_wait3A_1037, %dma_wait3A_1038] : memref<1000000x128xf32, #tpu.memory_space<hbm>> -> memref<1000000x128xf32, #tpu.memory_space<hbm>>
    tpu.wait_indirect_dma semaphore(%arg10 : memref<!tpu.dma_semaphore, #tpu.memory_space<semaphore_mem>>) src(%dma_wait3A_1039 : memref<1000000x128xf32, #tpu.memory_space<hbm>>) dst(%dma_wait3A_1034 : memref<104x128xf32, #tpu.memory_space<vmem>>)
    %dma_wait3A_1040 = arith.constant 104 : i32
    %dma_wait3A_1041 = arith.constant 0 : i32
    %dma_wait3A_1042 = tpu.memref_slice %arg8[%dma_wait3A_1040, %dma_wait3A_1041] : memref<200x128xf32, #tpu.memory_space<vmem>> -> memref<96x128xf32, #tpu.memory_space<vmem>>
    %dma_wait3A_1043 = arith.constant 4104 : i32
    %dma_wait3A_1044 = tpu.memref_slice %arg6[%dma_wait3A_1043] : memref<6400xi32, #tpu.memory_space<vmem>> -> memref<96xi32, #tpu.memory_space<vmem>>
    %dma_wait3A_1045 = arith.constant 0 : i32
    %dma_wait3A_1046 = arith.constant 0 : i32
    %dma_wait3A_1047 = tpu.memref_slice %arg3[%dma_wait3A_1045, %dma_wait3A_1046] : memref<1000000x128xf32, #tpu.memory_space<hbm>> -> memref<1000000x128xf32, #tpu.memory_space<hbm>>
    tpu.wait_indirect_dma semaphore(%arg10 : memref<!tpu.dma_semaphore, #tpu.memory_space<semaphore_mem>>) src(%dma_wait3A_1047 : memref<1000000x128xf32, #tpu.memory_space<hbm>>) dst(%dma_wait3A_1042 : memref<96x128xf32, #tpu.memory_space<vmem>>)
    %scan3A_1048 = arith.constant 0 : i32
    %scan3A_1049 = arith.constant 0 : i32
    %scan3A_1050 = arith.constant 200 : i32
    %scan3A_1051 = arith.addi %scan3A_1049, %scan3A_1050 : i32
    %scan3A_1052 = arith.constant 1 : i32
    scf.for %scan3A_1600 = %scan3A_1049 to %scan3A_1051 step %scan3A_1052  : i32 {
      %get3A = arith.index_cast %scan3A_1600 : i32 to index
      %get3A_1601 = arith.constant 0 : index
      %get3A_1602 = tpu.vector_load %arg8[%get3A, %get3A_1601] {strides = array<i32>} : memref<200x128xf32, #tpu.memory_space<vmem>>, vector<1x16xf32>,
      %get3A_1603 = vector.shape_cast %get3A_1602 : vector<1x16xf32> to vector<16xf32>
      %mul3A_1604 = arith.constant 8.000000e+00 : f32
      %mul3A_1605 = vector.broadcast %mul3A_1604 : f32 to vector<16xf32>
      %mul3A_1606 = arith.mulf %get3A_1603, %mul3A_1605 : vector<16xf32>
      %get3A_1607 = arith.index_cast %scan3A_1600 : i32 to index
      %get3A_1608 = arith.constant 0 : index
      %get3A_1609 = tpu.vector_load %arg7[%get3A_1607, %get3A_1608] {strides = array<i32>} : memref<200x64xf32, #tpu.memory_space<vmem>>, vector<1x16xf32>,
      %get3A_1610 = vector.shape_cast %get3A_1609 : vector<1x16xf32> to vector<16xf32>
      %add3A_1611 = arith.addf %mul3A_1606, %get3A_1610 : vector<16xf32>
      %swap3A = arith.index_cast %scan3A_1600 : i32 to index
      %swap3A_1612 = arith.constant 0 : index
      %swap3A_1613 = tpu.vector_load %arg8[%swap3A, %swap3A_1612] {strides = array<i32>} : memref<200x128xf32, #tpu.memory_space<vmem>>, vector<1x16xf32>,
      %swap3A_1614 = vector.shape_cast %swap3A_1613 : vector<1x16xf32> to vector<16xf32>
      %swap3A_1615 = vector.shape_cast %add3A_1611 : vector<16xf32> to vector<1x16xf32>
      tpu.vector_store %arg8[%swap3A, %swap3A_1612], %swap3A_1615 {strides = array<i32>} : memref<200x128xf32, #tpu.memory_space<vmem>>, vector<1x16xf32>,
      %get3A_1616 = arith.index_cast %scan3A_1600 : i32 to index
      %get3A_1617 = arith.constant 16 : index
      %get3A_1618 = tpu.vector_load %arg8[%get3A_1616, %get3A_1617] {strides = array<i32>} : memref<200x128xf32, #tpu.memory_space<vmem>>, vector<1x16xf32>,
      %get3A_1619 = vector.shape_cast %get3A_1618 : vector<1x16xf32> to vector<16xf32>
      %mul3A_1620 = arith.constant 8.000000e+00 : f32
      %mul3A_1621 = vector.broadcast %mul3A_1620 : f32 to vector<16xf32>
      %mul3A_1622 = arith.mulf %get3A_1619, %mul3A_1621 : vector<16xf32>
      %get3A_1623 = arith.index_cast %scan3A_1600 : i32 to index
      %get3A_1624 = arith.constant 16 : index
      %get3A_1625 = tpu.vector_load %arg7[%get3A_1623, %get3A_1624] {strides = array<i32>} : memref<200x64xf32, #tpu.memory_space<vmem>>, vector<1x16xf32>,
      %get3A_1626 = vector.shape_cast %get3A_1625 : vector<1x16xf32> to vector<16xf32>
      %add3A_1627 = arith.addf %mul3A_1622, %get3A_1626 : vector<16xf32>
      %swap3A_1628 = arith.index_cast %scan3A_1600 : i32 to index
      %swap3A_1629 = arith.constant 16 : index
      %swap3A_1630 = tpu.vector_load %arg8[%swap3A_1628, %swap3A_1629] {strides = array<i32>} : memref<200x128xf32, #tpu.memory_space<vmem>>, vector<1x16xf32>,
      %swap3A_1631 = vector.shape_cast %swap3A_1630 : vector<1x16xf32> to vector<16xf32>
      %swap3A_1632 = vector.shape_cast %add3A_1627 : vector<16xf32> to vector<1x16xf32>
      tpu.vector_store %arg8[%swap3A_1628, %swap3A_1629], %swap3A_1632 {strides = array<i32>} : memref<200x128xf32, #tpu.memory_space<vmem>>, vector<1x16xf32>,
      %get3A_1633 = arith.index_cast %scan3A_1600 : i32 to index
      %get3A_1634 = arith.constant 32 : index
      %get3A_1635 = tpu.vector_load %arg8[%get3A_1633, %get3A_1634] {strides = array<i32>} : memref<200x128xf32, #tpu.memory_space<vmem>>, vector<1x16xf32>,
      %get3A_1636 = vector.shape_cast %get3A_1635 : vector<1x16xf32> to vector<16xf32>
      %mul3A_1637 = arith.constant 8.000000e+00 : f32
      %mul3A_1638 = vector.broadcast %mul3A_1637 : f32 to vector<16xf32>
      %mul3A_1639 = arith.mulf %get3A_1636, %mul3A_1638 : vector<16xf32>
      %get3A_1640 = arith.index_cast %scan3A_1600 : i32 to index
      %get3A_1641 = arith.constant 32 : index
      %get3A_1642 = tpu.vector_load %arg7[%get3A_1640, %get3A_1641] {strides = array<i32>} : memref<200x64xf32, #tpu.memory_space<vmem>>, vector<1x16xf32>,
      %get3A_1643 = vector.shape_cast %get3A_1642 : vector<1x16xf32> to vector<16xf32>
      %add3A_1644 = arith.addf %mul3A_1639, %get3A_1643 : vector<16xf32>
      %swap3A_1645 = arith.index_cast %scan3A_1600 : i32 to index
      %swap3A_1646 = arith.constant 32 : index
      %swap3A_1647 = tpu.vector_load %arg8[%swap3A_1645, %swap3A_1646] {strides = array<i32>} : memref<200x128xf32, #tpu.memory_space<vmem>>, vector<1x16xf32>,
      %swap3A_1648 = vector.shape_cast %swap3A_1647 : vector<1x16xf32> to vector<16xf32>
      %swap3A_1649 = vector.shape_cast %add3A_1644 : vector<16xf32> to vector<1x16xf32>
      tpu.vector_store %arg8[%swap3A_1645, %swap3A_1646], %swap3A_1649 {strides = array<i32>} : memref<200x128xf32, #tpu.memory_space<vmem>>, vector<1x16xf32>,
      %get3A_1650 = arith.index_cast %scan3A_1600 : i32 to index
      %get3A_1651 = arith.constant 48 : index
      %get3A_1652 = tpu.vector_load %arg8[%get3A_1650, %get3A_1651] {strides = array<i32>} : memref<200x128xf32, #tpu.memory_space<vmem>>, vector<1x16xf32>,
      %get3A_1653 = vector.shape_cast %get3A_1652 : vector<1x16xf32> to vector<16xf32>
      %mul3A_1654 = arith.constant 8.000000e+00 : f32
      %mul3A_1655 = vector.broadcast %mul3A_1654 : f32 to vector<16xf32>
      %mul3A_1656 = arith.mulf %get3A_1653, %mul3A_1655 : vector<16xf32>
      %get3A_1657 = arith.index_cast %scan3A_1600 : i32 to index
      %get3A_1658 = arith.constant 48 : index
      %get3A_1659 = tpu.vector_load %arg7[%get3A_1657, %get3A_1658] {strides = array<i32>} : memref<200x64xf32, #tpu.memory_space<vmem>>, vector<1x16xf32>,
      %get3A_1660 = vector.shape_cast %get3A_1659 : vector<1x16xf32> to vector<16xf32>
      %add3A_1661 = arith.addf %mul3A_1656, %get3A_1660 : vector<16xf32>
      %swap3A_1662 = arith.index_cast %scan3A_1600 : i32 to index
      %swap3A_1663 = arith.constant 48 : index
      %swap3A_1664 = tpu.vector_load %arg8[%swap3A_1662, %swap3A_1663] {strides = array<i32>} : memref<200x128xf32, #tpu.memory_space<vmem>>, vector<1x16xf32>,
      %swap3A_1665 = vector.shape_cast %swap3A_1664 : vector<1x16xf32> to vector<16xf32>
      %swap3A_1666 = vector.shape_cast %add3A_1661 : vector<16xf32> to vector<1x16xf32>
      tpu.vector_store %arg8[%swap3A_1662, %swap3A_1663], %swap3A_1666 {strides = array<i32>} : memref<200x128xf32, #tpu.memory_space<vmem>>, vector<1x16xf32>,
    }
    %scan3A_1053 = arith.constant 200 : i32
    %add3A_1054 = arith.constant 4000 : i32
    %add3A_1055 = arith.addi %mul3A_2, %add3A_1054 : i32
    %dma_start3A_1056 = arith.constant 0 : i32
    %dma_start3A_1057 = tpu.memref_slice %arg5[%add3A_1055, %dma_start3A_1056] : memref<204800x128xf32, #tpu.memory_space<hbm>> -> memref<200x128xf32, #tpu.memory_space<hbm>>
    %dma_start3A_1058 = arith.constant 0 : i32
    %dma_start3A_1059 = tpu.memref_slice %arg5[%add3A_1055, %dma_start3A_1058] : memref<204800x128xf32, #tpu.memory_space<hbm>> -> memref<200x128xf32, #tpu.memory_space<hbm>>
    tpu.enqueue_dma source(%arg8 : memref<200x128xf32, #tpu.memory_space<vmem>>) target(%dma_start3A_1059 : memref<200x128xf32, #tpu.memory_space<hbm>>) target_semaphore(%arg12 : memref<!tpu.dma_semaphore, #tpu.memory_space<semaphore_mem>>)
    %add3A_1060 = arith.constant 4000 : i32
    %add3A_1061 = arith.addi %mul3A_2, %add3A_1060 : i32
    %dma_wait3A_1062 = arith.constant 0 : i32
    %dma_wait3A_1063 = tpu.memref_slice %arg5[%add3A_1061, %dma_wait3A_1062] : memref<204800x128xf32, #tpu.memory_space<hbm>> -> memref<200x128xf32, #tpu.memory_space<hbm>>
    %dma_wait3A_1064 = arith.constant 0 : i32
    %dma_wait3A_1065 = tpu.memref_slice %arg5[%add3A_1061, %dma_wait3A_1064] : memref<204800x128xf32, #tpu.memory_space<hbm>> -> memref<200x128xf32, #tpu.memory_space<hbm>>
    tpu.wait_dma2 semaphore(%arg12 : memref<!tpu.dma_semaphore, #tpu.memory_space<semaphore_mem>>) src(%arg8 : memref<200x128xf32, #tpu.memory_space<vmem>>) dst(%dma_wait3A_1065 : memref<200x128xf32, #tpu.memory_space<hbm>>)
    %dma_start3A_1066 = arith.constant 0 : i32
    %dma_start3A_1067 = arith.constant 0 : i32
    %dma_start3A_1068 = tpu.memref_slice %arg8[%dma_start3A_1066, %dma_start3A_1067] : memref<200x128xf32, #tpu.memory_space<vmem>> -> memref<104x128xf32, #tpu.memory_space<vmem>>
    %dma_start3A_1069 = arith.constant 4400 : i32
    %dma_start3A_1070 = tpu.memref_slice %arg6[%dma_start3A_1069] : memref<6400xi32, #tpu.memory_space<vmem>> -> memref<104xi32, #tpu.memory_space<vmem>>
    %dma_start3A_1071 = arith.constant 0 : i32
    %dma_start3A_1072 = arith.constant 0 : i32
    %dma_start3A_1073 = tpu.memref_slice %arg3[%dma_start3A_1071, %dma_start3A_1072] : memref<1000000x128xf32, #tpu.memory_space<hbm>> -> memref<1000000x128xf32, #tpu.memory_space<hbm>>
    tpu.enqueue_indirect_dma source(%dma_start3A_1073 : memref<1000000x128xf32, #tpu.memory_space<hbm>>) target(%dma_start3A_1068 : memref<104x128xf32, #tpu.memory_space<vmem>>) offsets(%dma_start3A_1070 : memref<104xi32, #tpu.memory_space<vmem>>) semaphore(%arg10 : memref<!tpu.dma_semaphore, #tpu.memory_space<semaphore_mem>>)
    %dma_start3A_1074 = arith.constant 104 : i32
    %dma_start3A_1075 = arith.constant 0 : i32
    %dma_start3A_1076 = tpu.memref_slice %arg8[%dma_start3A_1074, %dma_start3A_1075] : memref<200x128xf32, #tpu.memory_space<vmem>> -> memref<96x128xf32, #tpu.memory_space<vmem>>
    %dma_start3A_1077 = arith.constant 4504 : i32
    %dma_start3A_1078 = tpu.memref_slice %arg6[%dma_start3A_1077] : memref<6400xi32, #tpu.memory_space<vmem>> -> memref<96xi32, #tpu.memory_space<vmem>>
    %dma_start3A_1079 = arith.constant 0 : i32
    %dma_start3A_1080 = arith.constant 0 : i32
    %dma_start3A_1081 = tpu.memref_slice %arg3[%dma_start3A_1079, %dma_start3A_1080] : memref<1000000x128xf32, #tpu.memory_space<hbm>> -> memref<1000000x128xf32, #tpu.memory_space<hbm>>
    tpu.enqueue_indirect_dma source(%dma_start3A_1081 : memref<1000000x128xf32, #tpu.memory_space<hbm>>) target(%dma_start3A_1076 : memref<96x128xf32, #tpu.memory_space<vmem>>) offsets(%dma_start3A_1078 : memref<96xi32, #tpu.memory_space<vmem>>) semaphore(%arg10 : memref<!tpu.dma_semaphore, #tpu.memory_space<semaphore_mem>>)
    %dma_wait3A_1082 = arith.constant 0 : i32
    %dma_wait3A_1083 = arith.constant 0 : i32
    %dma_wait3A_1084 = tpu.memref_slice %arg9[%dma_wait3A_1082, %dma_wait3A_1083] : memref<200x128xf32, #tpu.memory_space<vmem>> -> memref<104x128xf32, #tpu.memory_space<vmem>>
    %dma_wait3A_1085 = arith.constant 4200 : i32
    %dma_wait3A_1086 = tpu.memref_slice %arg6[%dma_wait3A_1085] : memref<6400xi32, #tpu.memory_space<vmem>> -> memref<104xi32, #tpu.memory_space<vmem>>
    %dma_wait3A_1087 = arith.constant 0 : i32
    %dma_wait3A_1088 = arith.constant 0 : i32
    %dma_wait3A_1089 = tpu.memref_slice %arg3[%dma_wait3A_1087, %dma_wait3A_1088] : memref<1000000x128xf32, #tpu.memory_space<hbm>> -> memref<1000000x128xf32, #tpu.memory_space<hbm>>
    tpu.wait_indirect_dma semaphore(%arg11 : memref<!tpu.dma_semaphore, #tpu.memory_space<semaphore_mem>>) src(%dma_wait3A_1089 : memref<1000000x128xf32, #tpu.memory_space<hbm>>) dst(%dma_wait3A_1084 : memref<104x128xf32, #tpu.memory_space<vmem>>)
    %dma_wait3A_1090 = arith.constant 104 : i32
    %dma_wait3A_1091 = arith.constant 0 : i32
    %dma_wait3A_1092 = tpu.memref_slice %arg9[%dma_wait3A_1090, %dma_wait3A_1091] : memref<200x128xf32, #tpu.memory_space<vmem>> -> memref<96x128xf32, #tpu.memory_space<vmem>>
    %dma_wait3A_1093 = arith.constant 4304 : i32
    %dma_wait3A_1094 = tpu.memref_slice %arg6[%dma_wait3A_1093] : memref<6400xi32, #tpu.memory_space<vmem>> -> memref<96xi32, #tpu.memory_space<vmem>>
    %dma_wait3A_1095 = arith.constant 0 : i32
    %dma_wait3A_1096 = arith.constant 0 : i32
    %dma_wait3A_1097 = tpu.memref_slice %arg3[%dma_wait3A_1095, %dma_wait3A_1096] : memref<1000000x128xf32, #tpu.memory_space<hbm>> -> memref<1000000x128xf32, #tpu.memory_space<hbm>>
    tpu.wait_indirect_dma semaphore(%arg11 : memref<!tpu.dma_semaphore, #tpu.memory_space<semaphore_mem>>) src(%dma_wait3A_1097 : memref<1000000x128xf32, #tpu.memory_space<hbm>>) dst(%dma_wait3A_1092 : memref<96x128xf32, #tpu.memory_space<vmem>>)
    %scan3A_1098 = arith.constant 0 : i32
    %scan3A_1099 = arith.constant 0 : i32
    %scan3A_1100 = arith.constant 200 : i32
    %scan3A_1101 = arith.addi %scan3A_1099, %scan3A_1100 : i32
    %scan3A_1102 = arith.constant 1 : i32
    scf.for %scan3A_1600 = %scan3A_1099 to %scan3A_1101 step %scan3A_1102  : i32 {
      %get3A = arith.index_cast %scan3A_1600 : i32 to index
      %get3A_1601 = arith.constant 0 : index
      %get3A_1602 = tpu.vector_load %arg9[%get3A, %get3A_1601] {strides = array<i32>} : memref<200x128xf32, #tpu.memory_space<vmem>>, vector<1x16xf32>,
      %get3A_1603 = vector.shape_cast %get3A_1602 : vector<1x16xf32> to vector<16xf32>
      %mul3A_1604 = arith.constant 8.000000e+00 : f32
      %mul3A_1605 = vector.broadcast %mul3A_1604 : f32 to vector<16xf32>
      %mul3A_1606 = arith.mulf %get3A_1603, %mul3A_1605 : vector<16xf32>
      %get3A_1607 = arith.index_cast %scan3A_1600 : i32 to index
      %get3A_1608 = arith.constant 0 : index
      %get3A_1609 = tpu.vector_load %arg7[%get3A_1607, %get3A_1608] {strides = array<i32>} : memref<200x64xf32, #tpu.memory_space<vmem>>, vector<1x16xf32>,
      %get3A_1610 = vector.shape_cast %get3A_1609 : vector<1x16xf32> to vector<16xf32>
      %add3A_1611 = arith.addf %mul3A_1606, %get3A_1610 : vector<16xf32>
      %swap3A = arith.index_cast %scan3A_1600 : i32 to index
      %swap3A_1612 = arith.constant 0 : index
      %swap3A_1613 = tpu.vector_load %arg9[%swap3A, %swap3A_1612] {strides = array<i32>} : memref<200x128xf32, #tpu.memory_space<vmem>>, vector<1x16xf32>,
      %swap3A_1614 = vector.shape_cast %swap3A_1613 : vector<1x16xf32> to vector<16xf32>
      %swap3A_1615 = vector.shape_cast %add3A_1611 : vector<16xf32> to vector<1x16xf32>
      tpu.vector_store %arg9[%swap3A, %swap3A_1612], %swap3A_1615 {strides = array<i32>} : memref<200x128xf32, #tpu.memory_space<vmem>>, vector<1x16xf32>,
      %get3A_1616 = arith.index_cast %scan3A_1600 : i32 to index
      %get3A_1617 = arith.constant 16 : index
      %get3A_1618 = tpu.vector_load %arg9[%get3A_1616, %get3A_1617] {strides = array<i32>} : memref<200x128xf32, #tpu.memory_space<vmem>>, vector<1x16xf32>,
      %get3A_1619 = vector.shape_cast %get3A_1618 : vector<1x16xf32> to vector<16xf32>
      %mul3A_1620 = arith.constant 8.000000e+00 : f32
      %mul3A_1621 = vector.broadcast %mul3A_1620 : f32 to vector<16xf32>
      %mul3A_1622 = arith.mulf %get3A_1619, %mul3A_1621 : vector<16xf32>
      %get3A_1623 = arith.index_cast %scan3A_1600 : i32 to index
      %get3A_1624 = arith.constant 16 : index
      %get3A_1625 = tpu.vector_load %arg7[%get3A_1623, %get3A_1624] {strides = array<i32>} : memref<200x64xf32, #tpu.memory_space<vmem>>, vector<1x16xf32>,
      %get3A_1626 = vector.shape_cast %get3A_1625 : vector<1x16xf32> to vector<16xf32>
      %add3A_1627 = arith.addf %mul3A_1622, %get3A_1626 : vector<16xf32>
      %swap3A_1628 = arith.index_cast %scan3A_1600 : i32 to index
      %swap3A_1629 = arith.constant 16 : index
      %swap3A_1630 = tpu.vector_load %arg9[%swap3A_1628, %swap3A_1629] {strides = array<i32>} : memref<200x128xf32, #tpu.memory_space<vmem>>, vector<1x16xf32>,
      %swap3A_1631 = vector.shape_cast %swap3A_1630 : vector<1x16xf32> to vector<16xf32>
      %swap3A_1632 = vector.shape_cast %add3A_1627 : vector<16xf32> to vector<1x16xf32>
      tpu.vector_store %arg9[%swap3A_1628, %swap3A_1629], %swap3A_1632 {strides = array<i32>} : memref<200x128xf32, #tpu.memory_space<vmem>>, vector<1x16xf32>,
      %get3A_1633 = arith.index_cast %scan3A_1600 : i32 to index
      %get3A_1634 = arith.constant 32 : index
      %get3A_1635 = tpu.vector_load %arg9[%get3A_1633, %get3A_1634] {strides = array<i32>} : memref<200x128xf32, #tpu.memory_space<vmem>>, vector<1x16xf32>,
      %get3A_1636 = vector.shape_cast %get3A_1635 : vector<1x16xf32> to vector<16xf32>
      %mul3A_1637 = arith.constant 8.000000e+00 : f32
      %mul3A_1638 = vector.broadcast %mul3A_1637 : f32 to vector<16xf32>
      %mul3A_1639 = arith.mulf %get3A_1636, %mul3A_1638 : vector<16xf32>
      %get3A_1640 = arith.index_cast %scan3A_1600 : i32 to index
      %get3A_1641 = arith.constant 32 : index
      %get3A_1642 = tpu.vector_load %arg7[%get3A_1640, %get3A_1641] {strides = array<i32>} : memref<200x64xf32, #tpu.memory_space<vmem>>, vector<1x16xf32>,
      %get3A_1643 = vector.shape_cast %get3A_1642 : vector<1x16xf32> to vector<16xf32>
      %add3A_1644 = arith.addf %mul3A_1639, %get3A_1643 : vector<16xf32>
      %swap3A_1645 = arith.index_cast %scan3A_1600 : i32 to index
      %swap3A_1646 = arith.constant 32 : index
      %swap3A_1647 = tpu.vector_load %arg9[%swap3A_1645, %swap3A_1646] {strides = array<i32>} : memref<200x128xf32, #tpu.memory_space<vmem>>, vector<1x16xf32>,
      %swap3A_1648 = vector.shape_cast %swap3A_1647 : vector<1x16xf32> to vector<16xf32>
      %swap3A_1649 = vector.shape_cast %add3A_1644 : vector<16xf32> to vector<1x16xf32>
      tpu.vector_store %arg9[%swap3A_1645, %swap3A_1646], %swap3A_1649 {strides = array<i32>} : memref<200x128xf32, #tpu.memory_space<vmem>>, vector<1x16xf32>,
      %get3A_1650 = arith.index_cast %scan3A_1600 : i32 to index
      %get3A_1651 = arith.constant 48 : index
      %get3A_1652 = tpu.vector_load %arg9[%get3A_1650, %get3A_1651] {strides = array<i32>} : memref<200x128xf32, #tpu.memory_space<vmem>>, vector<1x16xf32>,
      %get3A_1653 = vector.shape_cast %get3A_1652 : vector<1x16xf32> to vector<16xf32>
      %mul3A_1654 = arith.constant 8.000000e+00 : f32
      %mul3A_1655 = vector.broadcast %mul3A_1654 : f32 to vector<16xf32>
      %mul3A_1656 = arith.mulf %get3A_1653, %mul3A_1655 : vector<16xf32>
      %get3A_1657 = arith.index_cast %scan3A_1600 : i32 to index
      %get3A_1658 = arith.constant 48 : index
      %get3A_1659 = tpu.vector_load %arg7[%get3A_1657, %get3A_1658] {strides = array<i32>} : memref<200x64xf32, #tpu.memory_space<vmem>>, vector<1x16xf32>,
      %get3A_1660 = vector.shape_cast %get3A_1659 : vector<1x16xf32> to vector<16xf32>
      %add3A_1661 = arith.addf %mul3A_1656, %get3A_1660 : vector<16xf32>
      %swap3A_1662 = arith.index_cast %scan3A_1600 : i32 to index
      %swap3A_1663 = arith.constant 48 : index
      %swap3A_1664 = tpu.vector_load %arg9[%swap3A_1662, %swap3A_1663] {strides = array<i32>} : memref<200x128xf32, #tpu.memory_space<vmem>>, vector<1x16xf32>,
      %swap3A_1665 = vector.shape_cast %swap3A_1664 : vector<1x16xf32> to vector<16xf32>
      %swap3A_1666 = vector.shape_cast %add3A_1661 : vector<16xf32> to vector<1x16xf32>
      tpu.vector_store %arg9[%swap3A_1662, %swap3A_1663], %swap3A_1666 {strides = array<i32>} : memref<200x128xf32, #tpu.memory_space<vmem>>, vector<1x16xf32>,
    }
    %scan3A_1103 = arith.constant 200 : i32
    %add3A_1104 = arith.constant 4200 : i32
    %add3A_1105 = arith.addi %mul3A_2, %add3A_1104 : i32
    %dma_start3A_1106 = arith.constant 0 : i32
    %dma_start3A_1107 = tpu.memref_slice %arg5[%add3A_1105, %dma_start3A_1106] : memref<204800x128xf32, #tpu.memory_space<hbm>> -> memref<200x128xf32, #tpu.memory_space<hbm>>
    %dma_start3A_1108 = arith.constant 0 : i32
    %dma_start3A_1109 = tpu.memref_slice %arg5[%add3A_1105, %dma_start3A_1108] : memref<204800x128xf32, #tpu.memory_space<hbm>> -> memref<200x128xf32, #tpu.memory_space<hbm>>
    tpu.enqueue_dma source(%arg9 : memref<200x128xf32, #tpu.memory_space<vmem>>) target(%dma_start3A_1109 : memref<200x128xf32, #tpu.memory_space<hbm>>) target_semaphore(%arg13 : memref<!tpu.dma_semaphore, #tpu.memory_space<semaphore_mem>>)
    %add3A_1110 = arith.constant 4200 : i32
    %add3A_1111 = arith.addi %mul3A_2, %add3A_1110 : i32
    %dma_wait3A_1112 = arith.constant 0 : i32
    %dma_wait3A_1113 = tpu.memref_slice %arg5[%add3A_1111, %dma_wait3A_1112] : memref<204800x128xf32, #tpu.memory_space<hbm>> -> memref<200x128xf32, #tpu.memory_space<hbm>>
    %dma_wait3A_1114 = arith.constant 0 : i32
    %dma_wait3A_1115 = tpu.memref_slice %arg5[%add3A_1111, %dma_wait3A_1114] : memref<204800x128xf32, #tpu.memory_space<hbm>> -> memref<200x128xf32, #tpu.memory_space<hbm>>
    tpu.wait_dma2 semaphore(%arg13 : memref<!tpu.dma_semaphore, #tpu.memory_space<semaphore_mem>>) src(%arg9 : memref<200x128xf32, #tpu.memory_space<vmem>>) dst(%dma_wait3A_1115 : memref<200x128xf32, #tpu.memory_space<hbm>>)
    %dma_start3A_1116 = arith.constant 0 : i32
    %dma_start3A_1117 = arith.constant 0 : i32
    %dma_start3A_1118 = tpu.memref_slice %arg9[%dma_start3A_1116, %dma_start3A_1117] : memref<200x128xf32, #tpu.memory_space<vmem>> -> memref<104x128xf32, #tpu.memory_space<vmem>>
    %dma_start3A_1119 = arith.constant 4600 : i32
    %dma_start3A_1120 = tpu.memref_slice %arg6[%dma_start3A_1119] : memref<6400xi32, #tpu.memory_space<vmem>> -> memref<104xi32, #tpu.memory_space<vmem>>
    %dma_start3A_1121 = arith.constant 0 : i32
    %dma_start3A_1122 = arith.constant 0 : i32
    %dma_start3A_1123 = tpu.memref_slice %arg3[%dma_start3A_1121, %dma_start3A_1122] : memref<1000000x128xf32, #tpu.memory_space<hbm>> -> memref<1000000x128xf32, #tpu.memory_space<hbm>>
    tpu.enqueue_indirect_dma source(%dma_start3A_1123 : memref<1000000x128xf32, #tpu.memory_space<hbm>>) target(%dma_start3A_1118 : memref<104x128xf32, #tpu.memory_space<vmem>>) offsets(%dma_start3A_1120 : memref<104xi32, #tpu.memory_space<vmem>>) semaphore(%arg11 : memref<!tpu.dma_semaphore, #tpu.memory_space<semaphore_mem>>)
    %dma_start3A_1124 = arith.constant 104 : i32
    %dma_start3A_1125 = arith.constant 0 : i32
    %dma_start3A_1126 = tpu.memref_slice %arg9[%dma_start3A_1124, %dma_start3A_1125] : memref<200x128xf32, #tpu.memory_space<vmem>> -> memref<96x128xf32, #tpu.memory_space<vmem>>
    %dma_start3A_1127 = arith.constant 4704 : i32
    %dma_start3A_1128 = tpu.memref_slice %arg6[%dma_start3A_1127] : memref<6400xi32, #tpu.memory_space<vmem>> -> memref<96xi32, #tpu.memory_space<vmem>>
    %dma_start3A_1129 = arith.constant 0 : i32
    %dma_start3A_1130 = arith.constant 0 : i32
    %dma_start3A_1131 = tpu.memref_slice %arg3[%dma_start3A_1129, %dma_start3A_1130] : memref<1000000x128xf32, #tpu.memory_space<hbm>> -> memref<1000000x128xf32, #tpu.memory_space<hbm>>
    tpu.enqueue_indirect_dma source(%dma_start3A_1131 : memref<1000000x128xf32, #tpu.memory_space<hbm>>) target(%dma_start3A_1126 : memref<96x128xf32, #tpu.memory_space<vmem>>) offsets(%dma_start3A_1128 : memref<96xi32, #tpu.memory_space<vmem>>) semaphore(%arg11 : memref<!tpu.dma_semaphore, #tpu.memory_space<semaphore_mem>>)
    %dma_wait3A_1132 = arith.constant 0 : i32
    %dma_wait3A_1133 = arith.constant 0 : i32
    %dma_wait3A_1134 = tpu.memref_slice %arg8[%dma_wait3A_1132, %dma_wait3A_1133] : memref<200x128xf32, #tpu.memory_space<vmem>> -> memref<104x128xf32, #tpu.memory_space<vmem>>
    %dma_wait3A_1135 = arith.constant 4400 : i32
    %dma_wait3A_1136 = tpu.memref_slice %arg6[%dma_wait3A_1135] : memref<6400xi32, #tpu.memory_space<vmem>> -> memref<104xi32, #tpu.memory_space<vmem>>
    %dma_wait3A_1137 = arith.constant 0 : i32
    %dma_wait3A_1138 = arith.constant 0 : i32
    %dma_wait3A_1139 = tpu.memref_slice %arg3[%dma_wait3A_1137, %dma_wait3A_1138] : memref<1000000x128xf32, #tpu.memory_space<hbm>> -> memref<1000000x128xf32, #tpu.memory_space<hbm>>
    tpu.wait_indirect_dma semaphore(%arg10 : memref<!tpu.dma_semaphore, #tpu.memory_space<semaphore_mem>>) src(%dma_wait3A_1139 : memref<1000000x128xf32, #tpu.memory_space<hbm>>) dst(%dma_wait3A_1134 : memref<104x128xf32, #tpu.memory_space<vmem>>)
    %dma_wait3A_1140 = arith.constant 104 : i32
    %dma_wait3A_1141 = arith.constant 0 : i32
    %dma_wait3A_1142 = tpu.memref_slice %arg8[%dma_wait3A_1140, %dma_wait3A_1141] : memref<200x128xf32, #tpu.memory_space<vmem>> -> memref<96x128xf32, #tpu.memory_space<vmem>>
    %dma_wait3A_1143 = arith.constant 4504 : i32
    %dma_wait3A_1144 = tpu.memref_slice %arg6[%dma_wait3A_1143] : memref<6400xi32, #tpu.memory_space<vmem>> -> memref<96xi32, #tpu.memory_space<vmem>>
    %dma_wait3A_1145 = arith.constant 0 : i32
    %dma_wait3A_1146 = arith.constant 0 : i32
    %dma_wait3A_1147 = tpu.memref_slice %arg3[%dma_wait3A_1145, %dma_wait3A_1146] : memref<1000000x128xf32, #tpu.memory_space<hbm>> -> memref<1000000x128xf32, #tpu.memory_space<hbm>>
    tpu.wait_indirect_dma semaphore(%arg10 : memref<!tpu.dma_semaphore, #tpu.memory_space<semaphore_mem>>) src(%dma_wait3A_1147 : memref<1000000x128xf32, #tpu.memory_space<hbm>>) dst(%dma_wait3A_1142 : memref<96x128xf32, #tpu.memory_space<vmem>>)
    %scan3A_1148 = arith.constant 0 : i32
    %scan3A_1149 = arith.constant 0 : i32
    %scan3A_1150 = arith.constant 200 : i32
    %scan3A_1151 = arith.addi %scan3A_1149, %scan3A_1150 : i32
    %scan3A_1152 = arith.constant 1 : i32
    scf.for %scan3A_1600 = %scan3A_1149 to %scan3A_1151 step %scan3A_1152  : i32 {
      %get3A = arith.index_cast %scan3A_1600 : i32 to index
      %get3A_1601 = arith.constant 0 : index
      %get3A_1602 = tpu.vector_load %arg8[%get3A, %get3A_1601] {strides = array<i32>} : memref<200x128xf32, #tpu.memory_space<vmem>>, vector<1x16xf32>,
      %get3A_1603 = vector.shape_cast %get3A_1602 : vector<1x16xf32> to vector<16xf32>
      %mul3A_1604 = arith.constant 8.000000e+00 : f32
      %mul3A_1605 = vector.broadcast %mul3A_1604 : f32 to vector<16xf32>
      %mul3A_1606 = arith.mulf %get3A_1603, %mul3A_1605 : vector<16xf32>
      %get3A_1607 = arith.index_cast %scan3A_1600 : i32 to index
      %get3A_1608 = arith.constant 0 : index
      %get3A_1609 = tpu.vector_load %arg7[%get3A_1607, %get3A_1608] {strides = array<i32>} : memref<200x64xf32, #tpu.memory_space<vmem>>, vector<1x16xf32>,
      %get3A_1610 = vector.shape_cast %get3A_1609 : vector<1x16xf32> to vector<16xf32>
      %add3A_1611 = arith.addf %mul3A_1606, %get3A_1610 : vector<16xf32>
      %swap3A = arith.index_cast %scan3A_1600 : i32 to index
      %swap3A_1612 = arith.constant 0 : index
      %swap3A_1613 = tpu.vector_load %arg8[%swap3A, %swap3A_1612] {strides = array<i32>} : memref<200x128xf32, #tpu.memory_space<vmem>>, vector<1x16xf32>,
      %swap3A_1614 = vector.shape_cast %swap3A_1613 : vector<1x16xf32> to vector<16xf32>
      %swap3A_1615 = vector.shape_cast %add3A_1611 : vector<16xf32> to vector<1x16xf32>
      tpu.vector_store %arg8[%swap3A, %swap3A_1612], %swap3A_1615 {strides = array<i32>} : memref<200x128xf32, #tpu.memory_space<vmem>>, vector<1x16xf32>,
      %get3A_1616 = arith.index_cast %scan3A_1600 : i32 to index
      %get3A_1617 = arith.constant 16 : index
      %get3A_1618 = tpu.vector_load %arg8[%get3A_1616, %get3A_1617] {strides = array<i32>} : memref<200x128xf32, #tpu.memory_space<vmem>>, vector<1x16xf32>,
      %get3A_1619 = vector.shape_cast %get3A_1618 : vector<1x16xf32> to vector<16xf32>
      %mul3A_1620 = arith.constant 8.000000e+00 : f32
      %mul3A_1621 = vector.broadcast %mul3A_1620 : f32 to vector<16xf32>
      %mul3A_1622 = arith.mulf %get3A_1619, %mul3A_1621 : vector<16xf32>
      %get3A_1623 = arith.index_cast %scan3A_1600 : i32 to index
      %get3A_1624 = arith.constant 16 : index
      %get3A_1625 = tpu.vector_load %arg7[%get3A_1623, %get3A_1624] {strides = array<i32>} : memref<200x64xf32, #tpu.memory_space<vmem>>, vector<1x16xf32>,
      %get3A_1626 = vector.shape_cast %get3A_1625 : vector<1x16xf32> to vector<16xf32>
      %add3A_1627 = arith.addf %mul3A_1622, %get3A_1626 : vector<16xf32>
      %swap3A_1628 = arith.index_cast %scan3A_1600 : i32 to index
      %swap3A_1629 = arith.constant 16 : index
      %swap3A_1630 = tpu.vector_load %arg8[%swap3A_1628, %swap3A_1629] {strides = array<i32>} : memref<200x128xf32, #tpu.memory_space<vmem>>, vector<1x16xf32>,
      %swap3A_1631 = vector.shape_cast %swap3A_1630 : vector<1x16xf32> to vector<16xf32>
      %swap3A_1632 = vector.shape_cast %add3A_1627 : vector<16xf32> to vector<1x16xf32>
      tpu.vector_store %arg8[%swap3A_1628, %swap3A_1629], %swap3A_1632 {strides = array<i32>} : memref<200x128xf32, #tpu.memory_space<vmem>>, vector<1x16xf32>,
      %get3A_1633 = arith.index_cast %scan3A_1600 : i32 to index
      %get3A_1634 = arith.constant 32 : index
      %get3A_1635 = tpu.vector_load %arg8[%get3A_1633, %get3A_1634] {strides = array<i32>} : memref<200x128xf32, #tpu.memory_space<vmem>>, vector<1x16xf32>,
      %get3A_1636 = vector.shape_cast %get3A_1635 : vector<1x16xf32> to vector<16xf32>
      %mul3A_1637 = arith.constant 8.000000e+00 : f32
      %mul3A_1638 = vector.broadcast %mul3A_1637 : f32 to vector<16xf32>
      %mul3A_1639 = arith.mulf %get3A_1636, %mul3A_1638 : vector<16xf32>
      %get3A_1640 = arith.index_cast %scan3A_1600 : i32 to index
      %get3A_1641 = arith.constant 32 : index
      %get3A_1642 = tpu.vector_load %arg7[%get3A_1640, %get3A_1641] {strides = array<i32>} : memref<200x64xf32, #tpu.memory_space<vmem>>, vector<1x16xf32>,
      %get3A_1643 = vector.shape_cast %get3A_1642 : vector<1x16xf32> to vector<16xf32>
      %add3A_1644 = arith.addf %mul3A_1639, %get3A_1643 : vector<16xf32>
      %swap3A_1645 = arith.index_cast %scan3A_1600 : i32 to index
      %swap3A_1646 = arith.constant 32 : index
      %swap3A_1647 = tpu.vector_load %arg8[%swap3A_1645, %swap3A_1646] {strides = array<i32>} : memref<200x128xf32, #tpu.memory_space<vmem>>, vector<1x16xf32>,
      %swap3A_1648 = vector.shape_cast %swap3A_1647 : vector<1x16xf32> to vector<16xf32>
      %swap3A_1649 = vector.shape_cast %add3A_1644 : vector<16xf32> to vector<1x16xf32>
      tpu.vector_store %arg8[%swap3A_1645, %swap3A_1646], %swap3A_1649 {strides = array<i32>} : memref<200x128xf32, #tpu.memory_space<vmem>>, vector<1x16xf32>,
      %get3A_1650 = arith.index_cast %scan3A_1600 : i32 to index
      %get3A_1651 = arith.constant 48 : index
      %get3A_1652 = tpu.vector_load %arg8[%get3A_1650, %get3A_1651] {strides = array<i32>} : memref<200x128xf32, #tpu.memory_space<vmem>>, vector<1x16xf32>,
      %get3A_1653 = vector.shape_cast %get3A_1652 : vector<1x16xf32> to vector<16xf32>
      %mul3A_1654 = arith.constant 8.000000e+00 : f32
      %mul3A_1655 = vector.broadcast %mul3A_1654 : f32 to vector<16xf32>
      %mul3A_1656 = arith.mulf %get3A_1653, %mul3A_1655 : vector<16xf32>
      %get3A_1657 = arith.index_cast %scan3A_1600 : i32 to index
      %get3A_1658 = arith.constant 48 : index
      %get3A_1659 = tpu.vector_load %arg7[%get3A_1657, %get3A_1658] {strides = array<i32>} : memref<200x64xf32, #tpu.memory_space<vmem>>, vector<1x16xf32>,
      %get3A_1660 = vector.shape_cast %get3A_1659 : vector<1x16xf32> to vector<16xf32>
      %add3A_1661 = arith.addf %mul3A_1656, %get3A_1660 : vector<16xf32>
      %swap3A_1662 = arith.index_cast %scan3A_1600 : i32 to index
      %swap3A_1663 = arith.constant 48 : index
      %swap3A_1664 = tpu.vector_load %arg8[%swap3A_1662, %swap3A_1663] {strides = array<i32>} : memref<200x128xf32, #tpu.memory_space<vmem>>, vector<1x16xf32>,
      %swap3A_1665 = vector.shape_cast %swap3A_1664 : vector<1x16xf32> to vector<16xf32>
      %swap3A_1666 = vector.shape_cast %add3A_1661 : vector<16xf32> to vector<1x16xf32>
      tpu.vector_store %arg8[%swap3A_1662, %swap3A_1663], %swap3A_1666 {strides = array<i32>} : memref<200x128xf32, #tpu.memory_space<vmem>>, vector<1x16xf32>,
    }
    %scan3A_1153 = arith.constant 200 : i32
    %add3A_1154 = arith.constant 4400 : i32
    %add3A_1155 = arith.addi %mul3A_2, %add3A_1154 : i32
    %dma_start3A_1156 = arith.constant 0 : i32
    %dma_start3A_1157 = tpu.memref_slice %arg5[%add3A_1155, %dma_start3A_1156] : memref<204800x128xf32, #tpu.memory_space<hbm>> -> memref<200x128xf32, #tpu.memory_space<hbm>>
    %dma_start3A_1158 = arith.constant 0 : i32
    %dma_start3A_1159 = tpu.memref_slice %arg5[%add3A_1155, %dma_start3A_1158] : memref<204800x128xf32, #tpu.memory_space<hbm>> -> memref<200x128xf32, #tpu.memory_space<hbm>>
    tpu.enqueue_dma source(%arg8 : memref<200x128xf32, #tpu.memory_space<vmem>>) target(%dma_start3A_1159 : memref<200x128xf32, #tpu.memory_space<hbm>>) target_semaphore(%arg12 : memref<!tpu.dma_semaphore, #tpu.memory_space<semaphore_mem>>)
    %add3A_1160 = arith.constant 4400 : i32
    %add3A_1161 = arith.addi %mul3A_2, %add3A_1160 : i32
    %dma_wait3A_1162 = arith.constant 0 : i32
    %dma_wait3A_1163 = tpu.memref_slice %arg5[%add3A_1161, %dma_wait3A_1162] : memref<204800x128xf32, #tpu.memory_space<hbm>> -> memref<200x128xf32, #tpu.memory_space<hbm>>
    %dma_wait3A_1164 = arith.constant 0 : i32
    %dma_wait3A_1165 = tpu.memref_slice %arg5[%add3A_1161, %dma_wait3A_1164] : memref<204800x128xf32, #tpu.memory_space<hbm>> -> memref<200x128xf32, #tpu.memory_space<hbm>>
    tpu.wait_dma2 semaphore(%arg12 : memref<!tpu.dma_semaphore, #tpu.memory_space<semaphore_mem>>) src(%arg8 : memref<200x128xf32, #tpu.memory_space<vmem>>) dst(%dma_wait3A_1165 : memref<200x128xf32, #tpu.memory_space<hbm>>)
    %dma_start3A_1166 = arith.constant 0 : i32
    %dma_start3A_1167 = arith.constant 0 : i32
    %dma_start3A_1168 = tpu.memref_slice %arg8[%dma_start3A_1166, %dma_start3A_1167] : memref<200x128xf32, #tpu.memory_space<vmem>> -> memref<104x128xf32, #tpu.memory_space<vmem>>
    %dma_start3A_1169 = arith.constant 4800 : i32
    %dma_start3A_1170 = tpu.memref_slice %arg6[%dma_start3A_1169] : memref<6400xi32, #tpu.memory_space<vmem>> -> memref<104xi32, #tpu.memory_space<vmem>>
    %dma_start3A_1171 = arith.constant 0 : i32
    %dma_start3A_1172 = arith.constant 0 : i32
    %dma_start3A_1173 = tpu.memref_slice %arg3[%dma_start3A_1171, %dma_start3A_1172] : memref<1000000x128xf32, #tpu.memory_space<hbm>> -> memref<1000000x128xf32, #tpu.memory_space<hbm>>
    tpu.enqueue_indirect_dma source(%dma_start3A_1173 : memref<1000000x128xf32, #tpu.memory_space<hbm>>) target(%dma_start3A_1168 : memref<104x128xf32, #tpu.memory_space<vmem>>) offsets(%dma_start3A_1170 : memref<104xi32, #tpu.memory_space<vmem>>) semaphore(%arg10 : memref<!tpu.dma_semaphore, #tpu.memory_space<semaphore_mem>>)
    %dma_start3A_1174 = arith.constant 104 : i32
    %dma_start3A_1175 = arith.constant 0 : i32
    %dma_start3A_1176 = tpu.memref_slice %arg8[%dma_start3A_1174, %dma_start3A_1175] : memref<200x128xf32, #tpu.memory_space<vmem>> -> memref<96x128xf32, #tpu.memory_space<vmem>>
    %dma_start3A_1177 = arith.constant 4904 : i32
    %dma_start3A_1178 = tpu.memref_slice %arg6[%dma_start3A_1177] : memref<6400xi32, #tpu.memory_space<vmem>> -> memref<96xi32, #tpu.memory_space<vmem>>
    %dma_start3A_1179 = arith.constant 0 : i32
    %dma_start3A_1180 = arith.constant 0 : i32
    %dma_start3A_1181 = tpu.memref_slice %arg3[%dma_start3A_1179, %dma_start3A_1180] : memref<1000000x128xf32, #tpu.memory_space<hbm>> -> memref<1000000x128xf32, #tpu.memory_space<hbm>>
    tpu.enqueue_indirect_dma source(%dma_start3A_1181 : memref<1000000x128xf32, #tpu.memory_space<hbm>>) target(%dma_start3A_1176 : memref<96x128xf32, #tpu.memory_space<vmem>>) offsets(%dma_start3A_1178 : memref<96xi32, #tpu.memory_space<vmem>>) semaphore(%arg10 : memref<!tpu.dma_semaphore, #tpu.memory_space<semaphore_mem>>)
    %dma_wait3A_1182 = arith.constant 0 : i32
    %dma_wait3A_1183 = arith.constant 0 : i32
    %dma_wait3A_1184 = tpu.memref_slice %arg9[%dma_wait3A_1182, %dma_wait3A_1183] : memref<200x128xf32, #tpu.memory_space<vmem>> -> memref<104x128xf32, #tpu.memory_space<vmem>>
    %dma_wait3A_1185 = arith.constant 4600 : i32
    %dma_wait3A_1186 = tpu.memref_slice %arg6[%dma_wait3A_1185] : memref<6400xi32, #tpu.memory_space<vmem>> -> memref<104xi32, #tpu.memory_space<vmem>>
    %dma_wait3A_1187 = arith.constant 0 : i32
    %dma_wait3A_1188 = arith.constant 0 : i32
    %dma_wait3A_1189 = tpu.memref_slice %arg3[%dma_wait3A_1187, %dma_wait3A_1188] : memref<1000000x128xf32, #tpu.memory_space<hbm>> -> memref<1000000x128xf32, #tpu.memory_space<hbm>>
    tpu.wait_indirect_dma semaphore(%arg11 : memref<!tpu.dma_semaphore, #tpu.memory_space<semaphore_mem>>) src(%dma_wait3A_1189 : memref<1000000x128xf32, #tpu.memory_space<hbm>>) dst(%dma_wait3A_1184 : memref<104x128xf32, #tpu.memory_space<vmem>>)
    %dma_wait3A_1190 = arith.constant 104 : i32
    %dma_wait3A_1191 = arith.constant 0 : i32
    %dma_wait3A_1192 = tpu.memref_slice %arg9[%dma_wait3A_1190, %dma_wait3A_1191] : memref<200x128xf32, #tpu.memory_space<vmem>> -> memref<96x128xf32, #tpu.memory_space<vmem>>
    %dma_wait3A_1193 = arith.constant 4704 : i32
    %dma_wait3A_1194 = tpu.memref_slice %arg6[%dma_wait3A_1193] : memref<6400xi32, #tpu.memory_space<vmem>> -> memref<96xi32, #tpu.memory_space<vmem>>
    %dma_wait3A_1195 = arith.constant 0 : i32
    %dma_wait3A_1196 = arith.constant 0 : i32
    %dma_wait3A_1197 = tpu.memref_slice %arg3[%dma_wait3A_1195, %dma_wait3A_1196] : memref<1000000x128xf32, #tpu.memory_space<hbm>> -> memref<1000000x128xf32, #tpu.memory_space<hbm>>
    tpu.wait_indirect_dma semaphore(%arg11 : memref<!tpu.dma_semaphore, #tpu.memory_space<semaphore_mem>>) src(%dma_wait3A_1197 : memref<1000000x128xf32, #tpu.memory_space<hbm>>) dst(%dma_wait3A_1192 : memref<96x128xf32, #tpu.memory_space<vmem>>)
    %scan3A_1198 = arith.constant 0 : i32
    %scan3A_1199 = arith.constant 0 : i32
    %scan3A_1200 = arith.constant 200 : i32
    %scan3A_1201 = arith.addi %scan3A_1199, %scan3A_1200 : i32
    %scan3A_1202 = arith.constant 1 : i32
    scf.for %scan3A_1600 = %scan3A_1199 to %scan3A_1201 step %scan3A_1202  : i32 {
      %get3A = arith.index_cast %scan3A_1600 : i32 to index
      %get3A_1601 = arith.constant 0 : index
      %get3A_1602 = tpu.vector_load %arg9[%get3A, %get3A_1601] {strides = array<i32>} : memref<200x128xf32, #tpu.memory_space<vmem>>, vector<1x16xf32>,
      %get3A_1603 = vector.shape_cast %get3A_1602 : vector<1x16xf32> to vector<16xf32>
      %mul3A_1604 = arith.constant 8.000000e+00 : f32
      %mul3A_1605 = vector.broadcast %mul3A_1604 : f32 to vector<16xf32>
      %mul3A_1606 = arith.mulf %get3A_1603, %mul3A_1605 : vector<16xf32>
      %get3A_1607 = arith.index_cast %scan3A_1600 : i32 to index
      %get3A_1608 = arith.constant 0 : index
      %get3A_1609 = tpu.vector_load %arg7[%get3A_1607, %get3A_1608] {strides = array<i32>} : memref<200x64xf32, #tpu.memory_space<vmem>>, vector<1x16xf32>,
      %get3A_1610 = vector.shape_cast %get3A_1609 : vector<1x16xf32> to vector<16xf32>
      %add3A_1611 = arith.addf %mul3A_1606, %get3A_1610 : vector<16xf32>
      %swap3A = arith.index_cast %scan3A_1600 : i32 to index
      %swap3A_1612 = arith.constant 0 : index
      %swap3A_1613 = tpu.vector_load %arg9[%swap3A, %swap3A_1612] {strides = array<i32>} : memref<200x128xf32, #tpu.memory_space<vmem>>, vector<1x16xf32>,
      %swap3A_1614 = vector.shape_cast %swap3A_1613 : vector<1x16xf32> to vector<16xf32>
      %swap3A_1615 = vector.shape_cast %add3A_1611 : vector<16xf32> to vector<1x16xf32>
      tpu.vector_store %arg9[%swap3A, %swap3A_1612], %swap3A_1615 {strides = array<i32>} : memref<200x128xf32, #tpu.memory_space<vmem>>, vector<1x16xf32>,
      %get3A_1616 = arith.index_cast %scan3A_1600 : i32 to index
      %get3A_1617 = arith.constant 16 : index
      %get3A_1618 = tpu.vector_load %arg9[%get3A_1616, %get3A_1617] {strides = array<i32>} : memref<200x128xf32, #tpu.memory_space<vmem>>, vector<1x16xf32>,
      %get3A_1619 = vector.shape_cast %get3A_1618 : vector<1x16xf32> to vector<16xf32>
      %mul3A_1620 = arith.constant 8.000000e+00 : f32
      %mul3A_1621 = vector.broadcast %mul3A_1620 : f32 to vector<16xf32>
      %mul3A_1622 = arith.mulf %get3A_1619, %mul3A_1621 : vector<16xf32>
      %get3A_1623 = arith.index_cast %scan3A_1600 : i32 to index
      %get3A_1624 = arith.constant 16 : index
      %get3A_1625 = tpu.vector_load %arg7[%get3A_1623, %get3A_1624] {strides = array<i32>} : memref<200x64xf32, #tpu.memory_space<vmem>>, vector<1x16xf32>,
      %get3A_1626 = vector.shape_cast %get3A_1625 : vector<1x16xf32> to vector<16xf32>
      %add3A_1627 = arith.addf %mul3A_1622, %get3A_1626 : vector<16xf32>
      %swap3A_1628 = arith.index_cast %scan3A_1600 : i32 to index
      %swap3A_1629 = arith.constant 16 : index
      %swap3A_1630 = tpu.vector_load %arg9[%swap3A_1628, %swap3A_1629] {strides = array<i32>} : memref<200x128xf32, #tpu.memory_space<vmem>>, vector<1x16xf32>,
      %swap3A_1631 = vector.shape_cast %swap3A_1630 : vector<1x16xf32> to vector<16xf32>
      %swap3A_1632 = vector.shape_cast %add3A_1627 : vector<16xf32> to vector<1x16xf32>
      tpu.vector_store %arg9[%swap3A_1628, %swap3A_1629], %swap3A_1632 {strides = array<i32>} : memref<200x128xf32, #tpu.memory_space<vmem>>, vector<1x16xf32>,
      %get3A_1633 = arith.index_cast %scan3A_1600 : i32 to index
      %get3A_1634 = arith.constant 32 : index
      %get3A_1635 = tpu.vector_load %arg9[%get3A_1633, %get3A_1634] {strides = array<i32>} : memref<200x128xf32, #tpu.memory_space<vmem>>, vector<1x16xf32>,
      %get3A_1636 = vector.shape_cast %get3A_1635 : vector<1x16xf32> to vector<16xf32>
      %mul3A_1637 = arith.constant 8.000000e+00 : f32
      %mul3A_1638 = vector.broadcast %mul3A_1637 : f32 to vector<16xf32>
      %mul3A_1639 = arith.mulf %get3A_1636, %mul3A_1638 : vector<16xf32>
      %get3A_1640 = arith.index_cast %scan3A_1600 : i32 to index
      %get3A_1641 = arith.constant 32 : index
      %get3A_1642 = tpu.vector_load %arg7[%get3A_1640, %get3A_1641] {strides = array<i32>} : memref<200x64xf32, #tpu.memory_space<vmem>>, vector<1x16xf32>,
      %get3A_1643 = vector.shape_cast %get3A_1642 : vector<1x16xf32> to vector<16xf32>
      %add3A_1644 = arith.addf %mul3A_1639, %get3A_1643 : vector<16xf32>
      %swap3A_1645 = arith.index_cast %scan3A_1600 : i32 to index
      %swap3A_1646 = arith.constant 32 : index
      %swap3A_1647 = tpu.vector_load %arg9[%swap3A_1645, %swap3A_1646] {strides = array<i32>} : memref<200x128xf32, #tpu.memory_space<vmem>>, vector<1x16xf32>,
      %swap3A_1648 = vector.shape_cast %swap3A_1647 : vector<1x16xf32> to vector<16xf32>
      %swap3A_1649 = vector.shape_cast %add3A_1644 : vector<16xf32> to vector<1x16xf32>
      tpu.vector_store %arg9[%swap3A_1645, %swap3A_1646], %swap3A_1649 {strides = array<i32>} : memref<200x128xf32, #tpu.memory_space<vmem>>, vector<1x16xf32>,
      %get3A_1650 = arith.index_cast %scan3A_1600 : i32 to index
      %get3A_1651 = arith.constant 48 : index
      %get3A_1652 = tpu.vector_load %arg9[%get3A_1650, %get3A_1651] {strides = array<i32>} : memref<200x128xf32, #tpu.memory_space<vmem>>, vector<1x16xf32>,
      %get3A_1653 = vector.shape_cast %get3A_1652 : vector<1x16xf32> to vector<16xf32>
      %mul3A_1654 = arith.constant 8.000000e+00 : f32
      %mul3A_1655 = vector.broadcast %mul3A_1654 : f32 to vector<16xf32>
      %mul3A_1656 = arith.mulf %get3A_1653, %mul3A_1655 : vector<16xf32>
      %get3A_1657 = arith.index_cast %scan3A_1600 : i32 to index
      %get3A_1658 = arith.constant 48 : index
      %get3A_1659 = tpu.vector_load %arg7[%get3A_1657, %get3A_1658] {strides = array<i32>} : memref<200x64xf32, #tpu.memory_space<vmem>>, vector<1x16xf32>,
      %get3A_1660 = vector.shape_cast %get3A_1659 : vector<1x16xf32> to vector<16xf32>
      %add3A_1661 = arith.addf %mul3A_1656, %get3A_1660 : vector<16xf32>
      %swap3A_1662 = arith.index_cast %scan3A_1600 : i32 to index
      %swap3A_1663 = arith.constant 48 : index
      %swap3A_1664 = tpu.vector_load %arg9[%swap3A_1662, %swap3A_1663] {strides = array<i32>} : memref<200x128xf32, #tpu.memory_space<vmem>>, vector<1x16xf32>,
      %swap3A_1665 = vector.shape_cast %swap3A_1664 : vector<1x16xf32> to vector<16xf32>
      %swap3A_1666 = vector.shape_cast %add3A_1661 : vector<16xf32> to vector<1x16xf32>
      tpu.vector_store %arg9[%swap3A_1662, %swap3A_1663], %swap3A_1666 {strides = array<i32>} : memref<200x128xf32, #tpu.memory_space<vmem>>, vector<1x16xf32>,
    }
    %scan3A_1203 = arith.constant 200 : i32
    %add3A_1204 = arith.constant 4600 : i32
    %add3A_1205 = arith.addi %mul3A_2, %add3A_1204 : i32
    %dma_start3A_1206 = arith.constant 0 : i32
    %dma_start3A_1207 = tpu.memref_slice %arg5[%add3A_1205, %dma_start3A_1206] : memref<204800x128xf32, #tpu.memory_space<hbm>> -> memref<200x128xf32, #tpu.memory_space<hbm>>
    %dma_start3A_1208 = arith.constant 0 : i32
    %dma_start3A_1209 = tpu.memref_slice %arg5[%add3A_1205, %dma_start3A_1208] : memref<204800x128xf32, #tpu.memory_space<hbm>> -> memref<200x128xf32, #tpu.memory_space<hbm>>
    tpu.enqueue_dma source(%arg9 : memref<200x128xf32, #tpu.memory_space<vmem>>) target(%dma_start3A_1209 : memref<200x128xf32, #tpu.memory_space<hbm>>) target_semaphore(%arg13 : memref<!tpu.dma_semaphore, #tpu.memory_space<semaphore_mem>>)
    %add3A_1210 = arith.constant 4600 : i32
    %add3A_1211 = arith.addi %mul3A_2, %add3A_1210 : i32
    %dma_wait3A_1212 = arith.constant 0 : i32
    %dma_wait3A_1213 = tpu.memref_slice %arg5[%add3A_1211, %dma_wait3A_1212] : memref<204800x128xf32, #tpu.memory_space<hbm>> -> memref<200x128xf32, #tpu.memory_space<hbm>>
    %dma_wait3A_1214 = arith.constant 0 : i32
    %dma_wait3A_1215 = tpu.memref_slice %arg5[%add3A_1211, %dma_wait3A_1214] : memref<204800x128xf32, #tpu.memory_space<hbm>> -> memref<200x128xf32, #tpu.memory_space<hbm>>
    tpu.wait_dma2 semaphore(%arg13 : memref<!tpu.dma_semaphore, #tpu.memory_space<semaphore_mem>>) src(%arg9 : memref<200x128xf32, #tpu.memory_space<vmem>>) dst(%dma_wait3A_1215 : memref<200x128xf32, #tpu.memory_space<hbm>>)
    %dma_start3A_1216 = arith.constant 0 : i32
    %dma_start3A_1217 = arith.constant 0 : i32
    %dma_start3A_1218 = tpu.memref_slice %arg9[%dma_start3A_1216, %dma_start3A_1217] : memref<200x128xf32, #tpu.memory_space<vmem>> -> memref<104x128xf32, #tpu.memory_space<vmem>>
    %dma_start3A_1219 = arith.constant 5000 : i32
    %dma_start3A_1220 = tpu.memref_slice %arg6[%dma_start3A_1219] : memref<6400xi32, #tpu.memory_space<vmem>> -> memref<104xi32, #tpu.memory_space<vmem>>
    %dma_start3A_1221 = arith.constant 0 : i32
    %dma_start3A_1222 = arith.constant 0 : i32
    %dma_start3A_1223 = tpu.memref_slice %arg3[%dma_start3A_1221, %dma_start3A_1222] : memref<1000000x128xf32, #tpu.memory_space<hbm>> -> memref<1000000x128xf32, #tpu.memory_space<hbm>>
    tpu.enqueue_indirect_dma source(%dma_start3A_1223 : memref<1000000x128xf32, #tpu.memory_space<hbm>>) target(%dma_start3A_1218 : memref<104x128xf32, #tpu.memory_space<vmem>>) offsets(%dma_start3A_1220 : memref<104xi32, #tpu.memory_space<vmem>>) semaphore(%arg11 : memref<!tpu.dma_semaphore, #tpu.memory_space<semaphore_mem>>)
    %dma_start3A_1224 = arith.constant 104 : i32
    %dma_start3A_1225 = arith.constant 0 : i32
    %dma_start3A_1226 = tpu.memref_slice %arg9[%dma_start3A_1224, %dma_start3A_1225] : memref<200x128xf32, #tpu.memory_space<vmem>> -> memref<96x128xf32, #tpu.memory_space<vmem>>
    %dma_start3A_1227 = arith.constant 5104 : i32
    %dma_start3A_1228 = tpu.memref_slice %arg6[%dma_start3A_1227] : memref<6400xi32, #tpu.memory_space<vmem>> -> memref<96xi32, #tpu.memory_space<vmem>>
    %dma_start3A_1229 = arith.constant 0 : i32
    %dma_start3A_1230 = arith.constant 0 : i32
    %dma_start3A_1231 = tpu.memref_slice %arg3[%dma_start3A_1229, %dma_start3A_1230] : memref<1000000x128xf32, #tpu.memory_space<hbm>> -> memref<1000000x128xf32, #tpu.memory_space<hbm>>
    tpu.enqueue_indirect_dma source(%dma_start3A_1231 : memref<1000000x128xf32, #tpu.memory_space<hbm>>) target(%dma_start3A_1226 : memref<96x128xf32, #tpu.memory_space<vmem>>) offsets(%dma_start3A_1228 : memref<96xi32, #tpu.memory_space<vmem>>) semaphore(%arg11 : memref<!tpu.dma_semaphore, #tpu.memory_space<semaphore_mem>>)
    %dma_wait3A_1232 = arith.constant 0 : i32
    %dma_wait3A_1233 = arith.constant 0 : i32
    %dma_wait3A_1234 = tpu.memref_slice %arg8[%dma_wait3A_1232, %dma_wait3A_1233] : memref<200x128xf32, #tpu.memory_space<vmem>> -> memref<104x128xf32, #tpu.memory_space<vmem>>
    %dma_wait3A_1235 = arith.constant 4800 : i32
    %dma_wait3A_1236 = tpu.memref_slice %arg6[%dma_wait3A_1235] : memref<6400xi32, #tpu.memory_space<vmem>> -> memref<104xi32, #tpu.memory_space<vmem>>
    %dma_wait3A_1237 = arith.constant 0 : i32
    %dma_wait3A_1238 = arith.constant 0 : i32
    %dma_wait3A_1239 = tpu.memref_slice %arg3[%dma_wait3A_1237, %dma_wait3A_1238] : memref<1000000x128xf32, #tpu.memory_space<hbm>> -> memref<1000000x128xf32, #tpu.memory_space<hbm>>
    tpu.wait_indirect_dma semaphore(%arg10 : memref<!tpu.dma_semaphore, #tpu.memory_space<semaphore_mem>>) src(%dma_wait3A_1239 : memref<1000000x128xf32, #tpu.memory_space<hbm>>) dst(%dma_wait3A_1234 : memref<104x128xf32, #tpu.memory_space<vmem>>)
    %dma_wait3A_1240 = arith.constant 104 : i32
    %dma_wait3A_1241 = arith.constant 0 : i32
    %dma_wait3A_1242 = tpu.memref_slice %arg8[%dma_wait3A_1240, %dma_wait3A_1241] : memref<200x128xf32, #tpu.memory_space<vmem>> -> memref<96x128xf32, #tpu.memory_space<vmem>>
    %dma_wait3A_1243 = arith.constant 4904 : i32
    %dma_wait3A_1244 = tpu.memref_slice %arg6[%dma_wait3A_1243] : memref<6400xi32, #tpu.memory_space<vmem>> -> memref<96xi32, #tpu.memory_space<vmem>>
    %dma_wait3A_1245 = arith.constant 0 : i32
    %dma_wait3A_1246 = arith.constant 0 : i32
    %dma_wait3A_1247 = tpu.memref_slice %arg3[%dma_wait3A_1245, %dma_wait3A_1246] : memref<1000000x128xf32, #tpu.memory_space<hbm>> -> memref<1000000x128xf32, #tpu.memory_space<hbm>>
    tpu.wait_indirect_dma semaphore(%arg10 : memref<!tpu.dma_semaphore, #tpu.memory_space<semaphore_mem>>) src(%dma_wait3A_1247 : memref<1000000x128xf32, #tpu.memory_space<hbm>>) dst(%dma_wait3A_1242 : memref<96x128xf32, #tpu.memory_space<vmem>>)
    %scan3A_1248 = arith.constant 0 : i32
    %scan3A_1249 = arith.constant 0 : i32
    %scan3A_1250 = arith.constant 200 : i32
    %scan3A_1251 = arith.addi %scan3A_1249, %scan3A_1250 : i32
    %scan3A_1252 = arith.constant 1 : i32
    scf.for %scan3A_1600 = %scan3A_1249 to %scan3A_1251 step %scan3A_1252  : i32 {
      %get3A = arith.index_cast %scan3A_1600 : i32 to index
      %get3A_1601 = arith.constant 0 : index
      %get3A_1602 = tpu.vector_load %arg8[%get3A, %get3A_1601] {strides = array<i32>} : memref<200x128xf32, #tpu.memory_space<vmem>>, vector<1x16xf32>,
      %get3A_1603 = vector.shape_cast %get3A_1602 : vector<1x16xf32> to vector<16xf32>
      %mul3A_1604 = arith.constant 8.000000e+00 : f32
      %mul3A_1605 = vector.broadcast %mul3A_1604 : f32 to vector<16xf32>
      %mul3A_1606 = arith.mulf %get3A_1603, %mul3A_1605 : vector<16xf32>
      %get3A_1607 = arith.index_cast %scan3A_1600 : i32 to index
      %get3A_1608 = arith.constant 0 : index
      %get3A_1609 = tpu.vector_load %arg7[%get3A_1607, %get3A_1608] {strides = array<i32>} : memref<200x64xf32, #tpu.memory_space<vmem>>, vector<1x16xf32>,
      %get3A_1610 = vector.shape_cast %get3A_1609 : vector<1x16xf32> to vector<16xf32>
      %add3A_1611 = arith.addf %mul3A_1606, %get3A_1610 : vector<16xf32>
      %swap3A = arith.index_cast %scan3A_1600 : i32 to index
      %swap3A_1612 = arith.constant 0 : index
      %swap3A_1613 = tpu.vector_load %arg8[%swap3A, %swap3A_1612] {strides = array<i32>} : memref<200x128xf32, #tpu.memory_space<vmem>>, vector<1x16xf32>,
      %swap3A_1614 = vector.shape_cast %swap3A_1613 : vector<1x16xf32> to vector<16xf32>
      %swap3A_1615 = vector.shape_cast %add3A_1611 : vector<16xf32> to vector<1x16xf32>
      tpu.vector_store %arg8[%swap3A, %swap3A_1612], %swap3A_1615 {strides = array<i32>} : memref<200x128xf32, #tpu.memory_space<vmem>>, vector<1x16xf32>,
      %get3A_1616 = arith.index_cast %scan3A_1600 : i32 to index
      %get3A_1617 = arith.constant 16 : index
      %get3A_1618 = tpu.vector_load %arg8[%get3A_1616, %get3A_1617] {strides = array<i32>} : memref<200x128xf32, #tpu.memory_space<vmem>>, vector<1x16xf32>,
      %get3A_1619 = vector.shape_cast %get3A_1618 : vector<1x16xf32> to vector<16xf32>
      %mul3A_1620 = arith.constant 8.000000e+00 : f32
      %mul3A_1621 = vector.broadcast %mul3A_1620 : f32 to vector<16xf32>
      %mul3A_1622 = arith.mulf %get3A_1619, %mul3A_1621 : vector<16xf32>
      %get3A_1623 = arith.index_cast %scan3A_1600 : i32 to index
      %get3A_1624 = arith.constant 16 : index
      %get3A_1625 = tpu.vector_load %arg7[%get3A_1623, %get3A_1624] {strides = array<i32>} : memref<200x64xf32, #tpu.memory_space<vmem>>, vector<1x16xf32>,
      %get3A_1626 = vector.shape_cast %get3A_1625 : vector<1x16xf32> to vector<16xf32>
      %add3A_1627 = arith.addf %mul3A_1622, %get3A_1626 : vector<16xf32>
      %swap3A_1628 = arith.index_cast %scan3A_1600 : i32 to index
      %swap3A_1629 = arith.constant 16 : index
      %swap3A_1630 = tpu.vector_load %arg8[%swap3A_1628, %swap3A_1629] {strides = array<i32>} : memref<200x128xf32, #tpu.memory_space<vmem>>, vector<1x16xf32>,
      %swap3A_1631 = vector.shape_cast %swap3A_1630 : vector<1x16xf32> to vector<16xf32>
      %swap3A_1632 = vector.shape_cast %add3A_1627 : vector<16xf32> to vector<1x16xf32>
      tpu.vector_store %arg8[%swap3A_1628, %swap3A_1629], %swap3A_1632 {strides = array<i32>} : memref<200x128xf32, #tpu.memory_space<vmem>>, vector<1x16xf32>,
      %get3A_1633 = arith.index_cast %scan3A_1600 : i32 to index
      %get3A_1634 = arith.constant 32 : index
      %get3A_1635 = tpu.vector_load %arg8[%get3A_1633, %get3A_1634] {strides = array<i32>} : memref<200x128xf32, #tpu.memory_space<vmem>>, vector<1x16xf32>,
      %get3A_1636 = vector.shape_cast %get3A_1635 : vector<1x16xf32> to vector<16xf32>
      %mul3A_1637 = arith.constant 8.000000e+00 : f32
      %mul3A_1638 = vector.broadcast %mul3A_1637 : f32 to vector<16xf32>
      %mul3A_1639 = arith.mulf %get3A_1636, %mul3A_1638 : vector<16xf32>
      %get3A_1640 = arith.index_cast %scan3A_1600 : i32 to index
      %get3A_1641 = arith.constant 32 : index
      %get3A_1642 = tpu.vector_load %arg7[%get3A_1640, %get3A_1641] {strides = array<i32>} : memref<200x64xf32, #tpu.memory_space<vmem>>, vector<1x16xf32>,
      %get3A_1643 = vector.shape_cast %get3A_1642 : vector<1x16xf32> to vector<16xf32>
      %add3A_1644 = arith.addf %mul3A_1639, %get3A_1643 : vector<16xf32>
      %swap3A_1645 = arith.index_cast %scan3A_1600 : i32 to index
      %swap3A_1646 = arith.constant 32 : index
      %swap3A_1647 = tpu.vector_load %arg8[%swap3A_1645, %swap3A_1646] {strides = array<i32>} : memref<200x128xf32, #tpu.memory_space<vmem>>, vector<1x16xf32>,
      %swap3A_1648 = vector.shape_cast %swap3A_1647 : vector<1x16xf32> to vector<16xf32>
      %swap3A_1649 = vector.shape_cast %add3A_1644 : vector<16xf32> to vector<1x16xf32>
      tpu.vector_store %arg8[%swap3A_1645, %swap3A_1646], %swap3A_1649 {strides = array<i32>} : memref<200x128xf32, #tpu.memory_space<vmem>>, vector<1x16xf32>,
      %get3A_1650 = arith.index_cast %scan3A_1600 : i32 to index
      %get3A_1651 = arith.constant 48 : index
      %get3A_1652 = tpu.vector_load %arg8[%get3A_1650, %get3A_1651] {strides = array<i32>} : memref<200x128xf32, #tpu.memory_space<vmem>>, vector<1x16xf32>,
      %get3A_1653 = vector.shape_cast %get3A_1652 : vector<1x16xf32> to vector<16xf32>
      %mul3A_1654 = arith.constant 8.000000e+00 : f32
      %mul3A_1655 = vector.broadcast %mul3A_1654 : f32 to vector<16xf32>
      %mul3A_1656 = arith.mulf %get3A_1653, %mul3A_1655 : vector<16xf32>
      %get3A_1657 = arith.index_cast %scan3A_1600 : i32 to index
      %get3A_1658 = arith.constant 48 : index
      %get3A_1659 = tpu.vector_load %arg7[%get3A_1657, %get3A_1658] {strides = array<i32>} : memref<200x64xf32, #tpu.memory_space<vmem>>, vector<1x16xf32>,
      %get3A_1660 = vector.shape_cast %get3A_1659 : vector<1x16xf32> to vector<16xf32>
      %add3A_1661 = arith.addf %mul3A_1656, %get3A_1660 : vector<16xf32>
      %swap3A_1662 = arith.index_cast %scan3A_1600 : i32 to index
      %swap3A_1663 = arith.constant 48 : index
      %swap3A_1664 = tpu.vector_load %arg8[%swap3A_1662, %swap3A_1663] {strides = array<i32>} : memref<200x128xf32, #tpu.memory_space<vmem>>, vector<1x16xf32>,
      %swap3A_1665 = vector.shape_cast %swap3A_1664 : vector<1x16xf32> to vector<16xf32>
      %swap3A_1666 = vector.shape_cast %add3A_1661 : vector<16xf32> to vector<1x16xf32>
      tpu.vector_store %arg8[%swap3A_1662, %swap3A_1663], %swap3A_1666 {strides = array<i32>} : memref<200x128xf32, #tpu.memory_space<vmem>>, vector<1x16xf32>,
    }
    %scan3A_1253 = arith.constant 200 : i32
    %add3A_1254 = arith.constant 4800 : i32
    %add3A_1255 = arith.addi %mul3A_2, %add3A_1254 : i32
    %dma_start3A_1256 = arith.constant 0 : i32
    %dma_start3A_1257 = tpu.memref_slice %arg5[%add3A_1255, %dma_start3A_1256] : memref<204800x128xf32, #tpu.memory_space<hbm>> -> memref<200x128xf32, #tpu.memory_space<hbm>>
    %dma_start3A_1258 = arith.constant 0 : i32
    %dma_start3A_1259 = tpu.memref_slice %arg5[%add3A_1255, %dma_start3A_1258] : memref<204800x128xf32, #tpu.memory_space<hbm>> -> memref<200x128xf32, #tpu.memory_space<hbm>>
    tpu.enqueue_dma source(%arg8 : memref<200x128xf32, #tpu.memory_space<vmem>>) target(%dma_start3A_1259 : memref<200x128xf32, #tpu.memory_space<hbm>>) target_semaphore(%arg12 : memref<!tpu.dma_semaphore, #tpu.memory_space<semaphore_mem>>)
    %add3A_1260 = arith.constant 4800 : i32
    %add3A_1261 = arith.addi %mul3A_2, %add3A_1260 : i32
    %dma_wait3A_1262 = arith.constant 0 : i32
    %dma_wait3A_1263 = tpu.memref_slice %arg5[%add3A_1261, %dma_wait3A_1262] : memref<204800x128xf32, #tpu.memory_space<hbm>> -> memref<200x128xf32, #tpu.memory_space<hbm>>
    %dma_wait3A_1264 = arith.constant 0 : i32
    %dma_wait3A_1265 = tpu.memref_slice %arg5[%add3A_1261, %dma_wait3A_1264] : memref<204800x128xf32, #tpu.memory_space<hbm>> -> memref<200x128xf32, #tpu.memory_space<hbm>>
    tpu.wait_dma2 semaphore(%arg12 : memref<!tpu.dma_semaphore, #tpu.memory_space<semaphore_mem>>) src(%arg8 : memref<200x128xf32, #tpu.memory_space<vmem>>) dst(%dma_wait3A_1265 : memref<200x128xf32, #tpu.memory_space<hbm>>)
    %dma_start3A_1266 = arith.constant 0 : i32
    %dma_start3A_1267 = arith.constant 0 : i32
    %dma_start3A_1268 = tpu.memref_slice %arg8[%dma_start3A_1266, %dma_start3A_1267] : memref<200x128xf32, #tpu.memory_space<vmem>> -> memref<104x128xf32, #tpu.memory_space<vmem>>
    %dma_start3A_1269 = arith.constant 5200 : i32
    %dma_start3A_1270 = tpu.memref_slice %arg6[%dma_start3A_1269] : memref<6400xi32, #tpu.memory_space<vmem>> -> memref<104xi32, #tpu.memory_space<vmem>>
    %dma_start3A_1271 = arith.constant 0 : i32
    %dma_start3A_1272 = arith.constant 0 : i32
    %dma_start3A_1273 = tpu.memref_slice %arg3[%dma_start3A_1271, %dma_start3A_1272] : memref<1000000x128xf32, #tpu.memory_space<hbm>> -> memref<1000000x128xf32, #tpu.memory_space<hbm>>
    tpu.enqueue_indirect_dma source(%dma_start3A_1273 : memref<1000000x128xf32, #tpu.memory_space<hbm>>) target(%dma_start3A_1268 : memref<104x128xf32, #tpu.memory_space<vmem>>) offsets(%dma_start3A_1270 : memref<104xi32, #tpu.memory_space<vmem>>) semaphore(%arg10 : memref<!tpu.dma_semaphore, #tpu.memory_space<semaphore_mem>>)
    %dma_start3A_1274 = arith.constant 104 : i32
    %dma_start3A_1275 = arith.constant 0 : i32
    %dma_start3A_1276 = tpu.memref_slice %arg8[%dma_start3A_1274, %dma_start3A_1275] : memref<200x128xf32, #tpu.memory_space<vmem>> -> memref<96x128xf32, #tpu.memory_space<vmem>>
    %dma_start3A_1277 = arith.constant 5304 : i32
    %dma_start3A_1278 = tpu.memref_slice %arg6[%dma_start3A_1277] : memref<6400xi32, #tpu.memory_space<vmem>> -> memref<96xi32, #tpu.memory_space<vmem>>
    %dma_start3A_1279 = arith.constant 0 : i32
    %dma_start3A_1280 = arith.constant 0 : i32
    %dma_start3A_1281 = tpu.memref_slice %arg3[%dma_start3A_1279, %dma_start3A_1280] : memref<1000000x128xf32, #tpu.memory_space<hbm>> -> memref<1000000x128xf32, #tpu.memory_space<hbm>>
    tpu.enqueue_indirect_dma source(%dma_start3A_1281 : memref<1000000x128xf32, #tpu.memory_space<hbm>>) target(%dma_start3A_1276 : memref<96x128xf32, #tpu.memory_space<vmem>>) offsets(%dma_start3A_1278 : memref<96xi32, #tpu.memory_space<vmem>>) semaphore(%arg10 : memref<!tpu.dma_semaphore, #tpu.memory_space<semaphore_mem>>)
    %dma_wait3A_1282 = arith.constant 0 : i32
    %dma_wait3A_1283 = arith.constant 0 : i32
    %dma_wait3A_1284 = tpu.memref_slice %arg9[%dma_wait3A_1282, %dma_wait3A_1283] : memref<200x128xf32, #tpu.memory_space<vmem>> -> memref<104x128xf32, #tpu.memory_space<vmem>>
    %dma_wait3A_1285 = arith.constant 5000 : i32
    %dma_wait3A_1286 = tpu.memref_slice %arg6[%dma_wait3A_1285] : memref<6400xi32, #tpu.memory_space<vmem>> -> memref<104xi32, #tpu.memory_space<vmem>>
    %dma_wait3A_1287 = arith.constant 0 : i32
    %dma_wait3A_1288 = arith.constant 0 : i32
    %dma_wait3A_1289 = tpu.memref_slice %arg3[%dma_wait3A_1287, %dma_wait3A_1288] : memref<1000000x128xf32, #tpu.memory_space<hbm>> -> memref<1000000x128xf32, #tpu.memory_space<hbm>>
    tpu.wait_indirect_dma semaphore(%arg11 : memref<!tpu.dma_semaphore, #tpu.memory_space<semaphore_mem>>) src(%dma_wait3A_1289 : memref<1000000x128xf32, #tpu.memory_space<hbm>>) dst(%dma_wait3A_1284 : memref<104x128xf32, #tpu.memory_space<vmem>>)
    %dma_wait3A_1290 = arith.constant 104 : i32
    %dma_wait3A_1291 = arith.constant 0 : i32
    %dma_wait3A_1292 = tpu.memref_slice %arg9[%dma_wait3A_1290, %dma_wait3A_1291] : memref<200x128xf32, #tpu.memory_space<vmem>> -> memref<96x128xf32, #tpu.memory_space<vmem>>
    %dma_wait3A_1293 = arith.constant 5104 : i32
    %dma_wait3A_1294 = tpu.memref_slice %arg6[%dma_wait3A_1293] : memref<6400xi32, #tpu.memory_space<vmem>> -> memref<96xi32, #tpu.memory_space<vmem>>
    %dma_wait3A_1295 = arith.constant 0 : i32
    %dma_wait3A_1296 = arith.constant 0 : i32
    %dma_wait3A_1297 = tpu.memref_slice %arg3[%dma_wait3A_1295, %dma_wait3A_1296] : memref<1000000x128xf32, #tpu.memory_space<hbm>> -> memref<1000000x128xf32, #tpu.memory_space<hbm>>
    tpu.wait_indirect_dma semaphore(%arg11 : memref<!tpu.dma_semaphore, #tpu.memory_space<semaphore_mem>>) src(%dma_wait3A_1297 : memref<1000000x128xf32, #tpu.memory_space<hbm>>) dst(%dma_wait3A_1292 : memref<96x128xf32, #tpu.memory_space<vmem>>)
    %scan3A_1298 = arith.constant 0 : i32
    %scan3A_1299 = arith.constant 0 : i32
    %scan3A_1300 = arith.constant 200 : i32
    %scan3A_1301 = arith.addi %scan3A_1299, %scan3A_1300 : i32
    %scan3A_1302 = arith.constant 1 : i32
    scf.for %scan3A_1600 = %scan3A_1299 to %scan3A_1301 step %scan3A_1302  : i32 {
      %get3A = arith.index_cast %scan3A_1600 : i32 to index
      %get3A_1601 = arith.constant 0 : index
      %get3A_1602 = tpu.vector_load %arg9[%get3A, %get3A_1601] {strides = array<i32>} : memref<200x128xf32, #tpu.memory_space<vmem>>, vector<1x16xf32>,
      %get3A_1603 = vector.shape_cast %get3A_1602 : vector<1x16xf32> to vector<16xf32>
      %mul3A_1604 = arith.constant 8.000000e+00 : f32
      %mul3A_1605 = vector.broadcast %mul3A_1604 : f32 to vector<16xf32>
      %mul3A_1606 = arith.mulf %get3A_1603, %mul3A_1605 : vector<16xf32>
      %get3A_1607 = arith.index_cast %scan3A_1600 : i32 to index
      %get3A_1608 = arith.constant 0 : index
      %get3A_1609 = tpu.vector_load %arg7[%get3A_1607, %get3A_1608] {strides = array<i32>} : memref<200x64xf32, #tpu.memory_space<vmem>>, vector<1x16xf32>,
      %get3A_1610 = vector.shape_cast %get3A_1609 : vector<1x16xf32> to vector<16xf32>
      %add3A_1611 = arith.addf %mul3A_1606, %get3A_1610 : vector<16xf32>
      %swap3A = arith.index_cast %scan3A_1600 : i32 to index
      %swap3A_1612 = arith.constant 0 : index
      %swap3A_1613 = tpu.vector_load %arg9[%swap3A, %swap3A_1612] {strides = array<i32>} : memref<200x128xf32, #tpu.memory_space<vmem>>, vector<1x16xf32>,
      %swap3A_1614 = vector.shape_cast %swap3A_1613 : vector<1x16xf32> to vector<16xf32>
      %swap3A_1615 = vector.shape_cast %add3A_1611 : vector<16xf32> to vector<1x16xf32>
      tpu.vector_store %arg9[%swap3A, %swap3A_1612], %swap3A_1615 {strides = array<i32>} : memref<200x128xf32, #tpu.memory_space<vmem>>, vector<1x16xf32>,
      %get3A_1616 = arith.index_cast %scan3A_1600 : i32 to index
      %get3A_1617 = arith.constant 16 : index
      %get3A_1618 = tpu.vector_load %arg9[%get3A_1616, %get3A_1617] {strides = array<i32>} : memref<200x128xf32, #tpu.memory_space<vmem>>, vector<1x16xf32>,
      %get3A_1619 = vector.shape_cast %get3A_1618 : vector<1x16xf32> to vector<16xf32>
      %mul3A_1620 = arith.constant 8.000000e+00 : f32
      %mul3A_1621 = vector.broadcast %mul3A_1620 : f32 to vector<16xf32>
      %mul3A_1622 = arith.mulf %get3A_1619, %mul3A_1621 : vector<16xf32>
      %get3A_1623 = arith.index_cast %scan3A_1600 : i32 to index
      %get3A_1624 = arith.constant 16 : index
      %get3A_1625 = tpu.vector_load %arg7[%get3A_1623, %get3A_1624] {strides = array<i32>} : memref<200x64xf32, #tpu.memory_space<vmem>>, vector<1x16xf32>,
      %get3A_1626 = vector.shape_cast %get3A_1625 : vector<1x16xf32> to vector<16xf32>
      %add3A_1627 = arith.addf %mul3A_1622, %get3A_1626 : vector<16xf32>
      %swap3A_1628 = arith.index_cast %scan3A_1600 : i32 to index
      %swap3A_1629 = arith.constant 16 : index
      %swap3A_1630 = tpu.vector_load %arg9[%swap3A_1628, %swap3A_1629] {strides = array<i32>} : memref<200x128xf32, #tpu.memory_space<vmem>>, vector<1x16xf32>,
      %swap3A_1631 = vector.shape_cast %swap3A_1630 : vector<1x16xf32> to vector<16xf32>
      %swap3A_1632 = vector.shape_cast %add3A_1627 : vector<16xf32> to vector<1x16xf32>
      tpu.vector_store %arg9[%swap3A_1628, %swap3A_1629], %swap3A_1632 {strides = array<i32>} : memref<200x128xf32, #tpu.memory_space<vmem>>, vector<1x16xf32>,
      %get3A_1633 = arith.index_cast %scan3A_1600 : i32 to index
      %get3A_1634 = arith.constant 32 : index
      %get3A_1635 = tpu.vector_load %arg9[%get3A_1633, %get3A_1634] {strides = array<i32>} : memref<200x128xf32, #tpu.memory_space<vmem>>, vector<1x16xf32>,
      %get3A_1636 = vector.shape_cast %get3A_1635 : vector<1x16xf32> to vector<16xf32>
      %mul3A_1637 = arith.constant 8.000000e+00 : f32
      %mul3A_1638 = vector.broadcast %mul3A_1637 : f32 to vector<16xf32>
      %mul3A_1639 = arith.mulf %get3A_1636, %mul3A_1638 : vector<16xf32>
      %get3A_1640 = arith.index_cast %scan3A_1600 : i32 to index
      %get3A_1641 = arith.constant 32 : index
      %get3A_1642 = tpu.vector_load %arg7[%get3A_1640, %get3A_1641] {strides = array<i32>} : memref<200x64xf32, #tpu.memory_space<vmem>>, vector<1x16xf32>,
      %get3A_1643 = vector.shape_cast %get3A_1642 : vector<1x16xf32> to vector<16xf32>
      %add3A_1644 = arith.addf %mul3A_1639, %get3A_1643 : vector<16xf32>
      %swap3A_1645 = arith.index_cast %scan3A_1600 : i32 to index
      %swap3A_1646 = arith.constant 32 : index
      %swap3A_1647 = tpu.vector_load %arg9[%swap3A_1645, %swap3A_1646] {strides = array<i32>} : memref<200x128xf32, #tpu.memory_space<vmem>>, vector<1x16xf32>,
      %swap3A_1648 = vector.shape_cast %swap3A_1647 : vector<1x16xf32> to vector<16xf32>
      %swap3A_1649 = vector.shape_cast %add3A_1644 : vector<16xf32> to vector<1x16xf32>
      tpu.vector_store %arg9[%swap3A_1645, %swap3A_1646], %swap3A_1649 {strides = array<i32>} : memref<200x128xf32, #tpu.memory_space<vmem>>, vector<1x16xf32>,
      %get3A_1650 = arith.index_cast %scan3A_1600 : i32 to index
      %get3A_1651 = arith.constant 48 : index
      %get3A_1652 = tpu.vector_load %arg9[%get3A_1650, %get3A_1651] {strides = array<i32>} : memref<200x128xf32, #tpu.memory_space<vmem>>, vector<1x16xf32>,
      %get3A_1653 = vector.shape_cast %get3A_1652 : vector<1x16xf32> to vector<16xf32>
      %mul3A_1654 = arith.constant 8.000000e+00 : f32
      %mul3A_1655 = vector.broadcast %mul3A_1654 : f32 to vector<16xf32>
      %mul3A_1656 = arith.mulf %get3A_1653, %mul3A_1655 : vector<16xf32>
      %get3A_1657 = arith.index_cast %scan3A_1600 : i32 to index
      %get3A_1658 = arith.constant 48 : index
      %get3A_1659 = tpu.vector_load %arg7[%get3A_1657, %get3A_1658] {strides = array<i32>} : memref<200x64xf32, #tpu.memory_space<vmem>>, vector<1x16xf32>,
      %get3A_1660 = vector.shape_cast %get3A_1659 : vector<1x16xf32> to vector<16xf32>
      %add3A_1661 = arith.addf %mul3A_1656, %get3A_1660 : vector<16xf32>
      %swap3A_1662 = arith.index_cast %scan3A_1600 : i32 to index
      %swap3A_1663 = arith.constant 48 : index
      %swap3A_1664 = tpu.vector_load %arg9[%swap3A_1662, %swap3A_1663] {strides = array<i32>} : memref<200x128xf32, #tpu.memory_space<vmem>>, vector<1x16xf32>,
      %swap3A_1665 = vector.shape_cast %swap3A_1664 : vector<1x16xf32> to vector<16xf32>
      %swap3A_1666 = vector.shape_cast %add3A_1661 : vector<16xf32> to vector<1x16xf32>
      tpu.vector_store %arg9[%swap3A_1662, %swap3A_1663], %swap3A_1666 {strides = array<i32>} : memref<200x128xf32, #tpu.memory_space<vmem>>, vector<1x16xf32>,
    }
    %scan3A_1303 = arith.constant 200 : i32
    %add3A_1304 = arith.constant 5000 : i32
    %add3A_1305 = arith.addi %mul3A_2, %add3A_1304 : i32
    %dma_start3A_1306 = arith.constant 0 : i32
    %dma_start3A_1307 = tpu.memref_slice %arg5[%add3A_1305, %dma_start3A_1306] : memref<204800x128xf32, #tpu.memory_space<hbm>> -> memref<200x128xf32, #tpu.memory_space<hbm>>
    %dma_start3A_1308 = arith.constant 0 : i32
    %dma_start3A_1309 = tpu.memref_slice %arg5[%add3A_1305, %dma_start3A_1308] : memref<204800x128xf32, #tpu.memory_space<hbm>> -> memref<200x128xf32, #tpu.memory_space<hbm>>
    tpu.enqueue_dma source(%arg9 : memref<200x128xf32, #tpu.memory_space<vmem>>) target(%dma_start3A_1309 : memref<200x128xf32, #tpu.memory_space<hbm>>) target_semaphore(%arg13 : memref<!tpu.dma_semaphore, #tpu.memory_space<semaphore_mem>>)
    %add3A_1310 = arith.constant 5000 : i32
    %add3A_1311 = arith.addi %mul3A_2, %add3A_1310 : i32
    %dma_wait3A_1312 = arith.constant 0 : i32
    %dma_wait3A_1313 = tpu.memref_slice %arg5[%add3A_1311, %dma_wait3A_1312] : memref<204800x128xf32, #tpu.memory_space<hbm>> -> memref<200x128xf32, #tpu.memory_space<hbm>>
    %dma_wait3A_1314 = arith.constant 0 : i32
    %dma_wait3A_1315 = tpu.memref_slice %arg5[%add3A_1311, %dma_wait3A_1314] : memref<204800x128xf32, #tpu.memory_space<hbm>> -> memref<200x128xf32, #tpu.memory_space<hbm>>
    tpu.wait_dma2 semaphore(%arg13 : memref<!tpu.dma_semaphore, #tpu.memory_space<semaphore_mem>>) src(%arg9 : memref<200x128xf32, #tpu.memory_space<vmem>>) dst(%dma_wait3A_1315 : memref<200x128xf32, #tpu.memory_space<hbm>>)
    %dma_start3A_1316 = arith.constant 0 : i32
    %dma_start3A_1317 = arith.constant 0 : i32
    %dma_start3A_1318 = tpu.memref_slice %arg9[%dma_start3A_1316, %dma_start3A_1317] : memref<200x128xf32, #tpu.memory_space<vmem>> -> memref<104x128xf32, #tpu.memory_space<vmem>>
    %dma_start3A_1319 = arith.constant 5400 : i32
    %dma_start3A_1320 = tpu.memref_slice %arg6[%dma_start3A_1319] : memref<6400xi32, #tpu.memory_space<vmem>> -> memref<104xi32, #tpu.memory_space<vmem>>
    %dma_start3A_1321 = arith.constant 0 : i32
    %dma_start3A_1322 = arith.constant 0 : i32
    %dma_start3A_1323 = tpu.memref_slice %arg3[%dma_start3A_1321, %dma_start3A_1322] : memref<1000000x128xf32, #tpu.memory_space<hbm>> -> memref<1000000x128xf32, #tpu.memory_space<hbm>>
    tpu.enqueue_indirect_dma source(%dma_start3A_1323 : memref<1000000x128xf32, #tpu.memory_space<hbm>>) target(%dma_start3A_1318 : memref<104x128xf32, #tpu.memory_space<vmem>>) offsets(%dma_start3A_1320 : memref<104xi32, #tpu.memory_space<vmem>>) semaphore(%arg11 : memref<!tpu.dma_semaphore, #tpu.memory_space<semaphore_mem>>)
    %dma_start3A_1324 = arith.constant 104 : i32
    %dma_start3A_1325 = arith.constant 0 : i32
    %dma_start3A_1326 = tpu.memref_slice %arg9[%dma_start3A_1324, %dma_start3A_1325] : memref<200x128xf32, #tpu.memory_space<vmem>> -> memref<96x128xf32, #tpu.memory_space<vmem>>
    %dma_start3A_1327 = arith.constant 5504 : i32
    %dma_start3A_1328 = tpu.memref_slice %arg6[%dma_start3A_1327] : memref<6400xi32, #tpu.memory_space<vmem>> -> memref<96xi32, #tpu.memory_space<vmem>>
    %dma_start3A_1329 = arith.constant 0 : i32
    %dma_start3A_1330 = arith.constant 0 : i32
    %dma_start3A_1331 = tpu.memref_slice %arg3[%dma_start3A_1329, %dma_start3A_1330] : memref<1000000x128xf32, #tpu.memory_space<hbm>> -> memref<1000000x128xf32, #tpu.memory_space<hbm>>
    tpu.enqueue_indirect_dma source(%dma_start3A_1331 : memref<1000000x128xf32, #tpu.memory_space<hbm>>) target(%dma_start3A_1326 : memref<96x128xf32, #tpu.memory_space<vmem>>) offsets(%dma_start3A_1328 : memref<96xi32, #tpu.memory_space<vmem>>) semaphore(%arg11 : memref<!tpu.dma_semaphore, #tpu.memory_space<semaphore_mem>>)
    %dma_wait3A_1332 = arith.constant 0 : i32
    %dma_wait3A_1333 = arith.constant 0 : i32
    %dma_wait3A_1334 = tpu.memref_slice %arg8[%dma_wait3A_1332, %dma_wait3A_1333] : memref<200x128xf32, #tpu.memory_space<vmem>> -> memref<104x128xf32, #tpu.memory_space<vmem>>
    %dma_wait3A_1335 = arith.constant 5200 : i32
    %dma_wait3A_1336 = tpu.memref_slice %arg6[%dma_wait3A_1335] : memref<6400xi32, #tpu.memory_space<vmem>> -> memref<104xi32, #tpu.memory_space<vmem>>
    %dma_wait3A_1337 = arith.constant 0 : i32
    %dma_wait3A_1338 = arith.constant 0 : i32
    %dma_wait3A_1339 = tpu.memref_slice %arg3[%dma_wait3A_1337, %dma_wait3A_1338] : memref<1000000x128xf32, #tpu.memory_space<hbm>> -> memref<1000000x128xf32, #tpu.memory_space<hbm>>
    tpu.wait_indirect_dma semaphore(%arg10 : memref<!tpu.dma_semaphore, #tpu.memory_space<semaphore_mem>>) src(%dma_wait3A_1339 : memref<1000000x128xf32, #tpu.memory_space<hbm>>) dst(%dma_wait3A_1334 : memref<104x128xf32, #tpu.memory_space<vmem>>)
    %dma_wait3A_1340 = arith.constant 104 : i32
    %dma_wait3A_1341 = arith.constant 0 : i32
    %dma_wait3A_1342 = tpu.memref_slice %arg8[%dma_wait3A_1340, %dma_wait3A_1341] : memref<200x128xf32, #tpu.memory_space<vmem>> -> memref<96x128xf32, #tpu.memory_space<vmem>>
    %dma_wait3A_1343 = arith.constant 5304 : i32
    %dma_wait3A_1344 = tpu.memref_slice %arg6[%dma_wait3A_1343] : memref<6400xi32, #tpu.memory_space<vmem>> -> memref<96xi32, #tpu.memory_space<vmem>>
    %dma_wait3A_1345 = arith.constant 0 : i32
    %dma_wait3A_1346 = arith.constant 0 : i32
    %dma_wait3A_1347 = tpu.memref_slice %arg3[%dma_wait3A_1345, %dma_wait3A_1346] : memref<1000000x128xf32, #tpu.memory_space<hbm>> -> memref<1000000x128xf32, #tpu.memory_space<hbm>>
    tpu.wait_indirect_dma semaphore(%arg10 : memref<!tpu.dma_semaphore, #tpu.memory_space<semaphore_mem>>) src(%dma_wait3A_1347 : memref<1000000x128xf32, #tpu.memory_space<hbm>>) dst(%dma_wait3A_1342 : memref<96x128xf32, #tpu.memory_space<vmem>>)
    %scan3A_1348 = arith.constant 0 : i32
    %scan3A_1349 = arith.constant 0 : i32
    %scan3A_1350 = arith.constant 200 : i32
    %scan3A_1351 = arith.addi %scan3A_1349, %scan3A_1350 : i32
    %scan3A_1352 = arith.constant 1 : i32
    scf.for %scan3A_1600 = %scan3A_1349 to %scan3A_1351 step %scan3A_1352  : i32 {
      %get3A = arith.index_cast %scan3A_1600 : i32 to index
      %get3A_1601 = arith.constant 0 : index
      %get3A_1602 = tpu.vector_load %arg8[%get3A, %get3A_1601] {strides = array<i32>} : memref<200x128xf32, #tpu.memory_space<vmem>>, vector<1x16xf32>,
      %get3A_1603 = vector.shape_cast %get3A_1602 : vector<1x16xf32> to vector<16xf32>
      %mul3A_1604 = arith.constant 8.000000e+00 : f32
      %mul3A_1605 = vector.broadcast %mul3A_1604 : f32 to vector<16xf32>
      %mul3A_1606 = arith.mulf %get3A_1603, %mul3A_1605 : vector<16xf32>
      %get3A_1607 = arith.index_cast %scan3A_1600 : i32 to index
      %get3A_1608 = arith.constant 0 : index
      %get3A_1609 = tpu.vector_load %arg7[%get3A_1607, %get3A_1608] {strides = array<i32>} : memref<200x64xf32, #tpu.memory_space<vmem>>, vector<1x16xf32>,
      %get3A_1610 = vector.shape_cast %get3A_1609 : vector<1x16xf32> to vector<16xf32>
      %add3A_1611 = arith.addf %mul3A_1606, %get3A_1610 : vector<16xf32>
      %swap3A = arith.index_cast %scan3A_1600 : i32 to index
      %swap3A_1612 = arith.constant 0 : index
      %swap3A_1613 = tpu.vector_load %arg8[%swap3A, %swap3A_1612] {strides = array<i32>} : memref<200x128xf32, #tpu.memory_space<vmem>>, vector<1x16xf32>,
      %swap3A_1614 = vector.shape_cast %swap3A_1613 : vector<1x16xf32> to vector<16xf32>
      %swap3A_1615 = vector.shape_cast %add3A_1611 : vector<16xf32> to vector<1x16xf32>
      tpu.vector_store %arg8[%swap3A, %swap3A_1612], %swap3A_1615 {strides = array<i32>} : memref<200x128xf32, #tpu.memory_space<vmem>>, vector<1x16xf32>,
      %get3A_1616 = arith.index_cast %scan3A_1600 : i32 to index
      %get3A_1617 = arith.constant 16 : index
      %get3A_1618 = tpu.vector_load %arg8[%get3A_1616, %get3A_1617] {strides = array<i32>} : memref<200x128xf32, #tpu.memory_space<vmem>>, vector<1x16xf32>,
      %get3A_1619 = vector.shape_cast %get3A_1618 : vector<1x16xf32> to vector<16xf32>
      %mul3A_1620 = arith.constant 8.000000e+00 : f32
      %mul3A_1621 = vector.broadcast %mul3A_1620 : f32 to vector<16xf32>
      %mul3A_1622 = arith.mulf %get3A_1619, %mul3A_1621 : vector<16xf32>
      %get3A_1623 = arith.index_cast %scan3A_1600 : i32 to index
      %get3A_1624 = arith.constant 16 : index
      %get3A_1625 = tpu.vector_load %arg7[%get3A_1623, %get3A_1624] {strides = array<i32>} : memref<200x64xf32, #tpu.memory_space<vmem>>, vector<1x16xf32>,
      %get3A_1626 = vector.shape_cast %get3A_1625 : vector<1x16xf32> to vector<16xf32>
      %add3A_1627 = arith.addf %mul3A_1622, %get3A_1626 : vector<16xf32>
      %swap3A_1628 = arith.index_cast %scan3A_1600 : i32 to index
      %swap3A_1629 = arith.constant 16 : index
      %swap3A_1630 = tpu.vector_load %arg8[%swap3A_1628, %swap3A_1629] {strides = array<i32>} : memref<200x128xf32, #tpu.memory_space<vmem>>, vector<1x16xf32>,
      %swap3A_1631 = vector.shape_cast %swap3A_1630 : vector<1x16xf32> to vector<16xf32>
      %swap3A_1632 = vector.shape_cast %add3A_1627 : vector<16xf32> to vector<1x16xf32>
      tpu.vector_store %arg8[%swap3A_1628, %swap3A_1629], %swap3A_1632 {strides = array<i32>} : memref<200x128xf32, #tpu.memory_space<vmem>>, vector<1x16xf32>,
      %get3A_1633 = arith.index_cast %scan3A_1600 : i32 to index
      %get3A_1634 = arith.constant 32 : index
      %get3A_1635 = tpu.vector_load %arg8[%get3A_1633, %get3A_1634] {strides = array<i32>} : memref<200x128xf32, #tpu.memory_space<vmem>>, vector<1x16xf32>,
      %get3A_1636 = vector.shape_cast %get3A_1635 : vector<1x16xf32> to vector<16xf32>
      %mul3A_1637 = arith.constant 8.000000e+00 : f32
      %mul3A_1638 = vector.broadcast %mul3A_1637 : f32 to vector<16xf32>
      %mul3A_1639 = arith.mulf %get3A_1636, %mul3A_1638 : vector<16xf32>
      %get3A_1640 = arith.index_cast %scan3A_1600 : i32 to index
      %get3A_1641 = arith.constant 32 : index
      %get3A_1642 = tpu.vector_load %arg7[%get3A_1640, %get3A_1641] {strides = array<i32>} : memref<200x64xf32, #tpu.memory_space<vmem>>, vector<1x16xf32>,
      %get3A_1643 = vector.shape_cast %get3A_1642 : vector<1x16xf32> to vector<16xf32>
      %add3A_1644 = arith.addf %mul3A_1639, %get3A_1643 : vector<16xf32>
      %swap3A_1645 = arith.index_cast %scan3A_1600 : i32 to index
      %swap3A_1646 = arith.constant 32 : index
      %swap3A_1647 = tpu.vector_load %arg8[%swap3A_1645, %swap3A_1646] {strides = array<i32>} : memref<200x128xf32, #tpu.memory_space<vmem>>, vector<1x16xf32>,
      %swap3A_1648 = vector.shape_cast %swap3A_1647 : vector<1x16xf32> to vector<16xf32>
      %swap3A_1649 = vector.shape_cast %add3A_1644 : vector<16xf32> to vector<1x16xf32>
      tpu.vector_store %arg8[%swap3A_1645, %swap3A_1646], %swap3A_1649 {strides = array<i32>} : memref<200x128xf32, #tpu.memory_space<vmem>>, vector<1x16xf32>,
      %get3A_1650 = arith.index_cast %scan3A_1600 : i32 to index
      %get3A_1651 = arith.constant 48 : index
      %get3A_1652 = tpu.vector_load %arg8[%get3A_1650, %get3A_1651] {strides = array<i32>} : memref<200x128xf32, #tpu.memory_space<vmem>>, vector<1x16xf32>,
      %get3A_1653 = vector.shape_cast %get3A_1652 : vector<1x16xf32> to vector<16xf32>
      %mul3A_1654 = arith.constant 8.000000e+00 : f32
      %mul3A_1655 = vector.broadcast %mul3A_1654 : f32 to vector<16xf32>
      %mul3A_1656 = arith.mulf %get3A_1653, %mul3A_1655 : vector<16xf32>
      %get3A_1657 = arith.index_cast %scan3A_1600 : i32 to index
      %get3A_1658 = arith.constant 48 : index
      %get3A_1659 = tpu.vector_load %arg7[%get3A_1657, %get3A_1658] {strides = array<i32>} : memref<200x64xf32, #tpu.memory_space<vmem>>, vector<1x16xf32>,
      %get3A_1660 = vector.shape_cast %get3A_1659 : vector<1x16xf32> to vector<16xf32>
      %add3A_1661 = arith.addf %mul3A_1656, %get3A_1660 : vector<16xf32>
      %swap3A_1662 = arith.index_cast %scan3A_1600 : i32 to index
      %swap3A_1663 = arith.constant 48 : index
      %swap3A_1664 = tpu.vector_load %arg8[%swap3A_1662, %swap3A_1663] {strides = array<i32>} : memref<200x128xf32, #tpu.memory_space<vmem>>, vector<1x16xf32>,
      %swap3A_1665 = vector.shape_cast %swap3A_1664 : vector<1x16xf32> to vector<16xf32>
      %swap3A_1666 = vector.shape_cast %add3A_1661 : vector<16xf32> to vector<1x16xf32>
      tpu.vector_store %arg8[%swap3A_1662, %swap3A_1663], %swap3A_1666 {strides = array<i32>} : memref<200x128xf32, #tpu.memory_space<vmem>>, vector<1x16xf32>,
    }
    %scan3A_1353 = arith.constant 200 : i32
    %add3A_1354 = arith.constant 5200 : i32
    %add3A_1355 = arith.addi %mul3A_2, %add3A_1354 : i32
    %dma_start3A_1356 = arith.constant 0 : i32
    %dma_start3A_1357 = tpu.memref_slice %arg5[%add3A_1355, %dma_start3A_1356] : memref<204800x128xf32, #tpu.memory_space<hbm>> -> memref<200x128xf32, #tpu.memory_space<hbm>>
    %dma_start3A_1358 = arith.constant 0 : i32
    %dma_start3A_1359 = tpu.memref_slice %arg5[%add3A_1355, %dma_start3A_1358] : memref<204800x128xf32, #tpu.memory_space<hbm>> -> memref<200x128xf32, #tpu.memory_space<hbm>>
    tpu.enqueue_dma source(%arg8 : memref<200x128xf32, #tpu.memory_space<vmem>>) target(%dma_start3A_1359 : memref<200x128xf32, #tpu.memory_space<hbm>>) target_semaphore(%arg12 : memref<!tpu.dma_semaphore, #tpu.memory_space<semaphore_mem>>)
    %add3A_1360 = arith.constant 5200 : i32
    %add3A_1361 = arith.addi %mul3A_2, %add3A_1360 : i32
    %dma_wait3A_1362 = arith.constant 0 : i32
    %dma_wait3A_1363 = tpu.memref_slice %arg5[%add3A_1361, %dma_wait3A_1362] : memref<204800x128xf32, #tpu.memory_space<hbm>> -> memref<200x128xf32, #tpu.memory_space<hbm>>
    %dma_wait3A_1364 = arith.constant 0 : i32
    %dma_wait3A_1365 = tpu.memref_slice %arg5[%add3A_1361, %dma_wait3A_1364] : memref<204800x128xf32, #tpu.memory_space<hbm>> -> memref<200x128xf32, #tpu.memory_space<hbm>>
    tpu.wait_dma2 semaphore(%arg12 : memref<!tpu.dma_semaphore, #tpu.memory_space<semaphore_mem>>) src(%arg8 : memref<200x128xf32, #tpu.memory_space<vmem>>) dst(%dma_wait3A_1365 : memref<200x128xf32, #tpu.memory_space<hbm>>)
    %dma_start3A_1366 = arith.constant 0 : i32
    %dma_start3A_1367 = arith.constant 0 : i32
    %dma_start3A_1368 = tpu.memref_slice %arg8[%dma_start3A_1366, %dma_start3A_1367] : memref<200x128xf32, #tpu.memory_space<vmem>> -> memref<104x128xf32, #tpu.memory_space<vmem>>
    %dma_start3A_1369 = arith.constant 5600 : i32
    %dma_start3A_1370 = tpu.memref_slice %arg6[%dma_start3A_1369] : memref<6400xi32, #tpu.memory_space<vmem>> -> memref<104xi32, #tpu.memory_space<vmem>>
    %dma_start3A_1371 = arith.constant 0 : i32
    %dma_start3A_1372 = arith.constant 0 : i32
    %dma_start3A_1373 = tpu.memref_slice %arg3[%dma_start3A_1371, %dma_start3A_1372] : memref<1000000x128xf32, #tpu.memory_space<hbm>> -> memref<1000000x128xf32, #tpu.memory_space<hbm>>
    tpu.enqueue_indirect_dma source(%dma_start3A_1373 : memref<1000000x128xf32, #tpu.memory_space<hbm>>) target(%dma_start3A_1368 : memref<104x128xf32, #tpu.memory_space<vmem>>) offsets(%dma_start3A_1370 : memref<104xi32, #tpu.memory_space<vmem>>) semaphore(%arg10 : memref<!tpu.dma_semaphore, #tpu.memory_space<semaphore_mem>>)
    %dma_start3A_1374 = arith.constant 104 : i32
    %dma_start3A_1375 = arith.constant 0 : i32
    %dma_start3A_1376 = tpu.memref_slice %arg8[%dma_start3A_1374, %dma_start3A_1375] : memref<200x128xf32, #tpu.memory_space<vmem>> -> memref<96x128xf32, #tpu.memory_space<vmem>>
    %dma_start3A_1377 = arith.constant 5704 : i32
    %dma_start3A_1378 = tpu.memref_slice %arg6[%dma_start3A_1377] : memref<6400xi32, #tpu.memory_space<vmem>> -> memref<96xi32, #tpu.memory_space<vmem>>
    %dma_start3A_1379 = arith.constant 0 : i32
    %dma_start3A_1380 = arith.constant 0 : i32
    %dma_start3A_1381 = tpu.memref_slice %arg3[%dma_start3A_1379, %dma_start3A_1380] : memref<1000000x128xf32, #tpu.memory_space<hbm>> -> memref<1000000x128xf32, #tpu.memory_space<hbm>>
    tpu.enqueue_indirect_dma source(%dma_start3A_1381 : memref<1000000x128xf32, #tpu.memory_space<hbm>>) target(%dma_start3A_1376 : memref<96x128xf32, #tpu.memory_space<vmem>>) offsets(%dma_start3A_1378 : memref<96xi32, #tpu.memory_space<vmem>>) semaphore(%arg10 : memref<!tpu.dma_semaphore, #tpu.memory_space<semaphore_mem>>)
    %dma_wait3A_1382 = arith.constant 0 : i32
    %dma_wait3A_1383 = arith.constant 0 : i32
    %dma_wait3A_1384 = tpu.memref_slice %arg9[%dma_wait3A_1382, %dma_wait3A_1383] : memref<200x128xf32, #tpu.memory_space<vmem>> -> memref<104x128xf32, #tpu.memory_space<vmem>>
    %dma_wait3A_1385 = arith.constant 5400 : i32
    %dma_wait3A_1386 = tpu.memref_slice %arg6[%dma_wait3A_1385] : memref<6400xi32, #tpu.memory_space<vmem>> -> memref<104xi32, #tpu.memory_space<vmem>>
    %dma_wait3A_1387 = arith.constant 0 : i32
    %dma_wait3A_1388 = arith.constant 0 : i32
    %dma_wait3A_1389 = tpu.memref_slice %arg3[%dma_wait3A_1387, %dma_wait3A_1388] : memref<1000000x128xf32, #tpu.memory_space<hbm>> -> memref<1000000x128xf32, #tpu.memory_space<hbm>>
    tpu.wait_indirect_dma semaphore(%arg11 : memref<!tpu.dma_semaphore, #tpu.memory_space<semaphore_mem>>) src(%dma_wait3A_1389 : memref<1000000x128xf32, #tpu.memory_space<hbm>>) dst(%dma_wait3A_1384 : memref<104x128xf32, #tpu.memory_space<vmem>>)
    %dma_wait3A_1390 = arith.constant 104 : i32
    %dma_wait3A_1391 = arith.constant 0 : i32
    %dma_wait3A_1392 = tpu.memref_slice %arg9[%dma_wait3A_1390, %dma_wait3A_1391] : memref<200x128xf32, #tpu.memory_space<vmem>> -> memref<96x128xf32, #tpu.memory_space<vmem>>
    %dma_wait3A_1393 = arith.constant 5504 : i32
    %dma_wait3A_1394 = tpu.memref_slice %arg6[%dma_wait3A_1393] : memref<6400xi32, #tpu.memory_space<vmem>> -> memref<96xi32, #tpu.memory_space<vmem>>
    %dma_wait3A_1395 = arith.constant 0 : i32
    %dma_wait3A_1396 = arith.constant 0 : i32
    %dma_wait3A_1397 = tpu.memref_slice %arg3[%dma_wait3A_1395, %dma_wait3A_1396] : memref<1000000x128xf32, #tpu.memory_space<hbm>> -> memref<1000000x128xf32, #tpu.memory_space<hbm>>
    tpu.wait_indirect_dma semaphore(%arg11 : memref<!tpu.dma_semaphore, #tpu.memory_space<semaphore_mem>>) src(%dma_wait3A_1397 : memref<1000000x128xf32, #tpu.memory_space<hbm>>) dst(%dma_wait3A_1392 : memref<96x128xf32, #tpu.memory_space<vmem>>)
    %scan3A_1398 = arith.constant 0 : i32
    %scan3A_1399 = arith.constant 0 : i32
    %scan3A_1400 = arith.constant 200 : i32
    %scan3A_1401 = arith.addi %scan3A_1399, %scan3A_1400 : i32
    %scan3A_1402 = arith.constant 1 : i32
    scf.for %scan3A_1600 = %scan3A_1399 to %scan3A_1401 step %scan3A_1402  : i32 {
      %get3A = arith.index_cast %scan3A_1600 : i32 to index
      %get3A_1601 = arith.constant 0 : index
      %get3A_1602 = tpu.vector_load %arg9[%get3A, %get3A_1601] {strides = array<i32>} : memref<200x128xf32, #tpu.memory_space<vmem>>, vector<1x16xf32>,
      %get3A_1603 = vector.shape_cast %get3A_1602 : vector<1x16xf32> to vector<16xf32>
      %mul3A_1604 = arith.constant 8.000000e+00 : f32
      %mul3A_1605 = vector.broadcast %mul3A_1604 : f32 to vector<16xf32>
      %mul3A_1606 = arith.mulf %get3A_1603, %mul3A_1605 : vector<16xf32>
      %get3A_1607 = arith.index_cast %scan3A_1600 : i32 to index
      %get3A_1608 = arith.constant 0 : index
      %get3A_1609 = tpu.vector_load %arg7[%get3A_1607, %get3A_1608] {strides = array<i32>} : memref<200x64xf32, #tpu.memory_space<vmem>>, vector<1x16xf32>,
      %get3A_1610 = vector.shape_cast %get3A_1609 : vector<1x16xf32> to vector<16xf32>
      %add3A_1611 = arith.addf %mul3A_1606, %get3A_1610 : vector<16xf32>
      %swap3A = arith.index_cast %scan3A_1600 : i32 to index
      %swap3A_1612 = arith.constant 0 : index
      %swap3A_1613 = tpu.vector_load %arg9[%swap3A, %swap3A_1612] {strides = array<i32>} : memref<200x128xf32, #tpu.memory_space<vmem>>, vector<1x16xf32>,
      %swap3A_1614 = vector.shape_cast %swap3A_1613 : vector<1x16xf32> to vector<16xf32>
      %swap3A_1615 = vector.shape_cast %add3A_1611 : vector<16xf32> to vector<1x16xf32>
      tpu.vector_store %arg9[%swap3A, %swap3A_1612], %swap3A_1615 {strides = array<i32>} : memref<200x128xf32, #tpu.memory_space<vmem>>, vector<1x16xf32>,
      %get3A_1616 = arith.index_cast %scan3A_1600 : i32 to index
      %get3A_1617 = arith.constant 16 : index
      %get3A_1618 = tpu.vector_load %arg9[%get3A_1616, %get3A_1617] {strides = array<i32>} : memref<200x128xf32, #tpu.memory_space<vmem>>, vector<1x16xf32>,
      %get3A_1619 = vector.shape_cast %get3A_1618 : vector<1x16xf32> to vector<16xf32>
      %mul3A_1620 = arith.constant 8.000000e+00 : f32
      %mul3A_1621 = vector.broadcast %mul3A_1620 : f32 to vector<16xf32>
      %mul3A_1622 = arith.mulf %get3A_1619, %mul3A_1621 : vector<16xf32>
      %get3A_1623 = arith.index_cast %scan3A_1600 : i32 to index
      %get3A_1624 = arith.constant 16 : index
      %get3A_1625 = tpu.vector_load %arg7[%get3A_1623, %get3A_1624] {strides = array<i32>} : memref<200x64xf32, #tpu.memory_space<vmem>>, vector<1x16xf32>,
      %get3A_1626 = vector.shape_cast %get3A_1625 : vector<1x16xf32> to vector<16xf32>
      %add3A_1627 = arith.addf %mul3A_1622, %get3A_1626 : vector<16xf32>
      %swap3A_1628 = arith.index_cast %scan3A_1600 : i32 to index
      %swap3A_1629 = arith.constant 16 : index
      %swap3A_1630 = tpu.vector_load %arg9[%swap3A_1628, %swap3A_1629] {strides = array<i32>} : memref<200x128xf32, #tpu.memory_space<vmem>>, vector<1x16xf32>,
      %swap3A_1631 = vector.shape_cast %swap3A_1630 : vector<1x16xf32> to vector<16xf32>
      %swap3A_1632 = vector.shape_cast %add3A_1627 : vector<16xf32> to vector<1x16xf32>
      tpu.vector_store %arg9[%swap3A_1628, %swap3A_1629], %swap3A_1632 {strides = array<i32>} : memref<200x128xf32, #tpu.memory_space<vmem>>, vector<1x16xf32>,
      %get3A_1633 = arith.index_cast %scan3A_1600 : i32 to index
      %get3A_1634 = arith.constant 32 : index
      %get3A_1635 = tpu.vector_load %arg9[%get3A_1633, %get3A_1634] {strides = array<i32>} : memref<200x128xf32, #tpu.memory_space<vmem>>, vector<1x16xf32>,
      %get3A_1636 = vector.shape_cast %get3A_1635 : vector<1x16xf32> to vector<16xf32>
      %mul3A_1637 = arith.constant 8.000000e+00 : f32
      %mul3A_1638 = vector.broadcast %mul3A_1637 : f32 to vector<16xf32>
      %mul3A_1639 = arith.mulf %get3A_1636, %mul3A_1638 : vector<16xf32>
      %get3A_1640 = arith.index_cast %scan3A_1600 : i32 to index
      %get3A_1641 = arith.constant 32 : index
      %get3A_1642 = tpu.vector_load %arg7[%get3A_1640, %get3A_1641] {strides = array<i32>} : memref<200x64xf32, #tpu.memory_space<vmem>>, vector<1x16xf32>,
      %get3A_1643 = vector.shape_cast %get3A_1642 : vector<1x16xf32> to vector<16xf32>
      %add3A_1644 = arith.addf %mul3A_1639, %get3A_1643 : vector<16xf32>
      %swap3A_1645 = arith.index_cast %scan3A_1600 : i32 to index
      %swap3A_1646 = arith.constant 32 : index
      %swap3A_1647 = tpu.vector_load %arg9[%swap3A_1645, %swap3A_1646] {strides = array<i32>} : memref<200x128xf32, #tpu.memory_space<vmem>>, vector<1x16xf32>,
      %swap3A_1648 = vector.shape_cast %swap3A_1647 : vector<1x16xf32> to vector<16xf32>
      %swap3A_1649 = vector.shape_cast %add3A_1644 : vector<16xf32> to vector<1x16xf32>
      tpu.vector_store %arg9[%swap3A_1645, %swap3A_1646], %swap3A_1649 {strides = array<i32>} : memref<200x128xf32, #tpu.memory_space<vmem>>, vector<1x16xf32>,
      %get3A_1650 = arith.index_cast %scan3A_1600 : i32 to index
      %get3A_1651 = arith.constant 48 : index
      %get3A_1652 = tpu.vector_load %arg9[%get3A_1650, %get3A_1651] {strides = array<i32>} : memref<200x128xf32, #tpu.memory_space<vmem>>, vector<1x16xf32>,
      %get3A_1653 = vector.shape_cast %get3A_1652 : vector<1x16xf32> to vector<16xf32>
      %mul3A_1654 = arith.constant 8.000000e+00 : f32
      %mul3A_1655 = vector.broadcast %mul3A_1654 : f32 to vector<16xf32>
      %mul3A_1656 = arith.mulf %get3A_1653, %mul3A_1655 : vector<16xf32>
      %get3A_1657 = arith.index_cast %scan3A_1600 : i32 to index
      %get3A_1658 = arith.constant 48 : index
      %get3A_1659 = tpu.vector_load %arg7[%get3A_1657, %get3A_1658] {strides = array<i32>} : memref<200x64xf32, #tpu.memory_space<vmem>>, vector<1x16xf32>,
      %get3A_1660 = vector.shape_cast %get3A_1659 : vector<1x16xf32> to vector<16xf32>
      %add3A_1661 = arith.addf %mul3A_1656, %get3A_1660 : vector<16xf32>
      %swap3A_1662 = arith.index_cast %scan3A_1600 : i32 to index
      %swap3A_1663 = arith.constant 48 : index
      %swap3A_1664 = tpu.vector_load %arg9[%swap3A_1662, %swap3A_1663] {strides = array<i32>} : memref<200x128xf32, #tpu.memory_space<vmem>>, vector<1x16xf32>,
      %swap3A_1665 = vector.shape_cast %swap3A_1664 : vector<1x16xf32> to vector<16xf32>
      %swap3A_1666 = vector.shape_cast %add3A_1661 : vector<16xf32> to vector<1x16xf32>
      tpu.vector_store %arg9[%swap3A_1662, %swap3A_1663], %swap3A_1666 {strides = array<i32>} : memref<200x128xf32, #tpu.memory_space<vmem>>, vector<1x16xf32>,
    }
    %scan3A_1403 = arith.constant 200 : i32
    %add3A_1404 = arith.constant 5400 : i32
    %add3A_1405 = arith.addi %mul3A_2, %add3A_1404 : i32
    %dma_start3A_1406 = arith.constant 0 : i32
    %dma_start3A_1407 = tpu.memref_slice %arg5[%add3A_1405, %dma_start3A_1406] : memref<204800x128xf32, #tpu.memory_space<hbm>> -> memref<200x128xf32, #tpu.memory_space<hbm>>
    %dma_start3A_1408 = arith.constant 0 : i32
    %dma_start3A_1409 = tpu.memref_slice %arg5[%add3A_1405, %dma_start3A_1408] : memref<204800x128xf32, #tpu.memory_space<hbm>> -> memref<200x128xf32, #tpu.memory_space<hbm>>
    tpu.enqueue_dma source(%arg9 : memref<200x128xf32, #tpu.memory_space<vmem>>) target(%dma_start3A_1409 : memref<200x128xf32, #tpu.memory_space<hbm>>) target_semaphore(%arg13 : memref<!tpu.dma_semaphore, #tpu.memory_space<semaphore_mem>>)
    %add3A_1410 = arith.constant 5400 : i32
    %add3A_1411 = arith.addi %mul3A_2, %add3A_1410 : i32
    %dma_wait3A_1412 = arith.constant 0 : i32
    %dma_wait3A_1413 = tpu.memref_slice %arg5[%add3A_1411, %dma_wait3A_1412] : memref<204800x128xf32, #tpu.memory_space<hbm>> -> memref<200x128xf32, #tpu.memory_space<hbm>>
    %dma_wait3A_1414 = arith.constant 0 : i32
    %dma_wait3A_1415 = tpu.memref_slice %arg5[%add3A_1411, %dma_wait3A_1414] : memref<204800x128xf32, #tpu.memory_space<hbm>> -> memref<200x128xf32, #tpu.memory_space<hbm>>
    tpu.wait_dma2 semaphore(%arg13 : memref<!tpu.dma_semaphore, #tpu.memory_space<semaphore_mem>>) src(%arg9 : memref<200x128xf32, #tpu.memory_space<vmem>>) dst(%dma_wait3A_1415 : memref<200x128xf32, #tpu.memory_space<hbm>>)
    %dma_start3A_1416 = arith.constant 0 : i32
    %dma_start3A_1417 = arith.constant 0 : i32
    %dma_start3A_1418 = tpu.memref_slice %arg9[%dma_start3A_1416, %dma_start3A_1417] : memref<200x128xf32, #tpu.memory_space<vmem>> -> memref<104x128xf32, #tpu.memory_space<vmem>>
    %dma_start3A_1419 = arith.constant 5800 : i32
    %dma_start3A_1420 = tpu.memref_slice %arg6[%dma_start3A_1419] : memref<6400xi32, #tpu.memory_space<vmem>> -> memref<104xi32, #tpu.memory_space<vmem>>
    %dma_start3A_1421 = arith.constant 0 : i32
    %dma_start3A_1422 = arith.constant 0 : i32
    %dma_start3A_1423 = tpu.memref_slice %arg3[%dma_start3A_1421, %dma_start3A_1422] : memref<1000000x128xf32, #tpu.memory_space<hbm>> -> memref<1000000x128xf32, #tpu.memory_space<hbm>>
    tpu.enqueue_indirect_dma source(%dma_start3A_1423 : memref<1000000x128xf32, #tpu.memory_space<hbm>>) target(%dma_start3A_1418 : memref<104x128xf32, #tpu.memory_space<vmem>>) offsets(%dma_start3A_1420 : memref<104xi32, #tpu.memory_space<vmem>>) semaphore(%arg11 : memref<!tpu.dma_semaphore, #tpu.memory_space<semaphore_mem>>)
    %dma_start3A_1424 = arith.constant 104 : i32
    %dma_start3A_1425 = arith.constant 0 : i32
    %dma_start3A_1426 = tpu.memref_slice %arg9[%dma_start3A_1424, %dma_start3A_1425] : memref<200x128xf32, #tpu.memory_space<vmem>> -> memref<96x128xf32, #tpu.memory_space<vmem>>
    %dma_start3A_1427 = arith.constant 5904 : i32
    %dma_start3A_1428 = tpu.memref_slice %arg6[%dma_start3A_1427] : memref<6400xi32, #tpu.memory_space<vmem>> -> memref<96xi32, #tpu.memory_space<vmem>>
    %dma_start3A_1429 = arith.constant 0 : i32
    %dma_start3A_1430 = arith.constant 0 : i32
    %dma_start3A_1431 = tpu.memref_slice %arg3[%dma_start3A_1429, %dma_start3A_1430] : memref<1000000x128xf32, #tpu.memory_space<hbm>> -> memref<1000000x128xf32, #tpu.memory_space<hbm>>
    tpu.enqueue_indirect_dma source(%dma_start3A_1431 : memref<1000000x128xf32, #tpu.memory_space<hbm>>) target(%dma_start3A_1426 : memref<96x128xf32, #tpu.memory_space<vmem>>) offsets(%dma_start3A_1428 : memref<96xi32, #tpu.memory_space<vmem>>) semaphore(%arg11 : memref<!tpu.dma_semaphore, #tpu.memory_space<semaphore_mem>>)
    %dma_wait3A_1432 = arith.constant 0 : i32
    %dma_wait3A_1433 = arith.constant 0 : i32
    %dma_wait3A_1434 = tpu.memref_slice %arg8[%dma_wait3A_1432, %dma_wait3A_1433] : memref<200x128xf32, #tpu.memory_space<vmem>> -> memref<104x128xf32, #tpu.memory_space<vmem>>
    %dma_wait3A_1435 = arith.constant 5600 : i32
    %dma_wait3A_1436 = tpu.memref_slice %arg6[%dma_wait3A_1435] : memref<6400xi32, #tpu.memory_space<vmem>> -> memref<104xi32, #tpu.memory_space<vmem>>
    %dma_wait3A_1437 = arith.constant 0 : i32
    %dma_wait3A_1438 = arith.constant 0 : i32
    %dma_wait3A_1439 = tpu.memref_slice %arg3[%dma_wait3A_1437, %dma_wait3A_1438] : memref<1000000x128xf32, #tpu.memory_space<hbm>> -> memref<1000000x128xf32, #tpu.memory_space<hbm>>
    tpu.wait_indirect_dma semaphore(%arg10 : memref<!tpu.dma_semaphore, #tpu.memory_space<semaphore_mem>>) src(%dma_wait3A_1439 : memref<1000000x128xf32, #tpu.memory_space<hbm>>) dst(%dma_wait3A_1434 : memref<104x128xf32, #tpu.memory_space<vmem>>)
    %dma_wait3A_1440 = arith.constant 104 : i32
    %dma_wait3A_1441 = arith.constant 0 : i32
    %dma_wait3A_1442 = tpu.memref_slice %arg8[%dma_wait3A_1440, %dma_wait3A_1441] : memref<200x128xf32, #tpu.memory_space<vmem>> -> memref<96x128xf32, #tpu.memory_space<vmem>>
    %dma_wait3A_1443 = arith.constant 5704 : i32
    %dma_wait3A_1444 = tpu.memref_slice %arg6[%dma_wait3A_1443] : memref<6400xi32, #tpu.memory_space<vmem>> -> memref<96xi32, #tpu.memory_space<vmem>>
    %dma_wait3A_1445 = arith.constant 0 : i32
    %dma_wait3A_1446 = arith.constant 0 : i32
    %dma_wait3A_1447 = tpu.memref_slice %arg3[%dma_wait3A_1445, %dma_wait3A_1446] : memref<1000000x128xf32, #tpu.memory_space<hbm>> -> memref<1000000x128xf32, #tpu.memory_space<hbm>>
    tpu.wait_indirect_dma semaphore(%arg10 : memref<!tpu.dma_semaphore, #tpu.memory_space<semaphore_mem>>) src(%dma_wait3A_1447 : memref<1000000x128xf32, #tpu.memory_space<hbm>>) dst(%dma_wait3A_1442 : memref<96x128xf32, #tpu.memory_space<vmem>>)
    %scan3A_1448 = arith.constant 0 : i32
    %scan3A_1449 = arith.constant 0 : i32
    %scan3A_1450 = arith.constant 200 : i32
    %scan3A_1451 = arith.addi %scan3A_1449, %scan3A_1450 : i32
    %scan3A_1452 = arith.constant 1 : i32
    scf.for %scan3A_1600 = %scan3A_1449 to %scan3A_1451 step %scan3A_1452  : i32 {
      %get3A = arith.index_cast %scan3A_1600 : i32 to index
      %get3A_1601 = arith.constant 0 : index
      %get3A_1602 = tpu.vector_load %arg8[%get3A, %get3A_1601] {strides = array<i32>} : memref<200x128xf32, #tpu.memory_space<vmem>>, vector<1x16xf32>,
      %get3A_1603 = vector.shape_cast %get3A_1602 : vector<1x16xf32> to vector<16xf32>
      %mul3A_1604 = arith.constant 8.000000e+00 : f32
      %mul3A_1605 = vector.broadcast %mul3A_1604 : f32 to vector<16xf32>
      %mul3A_1606 = arith.mulf %get3A_1603, %mul3A_1605 : vector<16xf32>
      %get3A_1607 = arith.index_cast %scan3A_1600 : i32 to index
      %get3A_1608 = arith.constant 0 : index
      %get3A_1609 = tpu.vector_load %arg7[%get3A_1607, %get3A_1608] {strides = array<i32>} : memref<200x64xf32, #tpu.memory_space<vmem>>, vector<1x16xf32>,
      %get3A_1610 = vector.shape_cast %get3A_1609 : vector<1x16xf32> to vector<16xf32>
      %add3A_1611 = arith.addf %mul3A_1606, %get3A_1610 : vector<16xf32>
      %swap3A = arith.index_cast %scan3A_1600 : i32 to index
      %swap3A_1612 = arith.constant 0 : index
      %swap3A_1613 = tpu.vector_load %arg8[%swap3A, %swap3A_1612] {strides = array<i32>} : memref<200x128xf32, #tpu.memory_space<vmem>>, vector<1x16xf32>,
      %swap3A_1614 = vector.shape_cast %swap3A_1613 : vector<1x16xf32> to vector<16xf32>
      %swap3A_1615 = vector.shape_cast %add3A_1611 : vector<16xf32> to vector<1x16xf32>
      tpu.vector_store %arg8[%swap3A, %swap3A_1612], %swap3A_1615 {strides = array<i32>} : memref<200x128xf32, #tpu.memory_space<vmem>>, vector<1x16xf32>,
      %get3A_1616 = arith.index_cast %scan3A_1600 : i32 to index
      %get3A_1617 = arith.constant 16 : index
      %get3A_1618 = tpu.vector_load %arg8[%get3A_1616, %get3A_1617] {strides = array<i32>} : memref<200x128xf32, #tpu.memory_space<vmem>>, vector<1x16xf32>,
      %get3A_1619 = vector.shape_cast %get3A_1618 : vector<1x16xf32> to vector<16xf32>
      %mul3A_1620 = arith.constant 8.000000e+00 : f32
      %mul3A_1621 = vector.broadcast %mul3A_1620 : f32 to vector<16xf32>
      %mul3A_1622 = arith.mulf %get3A_1619, %mul3A_1621 : vector<16xf32>
      %get3A_1623 = arith.index_cast %scan3A_1600 : i32 to index
      %get3A_1624 = arith.constant 16 : index
      %get3A_1625 = tpu.vector_load %arg7[%get3A_1623, %get3A_1624] {strides = array<i32>} : memref<200x64xf32, #tpu.memory_space<vmem>>, vector<1x16xf32>,
      %get3A_1626 = vector.shape_cast %get3A_1625 : vector<1x16xf32> to vector<16xf32>
      %add3A_1627 = arith.addf %mul3A_1622, %get3A_1626 : vector<16xf32>
      %swap3A_1628 = arith.index_cast %scan3A_1600 : i32 to index
      %swap3A_1629 = arith.constant 16 : index
      %swap3A_1630 = tpu.vector_load %arg8[%swap3A_1628, %swap3A_1629] {strides = array<i32>} : memref<200x128xf32, #tpu.memory_space<vmem>>, vector<1x16xf32>,
      %swap3A_1631 = vector.shape_cast %swap3A_1630 : vector<1x16xf32> to vector<16xf32>
      %swap3A_1632 = vector.shape_cast %add3A_1627 : vector<16xf32> to vector<1x16xf32>
      tpu.vector_store %arg8[%swap3A_1628, %swap3A_1629], %swap3A_1632 {strides = array<i32>} : memref<200x128xf32, #tpu.memory_space<vmem>>, vector<1x16xf32>,
      %get3A_1633 = arith.index_cast %scan3A_1600 : i32 to index
      %get3A_1634 = arith.constant 32 : index
      %get3A_1635 = tpu.vector_load %arg8[%get3A_1633, %get3A_1634] {strides = array<i32>} : memref<200x128xf32, #tpu.memory_space<vmem>>, vector<1x16xf32>,
      %get3A_1636 = vector.shape_cast %get3A_1635 : vector<1x16xf32> to vector<16xf32>
      %mul3A_1637 = arith.constant 8.000000e+00 : f32
      %mul3A_1638 = vector.broadcast %mul3A_1637 : f32 to vector<16xf32>
      %mul3A_1639 = arith.mulf %get3A_1636, %mul3A_1638 : vector<16xf32>
      %get3A_1640 = arith.index_cast %scan3A_1600 : i32 to index
      %get3A_1641 = arith.constant 32 : index
      %get3A_1642 = tpu.vector_load %arg7[%get3A_1640, %get3A_1641] {strides = array<i32>} : memref<200x64xf32, #tpu.memory_space<vmem>>, vector<1x16xf32>,
      %get3A_1643 = vector.shape_cast %get3A_1642 : vector<1x16xf32> to vector<16xf32>
      %add3A_1644 = arith.addf %mul3A_1639, %get3A_1643 : vector<16xf32>
      %swap3A_1645 = arith.index_cast %scan3A_1600 : i32 to index
      %swap3A_1646 = arith.constant 32 : index
      %swap3A_1647 = tpu.vector_load %arg8[%swap3A_1645, %swap3A_1646] {strides = array<i32>} : memref<200x128xf32, #tpu.memory_space<vmem>>, vector<1x16xf32>,
      %swap3A_1648 = vector.shape_cast %swap3A_1647 : vector<1x16xf32> to vector<16xf32>
      %swap3A_1649 = vector.shape_cast %add3A_1644 : vector<16xf32> to vector<1x16xf32>
      tpu.vector_store %arg8[%swap3A_1645, %swap3A_1646], %swap3A_1649 {strides = array<i32>} : memref<200x128xf32, #tpu.memory_space<vmem>>, vector<1x16xf32>,
      %get3A_1650 = arith.index_cast %scan3A_1600 : i32 to index
      %get3A_1651 = arith.constant 48 : index
      %get3A_1652 = tpu.vector_load %arg8[%get3A_1650, %get3A_1651] {strides = array<i32>} : memref<200x128xf32, #tpu.memory_space<vmem>>, vector<1x16xf32>,
      %get3A_1653 = vector.shape_cast %get3A_1652 : vector<1x16xf32> to vector<16xf32>
      %mul3A_1654 = arith.constant 8.000000e+00 : f32
      %mul3A_1655 = vector.broadcast %mul3A_1654 : f32 to vector<16xf32>
      %mul3A_1656 = arith.mulf %get3A_1653, %mul3A_1655 : vector<16xf32>
      %get3A_1657 = arith.index_cast %scan3A_1600 : i32 to index
      %get3A_1658 = arith.constant 48 : index
      %get3A_1659 = tpu.vector_load %arg7[%get3A_1657, %get3A_1658] {strides = array<i32>} : memref<200x64xf32, #tpu.memory_space<vmem>>, vector<1x16xf32>,
      %get3A_1660 = vector.shape_cast %get3A_1659 : vector<1x16xf32> to vector<16xf32>
      %add3A_1661 = arith.addf %mul3A_1656, %get3A_1660 : vector<16xf32>
      %swap3A_1662 = arith.index_cast %scan3A_1600 : i32 to index
      %swap3A_1663 = arith.constant 48 : index
      %swap3A_1664 = tpu.vector_load %arg8[%swap3A_1662, %swap3A_1663] {strides = array<i32>} : memref<200x128xf32, #tpu.memory_space<vmem>>, vector<1x16xf32>,
      %swap3A_1665 = vector.shape_cast %swap3A_1664 : vector<1x16xf32> to vector<16xf32>
      %swap3A_1666 = vector.shape_cast %add3A_1661 : vector<16xf32> to vector<1x16xf32>
      tpu.vector_store %arg8[%swap3A_1662, %swap3A_1663], %swap3A_1666 {strides = array<i32>} : memref<200x128xf32, #tpu.memory_space<vmem>>, vector<1x16xf32>,
    }
    %scan3A_1453 = arith.constant 200 : i32
    %add3A_1454 = arith.constant 5600 : i32
    %add3A_1455 = arith.addi %mul3A_2, %add3A_1454 : i32
    %dma_start3A_1456 = arith.constant 0 : i32
    %dma_start3A_1457 = tpu.memref_slice %arg5[%add3A_1455, %dma_start3A_1456] : memref<204800x128xf32, #tpu.memory_space<hbm>> -> memref<200x128xf32, #tpu.memory_space<hbm>>
    %dma_start3A_1458 = arith.constant 0 : i32
    %dma_start3A_1459 = tpu.memref_slice %arg5[%add3A_1455, %dma_start3A_1458] : memref<204800x128xf32, #tpu.memory_space<hbm>> -> memref<200x128xf32, #tpu.memory_space<hbm>>
    tpu.enqueue_dma source(%arg8 : memref<200x128xf32, #tpu.memory_space<vmem>>) target(%dma_start3A_1459 : memref<200x128xf32, #tpu.memory_space<hbm>>) target_semaphore(%arg12 : memref<!tpu.dma_semaphore, #tpu.memory_space<semaphore_mem>>)
    %add3A_1460 = arith.constant 5600 : i32
    %add3A_1461 = arith.addi %mul3A_2, %add3A_1460 : i32
    %dma_wait3A_1462 = arith.constant 0 : i32
    %dma_wait3A_1463 = tpu.memref_slice %arg5[%add3A_1461, %dma_wait3A_1462] : memref<204800x128xf32, #tpu.memory_space<hbm>> -> memref<200x128xf32, #tpu.memory_space<hbm>>
    %dma_wait3A_1464 = arith.constant 0 : i32
    %dma_wait3A_1465 = tpu.memref_slice %arg5[%add3A_1461, %dma_wait3A_1464] : memref<204800x128xf32, #tpu.memory_space<hbm>> -> memref<200x128xf32, #tpu.memory_space<hbm>>
    tpu.wait_dma2 semaphore(%arg12 : memref<!tpu.dma_semaphore, #tpu.memory_space<semaphore_mem>>) src(%arg8 : memref<200x128xf32, #tpu.memory_space<vmem>>) dst(%dma_wait3A_1465 : memref<200x128xf32, #tpu.memory_space<hbm>>)
    %dma_start3A_1466 = arith.constant 0 : i32
    %dma_start3A_1467 = arith.constant 0 : i32
    %dma_start3A_1468 = tpu.memref_slice %arg8[%dma_start3A_1466, %dma_start3A_1467] : memref<200x128xf32, #tpu.memory_space<vmem>> -> memref<104x128xf32, #tpu.memory_space<vmem>>
    %dma_start3A_1469 = arith.constant 6000 : i32
    %dma_start3A_1470 = tpu.memref_slice %arg6[%dma_start3A_1469] : memref<6400xi32, #tpu.memory_space<vmem>> -> memref<104xi32, #tpu.memory_space<vmem>>
    %dma_start3A_1471 = arith.constant 0 : i32
    %dma_start3A_1472 = arith.constant 0 : i32
    %dma_start3A_1473 = tpu.memref_slice %arg3[%dma_start3A_1471, %dma_start3A_1472] : memref<1000000x128xf32, #tpu.memory_space<hbm>> -> memref<1000000x128xf32, #tpu.memory_space<hbm>>
    tpu.enqueue_indirect_dma source(%dma_start3A_1473 : memref<1000000x128xf32, #tpu.memory_space<hbm>>) target(%dma_start3A_1468 : memref<104x128xf32, #tpu.memory_space<vmem>>) offsets(%dma_start3A_1470 : memref<104xi32, #tpu.memory_space<vmem>>) semaphore(%arg10 : memref<!tpu.dma_semaphore, #tpu.memory_space<semaphore_mem>>)
    %dma_start3A_1474 = arith.constant 104 : i32
    %dma_start3A_1475 = arith.constant 0 : i32
    %dma_start3A_1476 = tpu.memref_slice %arg8[%dma_start3A_1474, %dma_start3A_1475] : memref<200x128xf32, #tpu.memory_space<vmem>> -> memref<96x128xf32, #tpu.memory_space<vmem>>
    %dma_start3A_1477 = arith.constant 6104 : i32
    %dma_start3A_1478 = tpu.memref_slice %arg6[%dma_start3A_1477] : memref<6400xi32, #tpu.memory_space<vmem>> -> memref<96xi32, #tpu.memory_space<vmem>>
    %dma_start3A_1479 = arith.constant 0 : i32
    %dma_start3A_1480 = arith.constant 0 : i32
    %dma_start3A_1481 = tpu.memref_slice %arg3[%dma_start3A_1479, %dma_start3A_1480] : memref<1000000x128xf32, #tpu.memory_space<hbm>> -> memref<1000000x128xf32, #tpu.memory_space<hbm>>
    tpu.enqueue_indirect_dma source(%dma_start3A_1481 : memref<1000000x128xf32, #tpu.memory_space<hbm>>) target(%dma_start3A_1476 : memref<96x128xf32, #tpu.memory_space<vmem>>) offsets(%dma_start3A_1478 : memref<96xi32, #tpu.memory_space<vmem>>) semaphore(%arg10 : memref<!tpu.dma_semaphore, #tpu.memory_space<semaphore_mem>>)
    %dma_wait3A_1482 = arith.constant 0 : i32
    %dma_wait3A_1483 = arith.constant 0 : i32
    %dma_wait3A_1484 = tpu.memref_slice %arg9[%dma_wait3A_1482, %dma_wait3A_1483] : memref<200x128xf32, #tpu.memory_space<vmem>> -> memref<104x128xf32, #tpu.memory_space<vmem>>
    %dma_wait3A_1485 = arith.constant 5800 : i32
    %dma_wait3A_1486 = tpu.memref_slice %arg6[%dma_wait3A_1485] : memref<6400xi32, #tpu.memory_space<vmem>> -> memref<104xi32, #tpu.memory_space<vmem>>
    %dma_wait3A_1487 = arith.constant 0 : i32
    %dma_wait3A_1488 = arith.constant 0 : i32
    %dma_wait3A_1489 = tpu.memref_slice %arg3[%dma_wait3A_1487, %dma_wait3A_1488] : memref<1000000x128xf32, #tpu.memory_space<hbm>> -> memref<1000000x128xf32, #tpu.memory_space<hbm>>
    tpu.wait_indirect_dma semaphore(%arg11 : memref<!tpu.dma_semaphore, #tpu.memory_space<semaphore_mem>>) src(%dma_wait3A_1489 : memref<1000000x128xf32, #tpu.memory_space<hbm>>) dst(%dma_wait3A_1484 : memref<104x128xf32, #tpu.memory_space<vmem>>)
    %dma_wait3A_1490 = arith.constant 104 : i32
    %dma_wait3A_1491 = arith.constant 0 : i32
    %dma_wait3A_1492 = tpu.memref_slice %arg9[%dma_wait3A_1490, %dma_wait3A_1491] : memref<200x128xf32, #tpu.memory_space<vmem>> -> memref<96x128xf32, #tpu.memory_space<vmem>>
    %dma_wait3A_1493 = arith.constant 5904 : i32
    %dma_wait3A_1494 = tpu.memref_slice %arg6[%dma_wait3A_1493] : memref<6400xi32, #tpu.memory_space<vmem>> -> memref<96xi32, #tpu.memory_space<vmem>>
    %dma_wait3A_1495 = arith.constant 0 : i32
    %dma_wait3A_1496 = arith.constant 0 : i32
    %dma_wait3A_1497 = tpu.memref_slice %arg3[%dma_wait3A_1495, %dma_wait3A_1496] : memref<1000000x128xf32, #tpu.memory_space<hbm>> -> memref<1000000x128xf32, #tpu.memory_space<hbm>>
    tpu.wait_indirect_dma semaphore(%arg11 : memref<!tpu.dma_semaphore, #tpu.memory_space<semaphore_mem>>) src(%dma_wait3A_1497 : memref<1000000x128xf32, #tpu.memory_space<hbm>>) dst(%dma_wait3A_1492 : memref<96x128xf32, #tpu.memory_space<vmem>>)
    %scan3A_1498 = arith.constant 0 : i32
    %scan3A_1499 = arith.constant 0 : i32
    %scan3A_1500 = arith.constant 200 : i32
    %scan3A_1501 = arith.addi %scan3A_1499, %scan3A_1500 : i32
    %scan3A_1502 = arith.constant 1 : i32
    scf.for %scan3A_1600 = %scan3A_1499 to %scan3A_1501 step %scan3A_1502  : i32 {
      %get3A = arith.index_cast %scan3A_1600 : i32 to index
      %get3A_1601 = arith.constant 0 : index
      %get3A_1602 = tpu.vector_load %arg9[%get3A, %get3A_1601] {strides = array<i32>} : memref<200x128xf32, #tpu.memory_space<vmem>>, vector<1x16xf32>,
      %get3A_1603 = vector.shape_cast %get3A_1602 : vector<1x16xf32> to vector<16xf32>
      %mul3A_1604 = arith.constant 8.000000e+00 : f32
      %mul3A_1605 = vector.broadcast %mul3A_1604 : f32 to vector<16xf32>
      %mul3A_1606 = arith.mulf %get3A_1603, %mul3A_1605 : vector<16xf32>
      %get3A_1607 = arith.index_cast %scan3A_1600 : i32 to index
      %get3A_1608 = arith.constant 0 : index
      %get3A_1609 = tpu.vector_load %arg7[%get3A_1607, %get3A_1608] {strides = array<i32>} : memref<200x64xf32, #tpu.memory_space<vmem>>, vector<1x16xf32>,
      %get3A_1610 = vector.shape_cast %get3A_1609 : vector<1x16xf32> to vector<16xf32>
      %add3A_1611 = arith.addf %mul3A_1606, %get3A_1610 : vector<16xf32>
      %swap3A = arith.index_cast %scan3A_1600 : i32 to index
      %swap3A_1612 = arith.constant 0 : index
      %swap3A_1613 = tpu.vector_load %arg9[%swap3A, %swap3A_1612] {strides = array<i32>} : memref<200x128xf32, #tpu.memory_space<vmem>>, vector<1x16xf32>,
      %swap3A_1614 = vector.shape_cast %swap3A_1613 : vector<1x16xf32> to vector<16xf32>
      %swap3A_1615 = vector.shape_cast %add3A_1611 : vector<16xf32> to vector<1x16xf32>
      tpu.vector_store %arg9[%swap3A, %swap3A_1612], %swap3A_1615 {strides = array<i32>} : memref<200x128xf32, #tpu.memory_space<vmem>>, vector<1x16xf32>,
      %get3A_1616 = arith.index_cast %scan3A_1600 : i32 to index
      %get3A_1617 = arith.constant 16 : index
      %get3A_1618 = tpu.vector_load %arg9[%get3A_1616, %get3A_1617] {strides = array<i32>} : memref<200x128xf32, #tpu.memory_space<vmem>>, vector<1x16xf32>,
      %get3A_1619 = vector.shape_cast %get3A_1618 : vector<1x16xf32> to vector<16xf32>
      %mul3A_1620 = arith.constant 8.000000e+00 : f32
      %mul3A_1621 = vector.broadcast %mul3A_1620 : f32 to vector<16xf32>
      %mul3A_1622 = arith.mulf %get3A_1619, %mul3A_1621 : vector<16xf32>
      %get3A_1623 = arith.index_cast %scan3A_1600 : i32 to index
      %get3A_1624 = arith.constant 16 : index
      %get3A_1625 = tpu.vector_load %arg7[%get3A_1623, %get3A_1624] {strides = array<i32>} : memref<200x64xf32, #tpu.memory_space<vmem>>, vector<1x16xf32>,
      %get3A_1626 = vector.shape_cast %get3A_1625 : vector<1x16xf32> to vector<16xf32>
      %add3A_1627 = arith.addf %mul3A_1622, %get3A_1626 : vector<16xf32>
      %swap3A_1628 = arith.index_cast %scan3A_1600 : i32 to index
      %swap3A_1629 = arith.constant 16 : index
      %swap3A_1630 = tpu.vector_load %arg9[%swap3A_1628, %swap3A_1629] {strides = array<i32>} : memref<200x128xf32, #tpu.memory_space<vmem>>, vector<1x16xf32>,
      %swap3A_1631 = vector.shape_cast %swap3A_1630 : vector<1x16xf32> to vector<16xf32>
      %swap3A_1632 = vector.shape_cast %add3A_1627 : vector<16xf32> to vector<1x16xf32>
      tpu.vector_store %arg9[%swap3A_1628, %swap3A_1629], %swap3A_1632 {strides = array<i32>} : memref<200x128xf32, #tpu.memory_space<vmem>>, vector<1x16xf32>,
      %get3A_1633 = arith.index_cast %scan3A_1600 : i32 to index
      %get3A_1634 = arith.constant 32 : index
      %get3A_1635 = tpu.vector_load %arg9[%get3A_1633, %get3A_1634] {strides = array<i32>} : memref<200x128xf32, #tpu.memory_space<vmem>>, vector<1x16xf32>,
      %get3A_1636 = vector.shape_cast %get3A_1635 : vector<1x16xf32> to vector<16xf32>
      %mul3A_1637 = arith.constant 8.000000e+00 : f32
      %mul3A_1638 = vector.broadcast %mul3A_1637 : f32 to vector<16xf32>
      %mul3A_1639 = arith.mulf %get3A_1636, %mul3A_1638 : vector<16xf32>
      %get3A_1640 = arith.index_cast %scan3A_1600 : i32 to index
      %get3A_1641 = arith.constant 32 : index
      %get3A_1642 = tpu.vector_load %arg7[%get3A_1640, %get3A_1641] {strides = array<i32>} : memref<200x64xf32, #tpu.memory_space<vmem>>, vector<1x16xf32>,
      %get3A_1643 = vector.shape_cast %get3A_1642 : vector<1x16xf32> to vector<16xf32>
      %add3A_1644 = arith.addf %mul3A_1639, %get3A_1643 : vector<16xf32>
      %swap3A_1645 = arith.index_cast %scan3A_1600 : i32 to index
      %swap3A_1646 = arith.constant 32 : index
      %swap3A_1647 = tpu.vector_load %arg9[%swap3A_1645, %swap3A_1646] {strides = array<i32>} : memref<200x128xf32, #tpu.memory_space<vmem>>, vector<1x16xf32>,
      %swap3A_1648 = vector.shape_cast %swap3A_1647 : vector<1x16xf32> to vector<16xf32>
      %swap3A_1649 = vector.shape_cast %add3A_1644 : vector<16xf32> to vector<1x16xf32>
      tpu.vector_store %arg9[%swap3A_1645, %swap3A_1646], %swap3A_1649 {strides = array<i32>} : memref<200x128xf32, #tpu.memory_space<vmem>>, vector<1x16xf32>,
      %get3A_1650 = arith.index_cast %scan3A_1600 : i32 to index
      %get3A_1651 = arith.constant 48 : index
      %get3A_1652 = tpu.vector_load %arg9[%get3A_1650, %get3A_1651] {strides = array<i32>} : memref<200x128xf32, #tpu.memory_space<vmem>>, vector<1x16xf32>,
      %get3A_1653 = vector.shape_cast %get3A_1652 : vector<1x16xf32> to vector<16xf32>
      %mul3A_1654 = arith.constant 8.000000e+00 : f32
      %mul3A_1655 = vector.broadcast %mul3A_1654 : f32 to vector<16xf32>
      %mul3A_1656 = arith.mulf %get3A_1653, %mul3A_1655 : vector<16xf32>
      %get3A_1657 = arith.index_cast %scan3A_1600 : i32 to index
      %get3A_1658 = arith.constant 48 : index
      %get3A_1659 = tpu.vector_load %arg7[%get3A_1657, %get3A_1658] {strides = array<i32>} : memref<200x64xf32, #tpu.memory_space<vmem>>, vector<1x16xf32>,
      %get3A_1660 = vector.shape_cast %get3A_1659 : vector<1x16xf32> to vector<16xf32>
      %add3A_1661 = arith.addf %mul3A_1656, %get3A_1660 : vector<16xf32>
      %swap3A_1662 = arith.index_cast %scan3A_1600 : i32 to index
      %swap3A_1663 = arith.constant 48 : index
      %swap3A_1664 = tpu.vector_load %arg9[%swap3A_1662, %swap3A_1663] {strides = array<i32>} : memref<200x128xf32, #tpu.memory_space<vmem>>, vector<1x16xf32>,
      %swap3A_1665 = vector.shape_cast %swap3A_1664 : vector<1x16xf32> to vector<16xf32>
      %swap3A_1666 = vector.shape_cast %add3A_1661 : vector<16xf32> to vector<1x16xf32>
      tpu.vector_store %arg9[%swap3A_1662, %swap3A_1663], %swap3A_1666 {strides = array<i32>} : memref<200x128xf32, #tpu.memory_space<vmem>>, vector<1x16xf32>,
    }
    %scan3A_1503 = arith.constant 200 : i32
    %add3A_1504 = arith.constant 5800 : i32
    %add3A_1505 = arith.addi %mul3A_2, %add3A_1504 : i32
    %dma_start3A_1506 = arith.constant 0 : i32
    %dma_start3A_1507 = tpu.memref_slice %arg5[%add3A_1505, %dma_start3A_1506] : memref<204800x128xf32, #tpu.memory_space<hbm>> -> memref<200x128xf32, #tpu.memory_space<hbm>>
    %dma_start3A_1508 = arith.constant 0 : i32
    %dma_start3A_1509 = tpu.memref_slice %arg5[%add3A_1505, %dma_start3A_1508] : memref<204800x128xf32, #tpu.memory_space<hbm>> -> memref<200x128xf32, #tpu.memory_space<hbm>>
    tpu.enqueue_dma source(%arg9 : memref<200x128xf32, #tpu.memory_space<vmem>>) target(%dma_start3A_1509 : memref<200x128xf32, #tpu.memory_space<hbm>>) target_semaphore(%arg13 : memref<!tpu.dma_semaphore, #tpu.memory_space<semaphore_mem>>)
    %add3A_1510 = arith.constant 5800 : i32
    %add3A_1511 = arith.addi %mul3A_2, %add3A_1510 : i32
    %dma_wait3A_1512 = arith.constant 0 : i32
    %dma_wait3A_1513 = tpu.memref_slice %arg5[%add3A_1511, %dma_wait3A_1512] : memref<204800x128xf32, #tpu.memory_space<hbm>> -> memref<200x128xf32, #tpu.memory_space<hbm>>
    %dma_wait3A_1514 = arith.constant 0 : i32
    %dma_wait3A_1515 = tpu.memref_slice %arg5[%add3A_1511, %dma_wait3A_1514] : memref<204800x128xf32, #tpu.memory_space<hbm>> -> memref<200x128xf32, #tpu.memory_space<hbm>>
    tpu.wait_dma2 semaphore(%arg13 : memref<!tpu.dma_semaphore, #tpu.memory_space<semaphore_mem>>) src(%arg9 : memref<200x128xf32, #tpu.memory_space<vmem>>) dst(%dma_wait3A_1515 : memref<200x128xf32, #tpu.memory_space<hbm>>)
    %dma_start3A_1516 = arith.constant 0 : i32
    %dma_start3A_1517 = arith.constant 0 : i32
    %dma_start3A_1518 = tpu.memref_slice %arg9[%dma_start3A_1516, %dma_start3A_1517] : memref<200x128xf32, #tpu.memory_space<vmem>> -> memref<104x128xf32, #tpu.memory_space<vmem>>
    %dma_start3A_1519 = arith.constant 6200 : i32
    %dma_start3A_1520 = tpu.memref_slice %arg6[%dma_start3A_1519] : memref<6400xi32, #tpu.memory_space<vmem>> -> memref<104xi32, #tpu.memory_space<vmem>>
    %dma_start3A_1521 = arith.constant 0 : i32
    %dma_start3A_1522 = arith.constant 0 : i32
    %dma_start3A_1523 = tpu.memref_slice %arg3[%dma_start3A_1521, %dma_start3A_1522] : memref<1000000x128xf32, #tpu.memory_space<hbm>> -> memref<1000000x128xf32, #tpu.memory_space<hbm>>
    tpu.enqueue_indirect_dma source(%dma_start3A_1523 : memref<1000000x128xf32, #tpu.memory_space<hbm>>) target(%dma_start3A_1518 : memref<104x128xf32, #tpu.memory_space<vmem>>) offsets(%dma_start3A_1520 : memref<104xi32, #tpu.memory_space<vmem>>) semaphore(%arg11 : memref<!tpu.dma_semaphore, #tpu.memory_space<semaphore_mem>>)
    %dma_start3A_1524 = arith.constant 104 : i32
    %dma_start3A_1525 = arith.constant 0 : i32
    %dma_start3A_1526 = tpu.memref_slice %arg9[%dma_start3A_1524, %dma_start3A_1525] : memref<200x128xf32, #tpu.memory_space<vmem>> -> memref<96x128xf32, #tpu.memory_space<vmem>>
    %dma_start3A_1527 = arith.constant 6304 : i32
    %dma_start3A_1528 = tpu.memref_slice %arg6[%dma_start3A_1527] : memref<6400xi32, #tpu.memory_space<vmem>> -> memref<96xi32, #tpu.memory_space<vmem>>
    %dma_start3A_1529 = arith.constant 0 : i32
    %dma_start3A_1530 = arith.constant 0 : i32
    %dma_start3A_1531 = tpu.memref_slice %arg3[%dma_start3A_1529, %dma_start3A_1530] : memref<1000000x128xf32, #tpu.memory_space<hbm>> -> memref<1000000x128xf32, #tpu.memory_space<hbm>>
    tpu.enqueue_indirect_dma source(%dma_start3A_1531 : memref<1000000x128xf32, #tpu.memory_space<hbm>>) target(%dma_start3A_1526 : memref<96x128xf32, #tpu.memory_space<vmem>>) offsets(%dma_start3A_1528 : memref<96xi32, #tpu.memory_space<vmem>>) semaphore(%arg11 : memref<!tpu.dma_semaphore, #tpu.memory_space<semaphore_mem>>)
    %dma_wait3A_1532 = arith.constant 0 : i32
    %dma_wait3A_1533 = arith.constant 0 : i32
    %dma_wait3A_1534 = tpu.memref_slice %arg8[%dma_wait3A_1532, %dma_wait3A_1533] : memref<200x128xf32, #tpu.memory_space<vmem>> -> memref<104x128xf32, #tpu.memory_space<vmem>>
    %dma_wait3A_1535 = arith.constant 6000 : i32
    %dma_wait3A_1536 = tpu.memref_slice %arg6[%dma_wait3A_1535] : memref<6400xi32, #tpu.memory_space<vmem>> -> memref<104xi32, #tpu.memory_space<vmem>>
    %dma_wait3A_1537 = arith.constant 0 : i32
    %dma_wait3A_1538 = arith.constant 0 : i32
    %dma_wait3A_1539 = tpu.memref_slice %arg3[%dma_wait3A_1537, %dma_wait3A_1538] : memref<1000000x128xf32, #tpu.memory_space<hbm>> -> memref<1000000x128xf32, #tpu.memory_space<hbm>>
    tpu.wait_indirect_dma semaphore(%arg10 : memref<!tpu.dma_semaphore, #tpu.memory_space<semaphore_mem>>) src(%dma_wait3A_1539 : memref<1000000x128xf32, #tpu.memory_space<hbm>>) dst(%dma_wait3A_1534 : memref<104x128xf32, #tpu.memory_space<vmem>>)
    %dma_wait3A_1540 = arith.constant 104 : i32
    %dma_wait3A_1541 = arith.constant 0 : i32
    %dma_wait3A_1542 = tpu.memref_slice %arg8[%dma_wait3A_1540, %dma_wait3A_1541] : memref<200x128xf32, #tpu.memory_space<vmem>> -> memref<96x128xf32, #tpu.memory_space<vmem>>
    %dma_wait3A_1543 = arith.constant 6104 : i32
    %dma_wait3A_1544 = tpu.memref_slice %arg6[%dma_wait3A_1543] : memref<6400xi32, #tpu.memory_space<vmem>> -> memref<96xi32, #tpu.memory_space<vmem>>
    %dma_wait3A_1545 = arith.constant 0 : i32
    %dma_wait3A_1546 = arith.constant 0 : i32
    %dma_wait3A_1547 = tpu.memref_slice %arg3[%dma_wait3A_1545, %dma_wait3A_1546] : memref<1000000x128xf32, #tpu.memory_space<hbm>> -> memref<1000000x128xf32, #tpu.memory_space<hbm>>
    tpu.wait_indirect_dma semaphore(%arg10 : memref<!tpu.dma_semaphore, #tpu.memory_space<semaphore_mem>>) src(%dma_wait3A_1547 : memref<1000000x128xf32, #tpu.memory_space<hbm>>) dst(%dma_wait3A_1542 : memref<96x128xf32, #tpu.memory_space<vmem>>)
    %scan3A_1548 = arith.constant 0 : i32
    %scan3A_1549 = arith.constant 0 : i32
    %scan3A_1550 = arith.constant 200 : i32
    %scan3A_1551 = arith.addi %scan3A_1549, %scan3A_1550 : i32
    %scan3A_1552 = arith.constant 1 : i32
    scf.for %scan3A_1600 = %scan3A_1549 to %scan3A_1551 step %scan3A_1552  : i32 {
      %get3A = arith.index_cast %scan3A_1600 : i32 to index
      %get3A_1601 = arith.constant 0 : index
      %get3A_1602 = tpu.vector_load %arg8[%get3A, %get3A_1601] {strides = array<i32>} : memref<200x128xf32, #tpu.memory_space<vmem>>, vector<1x16xf32>,
      %get3A_1603 = vector.shape_cast %get3A_1602 : vector<1x16xf32> to vector<16xf32>
      %mul3A_1604 = arith.constant 8.000000e+00 : f32
      %mul3A_1605 = vector.broadcast %mul3A_1604 : f32 to vector<16xf32>
      %mul3A_1606 = arith.mulf %get3A_1603, %mul3A_1605 : vector<16xf32>
      %get3A_1607 = arith.index_cast %scan3A_1600 : i32 to index
      %get3A_1608 = arith.constant 0 : index
      %get3A_1609 = tpu.vector_load %arg7[%get3A_1607, %get3A_1608] {strides = array<i32>} : memref<200x64xf32, #tpu.memory_space<vmem>>, vector<1x16xf32>,
      %get3A_1610 = vector.shape_cast %get3A_1609 : vector<1x16xf32> to vector<16xf32>
      %add3A_1611 = arith.addf %mul3A_1606, %get3A_1610 : vector<16xf32>
      %swap3A = arith.index_cast %scan3A_1600 : i32 to index
      %swap3A_1612 = arith.constant 0 : index
      %swap3A_1613 = tpu.vector_load %arg8[%swap3A, %swap3A_1612] {strides = array<i32>} : memref<200x128xf32, #tpu.memory_space<vmem>>, vector<1x16xf32>,
      %swap3A_1614 = vector.shape_cast %swap3A_1613 : vector<1x16xf32> to vector<16xf32>
      %swap3A_1615 = vector.shape_cast %add3A_1611 : vector<16xf32> to vector<1x16xf32>
      tpu.vector_store %arg8[%swap3A, %swap3A_1612], %swap3A_1615 {strides = array<i32>} : memref<200x128xf32, #tpu.memory_space<vmem>>, vector<1x16xf32>,
      %get3A_1616 = arith.index_cast %scan3A_1600 : i32 to index
      %get3A_1617 = arith.constant 16 : index
      %get3A_1618 = tpu.vector_load %arg8[%get3A_1616, %get3A_1617] {strides = array<i32>} : memref<200x128xf32, #tpu.memory_space<vmem>>, vector<1x16xf32>,
      %get3A_1619 = vector.shape_cast %get3A_1618 : vector<1x16xf32> to vector<16xf32>
      %mul3A_1620 = arith.constant 8.000000e+00 : f32
      %mul3A_1621 = vector.broadcast %mul3A_1620 : f32 to vector<16xf32>
      %mul3A_1622 = arith.mulf %get3A_1619, %mul3A_1621 : vector<16xf32>
      %get3A_1623 = arith.index_cast %scan3A_1600 : i32 to index
      %get3A_1624 = arith.constant 16 : index
      %get3A_1625 = tpu.vector_load %arg7[%get3A_1623, %get3A_1624] {strides = array<i32>} : memref<200x64xf32, #tpu.memory_space<vmem>>, vector<1x16xf32>,
      %get3A_1626 = vector.shape_cast %get3A_1625 : vector<1x16xf32> to vector<16xf32>
      %add3A_1627 = arith.addf %mul3A_1622, %get3A_1626 : vector<16xf32>
      %swap3A_1628 = arith.index_cast %scan3A_1600 : i32 to index
      %swap3A_1629 = arith.constant 16 : index
      %swap3A_1630 = tpu.vector_load %arg8[%swap3A_1628, %swap3A_1629] {strides = array<i32>} : memref<200x128xf32, #tpu.memory_space<vmem>>, vector<1x16xf32>,
      %swap3A_1631 = vector.shape_cast %swap3A_1630 : vector<1x16xf32> to vector<16xf32>
      %swap3A_1632 = vector.shape_cast %add3A_1627 : vector<16xf32> to vector<1x16xf32>
      tpu.vector_store %arg8[%swap3A_1628, %swap3A_1629], %swap3A_1632 {strides = array<i32>} : memref<200x128xf32, #tpu.memory_space<vmem>>, vector<1x16xf32>,
      %get3A_1633 = arith.index_cast %scan3A_1600 : i32 to index
      %get3A_1634 = arith.constant 32 : index
      %get3A_1635 = tpu.vector_load %arg8[%get3A_1633, %get3A_1634] {strides = array<i32>} : memref<200x128xf32, #tpu.memory_space<vmem>>, vector<1x16xf32>,
      %get3A_1636 = vector.shape_cast %get3A_1635 : vector<1x16xf32> to vector<16xf32>
      %mul3A_1637 = arith.constant 8.000000e+00 : f32
      %mul3A_1638 = vector.broadcast %mul3A_1637 : f32 to vector<16xf32>
      %mul3A_1639 = arith.mulf %get3A_1636, %mul3A_1638 : vector<16xf32>
      %get3A_1640 = arith.index_cast %scan3A_1600 : i32 to index
      %get3A_1641 = arith.constant 32 : index
      %get3A_1642 = tpu.vector_load %arg7[%get3A_1640, %get3A_1641] {strides = array<i32>} : memref<200x64xf32, #tpu.memory_space<vmem>>, vector<1x16xf32>,
      %get3A_1643 = vector.shape_cast %get3A_1642 : vector<1x16xf32> to vector<16xf32>
      %add3A_1644 = arith.addf %mul3A_1639, %get3A_1643 : vector<16xf32>
      %swap3A_1645 = arith.index_cast %scan3A_1600 : i32 to index
      %swap3A_1646 = arith.constant 32 : index
      %swap3A_1647 = tpu.vector_load %arg8[%swap3A_1645, %swap3A_1646] {strides = array<i32>} : memref<200x128xf32, #tpu.memory_space<vmem>>, vector<1x16xf32>,
      %swap3A_1648 = vector.shape_cast %swap3A_1647 : vector<1x16xf32> to vector<16xf32>
      %swap3A_1649 = vector.shape_cast %add3A_1644 : vector<16xf32> to vector<1x16xf32>
      tpu.vector_store %arg8[%swap3A_1645, %swap3A_1646], %swap3A_1649 {strides = array<i32>} : memref<200x128xf32, #tpu.memory_space<vmem>>, vector<1x16xf32>,
      %get3A_1650 = arith.index_cast %scan3A_1600 : i32 to index
      %get3A_1651 = arith.constant 48 : index
      %get3A_1652 = tpu.vector_load %arg8[%get3A_1650, %get3A_1651] {strides = array<i32>} : memref<200x128xf32, #tpu.memory_space<vmem>>, vector<1x16xf32>,
      %get3A_1653 = vector.shape_cast %get3A_1652 : vector<1x16xf32> to vector<16xf32>
      %mul3A_1654 = arith.constant 8.000000e+00 : f32
      %mul3A_1655 = vector.broadcast %mul3A_1654 : f32 to vector<16xf32>
      %mul3A_1656 = arith.mulf %get3A_1653, %mul3A_1655 : vector<16xf32>
      %get3A_1657 = arith.index_cast %scan3A_1600 : i32 to index
      %get3A_1658 = arith.constant 48 : index
      %get3A_1659 = tpu.vector_load %arg7[%get3A_1657, %get3A_1658] {strides = array<i32>} : memref<200x64xf32, #tpu.memory_space<vmem>>, vector<1x16xf32>,
      %get3A_1660 = vector.shape_cast %get3A_1659 : vector<1x16xf32> to vector<16xf32>
      %add3A_1661 = arith.addf %mul3A_1656, %get3A_1660 : vector<16xf32>
      %swap3A_1662 = arith.index_cast %scan3A_1600 : i32 to index
      %swap3A_1663 = arith.constant 48 : index
      %swap3A_1664 = tpu.vector_load %arg8[%swap3A_1662, %swap3A_1663] {strides = array<i32>} : memref<200x128xf32, #tpu.memory_space<vmem>>, vector<1x16xf32>,
      %swap3A_1665 = vector.shape_cast %swap3A_1664 : vector<1x16xf32> to vector<16xf32>
      %swap3A_1666 = vector.shape_cast %add3A_1661 : vector<16xf32> to vector<1x16xf32>
      tpu.vector_store %arg8[%swap3A_1662, %swap3A_1663], %swap3A_1666 {strides = array<i32>} : memref<200x128xf32, #tpu.memory_space<vmem>>, vector<1x16xf32>,
    }
    %scan3A_1553 = arith.constant 200 : i32
    %add3A_1554 = arith.constant 6000 : i32
    %add3A_1555 = arith.addi %mul3A_2, %add3A_1554 : i32
    %dma_start3A_1556 = arith.constant 0 : i32
    %dma_start3A_1557 = tpu.memref_slice %arg5[%add3A_1555, %dma_start3A_1556] : memref<204800x128xf32, #tpu.memory_space<hbm>> -> memref<200x128xf32, #tpu.memory_space<hbm>>
    %dma_start3A_1558 = arith.constant 0 : i32
    %dma_start3A_1559 = tpu.memref_slice %arg5[%add3A_1555, %dma_start3A_1558] : memref<204800x128xf32, #tpu.memory_space<hbm>> -> memref<200x128xf32, #tpu.memory_space<hbm>>
    tpu.enqueue_dma source(%arg8 : memref<200x128xf32, #tpu.memory_space<vmem>>) target(%dma_start3A_1559 : memref<200x128xf32, #tpu.memory_space<hbm>>) target_semaphore(%arg12 : memref<!tpu.dma_semaphore, #tpu.memory_space<semaphore_mem>>)
    %dma_wait3A_1560 = arith.constant 0 : i32
    %dma_wait3A_1561 = arith.constant 0 : i32
    %dma_wait3A_1562 = tpu.memref_slice %arg9[%dma_wait3A_1560, %dma_wait3A_1561] : memref<200x128xf32, #tpu.memory_space<vmem>> -> memref<104x128xf32, #tpu.memory_space<vmem>>
    %dma_wait3A_1563 = arith.constant 6200 : i32
    %dma_wait3A_1564 = tpu.memref_slice %arg6[%dma_wait3A_1563] : memref<6400xi32, #tpu.memory_space<vmem>> -> memref<104xi32, #tpu.memory_space<vmem>>
    %dma_wait3A_1565 = arith.constant 0 : i32
    %dma_wait3A_1566 = arith.constant 0 : i32
    %dma_wait3A_1567 = tpu.memref_slice %arg3[%dma_wait3A_1565, %dma_wait3A_1566] : memref<1000000x128xf32, #tpu.memory_space<hbm>> -> memref<1000000x128xf32, #tpu.memory_space<hbm>>
    tpu.wait_indirect_dma semaphore(%arg11 : memref<!tpu.dma_semaphore, #tpu.memory_space<semaphore_mem>>) src(%dma_wait3A_1567 : memref<1000000x128xf32, #tpu.memory_space<hbm>>) dst(%dma_wait3A_1562 : memref<104x128xf32, #tpu.memory_space<vmem>>)
    %dma_wait3A_1568 = arith.constant 104 : i32
    %dma_wait3A_1569 = arith.constant 0 : i32
    %dma_wait3A_1570 = tpu.memref_slice %arg9[%dma_wait3A_1568, %dma_wait3A_1569] : memref<200x128xf32, #tpu.memory_space<vmem>> -> memref<96x128xf32, #tpu.memory_space<vmem>>
    %dma_wait3A_1571 = arith.constant 6304 : i32
    %dma_wait3A_1572 = tpu.memref_slice %arg6[%dma_wait3A_1571] : memref<6400xi32, #tpu.memory_space<vmem>> -> memref<96xi32, #tpu.memory_space<vmem>>
    %dma_wait3A_1573 = arith.constant 0 : i32
    %dma_wait3A_1574 = arith.constant 0 : i32
    %dma_wait3A_1575 = tpu.memref_slice %arg3[%dma_wait3A_1573, %dma_wait3A_1574] : memref<1000000x128xf32, #tpu.memory_space<hbm>> -> memref<1000000x128xf32, #tpu.memory_space<hbm>>
    tpu.wait_indirect_dma semaphore(%arg11 : memref<!tpu.dma_semaphore, #tpu.memory_space<semaphore_mem>>) src(%dma_wait3A_1575 : memref<1000000x128xf32, #tpu.memory_space<hbm>>) dst(%dma_wait3A_1570 : memref<96x128xf32, #tpu.memory_space<vmem>>)
    %scan3A_1576 = arith.constant 0 : i32
    %scan3A_1577 = arith.constant 0 : i32
    %scan3A_1578 = arith.constant 200 : i32
    %scan3A_1579 = arith.addi %scan3A_1577, %scan3A_1578 : i32
    %scan3A_1580 = arith.constant 1 : i32
    scf.for %scan3A_1600 = %scan3A_1577 to %scan3A_1579 step %scan3A_1580  : i32 {
      %get3A = arith.index_cast %scan3A_1600 : i32 to index
      %get3A_1601 = arith.constant 0 : index
      %get3A_1602 = tpu.vector_load %arg9[%get3A, %get3A_1601] {strides = array<i32>} : memref<200x128xf32, #tpu.memory_space<vmem>>, vector<1x16xf32>,
      %get3A_1603 = vector.shape_cast %get3A_1602 : vector<1x16xf32> to vector<16xf32>
      %mul3A_1604 = arith.constant 8.000000e+00 : f32
      %mul3A_1605 = vector.broadcast %mul3A_1604 : f32 to vector<16xf32>
      %mul3A_1606 = arith.mulf %get3A_1603, %mul3A_1605 : vector<16xf32>
      %get3A_1607 = arith.index_cast %scan3A_1600 : i32 to index
      %get3A_1608 = arith.constant 0 : index
      %get3A_1609 = tpu.vector_load %arg7[%get3A_1607, %get3A_1608] {strides = array<i32>} : memref<200x64xf32, #tpu.memory_space<vmem>>, vector<1x16xf32>,
      %get3A_1610 = vector.shape_cast %get3A_1609 : vector<1x16xf32> to vector<16xf32>
      %add3A_1611 = arith.addf %mul3A_1606, %get3A_1610 : vector<16xf32>
      %swap3A = arith.index_cast %scan3A_1600 : i32 to index
      %swap3A_1612 = arith.constant 0 : index
      %swap3A_1613 = tpu.vector_load %arg9[%swap3A, %swap3A_1612] {strides = array<i32>} : memref<200x128xf32, #tpu.memory_space<vmem>>, vector<1x16xf32>,
      %swap3A_1614 = vector.shape_cast %swap3A_1613 : vector<1x16xf32> to vector<16xf32>
      %swap3A_1615 = vector.shape_cast %add3A_1611 : vector<16xf32> to vector<1x16xf32>
      tpu.vector_store %arg9[%swap3A, %swap3A_1612], %swap3A_1615 {strides = array<i32>} : memref<200x128xf32, #tpu.memory_space<vmem>>, vector<1x16xf32>,
      %get3A_1616 = arith.index_cast %scan3A_1600 : i32 to index
      %get3A_1617 = arith.constant 16 : index
      %get3A_1618 = tpu.vector_load %arg9[%get3A_1616, %get3A_1617] {strides = array<i32>} : memref<200x128xf32, #tpu.memory_space<vmem>>, vector<1x16xf32>,
      %get3A_1619 = vector.shape_cast %get3A_1618 : vector<1x16xf32> to vector<16xf32>
      %mul3A_1620 = arith.constant 8.000000e+00 : f32
      %mul3A_1621 = vector.broadcast %mul3A_1620 : f32 to vector<16xf32>
      %mul3A_1622 = arith.mulf %get3A_1619, %mul3A_1621 : vector<16xf32>
      %get3A_1623 = arith.index_cast %scan3A_1600 : i32 to index
      %get3A_1624 = arith.constant 16 : index
      %get3A_1625 = tpu.vector_load %arg7[%get3A_1623, %get3A_1624] {strides = array<i32>} : memref<200x64xf32, #tpu.memory_space<vmem>>, vector<1x16xf32>,
      %get3A_1626 = vector.shape_cast %get3A_1625 : vector<1x16xf32> to vector<16xf32>
      %add3A_1627 = arith.addf %mul3A_1622, %get3A_1626 : vector<16xf32>
      %swap3A_1628 = arith.index_cast %scan3A_1600 : i32 to index
      %swap3A_1629 = arith.constant 16 : index
      %swap3A_1630 = tpu.vector_load %arg9[%swap3A_1628, %swap3A_1629] {strides = array<i32>} : memref<200x128xf32, #tpu.memory_space<vmem>>, vector<1x16xf32>,
      %swap3A_1631 = vector.shape_cast %swap3A_1630 : vector<1x16xf32> to vector<16xf32>
      %swap3A_1632 = vector.shape_cast %add3A_1627 : vector<16xf32> to vector<1x16xf32>
      tpu.vector_store %arg9[%swap3A_1628, %swap3A_1629], %swap3A_1632 {strides = array<i32>} : memref<200x128xf32, #tpu.memory_space<vmem>>, vector<1x16xf32>,
      %get3A_1633 = arith.index_cast %scan3A_1600 : i32 to index
      %get3A_1634 = arith.constant 32 : index
      %get3A_1635 = tpu.vector_load %arg9[%get3A_1633, %get3A_1634] {strides = array<i32>} : memref<200x128xf32, #tpu.memory_space<vmem>>, vector<1x16xf32>,
      %get3A_1636 = vector.shape_cast %get3A_1635 : vector<1x16xf32> to vector<16xf32>
      %mul3A_1637 = arith.constant 8.000000e+00 : f32
      %mul3A_1638 = vector.broadcast %mul3A_1637 : f32 to vector<16xf32>
      %mul3A_1639 = arith.mulf %get3A_1636, %mul3A_1638 : vector<16xf32>
      %get3A_1640 = arith.index_cast %scan3A_1600 : i32 to index
      %get3A_1641 = arith.constant 32 : index
      %get3A_1642 = tpu.vector_load %arg7[%get3A_1640, %get3A_1641] {strides = array<i32>} : memref<200x64xf32, #tpu.memory_space<vmem>>, vector<1x16xf32>,
      %get3A_1643 = vector.shape_cast %get3A_1642 : vector<1x16xf32> to vector<16xf32>
      %add3A_1644 = arith.addf %mul3A_1639, %get3A_1643 : vector<16xf32>
      %swap3A_1645 = arith.index_cast %scan3A_1600 : i32 to index
      %swap3A_1646 = arith.constant 32 : index
      %swap3A_1647 = tpu.vector_load %arg9[%swap3A_1645, %swap3A_1646] {strides = array<i32>} : memref<200x128xf32, #tpu.memory_space<vmem>>, vector<1x16xf32>,
      %swap3A_1648 = vector.shape_cast %swap3A_1647 : vector<1x16xf32> to vector<16xf32>
      %swap3A_1649 = vector.shape_cast %add3A_1644 : vector<16xf32> to vector<1x16xf32>
      tpu.vector_store %arg9[%swap3A_1645, %swap3A_1646], %swap3A_1649 {strides = array<i32>} : memref<200x128xf32, #tpu.memory_space<vmem>>, vector<1x16xf32>,
      %get3A_1650 = arith.index_cast %scan3A_1600 : i32 to index
      %get3A_1651 = arith.constant 48 : index
      %get3A_1652 = tpu.vector_load %arg9[%get3A_1650, %get3A_1651] {strides = array<i32>} : memref<200x128xf32, #tpu.memory_space<vmem>>, vector<1x16xf32>,
      %get3A_1653 = vector.shape_cast %get3A_1652 : vector<1x16xf32> to vector<16xf32>
      %mul3A_1654 = arith.constant 8.000000e+00 : f32
      %mul3A_1655 = vector.broadcast %mul3A_1654 : f32 to vector<16xf32>
      %mul3A_1656 = arith.mulf %get3A_1653, %mul3A_1655 : vector<16xf32>
      %get3A_1657 = arith.index_cast %scan3A_1600 : i32 to index
      %get3A_1658 = arith.constant 48 : index
      %get3A_1659 = tpu.vector_load %arg7[%get3A_1657, %get3A_1658] {strides = array<i32>} : memref<200x64xf32, #tpu.memory_space<vmem>>, vector<1x16xf32>,
      %get3A_1660 = vector.shape_cast %get3A_1659 : vector<1x16xf32> to vector<16xf32>
      %add3A_1661 = arith.addf %mul3A_1656, %get3A_1660 : vector<16xf32>
      %swap3A_1662 = arith.index_cast %scan3A_1600 : i32 to index
      %swap3A_1663 = arith.constant 48 : index
      %swap3A_1664 = tpu.vector_load %arg9[%swap3A_1662, %swap3A_1663] {strides = array<i32>} : memref<200x128xf32, #tpu.memory_space<vmem>>, vector<1x16xf32>,
      %swap3A_1665 = vector.shape_cast %swap3A_1664 : vector<1x16xf32> to vector<16xf32>
      %swap3A_1666 = vector.shape_cast %add3A_1661 : vector<16xf32> to vector<1x16xf32>
      tpu.vector_store %arg9[%swap3A_1662, %swap3A_1663], %swap3A_1666 {strides = array<i32>} : memref<200x128xf32, #tpu.memory_space<vmem>>, vector<1x16xf32>,
    }
    %scan3A_1581 = arith.constant 200 : i32
    %add3A_1582 = arith.constant 6200 : i32
    %add3A_1583 = arith.addi %mul3A_2, %add3A_1582 : i32
    %dma_start3A_1584 = arith.constant 0 : i32
    %dma_start3A_1585 = tpu.memref_slice %arg5[%add3A_1583, %dma_start3A_1584] : memref<204800x128xf32, #tpu.memory_space<hbm>> -> memref<200x128xf32, #tpu.memory_space<hbm>>
    %dma_start3A_1586 = arith.constant 0 : i32
    %dma_start3A_1587 = tpu.memref_slice %arg5[%add3A_1583, %dma_start3A_1586] : memref<204800x128xf32, #tpu.memory_space<hbm>> -> memref<200x128xf32, #tpu.memory_space<hbm>>
    tpu.enqueue_dma source(%arg9 : memref<200x128xf32, #tpu.memory_space<vmem>>) target(%dma_start3A_1587 : memref<200x128xf32, #tpu.memory_space<hbm>>) target_semaphore(%arg13 : memref<!tpu.dma_semaphore, #tpu.memory_space<semaphore_mem>>)
    %add3A_1588 = arith.constant 6000 : i32
    %add3A_1589 = arith.addi %mul3A_2, %add3A_1588 : i32
    %dma_wait3A_1590 = arith.constant 0 : i32
    %dma_wait3A_1591 = tpu.memref_slice %arg5[%add3A_1589, %dma_wait3A_1590] : memref<204800x128xf32, #tpu.memory_space<hbm>> -> memref<200x128xf32, #tpu.memory_space<hbm>>
    %dma_wait3A_1592 = arith.constant 0 : i32
    %dma_wait3A_1593 = tpu.memref_slice %arg5[%add3A_1589, %dma_wait3A_1592] : memref<204800x128xf32, #tpu.memory_space<hbm>> -> memref<200x128xf32, #tpu.memory_space<hbm>>
    tpu.wait_dma2 semaphore(%arg12 : memref<!tpu.dma_semaphore, #tpu.memory_space<semaphore_mem>>) src(%arg8 : memref<200x128xf32, #tpu.memory_space<vmem>>) dst(%dma_wait3A_1593 : memref<200x128xf32, #tpu.memory_space<hbm>>)
    %add3A_1594 = arith.constant 6200 : i32
    %add3A_1595 = arith.addi %mul3A_2, %add3A_1594 : i32
    %dma_wait3A_1596 = arith.constant 0 : i32
    %dma_wait3A_1597 = tpu.memref_slice %arg5[%add3A_1595, %dma_wait3A_1596] : memref<204800x128xf32, #tpu.memory_space<hbm>> -> memref<200x128xf32, #tpu.memory_space<hbm>>
    %dma_wait3A_1598 = arith.constant 0 : i32
    %dma_wait3A_1599 = tpu.memref_slice %arg5[%add3A_1595, %dma_wait3A_1598] : memref<204800x128xf32, #tpu.memory_space<hbm>> -> memref<200x128xf32, #tpu.memory_space<hbm>>
    tpu.wait_dma2 semaphore(%arg13 : memref<!tpu.dma_semaphore, #tpu.memory_space<semaphore_mem>>) src(%arg9 : memref<200x128xf32, #tpu.memory_space<vmem>>) dst(%dma_wait3A_1599 : memref<200x128xf32, #tpu.memory_space<hbm>>)
    return
  }
}

</mosaic_0001>

<sc_bundles>
// kernel: kernel.3.cloned.1.call-start
scs
__scs_entry_jumppad:
0x0: {  	(pc) =	sbr.rel $0x88, $3  }
0x1: {  	(tag) =	ssettag $0x0;
	lr =	simm.s32 $0x1  }
0x2: {  	[smem:$0x3F9E] =	sst lr;
	_ =	strace $0xD0000000  }
0x3: {  	_ = 	snop  }
0x4: {  	_ = 	snop  }
0x5: {  	_ = 	snop  }
0x6: {  	_ = 	snop  }
0x7: {  	_ = 	snop  }
__scs_overlays_trampoline_lowered:
0x8: {  	[smem:$0x3FAD] =	sst s0  }
0x9: {  	[smem:$0x3FAE] =	sst s1  }
0xa: {  	[smem:$0x3FAF] =	sst s2  }
0xb: {  	[smem:$0x3FB0] =	sst s3  }
0xc: {  	[smem:$0x3FB1] =	sst s4  }
0xd: {  	[smem:$0x3FB2] =	sst s5  }
0xe: {  	[smem:$0x3FB3] =	sst s6  }
0xf: {  	[smem:$0x3FB4] =	sst s7  }
0x10: {  	[smem:$0x3FB5] =	sst s8  }
0x11: {  	[smem:$0x3FB6] =	sst s9;
	s0 =	simm.s32 @!p0 $0x0  }
0x12: {  	s1 =	sld [smem:$0x3F9C];
	s0 =	simm.s32 @p0 $0x1  }
0x13: {  	[smem:$0x3FB7] =	sst s0;
	s0 =	simm.s32 @!p1 $0x0  }
0x14: {  	s2 =	sld [smem:$0x3F9B];
	s0 =	simm.s32 @p1 $0x1  }
0x15: {  	[smem:$0x3FB8] =	sst s0;
	s0 =	simm.s32 @!p2 $0x0  }
0x16: {  	s3 =	sld [smem:$0x3FDB];
	s0 =	simm.s32 @p2 $0x1  }
0x17: {  	s4 =	simm.s32 $0x1BF5;
	[smem:$0x3FBA] =	sst s0  }
0x18: {  	s0 =	sld [smem:$0x3F9D];
	_ =	swait.ge [sflag:s4], $0x0  }
0x19: {  	s7 =	sld [smem:$0x3F9E]  }
0x1a: {  	s8 =	sadd.s32 $0xFFFFE003, lr  }
0x1b: {  	s9 =	sadd.s32 $0xFFFFFEF7, lr;
	s5 =	simm.s32 $0xFFFFFFFF;
	p2 =	slt.u32 s8, $0xFFFFF086  }
0x1c: {  	p1 =	slt.u32 s9, $0xF7A;
	s5 =	simm.s32 @!p2 $0x0  }
0x1d: {  	s5 =	simm.s32 @p1 $0x1;
	p0 =	seq.s32 s7, s2  }
0x1e: {  	s7 =	smul.u32 @!p0 $0xF7A, s2;
	p2 =	seq.s32 @!p0 s5, $0x0  }
0x1f: {  	s9 =	smul.u32 $0xF7A, s1;
	s8 =	simm.s32 @!p0 $0x1BF5;
	p2 =	por !p2, p0  }
0x20: {  	[sflag:s8] =	ssyncset.s32 @!p0 $0xFFFFF086;
	s6 =	sadd.s32 @!p0 s3, s7;
	s7 =	simm.s32 @!p0 $0x108  }
0x21: {  	s3 =	sadd.s32 s3, s9;
	s6 =	sadd.s32 @!p0 $0x88, s6;
	s7 =	simm.s32 @p2 $0x1082  }
0x22: {  	[simem:s7], [sflag:s8] =	dma.local @!p0 [hbm:s6], $0xF7A  }
0x23: {  	s9 =	sor.u32 $0xD0000000, s2;
	s6 =	simm.s32 $0x108;
	_ =	swait.ge @!p0 [sflag:s8], $0x0  }
0x24: {  	s3 =	sadd.s32 $0x88, s3;
	s6 =	simm.s32 @!p1 $0x1082;
	[sflag:s4] =	ssyncset.s32 $0xFFFFF086  }
0x25: {  	[simem:s6], [sflag:s4] =	dma.local [hbm:s3], $0xF7A  }
0x26: {  	[smem:$0x3F9E] =	sst s1;
	(tag) =	ssettag s2;
	_ =	strace s9  }
0x27: {  	s1 =	sld [smem:$0x3FAE]  }
0x28: {  	s2 =	sld [smem:$0x3FAF]  }
0x29: {  	s4 =	sld [smem:$0x3FB1]  }
0x2a: {  	p0 =	seq.s32 s5, $0x0;
	s5 =	sld [smem:$0x3FB2]  }
0x2b: {  	s6 =	sld [smem:$0x3FB3]  }
0x2c: {  	s7 =	sld [smem:$0x3FB4]  }
0x2d: {  	s3 =	simm.s32 $0x108;
	s8 =	sld [smem:$0x3FB5]  }
0x2e: {  	s3 =	simm.s32 @!p0 $0x1082;
	s9 =	sld [smem:$0x3FB6]  }
0x2f: {  	lr =	sadd.s32 s0, s3;
	s0 =	sld [smem:$0x3FAD]  }
0x30: {  	s3 =	sld [smem:$0x3FB0]  }
0x31: {  	[smem:$0x3FB9] =	sst s10  }
0x32: {  	s10 =	sld [smem:$0x3FB7];
	_ =	sdelay $0x3  }
0x33: {  	p0 =	seq.s32 s10, $0x1;
	s10 =	sld [smem:$0x3FB9];
	_ =	sdelay $0x3  }
0x34: {  	[smem:$0x3FB9] =	sst s10  }
0x35: {  	s10 =	sld [smem:$0x3FB8];
	_ =	sdelay $0x3  }
0x36: {  	p1 =	seq.s32 s10, $0x1;
	s10 =	sld [smem:$0x3FB9];
	_ =	sdelay $0x3  }
0x37: {  	[smem:$0x3FB9] =	sst s10  }
0x38: {  	s10 =	sld [smem:$0x3FBA]  }
0x39: {  	_ = 	snop;
	(pc) =	sbr.ind lr, $3  }
0x3a: {  	_ = 	snop  }
0x3b: {  	_ = 	snop  }
0x3c: {  	p2 =	seq.s32 s10, $0x1;
	s10 =	sld [smem:$0x3FB9]  }
0x3d: {  	_ =	shalt  }
0x3e: {  	_ =	shalt  }
0x3f: {  	_ =	shalt  }
0x40: {  	_ =	shalt  }
0x41: {  	_ =	shalt  }
0x42: {  	_ =	shalt  }
0x43: {  	_ =	shalt  }
0x44: {  	_ =	shalt  }
0x45: {  	_ =	shalt  }
0x46: {  	_ =	shalt  }
0x47: {  	_ =	shalt  }
0x48: {  	_ =	shalt  }
0x49: {  	_ =	shalt  }
0x4a: {  	_ =	shalt  }
0x4b: {  	_ =	shalt  }
0x4c: {  	_ =	shalt  }
0x4d: {  	_ =	shalt  }
0x4e: {  	_ =	shalt  }
0x4f: {  	_ =	shalt  }
0x50: {  	_ =	shalt  }
0x51: {  	_ =	shalt  }
0x52: {  	_ =	shalt  }
0x53: {  	_ =	shalt  }
0x54: {  	_ =	shalt  }
0x55: {  	_ =	shalt  }
0x56: {  	_ =	shalt  }
0x57: {  	_ =	shalt  }
0x58: {  	_ =	shalt  }
0x59: {  	_ =	shalt  }
0x5a: {  	_ =	shalt  }
0x5b: {  	_ =	shalt  }
0x5c: {  	_ =	shalt  }
0x5d: {  	_ =	shalt  }
0x5e: {  	_ =	shalt  }
0x5f: {  	_ =	shalt  }
0x60: {  	_ =	shalt  }
0x61: {  	_ =	shalt  }
0x62: {  	_ =	shalt  }
0x63: {  	_ =	shalt  }
0x64: {  	_ =	shalt  }
0x65: {  	_ =	shalt  }
0x66: {  	_ =	shalt  }
0x67: {  	_ =	shalt  }
0x68: {  	_ =	shalt  }
0x69: {  	_ =	shalt  }
0x6a: {  	_ =	shalt  }
0x6b: {  	_ =	shalt  }
0x6c: {  	_ =	shalt  }
0x6d: {  	_ =	shalt  }
0x6e: {  	_ =	shalt  }
0x6f: {  	_ =	shalt  }
0x70: {  	_ =	shalt  }
0x71: {  	_ =	shalt  }
0x72: {  	_ =	shalt  }
0x73: {  	_ =	shalt  }
0x74: {  	_ =	shalt  }
0x75: {  	_ =	shalt  }
0x76: {  	_ =	shalt  }
0x77: {  	_ =	shalt  }
0x78: {  	_ =	shalt  }
0x79: {  	_ =	shalt  }
0x7a: {  	_ =	shalt  }
0x7b: {  	_ =	shalt  }
0x7c: {  	_ =	shalt  }
0x7d: {  	_ =	shalt  }
0x7e: {  	_ =	shalt  }
0x7f: {  	_ =	shalt  }
0x80: {  	_ =	shalt  }
0x81: {  	_ =	shalt  }
0x82: {  	_ =	shalt  }
0x83: {  	_ =	shalt  }
0x84: {  	_ =	shalt  }
0x85: {  	_ =	shalt  }
0x86: {  	_ =	shalt  }
0x87: {  	_ =	shalt  }
.Lfunc_end0:
.L_simem_size_0:
called_computation.1_lowered:
.L_overlay_start_0:
0x88: {  	s2 =	sld [smem:$0x3FD9]  }
0x89: {  	s3 =	sld [smem:$0x3FFE];
	_ =	sdelay $0x1  }
0x8a: {  	s1 =	srdreg.scid  }
0x8b: {  	s0 =	sand.u32 $0x1, s1  }
0x8c: {  	s17 =	sshll.u32 s0, $0xA;
	s2 =	sadd.s32 s3, s2  }
0x8d: {  	s2 =	sadd.s32 s2, s17  }
0x8e: {  	[smem:$0x3FC5] =	sst s2  }
0x8f: {  	_ = 	snop  }
0x90: {  	s2 =	sld [smem:$0x3FD0];
	(tm) =	ssettm $0x1  }
0x91: {  	s18 =	sld [smem:$0x3FFB];
	_ =	sdelay $0x3  }
0x92: {  	_ =	strace s18  }
0x93: {  	s3 =	sld [smem:$0x3FFC];
	_ =	sdelay $0x3  }
0x94: {  	_ =	strace s3  }
0x95: {  	s3 =	sld [smem:$0x3FFD];
	_ =	sdelay $0x3  }
0x96: {  	_ =	strace s3  }
0x97: {  	_ =	strace $0x8FFFFFFF  }
0x98: {  	s19 =	sld [smem:$0x3FDB];
	_ =	sdelay $0x1  }
0x99: {  	s4 =	simm.s32 $_scs_section_size  }
0x9a: {  	s5 =	simm.s32 $_size__tile_overlayer_lowered;
	s6 =	simm.s32 $_tile_overlayer_lowered  }
0x9b: {  	s22 =	simm.s32 $0x1BFF;
	s21 =	sshll.u32 s6, $0x1;
	s3 =	sadd.s32 s4, s19  }
0x9c: {  	s7 =	simm.s32 $0x0;
	s20 =	sshll.u32 s5, $0x1;
	s5 =	sadd.s32 s21, s3  }
0x9d: {  	[timem:s7], [sflag:s22] =	dma.local [hbm:s5], s20  }
0x9e: {  	_ =	swait.ge [sflag:s22], s20  }
0x9f: {  	s4 =	ssub.s32 $0x0, s20;
	[sflag:s22] =	ssyncset.done $0x0  }
0xa0: {  	[sflag:s22] =	ssyncadd.s32 s4;
	_ =	sdelay $0x1  }
0xa1: {  	s23 =	simm.s32 $0x1B8B  }
0xa2: {  	_ =	swait.ge [sflag:s23], $0x1  }
0xa3: {  	[sflag:s23] =	ssyncset.done $0x0  }
0xa4: {  	s25 =	simm.s32 $0x1B8E;
	s24 =	sld [smem:$0x3FFE];
	[sflag:s23] =	ssyncadd.s32 $0xFFFFFFFF  }
0xa5: {  	s26 =	simm.s32 $execute0_lowered;
	[smem:$0x3FD2] =	sst s25  }
0xa6: {  	s5 =	sshll.u32 s26, $0x1;
	_ =	strace $0x80000046;
	[dreg:$0x1] =	wrdreg $0xFFFFFFFF  }
0xa7: {  	s28 =	simm.s32 $_size_execute0_lowered;
	s3 =	sadd.s32 s3, s5;
	[dreg:$0x0] =	wrdreg $0x0  }
0xa8: {  	s5 =	sshll.u32 s28, $0x1;
	[dreg:$0x2] =	wrdreg s3  }
0xa9: {  	[dreg:$0x3] =	wrdreg s5  }
0xaa: {  	[dreg:$0x4] =	wrdreg $0xC0  }
0xab: {  	_ =	task [dreg:s7], $0x5FFFF  }
0xac: {  	[dreg:$0x1] =	wrdreg $0xFFFFFFFF  }
0xad: {  	[dreg:$0x0] =	wrdreg $0x60  }
0xae: {  	[dreg:$0x2] =	wrdreg s2  }
0xaf: {  	[dreg:$0x3] =	wrdreg s24  }
0xb0: {  	[dreg:$0x4] =	wrdreg $0x9  }
0xb1: {  	_ =	task.clear_ibuf [dreg:s7], $0x5FFFF;
	_ =	strace $0x90000046  }
0xb2: {  	s29 =	simm.s32 $0x9;
	_ =	strace $0x80000048  }
0xb3: {  	_ =	swait.ge [sflag:s29], $0x1  }
0xb4: {  	[sflag:s29] =	ssyncadd.s32 $0xFFFFFFFF  }
0xb5: {  	_ =	strace $0x90000048  }
0xb6: {  	_ =	sfence  }
0xb7: {  	s30 =	sld [smem:$0x0];
	_ =	sdelay $0x2  }
0xb8: {  	s31 =	sshll.u32 s1, $0xD;
	s1 =	sshrl.u32 s1, $0x2  }
0xb9: {  	s3 =	sand.u32 $0x4000, s31;
	s1 =	sadd.s32 s1, s30  }
0xba: {  	s0 =	sor.u32 s3, s0;
	s1 =	sshll.u32 s1, $0x11  }
0xbb: {  	s0 =	sor.u32 s1, s0  }
0xbc: {  	s0 =	sadd.s32 $0x8F2B, s0  }
0xbd: {  	[sflag:s0] =	ssyncadd.remote.s32 $0x1  }
0xbe: {  	_ =	sfence.sel $0xFFFF  }
0xbf: {  	[dreg:$0x0] =	wrdreg $0xFFFFFFFF;
	(pc) =	sbr.abs _section_cstart, $3  }
0xc0: {  	[dreg:$0x1] =	wrdreg $0xFFFFFFFF  }
0xc1: {  	_ =	task.clear_ibuf [dreg:s7], $0x2FFFF;
	_ =	strace $0x9FFFFFFF  }
0xc2: {  	(tm) =	ssettm $0x7FFFFFFF  }
0xc3: {  	_ =	shalt  }
tec
execute0_lowered:
.L_overlay_start_1:
0x0: {  	(tag) =	ssettag $0x1  }
0x1: {  	s0 =	rddreg [dreg:$0x0]  }
0x2: {  	s1 =	rddreg [dreg:$0x1]  }
0x3: {  	s2 =	simm.s32 $0x0;
	s3 =	srdreg.scid;
	s5 =	stileid.u32  }
0x4: {  	[smem:$0x7FF] =	sst s2;
	s4 =	sand.u32 $0x1, s3;
	s25 =	sshll.u32 s5, $0x1  }
0x5: {  	s3 =	sadd.s32 $0xF45000, s1;
	s6 =	sadd.s32 $0xF43000, s1;
	s5 =	sor.u32 s4, s25  }
0x6: {  	s1 =	sadd.s32 $0xC00, s1;
	_ =	strace $0x80000047;
	s26 =	smul.u32 $0xC8000, s5  }
0x7: {  	[dreg:$0x3] =	wrdreg s6;
	s4 =	ssub.s32 $0x2, s4;
	s7 =	smul.u32 $0x320, s5  }
0x8: {  	s8 =	sshrl.u32 s4, $0x1;
	s5 =	smul.u32 $0x19000, s5;
	s6 =	sshrl.u32 s26, $0x3  }
0x9: {  	s9 =	ssub.s32 s4, s8;
	s0 =	sadd.s32 s0, s7;
	s8 =	sadd.s32 s1, s6  }
0xa: {  	[dreg:$0x4] =	wrdreg s0;
	s6 =	sadd.s32 s1, s5;
	s5 =	sadd.s32 $0x1900, s8  }
0xb: {  	s7 =	sadd.s32 $0x2580, s8;
	[dreg:$0x5] =	wrdreg s5  }
0xc: {  	s10 =	sadd.s32 $0x3200, s8;
	[dreg:$0x6] =	wrdreg s7  }
0xd: {  	s11 =	sadd.s32 $0x3E80, s8;
	[dreg:$0x7] =	wrdreg s10  }
0xe: {  	s12 =	sadd.s32 $0x4B00, s8;
	[dreg:$0x8] =	wrdreg s11  }
0xf: {  	s13 =	sadd.s32 $0x5780, s8;
	[dreg:$0x9] =	wrdreg s12  }
0x10: {  	s14 =	sadd.s32 $0x6400, s8;
	[dreg:$0xa] =	wrdreg s13  }
0x11: {  	s15 =	sadd.s32 $0x7080, s8;
	[dreg:$0xb] =	wrdreg s14  }
0x12: {  	s16 =	sadd.s32 $0x7D00, s8;
	[dreg:$0xc] =	wrdreg s15  }
0x13: {  	s17 =	sadd.s32 $0x8980, s8;
	[dreg:$0xd] =	wrdreg s16  }
0x14: {  	s18 =	sadd.s32 $0x9600, s8;
	[dreg:$0xe] =	wrdreg s17  }
0x15: {  	s9 =	smax.u32 s9, $0x1;
	s19 =	sadd.s32 $0xA280, s8;
	[dreg:$0xf] =	wrdreg s18  }
0x16: {  	s20 =	sadd.s32 $0xAF00, s8;
	s21 =	sadd.s32 $0xBB80, s8;
	[dreg:$0x10] =	wrdreg s19  }
0x17: {  	s22 =	sadd.s32 $0xC800, s8;
	s23 =	sadd.s32 $0xD480, s8;
	[dreg:$0x11] =	wrdreg s20  }
0x18: {  	s24 =	sadd.s32 $0xE100, s8;
	s25 =	sadd.s32 $0xED80, s8;
	[dreg:$0x12] =	wrdreg s21  }
0x19: {  	s26 =	sadd.s32 $0xFA00, s8;
	s28 =	sadd.s32 $0x11300, s8;
	[dreg:$0x13] =	wrdreg s22  }
0x1a: {  	s29 =	sadd.s32 $0x11F80, s8;
	s30 =	sadd.s32 $0x12C00, s8;
	[dreg:$0x14] =	wrdreg s23  }
0x1b: {  	s31 =	sadd.s32 $0x13880, s8;
	s0 =	sadd.s32 $0x14500, s8;
	[dreg:$0x15] =	wrdreg s24  }
0x1c: {  	s1 =	sadd.s32 $0x15180, s8;
	s4 =	sadd.s32 $0x15E00, s8;
	[dreg:$0x16] =	wrdreg s25  }
0x1d: {  	[dreg:$0x17] =	wrdreg s26;
	s26 =	sadd.s32 $0x10680, s8;
	s5 =	sadd.s32 $0x16A80, s8  }
0x1e: {  	s7 =	sadd.s32 $0x17700, s8;
	s8 =	sadd.s32 $0x18380, s8;
	s10 =	sadd.s32 $0xC80, s6  }
0x1f: {  	s11 =	simm.s32 $0x5;
	s12 =	simm.s32 $0x68;
	s13 =	simm.s32 $0x7D00  }
0x20: {  	s14 =	simm.s32 $0x60;
	s15 =	simm.s32 $0xB100;
	s16 =	simm.s32 $0xE100  }
0x21: {  	s17 =	simm.s32 $0x11500;
	s18 =	simm.s32 $0x1;
	s19 =	simm.s32 $0x3  }
0x22: {  	s20 =	simm.s32 $0x2;
	s21 =	simm.s32 $0x4;
	s22 =	simm.s32 $0x0  }
.LBB2_1:
0x23: {  	s23 =	rddreg [dreg:$0x4]  }
0x24: {  	[tilespmem:s2], [sflag:$0x5] =	stream.linear.gather [hbm4b:s23+s2], $0x1900, $0x38;
	[tilespmem:$0x14500] =	vst v63  }
0x25: {  	_ =	swait.ge [sflag:s11], $0x1900  }
0x26: {  	[sflag:s11] =	ssyncset.done $0x0  }
0x27: {  	s24 =	simm.s32 $0x1900;
	s25 =	rddreg [dreg:$0x3];
	[sflag:s11] =	ssyncadd.s32 $0xFFFFE700  }
0x28: {  	[tilespmem:s24], [sflag:$0x5] =	stream.linear.gather [hbm4b:s25+s2], $0x6400, $0x38;
	[tilespmem:$0x14500] =	vst v63  }
0x29: {  	_ =	swait.ge [sflag:s11], $0x6400  }
0x2a: {  	[sflag:s11] =	ssyncset.done $0x0  }
0x2b: {  	[sflag:s11] =	ssyncadd.s32 $0xFFFF9C00  }
0x2c: {  	[tilespmem:s13], [sflag:$0x1] =	stream.indirect.gather [hbm4b:s3+s12], $0x80, s2, s12, $0xb8;
	[tilespmem:$0x14500] =	vst v63  }
0x2d: {  	_ = 	snop  }
0x2e: {  	[tilespmem:s15], [sflag:$0x1] =	stream.indirect.gather [hbm4b:s3+s14], $0x80, s12, s14, $0xb8;
	[tilespmem:$0x14500] =	vst v63  }
0x2f: {  	s24 =	simm.s32 $0xC8  }
0x30: {  	[tilespmem:s16], [sflag:$0x2] =	stream.indirect.gather [hbm4b:s3+s12], $0x80, s24, s12, $0xb8;
	[tilespmem:$0x14500] =	vst v63  }
0x31: {  	s25 =	simm.s32 $0x130  }
0x32: {  	[tilespmem:s17], [sflag:$0x2] =	stream.indirect.gather [hbm4b:s3+s14], $0x80, s25, s14, $0xb8;
	[tilespmem:$0x14500] =	vst v63  }
0x33: {  	_ =	swait.ge [sflag:s18], $0x3400  }
0x34: {  	[sflag:s18] =	ssyncset.done $0x0  }
0x35: {  	[sflag:s18] =	ssyncadd.s32 $0xFFFFCC00  }
0x36: {  	_ =	swait.ge [sflag:s18], $0x3000  }
0x37: {  	[sflag:s18] =	ssyncset.done $0x0  }
0x38: {  	s23 =	simm.s32 $0x0;
	[sflag:s18] =	ssyncadd.s32 $0xFFFFD000  }
0x39: {  	v1 =	vld [tilespmem:s23+$0x1900]  }
0x3a: {  	v0 =	vld [tilespmem:s23+$0x1910]  }
0x3b: {  	v3 =	vld [tilespmem:s23+$0x7D00]  }
0x3c: {  	v4 =	vld [tilespmem:s23+$0x7D10]  }
0x3d: {  	s24 =	simm.s32 $0x200;
	v2 =	vld [tilespmem:s23+$0x7D20]  }
.LBB2_2:
0x3e: {  	p0 =	sne.s32 s24, $0x18E00;
	v5 =	vld [tilespmem:s23+$0x7D30]  }
0x3f: {  	v6 =	vld [tilespmem:s23+$0x1920]  }
0x40: {  	v3 =	vmul.f32 $8.000000000e+00, v3;
	v7 =	vld [tilespmem:s23+$0x1930]  }
0x41: {  	v4 =	vmul.f32 $8.000000000e+00, v4  }
0x42: {  	s25 =	sshra.s32 s24, $0x2;
	v3 =	vadd.f32 v1, v3;
	v2 =	vmul.f32 $8.000000000e+00, v2  }
.Ltmp0:
0x43: {  	v1 =	vld [tilespmem:s25+$0x1900];
	v4 =	vadd.f32 v0, v4;
	v5 =	vmul.f32 $8.000000000e+00, v5;
	(pc) =	sbr.rel @p0 .LBB2_2-.Ltmp0, $4  }
0x44: {  	v0 =	vld [tilespmem:s25+$0x1910];
	[tilespmem:s23+$0x7D00] =	vst v3;
	v2 =	vadd.f32 v6, v2  }
0x45: {  	v3 =	vld [tilespmem:s25+$0x7D00];
	[tilespmem:s23+$0x7D10] =	vst v4;
	v5 =	vadd.f32 v7, v5  }
0x46: {  	v4 =	vld [tilespmem:s25+$0x7D10];
	[tilespmem:s23+$0x7D20] =	vst v2  }
0x47: {  	s24 =	sadd.s32 $0x200, s24;
	v2 =	vld [tilespmem:s25+$0x7D20];
	[tilespmem:s23+$0x7D30] =	vst v5;
	s23 =	smov.u32 s25  }
0x48: {  	v5 =	vld [tilespmem:s23+$0x7D30]  }
0x49: {  	v6 =	vld [tilespmem:s23+$0x1920]  }
0x4a: {  	v7 =	vld [tilespmem:s23+$0x1930];
	v3 =	vmul.f32 $8.000000000e+00, v3  }
0x4b: {  	v4 =	vmul.f32 $8.000000000e+00, v4  }
0x4c: {  	v1 =	vadd.f32 v1, v3;
	v2 =	vmul.f32 $8.000000000e+00, v2  }
0x4d: {  	v0 =	vadd.f32 v0, v4;
	v3 =	vmul.f32 $8.000000000e+00, v5  }
0x4e: {  	[tilespmem:s23+$0x7D00] =	vst v1;
	v1 =	vadd.f32 v6, v2  }
0x4f: {  	[tilespmem:s23+$0x7D10] =	vst v0;
	v0 =	vadd.f32 v7, v3  }
0x50: {  	[tilespmem:s23+$0x7D20] =	vst v1  }
0x51: {  	s25 =	simm.s32 $0x0;
	[tilespmem:s23+$0x7D30] =	vst v0  }
0x52: {  	[hbm4b:s6+s25] =	stream.linear.scatter [tilespmem:s13], [sflag:$0x3], $0x6400, $0x38;
	[tilespmem:$0x14500] =	vst v63  }
0x53: {  	_ =	swait.ge [sflag:s19], $0x6400  }
0x54: {  	[sflag:s19] =	ssyncset.done $0x0  }
0x55: {  	s24 =	simm.s32 $0x190;
	[sflag:s19] =	ssyncadd.s32 $0xFFFF9C00  }
0x56: {  	[tilespmem:s13], [sflag:$0x1] =	stream.indirect.gather [hbm4b:s3+s12], $0x80, s24, s12, $0xb8;
	[tilespmem:$0x14500] =	vst v63  }
0x57: {  	s25 =	simm.s32 $0x1F8  }
0x58: {  	[tilespmem:s15], [sflag:$0x1] =	stream.indirect.gather [hbm4b:s3+s14], $0x80, s25, s14, $0xb8;
	[tilespmem:$0x14500] =	vst v63  }
0x59: {  	_ =	swait.ge [sflag:s20], $0x3400  }
0x5a: {  	[sflag:s20] =	ssyncset.done $0x0  }
0x5b: {  	[sflag:s20] =	ssyncadd.s32 $0xFFFFCC00  }
0x5c: {  	_ =	swait.ge [sflag:s20], $0x3000  }
0x5d: {  	[sflag:s20] =	ssyncset.done $0x0  }
0x5e: {  	s23 =	simm.s32 $0x0;
	[sflag:s20] =	ssyncadd.s32 $0xFFFFD000  }
0x5f: {  	v1 =	vld [tilespmem:s23+$0x1900]  }
0x60: {  	v0 =	vld [tilespmem:s23+$0x1910]  }
0x61: {  	v3 =	vld [tilespmem:s23+$0xE100]  }
0x62: {  	v4 =	vld [tilespmem:s23+$0xE110]  }
0x63: {  	s24 =	simm.s32 $0x200;
	v2 =	vld [tilespmem:s23+$0xE120]  }
.LBB2_4:
0x64: {  	p0 =	sne.s32 s24, $0x18E00;
	v5 =	vld [tilespmem:s23+$0xE130]  }
0x65: {  	v6 =	vld [tilespmem:s23+$0x1920]  }
0x66: {  	v3 =	vmul.f32 $8.000000000e+00, v3;
	v7 =	vld [tilespmem:s23+$0x1930]  }
0x67: {  	v4 =	vmul.f32 $8.000000000e+00, v4  }
0x68: {  	s25 =	sshra.s32 s24, $0x2;
	v3 =	vadd.f32 v1, v3;
	v2 =	vmul.f32 $8.000000000e+00, v2  }
.Ltmp1:
0x69: {  	v1 =	vld [tilespmem:s25+$0x1900];
	v4 =	vadd.f32 v0, v4;
	v5 =	vmul.f32 $8.000000000e+00, v5;
	(pc) =	sbr.rel @p0 .LBB2_4-.Ltmp1, $4  }
0x6a: {  	v0 =	vld [tilespmem:s25+$0x1910];
	[tilespmem:s23+$0xE100] =	vst v3;
	v2 =	vadd.f32 v6, v2  }
0x6b: {  	v3 =	vld [tilespmem:s25+$0xE100];
	[tilespmem:s23+$0xE110] =	vst v4;
	v5 =	vadd.f32 v7, v5  }
0x6c: {  	v4 =	vld [tilespmem:s25+$0xE110];
	[tilespmem:s23+$0xE120] =	vst v2  }
0x6d: {  	s24 =	sadd.s32 $0x200, s24;
	v2 =	vld [tilespmem:s25+$0xE120];
	[tilespmem:s23+$0xE130] =	vst v5;
	s23 =	smov.u32 s25  }
0x6e: {  	v5 =	vld [tilespmem:s23+$0xE130]  }
0x6f: {  	v6 =	vld [tilespmem:s23+$0x1920]  }
0x70: {  	v7 =	vld [tilespmem:s23+$0x1930];
	v3 =	vmul.f32 $8.000000000e+00, v3  }
0x71: {  	v4 =	vmul.f32 $8.000000000e+00, v4  }
0x72: {  	v1 =	vadd.f32 v1, v3;
	v2 =	vmul.f32 $8.000000000e+00, v2  }
0x73: {  	v0 =	vadd.f32 v0, v4;
	v3 =	vmul.f32 $8.000000000e+00, v5  }
0x74: {  	[tilespmem:s23+$0xE100] =	vst v1;
	v1 =	vadd.f32 v6, v2  }
0x75: {  	[tilespmem:s23+$0xE110] =	vst v0;
	v0 =	vadd.f32 v7, v3  }
0x76: {  	[tilespmem:s23+$0xE120] =	vst v1  }
0x77: {  	s25 =	simm.s32 $0x0;
	[tilespmem:s23+$0xE130] =	vst v0  }
0x78: {  	[hbm4b:s10+s25] =	stream.linear.scatter [tilespmem:s16], [sflag:$0x4], $0x6400, $0x38;
	[tilespmem:$0x14500] =	vst v63  }
0x79: {  	_ =	swait.ge [sflag:s21], $0x6400  }
0x7a: {  	[sflag:s21] =	ssyncset.done $0x0  }
0x7b: {  	s24 =	simm.s32 $0x258;
	[sflag:s21] =	ssyncadd.s32 $0xFFFF9C00  }
0x7c: {  	[tilespmem:s16], [sflag:$0x2] =	stream.indirect.gather [hbm4b:s3+s12], $0x80, s24, s12, $0xb8;
	[tilespmem:$0x14500] =	vst v63  }
0x7d: {  	s25 =	simm.s32 $0x2C0  }
0x7e: {  	[tilespmem:s17], [sflag:$0x2] =	stream.indirect.gather [hbm4b:s3+s14], $0x80, s25, s14, $0xb8;
	[tilespmem:$0x14500] =	vst v63  }
0x7f: {  	_ =	swait.ge [sflag:s18], $0x3400  }
0x80: {  	[sflag:s18] =	ssyncset.done $0x0  }
0x81: {  	[sflag:s18] =	ssyncadd.s32 $0xFFFFCC00  }
0x82: {  	_ =	swait.ge [sflag:s18], $0x3000  }
0x83: {  	[sflag:s18] =	ssyncset.done $0x0  }
0x84: {  	s23 =	simm.s32 $0x0;
	[sflag:s18] =	ssyncadd.s32 $0xFFFFD000  }
0x85: {  	v1 =	vld [tilespmem:s23+$0x1900]  }
0x86: {  	v0 =	vld [tilespmem:s23+$0x1910]  }
0x87: {  	v3 =	vld [tilespmem:s23+$0x7D00]  }
0x88: {  	v4 =	vld [tilespmem:s23+$0x7D10]  }
0x89: {  	s24 =	simm.s32 $0x200;
	v2 =	vld [tilespmem:s23+$0x7D20]  }
.LBB2_6:
0x8a: {  	p0 =	sne.s32 s24, $0x18E00;
	v5 =	vld [tilespmem:s23+$0x7D30]  }
0x8b: {  	v6 =	vld [tilespmem:s23+$0x1920]  }
0x8c: {  	v3 =	vmul.f32 $8.000000000e+00, v3;
	v7 =	vld [tilespmem:s23+$0x1930]  }
0x8d: {  	v4 =	vmul.f32 $8.000000000e+00, v4  }
0x8e: {  	s25 =	sshra.s32 s24, $0x2;
	v3 =	vadd.f32 v1, v3;
	v2 =	vmul.f32 $8.000000000e+00, v2  }
.Ltmp2:
0x8f: {  	v1 =	vld [tilespmem:s25+$0x1900];
	v4 =	vadd.f32 v0, v4;
	v5 =	vmul.f32 $8.000000000e+00, v5;
	(pc) =	sbr.rel @p0 .LBB2_6-.Ltmp2, $4  }
0x90: {  	v0 =	vld [tilespmem:s25+$0x1910];
	[tilespmem:s23+$0x7D00] =	vst v3;
	v2 =	vadd.f32 v6, v2  }
0x91: {  	v3 =	vld [tilespmem:s25+$0x7D00];
	[tilespmem:s23+$0x7D10] =	vst v4;
	v5 =	vadd.f32 v7, v5  }
0x92: {  	v4 =	vld [tilespmem:s25+$0x7D10];
	[tilespmem:s23+$0x7D20] =	vst v2  }
0x93: {  	s24 =	sadd.s32 $0x200, s24;
	v2 =	vld [tilespmem:s25+$0x7D20];
	[tilespmem:s23+$0x7D30] =	vst v5;
	s23 =	smov.u32 s25  }
0x94: {  	v5 =	vld [tilespmem:s23+$0x7D30]  }
0x95: {  	v6 =	vld [tilespmem:s23+$0x1920]  }
0x96: {  	v7 =	vld [tilespmem:s23+$0x1930];
	v3 =	vmul.f32 $8.000000000e+00, v3  }
0x97: {  	v4 =	vmul.f32 $8.000000000e+00, v4  }
0x98: {  	v1 =	vadd.f32 v1, v3;
	v2 =	vmul.f32 $8.000000000e+00, v2  }
0x99: {  	v0 =	vadd.f32 v0, v4;
	v3 =	vmul.f32 $8.000000000e+00, v5  }
0x9a: {  	[tilespmem:s23+$0x7D00] =	vst v1;
	v1 =	vadd.f32 v6, v2  }
0x9b: {  	[tilespmem:s23+$0x7D10] =	vst v0;
	v0 =	vadd.f32 v7, v3  }
0x9c: {  	[tilespmem:s23+$0x7D20] =	vst v1  }
0x9d: {  	s25 =	simm.s32 $0x0;
	s24 =	rddreg [dreg:$0x5];
	[tilespmem:s23+$0x7D30] =	vst v0  }
0x9e: {  	[hbm4b:s24+s25] =	stream.linear.scatter [tilespmem:s13], [sflag:$0x3], $0x6400, $0x38;
	[tilespmem:$0x14500] =	vst v63  }
0x9f: {  	_ =	swait.ge [sflag:s19], $0x6400  }
0xa0: {  	[sflag:s19] =	ssyncset.done $0x0  }
0xa1: {  	s24 =	simm.s32 $0x320;
	[sflag:s19] =	ssyncadd.s32 $0xFFFF9C00  }
0xa2: {  	[tilespmem:s13], [sflag:$0x1] =	stream.indirect.gather [hbm4b:s3+s12], $0x80, s24, s12, $0xb8;
	[tilespmem:$0x14500] =	vst v63  }
0xa3: {  	s25 =	simm.s32 $0x388  }
0xa4: {  	[tilespmem:s15], [sflag:$0x1] =	stream.indirect.gather [hbm4b:s3+s14], $0x80, s25, s14, $0xb8;
	[tilespmem:$0x14500] =	vst v63  }
0xa5: {  	_ =	swait.ge [sflag:s20], $0x3400  }
0xa6: {  	[sflag:s20] =	ssyncset.done $0x0  }
0xa7: {  	[sflag:s20] =	ssyncadd.s32 $0xFFFFCC00  }
0xa8: {  	_ =	swait.ge [sflag:s20], $0x3000  }
0xa9: {  	[sflag:s20] =	ssyncset.done $0x0  }
0xaa: {  	s23 =	simm.s32 $0x0;
	[sflag:s20] =	ssyncadd.s32 $0xFFFFD000  }
0xab: {  	v1 =	vld [tilespmem:s23+$0x1900]  }
0xac: {  	v0 =	vld [tilespmem:s23+$0x1910]  }
0xad: {  	v3 =	vld [tilespmem:s23+$0xE100]  }
0xae: {  	v4 =	vld [tilespmem:s23+$0xE110]  }
0xaf: {  	s24 =	simm.s32 $0x200;
	v2 =	vld [tilespmem:s23+$0xE120]  }
.LBB2_8:
0xb0: {  	p0 =	sne.s32 s24, $0x18E00;
	v5 =	vld [tilespmem:s23+$0xE130]  }
0xb1: {  	v6 =	vld [tilespmem:s23+$0x1920]  }
0xb2: {  	v3 =	vmul.f32 $8.000000000e+00, v3;
	v7 =	vld [tilespmem:s23+$0x1930]  }
0xb3: {  	v4 =	vmul.f32 $8.000000000e+00, v4  }
0xb4: {  	s25 =	sshra.s32 s24, $0x2;
	v3 =	vadd.f32 v1, v3;
	v2 =	vmul.f32 $8.000000000e+00, v2  }
.Ltmp3:
0xb5: {  	v1 =	vld [tilespmem:s25+$0x1900];
	v4 =	vadd.f32 v0, v4;
	v5 =	vmul.f32 $8.000000000e+00, v5;
	(pc) =	sbr.rel @p0 .LBB2_8-.Ltmp3, $4  }
0xb6: {  	v0 =	vld [tilespmem:s25+$0x1910];
	[tilespmem:s23+$0xE100] =	vst v3;
	v2 =	vadd.f32 v6, v2  }
0xb7: {  	v3 =	vld [tilespmem:s25+$0xE100];
	[tilespmem:s23+$0xE110] =	vst v4;
	v5 =	vadd.f32 v7, v5  }
0xb8: {  	v4 =	vld [tilespmem:s25+$0xE110];
	[tilespmem:s23+$0xE120] =	vst v2  }
0xb9: {  	s24 =	sadd.s32 $0x200, s24;
	v2 =	vld [tilespmem:s25+$0xE120];
	[tilespmem:s23+$0xE130] =	vst v5;
	s23 =	smov.u32 s25  }
0xba: {  	v5 =	vld [tilespmem:s23+$0xE130]  }
0xbb: {  	v6 =	vld [tilespmem:s23+$0x1920]  }
0xbc: {  	v7 =	vld [tilespmem:s23+$0x1930];
	v3 =	vmul.f32 $8.000000000e+00, v3  }
0xbd: {  	v4 =	vmul.f32 $8.000000000e+00, v4  }
0xbe: {  	v1 =	vadd.f32 v1, v3;
	v2 =	vmul.f32 $8.000000000e+00, v2  }
0xbf: {  	v0 =	vadd.f32 v0, v4;
	v3 =	vmul.f32 $8.000000000e+00, v5  }
0xc0: {  	[tilespmem:s23+$0xE100] =	vst v1;
	v1 =	vadd.f32 v6, v2  }
0xc1: {  	[tilespmem:s23+$0xE110] =	vst v0;
	v0 =	vadd.f32 v7, v3  }
0xc2: {  	[tilespmem:s23+$0xE120] =	vst v1  }
0xc3: {  	s25 =	simm.s32 $0x0;
	s24 =	rddreg [dreg:$0x6];
	[tilespmem:s23+$0xE130] =	vst v0  }
0xc4: {  	[hbm4b:s24+s25] =	stream.linear.scatter [tilespmem:s16], [sflag:$0x4], $0x6400, $0x38;
	[tilespmem:$0x14500] =	vst v63  }
0xc5: {  	_ =	swait.ge [sflag:s21], $0x6400  }
0xc6: {  	[sflag:s21] =	ssyncset.done $0x0  }
0xc7: {  	s24 =	simm.s32 $0x3E8;
	[sflag:s21] =	ssyncadd.s32 $0xFFFF9C00  }
0xc8: {  	[tilespmem:s16], [sflag:$0x2] =	stream.indirect.gather [hbm4b:s3+s12], $0x80, s24, s12, $0xb8;
	[tilespmem:$0x14500] =	vst v63  }
0xc9: {  	s25 =	simm.s32 $0x450  }
0xca: {  	[tilespmem:s17], [sflag:$0x2] =	stream.indirect.gather [hbm4b:s3+s14], $0x80, s25, s14, $0xb8;
	[tilespmem:$0x14500] =	vst v63  }
0xcb: {  	_ =	swait.ge [sflag:s18], $0x3400  }
0xcc: {  	[sflag:s18] =	ssyncset.done $0x0  }
0xcd: {  	[sflag:s18] =	ssyncadd.s32 $0xFFFFCC00  }
0xce: {  	_ =	swait.ge [sflag:s18], $0x3000  }
0xcf: {  	[sflag:s18] =	ssyncset.done $0x0  }
0xd0: {  	s23 =	simm.s32 $0x0;
	[sflag:s18] =	ssyncadd.s32 $0xFFFFD000  }
0xd1: {  	v1 =	vld [tilespmem:s23+$0x1900]  }
0xd2: {  	v0 =	vld [tilespmem:s23+$0x1910]  }
0xd3: {  	v3 =	vld [tilespmem:s23+$0x7D00]  }
0xd4: {  	v4 =	vld [tilespmem:s23+$0x7D10]  }
0xd5: {  	s24 =	simm.s32 $0x200;
	v2 =	vld [tilespmem:s23+$0x7D20]  }
.LBB2_10:
0xd6: {  	p0 =	sne.s32 s24, $0x18E00;
	v5 =	vld [tilespmem:s23+$0x7D30]  }
0xd7: {  	v6 =	vld [tilespmem:s23+$0x1920]  }
0xd8: {  	v3 =	vmul.f32 $8.000000000e+00, v3;
	v7 =	vld [tilespmem:s23+$0x1930]  }
0xd9: {  	v4 =	vmul.f32 $8.000000000e+00, v4  }
0xda: {  	s25 =	sshra.s32 s24, $0x2;
	v3 =	vadd.f32 v1, v3;
	v2 =	vmul.f32 $8.000000000e+00, v2  }
.Ltmp4:
0xdb: {  	v1 =	vld [tilespmem:s25+$0x1900];
	v4 =	vadd.f32 v0, v4;
	v5 =	vmul.f32 $8.000000000e+00, v5;
	(pc) =	sbr.rel @p0 .LBB2_10-.Ltmp4, $4  }
0xdc: {  	v0 =	vld [tilespmem:s25+$0x1910];
	[tilespmem:s23+$0x7D00] =	vst v3;
	v2 =	vadd.f32 v6, v2  }
0xdd: {  	v3 =	vld [tilespmem:s25+$0x7D00];
	[tilespmem:s23+$0x7D10] =	vst v4;
	v5 =	vadd.f32 v7, v5  }
0xde: {  	v4 =	vld [tilespmem:s25+$0x7D10];
	[tilespmem:s23+$0x7D20] =	vst v2  }
0xdf: {  	s24 =	sadd.s32 $0x200, s24;
	v2 =	vld [tilespmem:s25+$0x7D20];
	[tilespmem:s23+$0x7D30] =	vst v5;
	s23 =	smov.u32 s25  }
0xe0: {  	v5 =	vld [tilespmem:s23+$0x7D30]  }
0xe1: {  	v6 =	vld [tilespmem:s23+$0x1920]  }
0xe2: {  	v7 =	vld [tilespmem:s23+$0x1930];
	v3 =	vmul.f32 $8.000000000e+00, v3  }
0xe3: {  	v4 =	vmul.f32 $8.000000000e+00, v4  }
0xe4: {  	v1 =	vadd.f32 v1, v3;
	v2 =	vmul.f32 $8.000000000e+00, v2  }
0xe5: {  	v0 =	vadd.f32 v0, v4;
	v3 =	vmul.f32 $8.000000000e+00, v5  }
0xe6: {  	[tilespmem:s23+$0x7D00] =	vst v1;
	v1 =	vadd.f32 v6, v2  }
0xe7: {  	[tilespmem:s23+$0x7D10] =	vst v0;
	v0 =	vadd.f32 v7, v3  }
0xe8: {  	[tilespmem:s23+$0x7D20] =	vst v1  }
0xe9: {  	s25 =	simm.s32 $0x0;
	s24 =	rddreg [dreg:$0x7];
	[tilespmem:s23+$0x7D30] =	vst v0  }
0xea: {  	[hbm4b:s24+s25] =	stream.linear.scatter [tilespmem:s13], [sflag:$0x3], $0x6400, $0x38;
	[tilespmem:$0x14500] =	vst v63  }
0xeb: {  	_ =	swait.ge [sflag:s19], $0x6400  }
0xec: {  	[sflag:s19] =	ssyncset.done $0x0  }
0xed: {  	s24 =	simm.s32 $0x4B0;
	[sflag:s19] =	ssyncadd.s32 $0xFFFF9C00  }
0xee: {  	[tilespmem:s13], [sflag:$0x1] =	stream.indirect.gather [hbm4b:s3+s12], $0x80, s24, s12, $0xb8;
	[tilespmem:$0x14500] =	vst v63  }
0xef: {  	s25 =	simm.s32 $0x518  }
0xf0: {  	[tilespmem:s15], [sflag:$0x1] =	stream.indirect.gather [hbm4b:s3+s14], $0x80, s25, s14, $0xb8;
	[tilespmem:$0x14500] =	vst v63  }
0xf1: {  	_ =	swait.ge [sflag:s20], $0x3400  }
0xf2: {  	[sflag:s20] =	ssyncset.done $0x0  }
0xf3: {  	[sflag:s20] =	ssyncadd.s32 $0xFFFFCC00  }
0xf4: {  	_ =	swait.ge [sflag:s20], $0x3000  }
0xf5: {  	[sflag:s20] =	ssyncset.done $0x0  }
0xf6: {  	s23 =	simm.s32 $0x0;
	[sflag:s20] =	ssyncadd.s32 $0xFFFFD000  }
0xf7: {  	v1 =	vld [tilespmem:s23+$0x1900]  }
0xf8: {  	v0 =	vld [tilespmem:s23+$0x1910]  }
0xf9: {  	v3 =	vld [tilespmem:s23+$0xE100]  }
0xfa: {  	v4 =	vld [tilespmem:s23+$0xE110]  }
0xfb: {  	s24 =	simm.s32 $0x200;
	v2 =	vld [tilespmem:s23+$0xE120]  }
.LBB2_12:
0xfc: {  	p0 =	sne.s32 s24, $0x18E00;
	v5 =	vld [tilespmem:s23+$0xE130]  }
0xfd: {  	v6 =	vld [tilespmem:s23+$0x1920]  }
0xfe: {  	v3 =	vmul.f32 $8.000000000e+00, v3;
	v7 =	vld [tilespmem:s23+$0x1930]  }
0xff: {  	v4 =	vmul.f32 $8.000000000e+00, v4  }
0x100: {  	s25 =	sshra.s32 s24, $0x2;
	v3 =	vadd.f32 v1, v3;
	v2 =	vmul.f32 $8.000000000e+00, v2  }
.Ltmp5:
0x101: {  	v1 =	vld [tilespmem:s25+$0x1900];
	v4 =	vadd.f32 v0, v4;
	v5 =	vmul.f32 $8.000000000e+00, v5;
	(pc) =	sbr.rel @p0 .LBB2_12-.Ltmp5, $4  }
0x102: {  	v0 =	vld [tilespmem:s25+$0x1910];
	[tilespmem:s23+$0xE100] =	vst v3;
	v2 =	vadd.f32 v6, v2  }
0x103: {  	v3 =	vld [tilespmem:s25+$0xE100];
	[tilespmem:s23+$0xE110] =	vst v4;
	v5 =	vadd.f32 v7, v5  }
0x104: {  	v4 =	vld [tilespmem:s25+$0xE110];
	[tilespmem:s23+$0xE120] =	vst v2  }
0x105: {  	s24 =	sadd.s32 $0x200, s24;
	v2 =	vld [tilespmem:s25+$0xE120];
	[tilespmem:s23+$0xE130] =	vst v5;
	s23 =	smov.u32 s25  }
0x106: {  	v5 =	vld [tilespmem:s23+$0xE130]  }
0x107: {  	v6 =	vld [tilespmem:s23+$0x1920]  }
0x108: {  	v7 =	vld [tilespmem:s23+$0x1930];
	v3 =	vmul.f32 $8.000000000e+00, v3  }
0x109: {  	v4 =	vmul.f32 $8.000000000e+00, v4  }
0x10a: {  	v1 =	vadd.f32 v1, v3;
	v2 =	vmul.f32 $8.000000000e+00, v2  }
0x10b: {  	v0 =	vadd.f32 v0, v4;
	v3 =	vmul.f32 $8.000000000e+00, v5  }
0x10c: {  	[tilespmem:s23+$0xE100] =	vst v1;
	v1 =	vadd.f32 v6, v2  }
0x10d: {  	[tilespmem:s23+$0xE110] =	vst v0;
	v0 =	vadd.f32 v7, v3  }
0x10e: {  	[tilespmem:s23+$0xE120] =	vst v1  }
0x10f: {  	s25 =	simm.s32 $0x0;
	s24 =	rddreg [dreg:$0x8];
	[tilespmem:s23+$0xE130] =	vst v0  }
0x110: {  	[hbm4b:s24+s25] =	stream.linear.scatter [tilespmem:s16], [sflag:$0x4], $0x6400, $0x38;
	[tilespmem:$0x14500] =	vst v63  }
0x111: {  	_ =	swait.ge [sflag:s21], $0x6400  }
0x112: {  	[sflag:s21] =	ssyncset.done $0x0  }
0x113: {  	s24 =	simm.s32 $0x578;
	[sflag:s21] =	ssyncadd.s32 $0xFFFF9C00  }
0x114: {  	[tilespmem:s16], [sflag:$0x2] =	stream.indirect.gather [hbm4b:s3+s12], $0x80, s24, s12, $0xb8;
	[tilespmem:$0x14500] =	vst v63  }
0x115: {  	s25 =	simm.s32 $0x5E0  }
0x116: {  	[tilespmem:s17], [sflag:$0x2] =	stream.indirect.gather [hbm4b:s3+s14], $0x80, s25, s14, $0xb8;
	[tilespmem:$0x14500] =	vst v63  }
0x117: {  	_ =	swait.ge [sflag:s18], $0x3400  }
0x118: {  	[sflag:s18] =	ssyncset.done $0x0  }
0x119: {  	[sflag:s18] =	ssyncadd.s32 $0xFFFFCC00  }
0x11a: {  	_ =	swait.ge [sflag:s18], $0x3000  }
0x11b: {  	[sflag:s18] =	ssyncset.done $0x0  }
0x11c: {  	s23 =	simm.s32 $0x0;
	[sflag:s18] =	ssyncadd.s32 $0xFFFFD000  }
0x11d: {  	v1 =	vld [tilespmem:s23+$0x1900]  }
0x11e: {  	v0 =	vld [tilespmem:s23+$0x1910]  }
0x11f: {  	v3 =	vld [tilespmem:s23+$0x7D00]  }
0x120: {  	v4 =	vld [tilespmem:s23+$0x7D10]  }
0x121: {  	s24 =	simm.s32 $0x200;
	v2 =	vld [tilespmem:s23+$0x7D20]  }
.LBB2_14:
0x122: {  	p0 =	sne.s32 s24, $0x18E00;
	v5 =	vld [tilespmem:s23+$0x7D30]  }
0x123: {  	v6 =	vld [tilespmem:s23+$0x1920]  }
0x124: {  	v3 =	vmul.f32 $8.000000000e+00, v3;
	v7 =	vld [tilespmem:s23+$0x1930]  }
0x125: {  	v4 =	vmul.f32 $8.000000000e+00, v4  }
0x126: {  	s25 =	sshra.s32 s24, $0x2;
	v3 =	vadd.f32 v1, v3;
	v2 =	vmul.f32 $8.000000000e+00, v2  }
.Ltmp6:
0x127: {  	v1 =	vld [tilespmem:s25+$0x1900];
	v4 =	vadd.f32 v0, v4;
	v5 =	vmul.f32 $8.000000000e+00, v5;
	(pc) =	sbr.rel @p0 .LBB2_14-.Ltmp6, $4  }
0x128: {  	v0 =	vld [tilespmem:s25+$0x1910];
	[tilespmem:s23+$0x7D00] =	vst v3;
	v2 =	vadd.f32 v6, v2  }
0x129: {  	v3 =	vld [tilespmem:s25+$0x7D00];
	[tilespmem:s23+$0x7D10] =	vst v4;
	v5 =	vadd.f32 v7, v5  }
0x12a: {  	v4 =	vld [tilespmem:s25+$0x7D10];
	[tilespmem:s23+$0x7D20] =	vst v2  }
0x12b: {  	s24 =	sadd.s32 $0x200, s24;
	v2 =	vld [tilespmem:s25+$0x7D20];
	[tilespmem:s23+$0x7D30] =	vst v5;
	s23 =	smov.u32 s25  }
0x12c: {  	v5 =	vld [tilespmem:s23+$0x7D30]  }
0x12d: {  	v6 =	vld [tilespmem:s23+$0x1920]  }
0x12e: {  	v7 =	vld [tilespmem:s23+$0x1930];
	v3 =	vmul.f32 $8.000000000e+00, v3  }
0x12f: {  	v4 =	vmul.f32 $8.000000000e+00, v4  }
0x130: {  	v1 =	vadd.f32 v1, v3;
	v2 =	vmul.f32 $8.000000000e+00, v2  }
0x131: {  	v0 =	vadd.f32 v0, v4;
	v3 =	vmul.f32 $8.000000000e+00, v5  }
0x132: {  	[tilespmem:s23+$0x7D00] =	vst v1;
	v1 =	vadd.f32 v6, v2  }
0x133: {  	[tilespmem:s23+$0x7D10] =	vst v0;
	v0 =	vadd.f32 v7, v3  }
0x134: {  	[tilespmem:s23+$0x7D20] =	vst v1  }
0x135: {  	s25 =	simm.s32 $0x0;
	s24 =	rddreg [dreg:$0x9];
	[tilespmem:s23+$0x7D30] =	vst v0  }
0x136: {  	[hbm4b:s24+s25] =	stream.linear.scatter [tilespmem:s13], [sflag:$0x3], $0x6400, $0x38;
	[tilespmem:$0x14500] =	vst v63  }
0x137: {  	_ =	swait.ge [sflag:s19], $0x6400  }
0x138: {  	[sflag:s19] =	ssyncset.done $0x0  }
0x139: {  	s24 =	simm.s32 $0x640;
	[sflag:s19] =	ssyncadd.s32 $0xFFFF9C00  }
0x13a: {  	[tilespmem:s13], [sflag:$0x1] =	stream.indirect.gather [hbm4b:s3+s12], $0x80, s24, s12, $0xb8;
	[tilespmem:$0x14500] =	vst v63  }
0x13b: {  	s25 =	simm.s32 $0x6A8  }
0x13c: {  	[tilespmem:s15], [sflag:$0x1] =	stream.indirect.gather [hbm4b:s3+s14], $0x80, s25, s14, $0xb8;
	[tilespmem:$0x14500] =	vst v63  }
0x13d: {  	_ =	swait.ge [sflag:s20], $0x3400  }
0x13e: {  	[sflag:s20] =	ssyncset.done $0x0  }
0x13f: {  	[sflag:s20] =	ssyncadd.s32 $0xFFFFCC00  }
0x140: {  	_ =	swait.ge [sflag:s20], $0x3000  }
0x141: {  	[sflag:s20] =	ssyncset.done $0x0  }
0x142: {  	s23 =	simm.s32 $0x0;
	[sflag:s20] =	ssyncadd.s32 $0xFFFFD000  }
0x143: {  	v1 =	vld [tilespmem:s23+$0x1900]  }
0x144: {  	v0 =	vld [tilespmem:s23+$0x1910]  }
0x145: {  	v3 =	vld [tilespmem:s23+$0xE100]  }
0x146: {  	v4 =	vld [tilespmem:s23+$0xE110]  }
0x147: {  	s24 =	simm.s32 $0x200;
	v2 =	vld [tilespmem:s23+$0xE120]  }
.LBB2_16:
0x148: {  	p0 =	sne.s32 s24, $0x18E00;
	v5 =	vld [tilespmem:s23+$0xE130]  }
0x149: {  	v6 =	vld [tilespmem:s23+$0x1920]  }
0x14a: {  	v3 =	vmul.f32 $8.000000000e+00, v3;
	v7 =	vld [tilespmem:s23+$0x1930]  }
0x14b: {  	v4 =	vmul.f32 $8.000000000e+00, v4  }
0x14c: {  	s25 =	sshra.s32 s24, $0x2;
	v3 =	vadd.f32 v1, v3;
	v2 =	vmul.f32 $8.000000000e+00, v2  }
.Ltmp7:
0x14d: {  	v1 =	vld [tilespmem:s25+$0x1900];
	v4 =	vadd.f32 v0, v4;
	v5 =	vmul.f32 $8.000000000e+00, v5;
	(pc) =	sbr.rel @p0 .LBB2_16-.Ltmp7, $4  }
0x14e: {  	v0 =	vld [tilespmem:s25+$0x1910];
	[tilespmem:s23+$0xE100] =	vst v3;
	v2 =	vadd.f32 v6, v2  }
0x14f: {  	v3 =	vld [tilespmem:s25+$0xE100];
	[tilespmem:s23+$0xE110] =	vst v4;
	v5 =	vadd.f32 v7, v5  }
0x150: {  	v4 =	vld [tilespmem:s25+$0xE110];
	[tilespmem:s23+$0xE120] =	vst v2  }
0x151: {  	s24 =	sadd.s32 $0x200, s24;
	v2 =	vld [tilespmem:s25+$0xE120];
	[tilespmem:s23+$0xE130] =	vst v5;
	s23 =	smov.u32 s25  }
0x152: {  	v5 =	vld [tilespmem:s23+$0xE130]  }
0x153: {  	v6 =	vld [tilespmem:s23+$0x1920]  }
0x154: {  	v7 =	vld [tilespmem:s23+$0x1930];
	v3 =	vmul.f32 $8.000000000e+00, v3  }
0x155: {  	v4 =	vmul.f32 $8.000000000e+00, v4  }
0x156: {  	v1 =	vadd.f32 v1, v3;
	v2 =	vmul.f32 $8.000000000e+00, v2  }
0x157: {  	v0 =	vadd.f32 v0, v4;
	v3 =	vmul.f32 $8.000000000e+00, v5  }
0x158: {  	[tilespmem:s23+$0xE100] =	vst v1;
	v1 =	vadd.f32 v6, v2  }
0x159: {  	[tilespmem:s23+$0xE110] =	vst v0;
	v0 =	vadd.f32 v7, v3  }
0x15a: {  	[tilespmem:s23+$0xE120] =	vst v1  }
0x15b: {  	s25 =	simm.s32 $0x0;
	s24 =	rddreg [dreg:$0xa];
	[tilespmem:s23+$0xE130] =	vst v0  }
0x15c: {  	[hbm4b:s24+s25] =	stream.linear.scatter [tilespmem:s16], [sflag:$0x4], $0x6400, $0x38;
	[tilespmem:$0x14500] =	vst v63  }
0x15d: {  	_ =	swait.ge [sflag:s21], $0x6400  }
0x15e: {  	[sflag:s21] =	ssyncset.done $0x0  }
0x15f: {  	s24 =	simm.s32 $0x708;
	[sflag:s21] =	ssyncadd.s32 $0xFFFF9C00  }
0x160: {  	[tilespmem:s16], [sflag:$0x2] =	stream.indirect.gather [hbm4b:s3+s12], $0x80, s24, s12, $0xb8;
	[tilespmem:$0x14500] =	vst v63  }
0x161: {  	s25 =	simm.s32 $0x770  }
0x162: {  	[tilespmem:s17], [sflag:$0x2] =	stream.indirect.gather [hbm4b:s3+s14], $0x80, s25, s14, $0xb8;
	[tilespmem:$0x14500] =	vst v63  }
0x163: {  	_ =	swait.ge [sflag:s18], $0x3400  }
0x164: {  	[sflag:s18] =	ssyncset.done $0x0  }
0x165: {  	[sflag:s18] =	ssyncadd.s32 $0xFFFFCC00  }
0x166: {  	_ =	swait.ge [sflag:s18], $0x3000  }
0x167: {  	[sflag:s18] =	ssyncset.done $0x0  }
0x168: {  	s23 =	simm.s32 $0x0;
	[sflag:s18] =	ssyncadd.s32 $0xFFFFD000  }
0x169: {  	v1 =	vld [tilespmem:s23+$0x1900]  }
0x16a: {  	v0 =	vld [tilespmem:s23+$0x1910]  }
0x16b: {  	v3 =	vld [tilespmem:s23+$0x7D00]  }
0x16c: {  	v4 =	vld [tilespmem:s23+$0x7D10]  }
0x16d: {  	s24 =	simm.s32 $0x200;
	v2 =	vld [tilespmem:s23+$0x7D20]  }
.LBB2_18:
0x16e: {  	p0 =	sne.s32 s24, $0x18E00;
	v5 =	vld [tilespmem:s23+$0x7D30]  }
0x16f: {  	v6 =	vld [tilespmem:s23+$0x1920]  }
0x170: {  	v3 =	vmul.f32 $8.000000000e+00, v3;
	v7 =	vld [tilespmem:s23+$0x1930]  }
0x171: {  	v4 =	vmul.f32 $8.000000000e+00, v4  }
0x172: {  	s25 =	sshra.s32 s24, $0x2;
	v3 =	vadd.f32 v1, v3;
	v2 =	vmul.f32 $8.000000000e+00, v2  }
.Ltmp8:
0x173: {  	v1 =	vld [tilespmem:s25+$0x1900];
	v4 =	vadd.f32 v0, v4;
	v5 =	vmul.f32 $8.000000000e+00, v5;
	(pc) =	sbr.rel @p0 .LBB2_18-.Ltmp8, $4  }
0x174: {  	v0 =	vld [tilespmem:s25+$0x1910];
	[tilespmem:s23+$0x7D00] =	vst v3;
	v2 =	vadd.f32 v6, v2  }
0x175: {  	v3 =	vld [tilespmem:s25+$0x7D00];
	[tilespmem:s23+$0x7D10] =	vst v4;
	v5 =	vadd.f32 v7, v5  }
0x176: {  	v4 =	vld [tilespmem:s25+$0x7D10];
	[tilespmem:s23+$0x7D20] =	vst v2  }
0x177: {  	s24 =	sadd.s32 $0x200, s24;
	v2 =	vld [tilespmem:s25+$0x7D20];
	[tilespmem:s23+$0x7D30] =	vst v5;
	s23 =	smov.u32 s25  }
0x178: {  	v5 =	vld [tilespmem:s23+$0x7D30]  }
0x179: {  	v6 =	vld [tilespmem:s23+$0x1920]  }
0x17a: {  	v7 =	vld [tilespmem:s23+$0x1930];
	v3 =	vmul.f32 $8.000000000e+00, v3  }
0x17b: {  	v4 =	vmul.f32 $8.000000000e+00, v4  }
0x17c: {  	v1 =	vadd.f32 v1, v3;
	v2 =	vmul.f32 $8.000000000e+00, v2  }
0x17d: {  	v0 =	vadd.f32 v0, v4;
	v3 =	vmul.f32 $8.000000000e+00, v5  }
0x17e: {  	[tilespmem:s23+$0x7D00] =	vst v1;
	v1 =	vadd.f32 v6, v2  }
0x17f: {  	[tilespmem:s23+$0x7D10] =	vst v0;
	v0 =	vadd.f32 v7, v3  }
0x180: {  	[tilespmem:s23+$0x7D20] =	vst v1  }
0x181: {  	s25 =	simm.s32 $0x0;
	s24 =	rddreg [dreg:$0xb];
	[tilespmem:s23+$0x7D30] =	vst v0  }
0x182: {  	[hbm4b:s24+s25] =	stream.linear.scatter [tilespmem:s13], [sflag:$0x3], $0x6400, $0x38;
	[tilespmem:$0x14500] =	vst v63  }
0x183: {  	_ =	swait.ge [sflag:s19], $0x6400  }
0x184: {  	[sflag:s19] =	ssyncset.done $0x0  }
0x185: {  	s24 =	simm.s32 $0x7D0;
	[sflag:s19] =	ssyncadd.s32 $0xFFFF9C00  }
0x186: {  	[tilespmem:s13], [sflag:$0x1] =	stream.indirect.gather [hbm4b:s3+s12], $0x80, s24, s12, $0xb8;
	[tilespmem:$0x14500] =	vst v63  }
0x187: {  	s25 =	simm.s32 $0x838  }
0x188: {  	[tilespmem:s15], [sflag:$0x1] =	stream.indirect.gather [hbm4b:s3+s14], $0x80, s25, s14, $0xb8;
	[tilespmem:$0x14500] =	vst v63  }
0x189: {  	_ =	swait.ge [sflag:s20], $0x3400  }
0x18a: {  	[sflag:s20] =	ssyncset.done $0x0  }
0x18b: {  	[sflag:s20] =	ssyncadd.s32 $0xFFFFCC00  }
0x18c: {  	_ =	swait.ge [sflag:s20], $0x3000  }
0x18d: {  	[sflag:s20] =	ssyncset.done $0x0  }
0x18e: {  	s23 =	simm.s32 $0x0;
	[sflag:s20] =	ssyncadd.s32 $0xFFFFD000  }
0x18f: {  	v1 =	vld [tilespmem:s23+$0x1900]  }
0x190: {  	v0 =	vld [tilespmem:s23+$0x1910]  }
0x191: {  	v3 =	vld [tilespmem:s23+$0xE100]  }
0x192: {  	v4 =	vld [tilespmem:s23+$0xE110]  }
0x193: {  	s24 =	simm.s32 $0x200;
	v2 =	vld [tilespmem:s23+$0xE120]  }
.LBB2_20:
0x194: {  	p0 =	sne.s32 s24, $0x18E00;
	v5 =	vld [tilespmem:s23+$0xE130]  }
0x195: {  	v6 =	vld [tilespmem:s23+$0x1920]  }
0x196: {  	v3 =	vmul.f32 $8.000000000e+00, v3;
	v7 =	vld [tilespmem:s23+$0x1930]  }
0x197: {  	v4 =	vmul.f32 $8.000000000e+00, v4  }
0x198: {  	s25 =	sshra.s32 s24, $0x2;
	v3 =	vadd.f32 v1, v3;
	v2 =	vmul.f32 $8.000000000e+00, v2  }
.Ltmp9:
0x199: {  	v1 =	vld [tilespmem:s25+$0x1900];
	v4 =	vadd.f32 v0, v4;
	v5 =	vmul.f32 $8.000000000e+00, v5;
	(pc) =	sbr.rel @p0 .LBB2_20-.Ltmp9, $4  }
0x19a: {  	v0 =	vld [tilespmem:s25+$0x1910];
	[tilespmem:s23+$0xE100] =	vst v3;
	v2 =	vadd.f32 v6, v2  }
0x19b: {  	v3 =	vld [tilespmem:s25+$0xE100];
	[tilespmem:s23+$0xE110] =	vst v4;
	v5 =	vadd.f32 v7, v5  }
0x19c: {  	v4 =	vld [tilespmem:s25+$0xE110];
	[tilespmem:s23+$0xE120] =	vst v2  }
0x19d: {  	s24 =	sadd.s32 $0x200, s24;
	v2 =	vld [tilespmem:s25+$0xE120];
	[tilespmem:s23+$0xE130] =	vst v5;
	s23 =	smov.u32 s25  }
0x19e: {  	v5 =	vld [tilespmem:s23+$0xE130]  }
0x19f: {  	v6 =	vld [tilespmem:s23+$0x1920]  }
0x1a0: {  	v7 =	vld [tilespmem:s23+$0x1930];
	v3 =	vmul.f32 $8.000000000e+00, v3  }
0x1a1: {  	v4 =	vmul.f32 $8.000000000e+00, v4  }
0x1a2: {  	v1 =	vadd.f32 v1, v3;
	v2 =	vmul.f32 $8.000000000e+00, v2  }
0x1a3: {  	v0 =	vadd.f32 v0, v4;
	v3 =	vmul.f32 $8.000000000e+00, v5  }
0x1a4: {  	[tilespmem:s23+$0xE100] =	vst v1;
	v1 =	vadd.f32 v6, v2  }
0x1a5: {  	[tilespmem:s23+$0xE110] =	vst v0;
	v0 =	vadd.f32 v7, v3  }
0x1a6: {  	[tilespmem:s23+$0xE120] =	vst v1  }
0x1a7: {  	s25 =	simm.s32 $0x0;
	s24 =	rddreg [dreg:$0xc];
	[tilespmem:s23+$0xE130] =	vst v0  }
0x1a8: {  	[hbm4b:s24+s25] =	stream.linear.scatter [tilespmem:s16], [sflag:$0x4], $0x6400, $0x38;
	[tilespmem:$0x14500] =	vst v63  }
0x1a9: {  	_ =	swait.ge [sflag:s21], $0x6400  }
0x1aa: {  	[sflag:s21] =	ssyncset.done $0x0  }
0x1ab: {  	s24 =	simm.s32 $0x898;
	[sflag:s21] =	ssyncadd.s32 $0xFFFF9C00  }
0x1ac: {  	[tilespmem:s16], [sflag:$0x2] =	stream.indirect.gather [hbm4b:s3+s12], $0x80, s24, s12, $0xb8;
	[tilespmem:$0x14500] =	vst v63  }
0x1ad: {  	s25 =	simm.s32 $0x900  }
0x1ae: {  	[tilespmem:s17], [sflag:$0x2] =	stream.indirect.gather [hbm4b:s3+s14], $0x80, s25, s14, $0xb8;
	[tilespmem:$0x14500] =	vst v63  }
0x1af: {  	_ =	swait.ge [sflag:s18], $0x3400  }
0x1b0: {  	[sflag:s18] =	ssyncset.done $0x0  }
0x1b1: {  	[sflag:s18] =	ssyncadd.s32 $0xFFFFCC00  }
0x1b2: {  	_ =	swait.ge [sflag:s18], $0x3000  }
0x1b3: {  	[sflag:s18] =	ssyncset.done $0x0  }
0x1b4: {  	s23 =	simm.s32 $0x0;
	[sflag:s18] =	ssyncadd.s32 $0xFFFFD000  }
0x1b5: {  	v1 =	vld [tilespmem:s23+$0x1900]  }
0x1b6: {  	v0 =	vld [tilespmem:s23+$0x1910]  }
0x1b7: {  	v3 =	vld [tilespmem:s23+$0x7D00]  }
0x1b8: {  	v4 =	vld [tilespmem:s23+$0x7D10]  }
0x1b9: {  	s24 =	simm.s32 $0x200;
	v2 =	vld [tilespmem:s23+$0x7D20]  }
.LBB2_22:
0x1ba: {  	p0 =	sne.s32 s24, $0x18E00;
	v5 =	vld [tilespmem:s23+$0x7D30]  }
0x1bb: {  	v6 =	vld [tilespmem:s23+$0x1920]  }
0x1bc: {  	v3 =	vmul.f32 $8.000000000e+00, v3;
	v7 =	vld [tilespmem:s23+$0x1930]  }
0x1bd: {  	v4 =	vmul.f32 $8.000000000e+00, v4  }
0x1be: {  	s25 =	sshra.s32 s24, $0x2;
	v3 =	vadd.f32 v1, v3;
	v2 =	vmul.f32 $8.000000000e+00, v2  }
.Ltmp10:
0x1bf: {  	v1 =	vld [tilespmem:s25+$0x1900];
	v4 =	vadd.f32 v0, v4;
	v5 =	vmul.f32 $8.000000000e+00, v5;
	(pc) =	sbr.rel @p0 .LBB2_22-.Ltmp10, $4  }
0x1c0: {  	v0 =	vld [tilespmem:s25+$0x1910];
	[tilespmem:s23+$0x7D00] =	vst v3;
	v2 =	vadd.f32 v6, v2  }
0x1c1: {  	v3 =	vld [tilespmem:s25+$0x7D00];
	[tilespmem:s23+$0x7D10] =	vst v4;
	v5 =	vadd.f32 v7, v5  }
0x1c2: {  	v4 =	vld [tilespmem:s25+$0x7D10];
	[tilespmem:s23+$0x7D20] =	vst v2  }
0x1c3: {  	s24 =	sadd.s32 $0x200, s24;
	v2 =	vld [tilespmem:s25+$0x7D20];
	[tilespmem:s23+$0x7D30] =	vst v5;
	s23 =	smov.u32 s25  }
0x1c4: {  	v5 =	vld [tilespmem:s23+$0x7D30]  }
0x1c5: {  	v6 =	vld [tilespmem:s23+$0x1920]  }
0x1c6: {  	v7 =	vld [tilespmem:s23+$0x1930];
	v3 =	vmul.f32 $8.000000000e+00, v3  }
0x1c7: {  	v4 =	vmul.f32 $8.000000000e+00, v4  }
0x1c8: {  	v1 =	vadd.f32 v1, v3;
	v2 =	vmul.f32 $8.000000000e+00, v2  }
0x1c9: {  	v0 =	vadd.f32 v0, v4;
	v3 =	vmul.f32 $8.000000000e+00, v5  }
0x1ca: {  	[tilespmem:s23+$0x7D00] =	vst v1;
	v1 =	vadd.f32 v6, v2  }
0x1cb: {  	[tilespmem:s23+$0x7D10] =	vst v0;
	v0 =	vadd.f32 v7, v3  }
0x1cc: {  	[tilespmem:s23+$0x7D20] =	vst v1  }
0x1cd: {  	s25 =	simm.s32 $0x0;
	s24 =	rddreg [dreg:$0xd];
	[tilespmem:s23+$0x7D30] =	vst v0  }
0x1ce: {  	[hbm4b:s24+s25] =	stream.linear.scatter [tilespmem:s13], [sflag:$0x3], $0x6400, $0x38;
	[tilespmem:$0x14500] =	vst v63  }
0x1cf: {  	_ =	swait.ge [sflag:s19], $0x6400  }
0x1d0: {  	[sflag:s19] =	ssyncset.done $0x0  }
0x1d1: {  	s24 =	simm.s32 $0x960;
	[sflag:s19] =	ssyncadd.s32 $0xFFFF9C00  }
0x1d2: {  	[tilespmem:s13], [sflag:$0x1] =	stream.indirect.gather [hbm4b:s3+s12], $0x80, s24, s12, $0xb8;
	[tilespmem:$0x14500] =	vst v63  }
0x1d3: {  	s25 =	simm.s32 $0x9C8  }
0x1d4: {  	[tilespmem:s15], [sflag:$0x1] =	stream.indirect.gather [hbm4b:s3+s14], $0x80, s25, s14, $0xb8;
	[tilespmem:$0x14500] =	vst v63  }
0x1d5: {  	_ =	swait.ge [sflag:s20], $0x3400  }
0x1d6: {  	[sflag:s20] =	ssyncset.done $0x0  }
0x1d7: {  	[sflag:s20] =	ssyncadd.s32 $0xFFFFCC00  }
0x1d8: {  	_ =	swait.ge [sflag:s20], $0x3000  }
0x1d9: {  	[sflag:s20] =	ssyncset.done $0x0  }
0x1da: {  	s23 =	simm.s32 $0x0;
	[sflag:s20] =	ssyncadd.s32 $0xFFFFD000  }
0x1db: {  	v1 =	vld [tilespmem:s23+$0x1900]  }
0x1dc: {  	v0 =	vld [tilespmem:s23+$0x1910]  }
0x1dd: {  	v3 =	vld [tilespmem:s23+$0xE100]  }
0x1de: {  	v4 =	vld [tilespmem:s23+$0xE110]  }
0x1df: {  	s24 =	simm.s32 $0x200;
	v2 =	vld [tilespmem:s23+$0xE120]  }
.LBB2_24:
0x1e0: {  	p0 =	sne.s32 s24, $0x18E00;
	v5 =	vld [tilespmem:s23+$0xE130]  }
0x1e1: {  	v6 =	vld [tilespmem:s23+$0x1920]  }
0x1e2: {  	v3 =	vmul.f32 $8.000000000e+00, v3;
	v7 =	vld [tilespmem:s23+$0x1930]  }
0x1e3: {  	v4 =	vmul.f32 $8.000000000e+00, v4  }
0x1e4: {  	s25 =	sshra.s32 s24, $0x2;
	v3 =	vadd.f32 v1, v3;
	v2 =	vmul.f32 $8.000000000e+00, v2  }
.Ltmp11:
0x1e5: {  	v1 =	vld [tilespmem:s25+$0x1900];
	v4 =	vadd.f32 v0, v4;
	v5 =	vmul.f32 $8.000000000e+00, v5;
	(pc) =	sbr.rel @p0 .LBB2_24-.Ltmp11, $4  }
0x1e6: {  	v0 =	vld [tilespmem:s25+$0x1910];
	[tilespmem:s23+$0xE100] =	vst v3;
	v2 =	vadd.f32 v6, v2  }
0x1e7: {  	v3 =	vld [tilespmem:s25+$0xE100];
	[tilespmem:s23+$0xE110] =	vst v4;
	v5 =	vadd.f32 v7, v5  }
0x1e8: {  	v4 =	vld [tilespmem:s25+$0xE110];
	[tilespmem:s23+$0xE120] =	vst v2  }
0x1e9: {  	s24 =	sadd.s32 $0x200, s24;
	v2 =	vld [tilespmem:s25+$0xE120];
	[tilespmem:s23+$0xE130] =	vst v5;
	s23 =	smov.u32 s25  }
0x1ea: {  	v5 =	vld [tilespmem:s23+$0xE130]  }
0x1eb: {  	v6 =	vld [tilespmem:s23+$0x1920]  }
0x1ec: {  	v7 =	vld [tilespmem:s23+$0x1930];
	v3 =	vmul.f32 $8.000000000e+00, v3  }
0x1ed: {  	v4 =	vmul.f32 $8.000000000e+00, v4  }
0x1ee: {  	v1 =	vadd.f32 v1, v3;
	v2 =	vmul.f32 $8.000000000e+00, v2  }
0x1ef: {  	v0 =	vadd.f32 v0, v4;
	v3 =	vmul.f32 $8.000000000e+00, v5  }
0x1f0: {  	[tilespmem:s23+$0xE100] =	vst v1;
	v1 =	vadd.f32 v6, v2  }
0x1f1: {  	[tilespmem:s23+$0xE110] =	vst v0;
	v0 =	vadd.f32 v7, v3  }
0x1f2: {  	[tilespmem:s23+$0xE120] =	vst v1  }
0x1f3: {  	s25 =	simm.s32 $0x0;
	s24 =	rddreg [dreg:$0xe];
	[tilespmem:s23+$0xE130] =	vst v0  }
0x1f4: {  	[hbm4b:s24+s25] =	stream.linear.scatter [tilespmem:s16], [sflag:$0x4], $0x6400, $0x38;
	[tilespmem:$0x14500] =	vst v63  }
0x1f5: {  	_ =	swait.ge [sflag:s21], $0x6400  }
0x1f6: {  	[sflag:s21] =	ssyncset.done $0x0  }
0x1f7: {  	s24 =	simm.s32 $0xA28;
	[sflag:s21] =	ssyncadd.s32 $0xFFFF9C00  }
0x1f8: {  	[tilespmem:s16], [sflag:$0x2] =	stream.indirect.gather [hbm4b:s3+s12], $0x80, s24, s12, $0xb8;
	[tilespmem:$0x14500] =	vst v63  }
0x1f9: {  	s25 =	simm.s32 $0xA90  }
0x1fa: {  	[tilespmem:s17], [sflag:$0x2] =	stream.indirect.gather [hbm4b:s3+s14], $0x80, s25, s14, $0xb8;
	[tilespmem:$0x14500] =	vst v63  }
0x1fb: {  	_ =	swait.ge [sflag:s18], $0x3400  }
0x1fc: {  	[sflag:s18] =	ssyncset.done $0x0  }
0x1fd: {  	[sflag:s18] =	ssyncadd.s32 $0xFFFFCC00  }
0x1fe: {  	_ =	swait.ge [sflag:s18], $0x3000  }
0x1ff: {  	[sflag:s18] =	ssyncset.done $0x0  }
0x200: {  	s23 =	simm.s32 $0x0;
	[sflag:s18] =	ssyncadd.s32 $0xFFFFD000  }
0x201: {  	v1 =	vld [tilespmem:s23+$0x1900]  }
0x202: {  	v0 =	vld [tilespmem:s23+$0x1910]  }
0x203: {  	v3 =	vld [tilespmem:s23+$0x7D00]  }
0x204: {  	v4 =	vld [tilespmem:s23+$0x7D10]  }
0x205: {  	s24 =	simm.s32 $0x200;
	v2 =	vld [tilespmem:s23+$0x7D20]  }
.LBB2_26:
0x206: {  	p0 =	sne.s32 s24, $0x18E00;
	v5 =	vld [tilespmem:s23+$0x7D30]  }
0x207: {  	v6 =	vld [tilespmem:s23+$0x1920]  }
0x208: {  	v3 =	vmul.f32 $8.000000000e+00, v3;
	v7 =	vld [tilespmem:s23+$0x1930]  }
0x209: {  	v4 =	vmul.f32 $8.000000000e+00, v4  }
0x20a: {  	s25 =	sshra.s32 s24, $0x2;
	v3 =	vadd.f32 v1, v3;
	v2 =	vmul.f32 $8.000000000e+00, v2  }
.Ltmp12:
0x20b: {  	v1 =	vld [tilespmem:s25+$0x1900];
	v4 =	vadd.f32 v0, v4;
	v5 =	vmul.f32 $8.000000000e+00, v5;
	(pc) =	sbr.rel @p0 .LBB2_26-.Ltmp12, $4  }
0x20c: {  	v0 =	vld [tilespmem:s25+$0x1910];
	[tilespmem:s23+$0x7D00] =	vst v3;
	v2 =	vadd.f32 v6, v2  }
0x20d: {  	v3 =	vld [tilespmem:s25+$0x7D00];
	[tilespmem:s23+$0x7D10] =	vst v4;
	v5 =	vadd.f32 v7, v5  }
0x20e: {  	v4 =	vld [tilespmem:s25+$0x7D10];
	[tilespmem:s23+$0x7D20] =	vst v2  }
0x20f: {  	s24 =	sadd.s32 $0x200, s24;
	v2 =	vld [tilespmem:s25+$0x7D20];
	[tilespmem:s23+$0x7D30] =	vst v5;
	s23 =	smov.u32 s25  }
0x210: {  	v5 =	vld [tilespmem:s23+$0x7D30]  }
0x211: {  	v6 =	vld [tilespmem:s23+$0x1920]  }
0x212: {  	v7 =	vld [tilespmem:s23+$0x1930];
	v3 =	vmul.f32 $8.000000000e+00, v3  }
0x213: {  	v4 =	vmul.f32 $8.000000000e+00, v4  }
0x214: {  	v1 =	vadd.f32 v1, v3;
	v2 =	vmul.f32 $8.000000000e+00, v2  }
0x215: {  	v0 =	vadd.f32 v0, v4;
	v3 =	vmul.f32 $8.000000000e+00, v5  }
0x216: {  	[tilespmem:s23+$0x7D00] =	vst v1;
	v1 =	vadd.f32 v6, v2  }
0x217: {  	[tilespmem:s23+$0x7D10] =	vst v0;
	v0 =	vadd.f32 v7, v3  }
0x218: {  	[tilespmem:s23+$0x7D20] =	vst v1  }
0x219: {  	s25 =	simm.s32 $0x0;
	s24 =	rddreg [dreg:$0xf];
	[tilespmem:s23+$0x7D30] =	vst v0  }
0x21a: {  	[hbm4b:s24+s25] =	stream.linear.scatter [tilespmem:s13], [sflag:$0x3], $0x6400, $0x38;
	[tilespmem:$0x14500] =	vst v63  }
0x21b: {  	_ =	swait.ge [sflag:s19], $0x6400  }
0x21c: {  	[sflag:s19] =	ssyncset.done $0x0  }
0x21d: {  	s24 =	simm.s32 $0xAF0;
	[sflag:s19] =	ssyncadd.s32 $0xFFFF9C00  }
0x21e: {  	[tilespmem:s13], [sflag:$0x1] =	stream.indirect.gather [hbm4b:s3+s12], $0x80, s24, s12, $0xb8;
	[tilespmem:$0x14500] =	vst v63  }
0x21f: {  	s25 =	simm.s32 $0xB58  }
0x220: {  	[tilespmem:s15], [sflag:$0x1] =	stream.indirect.gather [hbm4b:s3+s14], $0x80, s25, s14, $0xb8;
	[tilespmem:$0x14500] =	vst v63  }
0x221: {  	_ =	swait.ge [sflag:s20], $0x3400  }
0x222: {  	[sflag:s20] =	ssyncset.done $0x0  }
0x223: {  	[sflag:s20] =	ssyncadd.s32 $0xFFFFCC00  }
0x224: {  	_ =	swait.ge [sflag:s20], $0x3000  }
0x225: {  	[sflag:s20] =	ssyncset.done $0x0  }
0x226: {  	s23 =	simm.s32 $0x0;
	[sflag:s20] =	ssyncadd.s32 $0xFFFFD000  }
0x227: {  	v1 =	vld [tilespmem:s23+$0x1900]  }
0x228: {  	v0 =	vld [tilespmem:s23+$0x1910]  }
0x229: {  	v3 =	vld [tilespmem:s23+$0xE100]  }
0x22a: {  	v4 =	vld [tilespmem:s23+$0xE110]  }
0x22b: {  	s24 =	simm.s32 $0x200;
	v2 =	vld [tilespmem:s23+$0xE120]  }
.LBB2_28:
0x22c: {  	p0 =	sne.s32 s24, $0x18E00;
	v5 =	vld [tilespmem:s23+$0xE130]  }
0x22d: {  	v6 =	vld [tilespmem:s23+$0x1920]  }
0x22e: {  	v3 =	vmul.f32 $8.000000000e+00, v3;
	v7 =	vld [tilespmem:s23+$0x1930]  }
0x22f: {  	v4 =	vmul.f32 $8.000000000e+00, v4  }
0x230: {  	s25 =	sshra.s32 s24, $0x2;
	v3 =	vadd.f32 v1, v3;
	v2 =	vmul.f32 $8.000000000e+00, v2  }
.Ltmp13:
0x231: {  	v1 =	vld [tilespmem:s25+$0x1900];
	v4 =	vadd.f32 v0, v4;
	v5 =	vmul.f32 $8.000000000e+00, v5;
	(pc) =	sbr.rel @p0 .LBB2_28-.Ltmp13, $4  }
0x232: {  	v0 =	vld [tilespmem:s25+$0x1910];
	[tilespmem:s23+$0xE100] =	vst v3;
	v2 =	vadd.f32 v6, v2  }
0x233: {  	v3 =	vld [tilespmem:s25+$0xE100];
	[tilespmem:s23+$0xE110] =	vst v4;
	v5 =	vadd.f32 v7, v5  }
0x234: {  	v4 =	vld [tilespmem:s25+$0xE110];
	[tilespmem:s23+$0xE120] =	vst v2  }
0x235: {  	s24 =	sadd.s32 $0x200, s24;
	v2 =	vld [tilespmem:s25+$0xE120];
	[tilespmem:s23+$0xE130] =	vst v5;
	s23 =	smov.u32 s25  }
0x236: {  	v5 =	vld [tilespmem:s23+$0xE130]  }
0x237: {  	v6 =	vld [tilespmem:s23+$0x1920]  }
0x238: {  	v7 =	vld [tilespmem:s23+$0x1930];
	v3 =	vmul.f32 $8.000000000e+00, v3  }
0x239: {  	v4 =	vmul.f32 $8.000000000e+00, v4  }
0x23a: {  	v1 =	vadd.f32 v1, v3;
	v2 =	vmul.f32 $8.000000000e+00, v2  }
0x23b: {  	v0 =	vadd.f32 v0, v4;
	v3 =	vmul.f32 $8.000000000e+00, v5  }
0x23c: {  	[tilespmem:s23+$0xE100] =	vst v1;
	v1 =	vadd.f32 v6, v2  }
0x23d: {  	[tilespmem:s23+$0xE110] =	vst v0;
	v0 =	vadd.f32 v7, v3  }
0x23e: {  	[tilespmem:s23+$0xE120] =	vst v1  }
0x23f: {  	s25 =	simm.s32 $0x0;
	s24 =	rddreg [dreg:$0x10];
	[tilespmem:s23+$0xE130] =	vst v0  }
0x240: {  	[hbm4b:s24+s25] =	stream.linear.scatter [tilespmem:s16], [sflag:$0x4], $0x6400, $0x38;
	[tilespmem:$0x14500] =	vst v63  }
0x241: {  	_ =	swait.ge [sflag:s21], $0x6400  }
0x242: {  	[sflag:s21] =	ssyncset.done $0x0  }
0x243: {  	s24 =	simm.s32 $0xBB8;
	[sflag:s21] =	ssyncadd.s32 $0xFFFF9C00  }
0x244: {  	[tilespmem:s16], [sflag:$0x2] =	stream.indirect.gather [hbm4b:s3+s12], $0x80, s24, s12, $0xb8;
	[tilespmem:$0x14500] =	vst v63  }
0x245: {  	s25 =	simm.s32 $0xC20  }
0x246: {  	[tilespmem:s17], [sflag:$0x2] =	stream.indirect.gather [hbm4b:s3+s14], $0x80, s25, s14, $0xb8;
	[tilespmem:$0x14500] =	vst v63  }
0x247: {  	_ =	swait.ge [sflag:s18], $0x3400  }
0x248: {  	[sflag:s18] =	ssyncset.done $0x0  }
0x249: {  	[sflag:s18] =	ssyncadd.s32 $0xFFFFCC00  }
0x24a: {  	_ =	swait.ge [sflag:s18], $0x3000  }
0x24b: {  	[sflag:s18] =	ssyncset.done $0x0  }
0x24c: {  	s23 =	simm.s32 $0x0;
	[sflag:s18] =	ssyncadd.s32 $0xFFFFD000  }
0x24d: {  	v1 =	vld [tilespmem:s23+$0x1900]  }
0x24e: {  	v0 =	vld [tilespmem:s23+$0x1910]  }
0x24f: {  	v3 =	vld [tilespmem:s23+$0x7D00]  }
0x250: {  	v4 =	vld [tilespmem:s23+$0x7D10]  }
0x251: {  	s24 =	simm.s32 $0x200;
	v2 =	vld [tilespmem:s23+$0x7D20]  }
.LBB2_30:
0x252: {  	p0 =	sne.s32 s24, $0x18E00;
	v5 =	vld [tilespmem:s23+$0x7D30]  }
0x253: {  	v6 =	vld [tilespmem:s23+$0x1920]  }
0x254: {  	v3 =	vmul.f32 $8.000000000e+00, v3;
	v7 =	vld [tilespmem:s23+$0x1930]  }
0x255: {  	v4 =	vmul.f32 $8.000000000e+00, v4  }
0x256: {  	s25 =	sshra.s32 s24, $0x2;
	v3 =	vadd.f32 v1, v3;
	v2 =	vmul.f32 $8.000000000e+00, v2  }
.Ltmp14:
0x257: {  	v1 =	vld [tilespmem:s25+$0x1900];
	v4 =	vadd.f32 v0, v4;
	v5 =	vmul.f32 $8.000000000e+00, v5;
	(pc) =	sbr.rel @p0 .LBB2_30-.Ltmp14, $4  }
0x258: {  	v0 =	vld [tilespmem:s25+$0x1910];
	[tilespmem:s23+$0x7D00] =	vst v3;
	v2 =	vadd.f32 v6, v2  }
0x259: {  	v3 =	vld [tilespmem:s25+$0x7D00];
	[tilespmem:s23+$0x7D10] =	vst v4;
	v5 =	vadd.f32 v7, v5  }
0x25a: {  	v4 =	vld [tilespmem:s25+$0x7D10];
	[tilespmem:s23+$0x7D20] =	vst v2  }
0x25b: {  	s24 =	sadd.s32 $0x200, s24;
	v2 =	vld [tilespmem:s25+$0x7D20];
	[tilespmem:s23+$0x7D30] =	vst v5;
	s23 =	smov.u32 s25  }
0x25c: {  	v5 =	vld [tilespmem:s23+$0x7D30]  }
0x25d: {  	v6 =	vld [tilespmem:s23+$0x1920]  }
0x25e: {  	v7 =	vld [tilespmem:s23+$0x1930];
	v3 =	vmul.f32 $8.000000000e+00, v3  }
0x25f: {  	v4 =	vmul.f32 $8.000000000e+00, v4  }
0x260: {  	v1 =	vadd.f32 v1, v3;
	v2 =	vmul.f32 $8.000000000e+00, v2  }
0x261: {  	v0 =	vadd.f32 v0, v4;
	v3 =	vmul.f32 $8.000000000e+00, v5  }
0x262: {  	[tilespmem:s23+$0x7D00] =	vst v1;
	v1 =	vadd.f32 v6, v2  }
0x263: {  	[tilespmem:s23+$0x7D10] =	vst v0;
	v0 =	vadd.f32 v7, v3  }
0x264: {  	[tilespmem:s23+$0x7D20] =	vst v1  }
0x265: {  	s25 =	simm.s32 $0x0;
	s24 =	rddreg [dreg:$0x11];
	[tilespmem:s23+$0x7D30] =	vst v0  }
0x266: {  	[hbm4b:s24+s25] =	stream.linear.scatter [tilespmem:s13], [sflag:$0x3], $0x6400, $0x38;
	[tilespmem:$0x14500] =	vst v63  }
0x267: {  	_ =	swait.ge [sflag:s19], $0x6400  }
0x268: {  	[sflag:s19] =	ssyncset.done $0x0  }
0x269: {  	s24 =	simm.s32 $0xC80;
	[sflag:s19] =	ssyncadd.s32 $0xFFFF9C00  }
0x26a: {  	[tilespmem:s13], [sflag:$0x1] =	stream.indirect.gather [hbm4b:s3+s12], $0x80, s24, s12, $0xb8;
	[tilespmem:$0x14500] =	vst v63  }
0x26b: {  	s25 =	simm.s32 $0xCE8  }
0x26c: {  	[tilespmem:s15], [sflag:$0x1] =	stream.indirect.gather [hbm4b:s3+s14], $0x80, s25, s14, $0xb8;
	[tilespmem:$0x14500] =	vst v63  }
0x26d: {  	_ =	swait.ge [sflag:s20], $0x3400  }
0x26e: {  	[sflag:s20] =	ssyncset.done $0x0  }
0x26f: {  	[sflag:s20] =	ssyncadd.s32 $0xFFFFCC00  }
0x270: {  	_ =	swait.ge [sflag:s20], $0x3000  }
0x271: {  	[sflag:s20] =	ssyncset.done $0x0  }
0x272: {  	s23 =	simm.s32 $0x0;
	[sflag:s20] =	ssyncadd.s32 $0xFFFFD000  }
0x273: {  	v1 =	vld [tilespmem:s23+$0x1900]  }
0x274: {  	v0 =	vld [tilespmem:s23+$0x1910]  }
0x275: {  	v3 =	vld [tilespmem:s23+$0xE100]  }
0x276: {  	v4 =	vld [tilespmem:s23+$0xE110]  }
0x277: {  	s24 =	simm.s32 $0x200;
	v2 =	vld [tilespmem:s23+$0xE120]  }
.LBB2_32:
0x278: {  	p0 =	sne.s32 s24, $0x18E00;
	v5 =	vld [tilespmem:s23+$0xE130]  }
0x279: {  	v6 =	vld [tilespmem:s23+$0x1920]  }
0x27a: {  	v3 =	vmul.f32 $8.000000000e+00, v3;
	v7 =	vld [tilespmem:s23+$0x1930]  }
0x27b: {  	v4 =	vmul.f32 $8.000000000e+00, v4  }
0x27c: {  	s25 =	sshra.s32 s24, $0x2;
	v3 =	vadd.f32 v1, v3;
	v2 =	vmul.f32 $8.000000000e+00, v2  }
.Ltmp15:
0x27d: {  	v1 =	vld [tilespmem:s25+$0x1900];
	v4 =	vadd.f32 v0, v4;
	v5 =	vmul.f32 $8.000000000e+00, v5;
	(pc) =	sbr.rel @p0 .LBB2_32-.Ltmp15, $4  }
0x27e: {  	v0 =	vld [tilespmem:s25+$0x1910];
	[tilespmem:s23+$0xE100] =	vst v3;
	v2 =	vadd.f32 v6, v2  }
0x27f: {  	v3 =	vld [tilespmem:s25+$0xE100];
	[tilespmem:s23+$0xE110] =	vst v4;
	v5 =	vadd.f32 v7, v5  }
0x280: {  	v4 =	vld [tilespmem:s25+$0xE110];
	[tilespmem:s23+$0xE120] =	vst v2  }
0x281: {  	s24 =	sadd.s32 $0x200, s24;
	v2 =	vld [tilespmem:s25+$0xE120];
	[tilespmem:s23+$0xE130] =	vst v5;
	s23 =	smov.u32 s25  }
0x282: {  	v5 =	vld [tilespmem:s23+$0xE130]  }
0x283: {  	v6 =	vld [tilespmem:s23+$0x1920]  }
0x284: {  	v7 =	vld [tilespmem:s23+$0x1930];
	v3 =	vmul.f32 $8.000000000e+00, v3  }
0x285: {  	v4 =	vmul.f32 $8.000000000e+00, v4  }
0x286: {  	v1 =	vadd.f32 v1, v3;
	v2 =	vmul.f32 $8.000000000e+00, v2  }
0x287: {  	v0 =	vadd.f32 v0, v4;
	v3 =	vmul.f32 $8.000000000e+00, v5  }
0x288: {  	[tilespmem:s23+$0xE100] =	vst v1;
	v1 =	vadd.f32 v6, v2  }
0x289: {  	[tilespmem:s23+$0xE110] =	vst v0;
	v0 =	vadd.f32 v7, v3  }
0x28a: {  	[tilespmem:s23+$0xE120] =	vst v1  }
0x28b: {  	s25 =	simm.s32 $0x0;
	s24 =	rddreg [dreg:$0x12];
	[tilespmem:s23+$0xE130] =	vst v0  }
0x28c: {  	[hbm4b:s24+s25] =	stream.linear.scatter [tilespmem:s16], [sflag:$0x4], $0x6400, $0x38;
	[tilespmem:$0x14500] =	vst v63  }
0x28d: {  	_ =	swait.ge [sflag:s21], $0x6400  }
0x28e: {  	[sflag:s21] =	ssyncset.done $0x0  }
0x28f: {  	s24 =	simm.s32 $0xD48;
	[sflag:s21] =	ssyncadd.s32 $0xFFFF9C00  }
0x290: {  	[tilespmem:s16], [sflag:$0x2] =	stream.indirect.gather [hbm4b:s3+s12], $0x80, s24, s12, $0xb8;
	[tilespmem:$0x14500] =	vst v63  }
0x291: {  	s25 =	simm.s32 $0xDB0  }
0x292: {  	[tilespmem:s17], [sflag:$0x2] =	stream.indirect.gather [hbm4b:s3+s14], $0x80, s25, s14, $0xb8;
	[tilespmem:$0x14500] =	vst v63  }
0x293: {  	_ =	swait.ge [sflag:s18], $0x3400  }
0x294: {  	[sflag:s18] =	ssyncset.done $0x0  }
0x295: {  	[sflag:s18] =	ssyncadd.s32 $0xFFFFCC00  }
0x296: {  	_ =	swait.ge [sflag:s18], $0x3000  }
0x297: {  	[sflag:s18] =	ssyncset.done $0x0  }
0x298: {  	s23 =	simm.s32 $0x0;
	[sflag:s18] =	ssyncadd.s32 $0xFFFFD000  }
0x299: {  	v1 =	vld [tilespmem:s23+$0x1900]  }
0x29a: {  	v0 =	vld [tilespmem:s23+$0x1910]  }
0x29b: {  	v3 =	vld [tilespmem:s23+$0x7D00]  }
0x29c: {  	v4 =	vld [tilespmem:s23+$0x7D10]  }
0x29d: {  	s24 =	simm.s32 $0x200;
	v2 =	vld [tilespmem:s23+$0x7D20]  }
.LBB2_34:
0x29e: {  	p0 =	sne.s32 s24, $0x18E00;
	v5 =	vld [tilespmem:s23+$0x7D30]  }
0x29f: {  	v6 =	vld [tilespmem:s23+$0x1920]  }
0x2a0: {  	v3 =	vmul.f32 $8.000000000e+00, v3;
	v7 =	vld [tilespmem:s23+$0x1930]  }
0x2a1: {  	v4 =	vmul.f32 $8.000000000e+00, v4  }
0x2a2: {  	s25 =	sshra.s32 s24, $0x2;
	v3 =	vadd.f32 v1, v3;
	v2 =	vmul.f32 $8.000000000e+00, v2  }
.Ltmp16:
0x2a3: {  	v1 =	vld [tilespmem:s25+$0x1900];
	v4 =	vadd.f32 v0, v4;
	v5 =	vmul.f32 $8.000000000e+00, v5;
	(pc) =	sbr.rel @p0 .LBB2_34-.Ltmp16, $4  }
0x2a4: {  	v0 =	vld [tilespmem:s25+$0x1910];
	[tilespmem:s23+$0x7D00] =	vst v3;
	v2 =	vadd.f32 v6, v2  }
0x2a5: {  	v3 =	vld [tilespmem:s25+$0x7D00];
	[tilespmem:s23+$0x7D10] =	vst v4;
	v5 =	vadd.f32 v7, v5  }
0x2a6: {  	v4 =	vld [tilespmem:s25+$0x7D10];
	[tilespmem:s23+$0x7D20] =	vst v2  }
0x2a7: {  	s24 =	sadd.s32 $0x200, s24;
	v2 =	vld [tilespmem:s25+$0x7D20];
	[tilespmem:s23+$0x7D30] =	vst v5;
	s23 =	smov.u32 s25  }
0x2a8: {  	v5 =	vld [tilespmem:s23+$0x7D30]  }
0x2a9: {  	v6 =	vld [tilespmem:s23+$0x1920]  }
0x2aa: {  	v7 =	vld [tilespmem:s23+$0x1930];
	v3 =	vmul.f32 $8.000000000e+00, v3  }
0x2ab: {  	v4 =	vmul.f32 $8.000000000e+00, v4  }
0x2ac: {  	v1 =	vadd.f32 v1, v3;
	v2 =	vmul.f32 $8.000000000e+00, v2  }
0x2ad: {  	v0 =	vadd.f32 v0, v4;
	v3 =	vmul.f32 $8.000000000e+00, v5  }
0x2ae: {  	[tilespmem:s23+$0x7D00] =	vst v1;
	v1 =	vadd.f32 v6, v2  }
0x2af: {  	[tilespmem:s23+$0x7D10] =	vst v0;
	v0 =	vadd.f32 v7, v3  }
0x2b0: {  	[tilespmem:s23+$0x7D20] =	vst v1  }
0x2b1: {  	s25 =	simm.s32 $0x0;
	s24 =	rddreg [dreg:$0x13];
	[tilespmem:s23+$0x7D30] =	vst v0  }
0x2b2: {  	[hbm4b:s24+s25] =	stream.linear.scatter [tilespmem:s13], [sflag:$0x3], $0x6400, $0x38;
	[tilespmem:$0x14500] =	vst v63  }
0x2b3: {  	_ =	swait.ge [sflag:s19], $0x6400  }
0x2b4: {  	[sflag:s19] =	ssyncset.done $0x0  }
0x2b5: {  	s24 =	simm.s32 $0xE10;
	[sflag:s19] =	ssyncadd.s32 $0xFFFF9C00  }
0x2b6: {  	[tilespmem:s13], [sflag:$0x1] =	stream.indirect.gather [hbm4b:s3+s12], $0x80, s24, s12, $0xb8;
	[tilespmem:$0x14500] =	vst v63  }
0x2b7: {  	s25 =	simm.s32 $0xE78  }
0x2b8: {  	[tilespmem:s15], [sflag:$0x1] =	stream.indirect.gather [hbm4b:s3+s14], $0x80, s25, s14, $0xb8;
	[tilespmem:$0x14500] =	vst v63  }
0x2b9: {  	_ =	swait.ge [sflag:s20], $0x3400  }
0x2ba: {  	[sflag:s20] =	ssyncset.done $0x0  }
0x2bb: {  	[sflag:s20] =	ssyncadd.s32 $0xFFFFCC00  }
0x2bc: {  	_ =	swait.ge [sflag:s20], $0x3000  }
0x2bd: {  	[sflag:s20] =	ssyncset.done $0x0  }
0x2be: {  	s23 =	simm.s32 $0x0;
	[sflag:s20] =	ssyncadd.s32 $0xFFFFD000  }
0x2bf: {  	v1 =	vld [tilespmem:s23+$0x1900]  }
0x2c0: {  	v0 =	vld [tilespmem:s23+$0x1910]  }
0x2c1: {  	v3 =	vld [tilespmem:s23+$0xE100]  }
0x2c2: {  	v4 =	vld [tilespmem:s23+$0xE110]  }
0x2c3: {  	s24 =	simm.s32 $0x200;
	v2 =	vld [tilespmem:s23+$0xE120]  }
.LBB2_36:
0x2c4: {  	p0 =	sne.s32 s24, $0x18E00;
	v5 =	vld [tilespmem:s23+$0xE130]  }
0x2c5: {  	v6 =	vld [tilespmem:s23+$0x1920]  }
0x2c6: {  	v3 =	vmul.f32 $8.000000000e+00, v3;
	v7 =	vld [tilespmem:s23+$0x1930]  }
0x2c7: {  	v4 =	vmul.f32 $8.000000000e+00, v4  }
0x2c8: {  	s25 =	sshra.s32 s24, $0x2;
	v3 =	vadd.f32 v1, v3;
	v2 =	vmul.f32 $8.000000000e+00, v2  }
.Ltmp17:
0x2c9: {  	v1 =	vld [tilespmem:s25+$0x1900];
	v4 =	vadd.f32 v0, v4;
	v5 =	vmul.f32 $8.000000000e+00, v5;
	(pc) =	sbr.rel @p0 .LBB2_36-.Ltmp17, $4  }
0x2ca: {  	v0 =	vld [tilespmem:s25+$0x1910];
	[tilespmem:s23+$0xE100] =	vst v3;
	v2 =	vadd.f32 v6, v2  }
0x2cb: {  	v3 =	vld [tilespmem:s25+$0xE100];
	[tilespmem:s23+$0xE110] =	vst v4;
	v5 =	vadd.f32 v7, v5  }
0x2cc: {  	v4 =	vld [tilespmem:s25+$0xE110];
	[tilespmem:s23+$0xE120] =	vst v2  }
0x2cd: {  	s24 =	sadd.s32 $0x200, s24;
	v2 =	vld [tilespmem:s25+$0xE120];
	[tilespmem:s23+$0xE130] =	vst v5;
	s23 =	smov.u32 s25  }
0x2ce: {  	v5 =	vld [tilespmem:s23+$0xE130]  }
0x2cf: {  	v6 =	vld [tilespmem:s23+$0x1920]  }
0x2d0: {  	v7 =	vld [tilespmem:s23+$0x1930];
	v3 =	vmul.f32 $8.000000000e+00, v3  }
0x2d1: {  	v4 =	vmul.f32 $8.000000000e+00, v4  }
0x2d2: {  	v1 =	vadd.f32 v1, v3;
	v2 =	vmul.f32 $8.000000000e+00, v2  }
0x2d3: {  	v0 =	vadd.f32 v0, v4;
	v3 =	vmul.f32 $8.000000000e+00, v5  }
0x2d4: {  	[tilespmem:s23+$0xE100] =	vst v1;
	v1 =	vadd.f32 v6, v2  }
0x2d5: {  	[tilespmem:s23+$0xE110] =	vst v0;
	v0 =	vadd.f32 v7, v3  }
0x2d6: {  	[tilespmem:s23+$0xE120] =	vst v1  }
0x2d7: {  	s25 =	simm.s32 $0x0;
	s24 =	rddreg [dreg:$0x14];
	[tilespmem:s23+$0xE130] =	vst v0  }
0x2d8: {  	[hbm4b:s24+s25] =	stream.linear.scatter [tilespmem:s16], [sflag:$0x4], $0x6400, $0x38;
	[tilespmem:$0x14500] =	vst v63  }
0x2d9: {  	_ =	swait.ge [sflag:s21], $0x6400  }
0x2da: {  	[sflag:s21] =	ssyncset.done $0x0  }
0x2db: {  	s24 =	simm.s32 $0xED8;
	[sflag:s21] =	ssyncadd.s32 $0xFFFF9C00  }
0x2dc: {  	[tilespmem:s16], [sflag:$0x2] =	stream.indirect.gather [hbm4b:s3+s12], $0x80, s24, s12, $0xb8;
	[tilespmem:$0x14500] =	vst v63  }
0x2dd: {  	s25 =	simm.s32 $0xF40  }
0x2de: {  	[tilespmem:s17], [sflag:$0x2] =	stream.indirect.gather [hbm4b:s3+s14], $0x80, s25, s14, $0xb8;
	[tilespmem:$0x14500] =	vst v63  }
0x2df: {  	_ =	swait.ge [sflag:s18], $0x3400  }
0x2e0: {  	[sflag:s18] =	ssyncset.done $0x0  }
0x2e1: {  	[sflag:s18] =	ssyncadd.s32 $0xFFFFCC00  }
0x2e2: {  	_ =	swait.ge [sflag:s18], $0x3000  }
0x2e3: {  	[sflag:s18] =	ssyncset.done $0x0  }
0x2e4: {  	s23 =	simm.s32 $0x0;
	[sflag:s18] =	ssyncadd.s32 $0xFFFFD000  }
0x2e5: {  	v1 =	vld [tilespmem:s23+$0x1900]  }
0x2e6: {  	v0 =	vld [tilespmem:s23+$0x1910]  }
0x2e7: {  	v3 =	vld [tilespmem:s23+$0x7D00]  }
0x2e8: {  	v4 =	vld [tilespmem:s23+$0x7D10]  }
0x2e9: {  	s24 =	simm.s32 $0x200;
	v2 =	vld [tilespmem:s23+$0x7D20]  }
.LBB2_38:
0x2ea: {  	p0 =	sne.s32 s24, $0x18E00;
	v5 =	vld [tilespmem:s23+$0x7D30]  }
0x2eb: {  	v6 =	vld [tilespmem:s23+$0x1920]  }
0x2ec: {  	v3 =	vmul.f32 $8.000000000e+00, v3;
	v7 =	vld [tilespmem:s23+$0x1930]  }
0x2ed: {  	v4 =	vmul.f32 $8.000000000e+00, v4  }
0x2ee: {  	s25 =	sshra.s32 s24, $0x2;
	v3 =	vadd.f32 v1, v3;
	v2 =	vmul.f32 $8.000000000e+00, v2  }
.Ltmp18:
0x2ef: {  	v1 =	vld [tilespmem:s25+$0x1900];
	v4 =	vadd.f32 v0, v4;
	v5 =	vmul.f32 $8.000000000e+00, v5;
	(pc) =	sbr.rel @p0 .LBB2_38-.Ltmp18, $4  }
0x2f0: {  	v0 =	vld [tilespmem:s25+$0x1910];
	[tilespmem:s23+$0x7D00] =	vst v3;
	v2 =	vadd.f32 v6, v2  }
0x2f1: {  	v3 =	vld [tilespmem:s25+$0x7D00];
	[tilespmem:s23+$0x7D10] =	vst v4;
	v5 =	vadd.f32 v7, v5  }
0x2f2: {  	v4 =	vld [tilespmem:s25+$0x7D10];
	[tilespmem:s23+$0x7D20] =	vst v2  }
0x2f3: {  	s24 =	sadd.s32 $0x200, s24;
	v2 =	vld [tilespmem:s25+$0x7D20];
	[tilespmem:s23+$0x7D30] =	vst v5;
	s23 =	smov.u32 s25  }
0x2f4: {  	v5 =	vld [tilespmem:s23+$0x7D30]  }
0x2f5: {  	v6 =	vld [tilespmem:s23+$0x1920]  }
0x2f6: {  	v7 =	vld [tilespmem:s23+$0x1930];
	v3 =	vmul.f32 $8.000000000e+00, v3  }
0x2f7: {  	v4 =	vmul.f32 $8.000000000e+00, v4  }
0x2f8: {  	v1 =	vadd.f32 v1, v3;
	v2 =	vmul.f32 $8.000000000e+00, v2  }
0x2f9: {  	v0 =	vadd.f32 v0, v4;
	v3 =	vmul.f32 $8.000000000e+00, v5  }
0x2fa: {  	[tilespmem:s23+$0x7D00] =	vst v1;
	v1 =	vadd.f32 v6, v2  }
0x2fb: {  	[tilespmem:s23+$0x7D10] =	vst v0;
	v0 =	vadd.f32 v7, v3  }
0x2fc: {  	[tilespmem:s23+$0x7D20] =	vst v1  }
0x2fd: {  	s25 =	simm.s32 $0x0;
	s24 =	rddreg [dreg:$0x15];
	[tilespmem:s23+$0x7D30] =	vst v0  }
0x2fe: {  	[hbm4b:s24+s25] =	stream.linear.scatter [tilespmem:s13], [sflag:$0x3], $0x6400, $0x38;
	[tilespmem:$0x14500] =	vst v63  }
0x2ff: {  	_ =	swait.ge [sflag:s19], $0x6400  }
0x300: {  	[sflag:s19] =	ssyncset.done $0x0  }
0x301: {  	s24 =	simm.s32 $0xFA0;
	[sflag:s19] =	ssyncadd.s32 $0xFFFF9C00  }
0x302: {  	[tilespmem:s13], [sflag:$0x1] =	stream.indirect.gather [hbm4b:s3+s12], $0x80, s24, s12, $0xb8;
	[tilespmem:$0x14500] =	vst v63  }
0x303: {  	s25 =	simm.s32 $0x1008  }
0x304: {  	[tilespmem:s15], [sflag:$0x1] =	stream.indirect.gather [hbm4b:s3+s14], $0x80, s25, s14, $0xb8;
	[tilespmem:$0x14500] =	vst v63  }
0x305: {  	_ =	swait.ge [sflag:s20], $0x3400  }
0x306: {  	[sflag:s20] =	ssyncset.done $0x0  }
0x307: {  	[sflag:s20] =	ssyncadd.s32 $0xFFFFCC00  }
0x308: {  	_ =	swait.ge [sflag:s20], $0x3000  }
0x309: {  	[sflag:s20] =	ssyncset.done $0x0  }
0x30a: {  	s23 =	simm.s32 $0x0;
	[sflag:s20] =	ssyncadd.s32 $0xFFFFD000  }
0x30b: {  	v1 =	vld [tilespmem:s23+$0x1900]  }
0x30c: {  	v0 =	vld [tilespmem:s23+$0x1910]  }
0x30d: {  	v3 =	vld [tilespmem:s23+$0xE100]  }
0x30e: {  	v4 =	vld [tilespmem:s23+$0xE110]  }
0x30f: {  	s24 =	simm.s32 $0x200;
	v2 =	vld [tilespmem:s23+$0xE120]  }
.LBB2_40:
0x310: {  	p0 =	sne.s32 s24, $0x18E00;
	v5 =	vld [tilespmem:s23+$0xE130]  }
0x311: {  	v6 =	vld [tilespmem:s23+$0x1920]  }
0x312: {  	v3 =	vmul.f32 $8.000000000e+00, v3;
	v7 =	vld [tilespmem:s23+$0x1930]  }
0x313: {  	v4 =	vmul.f32 $8.000000000e+00, v4  }
0x314: {  	s25 =	sshra.s32 s24, $0x2;
	v3 =	vadd.f32 v1, v3;
	v2 =	vmul.f32 $8.000000000e+00, v2  }
.Ltmp19:
0x315: {  	v1 =	vld [tilespmem:s25+$0x1900];
	v4 =	vadd.f32 v0, v4;
	v5 =	vmul.f32 $8.000000000e+00, v5;
	(pc) =	sbr.rel @p0 .LBB2_40-.Ltmp19, $4  }
0x316: {  	v0 =	vld [tilespmem:s25+$0x1910];
	[tilespmem:s23+$0xE100] =	vst v3;
	v2 =	vadd.f32 v6, v2  }
0x317: {  	v3 =	vld [tilespmem:s25+$0xE100];
	[tilespmem:s23+$0xE110] =	vst v4;
	v5 =	vadd.f32 v7, v5  }
0x318: {  	v4 =	vld [tilespmem:s25+$0xE110];
	[tilespmem:s23+$0xE120] =	vst v2  }
0x319: {  	s24 =	sadd.s32 $0x200, s24;
	v2 =	vld [tilespmem:s25+$0xE120];
	[tilespmem:s23+$0xE130] =	vst v5;
	s23 =	smov.u32 s25  }
0x31a: {  	v5 =	vld [tilespmem:s23+$0xE130]  }
0x31b: {  	v6 =	vld [tilespmem:s23+$0x1920]  }
0x31c: {  	v7 =	vld [tilespmem:s23+$0x1930];
	v3 =	vmul.f32 $8.000000000e+00, v3  }
0x31d: {  	v4 =	vmul.f32 $8.000000000e+00, v4  }
0x31e: {  	v1 =	vadd.f32 v1, v3;
	v2 =	vmul.f32 $8.000000000e+00, v2  }
0x31f: {  	v0 =	vadd.f32 v0, v4;
	v3 =	vmul.f32 $8.000000000e+00, v5  }
0x320: {  	[tilespmem:s23+$0xE100] =	vst v1;
	v1 =	vadd.f32 v6, v2  }
0x321: {  	[tilespmem:s23+$0xE110] =	vst v0;
	v0 =	vadd.f32 v7, v3  }
0x322: {  	[tilespmem:s23+$0xE120] =	vst v1  }
0x323: {  	s25 =	simm.s32 $0x0;
	s24 =	rddreg [dreg:$0x16];
	[tilespmem:s23+$0xE130] =	vst v0  }
0x324: {  	[hbm4b:s24+s25] =	stream.linear.scatter [tilespmem:s16], [sflag:$0x4], $0x6400, $0x38;
	[tilespmem:$0x14500] =	vst v63  }
0x325: {  	_ =	swait.ge [sflag:s21], $0x6400  }
0x326: {  	[sflag:s21] =	ssyncset.done $0x0  }
0x327: {  	s24 =	simm.s32 $0x1068;
	[sflag:s21] =	ssyncadd.s32 $0xFFFF9C00  }
0x328: {  	[tilespmem:s16], [sflag:$0x2] =	stream.indirect.gather [hbm4b:s3+s12], $0x80, s24, s12, $0xb8;
	[tilespmem:$0x14500] =	vst v63  }
0x329: {  	s25 =	simm.s32 $0x10D0  }
0x32a: {  	[tilespmem:s17], [sflag:$0x2] =	stream.indirect.gather [hbm4b:s3+s14], $0x80, s25, s14, $0xb8;
	[tilespmem:$0x14500] =	vst v63  }
0x32b: {  	_ =	swait.ge [sflag:s18], $0x3400  }
0x32c: {  	[sflag:s18] =	ssyncset.done $0x0  }
0x32d: {  	[sflag:s18] =	ssyncadd.s32 $0xFFFFCC00  }
0x32e: {  	_ =	swait.ge [sflag:s18], $0x3000  }
0x32f: {  	[sflag:s18] =	ssyncset.done $0x0  }
0x330: {  	s23 =	simm.s32 $0x0;
	[sflag:s18] =	ssyncadd.s32 $0xFFFFD000  }
0x331: {  	v1 =	vld [tilespmem:s23+$0x1900]  }
0x332: {  	v0 =	vld [tilespmem:s23+$0x1910]  }
0x333: {  	v3 =	vld [tilespmem:s23+$0x7D00]  }
0x334: {  	v4 =	vld [tilespmem:s23+$0x7D10]  }
0x335: {  	s24 =	simm.s32 $0x200;
	v2 =	vld [tilespmem:s23+$0x7D20]  }
.LBB2_42:
0x336: {  	p0 =	sne.s32 s24, $0x18E00;
	v5 =	vld [tilespmem:s23+$0x7D30]  }
0x337: {  	v6 =	vld [tilespmem:s23+$0x1920]  }
0x338: {  	v3 =	vmul.f32 $8.000000000e+00, v3;
	v7 =	vld [tilespmem:s23+$0x1930]  }
0x339: {  	v4 =	vmul.f32 $8.000000000e+00, v4  }
0x33a: {  	s25 =	sshra.s32 s24, $0x2;
	v3 =	vadd.f32 v1, v3;
	v2 =	vmul.f32 $8.000000000e+00, v2  }
.Ltmp20:
0x33b: {  	v1 =	vld [tilespmem:s25+$0x1900];
	v4 =	vadd.f32 v0, v4;
	v5 =	vmul.f32 $8.000000000e+00, v5;
	(pc) =	sbr.rel @p0 .LBB2_42-.Ltmp20, $4  }
0x33c: {  	v0 =	vld [tilespmem:s25+$0x1910];
	[tilespmem:s23+$0x7D00] =	vst v3;
	v2 =	vadd.f32 v6, v2  }
0x33d: {  	v3 =	vld [tilespmem:s25+$0x7D00];
	[tilespmem:s23+$0x7D10] =	vst v4;
	v5 =	vadd.f32 v7, v5  }
0x33e: {  	v4 =	vld [tilespmem:s25+$0x7D10];
	[tilespmem:s23+$0x7D20] =	vst v2  }
0x33f: {  	s24 =	sadd.s32 $0x200, s24;
	v2 =	vld [tilespmem:s25+$0x7D20];
	[tilespmem:s23+$0x7D30] =	vst v5;
	s23 =	smov.u32 s25  }
0x340: {  	v5 =	vld [tilespmem:s23+$0x7D30]  }
0x341: {  	v6 =	vld [tilespmem:s23+$0x1920]  }
0x342: {  	v7 =	vld [tilespmem:s23+$0x1930];
	v3 =	vmul.f32 $8.000000000e+00, v3  }
0x343: {  	v4 =	vmul.f32 $8.000000000e+00, v4  }
0x344: {  	v1 =	vadd.f32 v1, v3;
	v2 =	vmul.f32 $8.000000000e+00, v2  }
0x345: {  	v0 =	vadd.f32 v0, v4;
	v3 =	vmul.f32 $8.000000000e+00, v5  }
0x346: {  	[tilespmem:s23+$0x7D00] =	vst v1;
	v1 =	vadd.f32 v6, v2  }
0x347: {  	[tilespmem:s23+$0x7D10] =	vst v0;
	v0 =	vadd.f32 v7, v3  }
0x348: {  	[tilespmem:s23+$0x7D20] =	vst v1  }
0x349: {  	s25 =	simm.s32 $0x0;
	s24 =	rddreg [dreg:$0x17];
	[tilespmem:s23+$0x7D30] =	vst v0  }
0x34a: {  	[hbm4b:s24+s25] =	stream.linear.scatter [tilespmem:s13], [sflag:$0x3], $0x6400, $0x38;
	[tilespmem:$0x14500] =	vst v63  }
0x34b: {  	_ =	swait.ge [sflag:s19], $0x6400  }
0x34c: {  	[sflag:s19] =	ssyncset.done $0x0  }
0x34d: {  	s24 =	simm.s32 $0x1130;
	[sflag:s19] =	ssyncadd.s32 $0xFFFF9C00  }
0x34e: {  	[tilespmem:s13], [sflag:$0x1] =	stream.indirect.gather [hbm4b:s3+s12], $0x80, s24, s12, $0xb8;
	[tilespmem:$0x14500] =	vst v63  }
0x34f: {  	s25 =	simm.s32 $0x1198  }
0x350: {  	[tilespmem:s15], [sflag:$0x1] =	stream.indirect.gather [hbm4b:s3+s14], $0x80, s25, s14, $0xb8;
	[tilespmem:$0x14500] =	vst v63  }
0x351: {  	_ =	swait.ge [sflag:s20], $0x3400  }
0x352: {  	[sflag:s20] =	ssyncset.done $0x0  }
0x353: {  	[sflag:s20] =	ssyncadd.s32 $0xFFFFCC00  }
0x354: {  	_ =	swait.ge [sflag:s20], $0x3000  }
0x355: {  	[sflag:s20] =	ssyncset.done $0x0  }
0x356: {  	s23 =	simm.s32 $0x0;
	[sflag:s20] =	ssyncadd.s32 $0xFFFFD000  }
0x357: {  	v1 =	vld [tilespmem:s23+$0x1900]  }
0x358: {  	v0 =	vld [tilespmem:s23+$0x1910]  }
0x359: {  	v3 =	vld [tilespmem:s23+$0xE100]  }
0x35a: {  	v4 =	vld [tilespmem:s23+$0xE110]  }
0x35b: {  	s24 =	simm.s32 $0x200;
	v2 =	vld [tilespmem:s23+$0xE120]  }
.LBB2_44:
0x35c: {  	p0 =	sne.s32 s24, $0x18E00;
	v5 =	vld [tilespmem:s23+$0xE130]  }
0x35d: {  	v6 =	vld [tilespmem:s23+$0x1920]  }
0x35e: {  	v3 =	vmul.f32 $8.000000000e+00, v3;
	v7 =	vld [tilespmem:s23+$0x1930]  }
0x35f: {  	v4 =	vmul.f32 $8.000000000e+00, v4  }
0x360: {  	s25 =	sshra.s32 s24, $0x2;
	v3 =	vadd.f32 v1, v3;
	v2 =	vmul.f32 $8.000000000e+00, v2  }
.Ltmp21:
0x361: {  	v1 =	vld [tilespmem:s25+$0x1900];
	v4 =	vadd.f32 v0, v4;
	v5 =	vmul.f32 $8.000000000e+00, v5;
	(pc) =	sbr.rel @p0 .LBB2_44-.Ltmp21, $4  }
0x362: {  	v0 =	vld [tilespmem:s25+$0x1910];
	[tilespmem:s23+$0xE100] =	vst v3;
	v2 =	vadd.f32 v6, v2  }
0x363: {  	v3 =	vld [tilespmem:s25+$0xE100];
	[tilespmem:s23+$0xE110] =	vst v4;
	v5 =	vadd.f32 v7, v5  }
0x364: {  	v4 =	vld [tilespmem:s25+$0xE110];
	[tilespmem:s23+$0xE120] =	vst v2  }
0x365: {  	s24 =	sadd.s32 $0x200, s24;
	v2 =	vld [tilespmem:s25+$0xE120];
	[tilespmem:s23+$0xE130] =	vst v5;
	s23 =	smov.u32 s25  }
0x366: {  	v5 =	vld [tilespmem:s23+$0xE130]  }
0x367: {  	v6 =	vld [tilespmem:s23+$0x1920]  }
0x368: {  	v7 =	vld [tilespmem:s23+$0x1930];
	v3 =	vmul.f32 $8.000000000e+00, v3  }
0x369: {  	v4 =	vmul.f32 $8.000000000e+00, v4  }
0x36a: {  	v1 =	vadd.f32 v1, v3;
	v2 =	vmul.f32 $8.000000000e+00, v2  }
0x36b: {  	v0 =	vadd.f32 v0, v4;
	v3 =	vmul.f32 $8.000000000e+00, v5  }
0x36c: {  	[tilespmem:s23+$0xE100] =	vst v1;
	v1 =	vadd.f32 v6, v2  }
0x36d: {  	[tilespmem:s23+$0xE110] =	vst v0;
	v0 =	vadd.f32 v7, v3  }
0x36e: {  	[tilespmem:s23+$0xE120] =	vst v1  }
0x36f: {  	s25 =	simm.s32 $0x0;
	[tilespmem:s23+$0xE130] =	vst v0  }
0x370: {  	[hbm4b:s26+s25] =	stream.linear.scatter [tilespmem:s16], [sflag:$0x4], $0x6400, $0x38;
	[tilespmem:$0x14500] =	vst v63  }
0x371: {  	_ =	swait.ge [sflag:s21], $0x6400  }
0x372: {  	[sflag:s21] =	ssyncset.done $0x0  }
0x373: {  	s24 =	simm.s32 $0x11F8;
	[sflag:s21] =	ssyncadd.s32 $0xFFFF9C00  }
0x374: {  	[tilespmem:s16], [sflag:$0x2] =	stream.indirect.gather [hbm4b:s3+s12], $0x80, s24, s12, $0xb8;
	[tilespmem:$0x14500] =	vst v63  }
0x375: {  	s25 =	simm.s32 $0x1260  }
0x376: {  	[tilespmem:s17], [sflag:$0x2] =	stream.indirect.gather [hbm4b:s3+s14], $0x80, s25, s14, $0xb8;
	[tilespmem:$0x14500] =	vst v63  }
0x377: {  	_ =	swait.ge [sflag:s18], $0x3400  }
0x378: {  	[sflag:s18] =	ssyncset.done $0x0  }
0x379: {  	[sflag:s18] =	ssyncadd.s32 $0xFFFFCC00  }
0x37a: {  	_ =	swait.ge [sflag:s18], $0x3000  }
0x37b: {  	[sflag:s18] =	ssyncset.done $0x0  }
0x37c: {  	s23 =	simm.s32 $0x0;
	[sflag:s18] =	ssyncadd.s32 $0xFFFFD000  }
0x37d: {  	v1 =	vld [tilespmem:s23+$0x1900]  }
0x37e: {  	v0 =	vld [tilespmem:s23+$0x1910]  }
0x37f: {  	v3 =	vld [tilespmem:s23+$0x7D00]  }
0x380: {  	v4 =	vld [tilespmem:s23+$0x7D10]  }
0x381: {  	s24 =	simm.s32 $0x200;
	v2 =	vld [tilespmem:s23+$0x7D20]  }
.LBB2_46:
0x382: {  	p0 =	sne.s32 s24, $0x18E00;
	v5 =	vld [tilespmem:s23+$0x7D30]  }
0x383: {  	v6 =	vld [tilespmem:s23+$0x1920]  }
0x384: {  	v3 =	vmul.f32 $8.000000000e+00, v3;
	v7 =	vld [tilespmem:s23+$0x1930]  }
0x385: {  	v4 =	vmul.f32 $8.000000000e+00, v4  }
0x386: {  	s25 =	sshra.s32 s24, $0x2;
	v3 =	vadd.f32 v1, v3;
	v2 =	vmul.f32 $8.000000000e+00, v2  }
.Ltmp22:
0x387: {  	v1 =	vld [tilespmem:s25+$0x1900];
	v4 =	vadd.f32 v0, v4;
	v5 =	vmul.f32 $8.000000000e+00, v5;
	(pc) =	sbr.rel @p0 .LBB2_46-.Ltmp22, $4  }
0x388: {  	v0 =	vld [tilespmem:s25+$0x1910];
	[tilespmem:s23+$0x7D00] =	vst v3;
	v2 =	vadd.f32 v6, v2  }
0x389: {  	v3 =	vld [tilespmem:s25+$0x7D00];
	[tilespmem:s23+$0x7D10] =	vst v4;
	v5 =	vadd.f32 v7, v5  }
0x38a: {  	v4 =	vld [tilespmem:s25+$0x7D10];
	[tilespmem:s23+$0x7D20] =	vst v2  }
0x38b: {  	s24 =	sadd.s32 $0x200, s24;
	v2 =	vld [tilespmem:s25+$0x7D20];
	[tilespmem:s23+$0x7D30] =	vst v5;
	s23 =	smov.u32 s25  }
0x38c: {  	v5 =	vld [tilespmem:s23+$0x7D30]  }
0x38d: {  	v6 =	vld [tilespmem:s23+$0x1920]  }
0x38e: {  	v7 =	vld [tilespmem:s23+$0x1930];
	v3 =	vmul.f32 $8.000000000e+00, v3  }
0x38f: {  	v4 =	vmul.f32 $8.000000000e+00, v4  }
0x390: {  	v1 =	vadd.f32 v1, v3;
	v2 =	vmul.f32 $8.000000000e+00, v2  }
0x391: {  	v0 =	vadd.f32 v0, v4;
	v3 =	vmul.f32 $8.000000000e+00, v5  }
0x392: {  	[tilespmem:s23+$0x7D00] =	vst v1;
	v1 =	vadd.f32 v6, v2  }
0x393: {  	[tilespmem:s23+$0x7D10] =	vst v0;
	v0 =	vadd.f32 v7, v3  }
0x394: {  	[tilespmem:s23+$0x7D20] =	vst v1  }
0x395: {  	s25 =	simm.s32 $0x0;
	[tilespmem:s23+$0x7D30] =	vst v0  }
0x396: {  	[hbm4b:s28+s25] =	stream.linear.scatter [tilespmem:s13], [sflag:$0x3], $0x6400, $0x38;
	[tilespmem:$0x14500] =	vst v63  }
0x397: {  	_ =	swait.ge [sflag:s19], $0x6400  }
0x398: {  	[sflag:s19] =	ssyncset.done $0x0  }
0x399: {  	s24 =	simm.s32 $0x12C0;
	[sflag:s19] =	ssyncadd.s32 $0xFFFF9C00  }
0x39a: {  	[tilespmem:s13], [sflag:$0x1] =	stream.indirect.gather [hbm4b:s3+s12], $0x80, s24, s12, $0xb8;
	[tilespmem:$0x14500] =	vst v63  }
0x39b: {  	s25 =	simm.s32 $0x1328  }
0x39c: {  	[tilespmem:s15], [sflag:$0x1] =	stream.indirect.gather [hbm4b:s3+s14], $0x80, s25, s14, $0xb8;
	[tilespmem:$0x14500] =	vst v63  }
0x39d: {  	_ =	swait.ge [sflag:s20], $0x3400  }
0x39e: {  	[sflag:s20] =	ssyncset.done $0x0  }
0x39f: {  	[sflag:s20] =	ssyncadd.s32 $0xFFFFCC00  }
0x3a0: {  	_ =	swait.ge [sflag:s20], $0x3000  }
0x3a1: {  	[sflag:s20] =	ssyncset.done $0x0  }
0x3a2: {  	s23 =	simm.s32 $0x0;
	[sflag:s20] =	ssyncadd.s32 $0xFFFFD000  }
0x3a3: {  	v1 =	vld [tilespmem:s23+$0x1900]  }
0x3a4: {  	v0 =	vld [tilespmem:s23+$0x1910]  }
0x3a5: {  	v3 =	vld [tilespmem:s23+$0xE100]  }
0x3a6: {  	v4 =	vld [tilespmem:s23+$0xE110]  }
0x3a7: {  	s24 =	simm.s32 $0x200;
	v2 =	vld [tilespmem:s23+$0xE120]  }
.LBB2_48:
0x3a8: {  	p0 =	sne.s32 s24, $0x18E00;
	v5 =	vld [tilespmem:s23+$0xE130]  }
0x3a9: {  	v6 =	vld [tilespmem:s23+$0x1920]  }
0x3aa: {  	v3 =	vmul.f32 $8.000000000e+00, v3;
	v7 =	vld [tilespmem:s23+$0x1930]  }
0x3ab: {  	v4 =	vmul.f32 $8.000000000e+00, v4  }
0x3ac: {  	s25 =	sshra.s32 s24, $0x2;
	v3 =	vadd.f32 v1, v3;
	v2 =	vmul.f32 $8.000000000e+00, v2  }
.Ltmp23:
0x3ad: {  	v1 =	vld [tilespmem:s25+$0x1900];
	v4 =	vadd.f32 v0, v4;
	v5 =	vmul.f32 $8.000000000e+00, v5;
	(pc) =	sbr.rel @p0 .LBB2_48-.Ltmp23, $4  }
0x3ae: {  	v0 =	vld [tilespmem:s25+$0x1910];
	[tilespmem:s23+$0xE100] =	vst v3;
	v2 =	vadd.f32 v6, v2  }
0x3af: {  	v3 =	vld [tilespmem:s25+$0xE100];
	[tilespmem:s23+$0xE110] =	vst v4;
	v5 =	vadd.f32 v7, v5  }
0x3b0: {  	v4 =	vld [tilespmem:s25+$0xE110];
	[tilespmem:s23+$0xE120] =	vst v2  }
0x3b1: {  	s24 =	sadd.s32 $0x200, s24;
	v2 =	vld [tilespmem:s25+$0xE120];
	[tilespmem:s23+$0xE130] =	vst v5;
	s23 =	smov.u32 s25  }
0x3b2: {  	v5 =	vld [tilespmem:s23+$0xE130]  }
0x3b3: {  	v6 =	vld [tilespmem:s23+$0x1920]  }
0x3b4: {  	v7 =	vld [tilespmem:s23+$0x1930];
	v3 =	vmul.f32 $8.000000000e+00, v3  }
0x3b5: {  	v4 =	vmul.f32 $8.000000000e+00, v4  }
0x3b6: {  	v1 =	vadd.f32 v1, v3;
	v2 =	vmul.f32 $8.000000000e+00, v2  }
0x3b7: {  	v0 =	vadd.f32 v0, v4;
	v3 =	vmul.f32 $8.000000000e+00, v5  }
0x3b8: {  	[tilespmem:s23+$0xE100] =	vst v1;
	v1 =	vadd.f32 v6, v2  }
0x3b9: {  	[tilespmem:s23+$0xE110] =	vst v0;
	v0 =	vadd.f32 v7, v3  }
0x3ba: {  	[tilespmem:s23+$0xE120] =	vst v1  }
0x3bb: {  	s25 =	simm.s32 $0x0;
	[tilespmem:s23+$0xE130] =	vst v0  }
0x3bc: {  	[hbm4b:s29+s25] =	stream.linear.scatter [tilespmem:s16], [sflag:$0x4], $0x6400, $0x38;
	[tilespmem:$0x14500] =	vst v63  }
0x3bd: {  	_ =	swait.ge [sflag:s21], $0x6400  }
0x3be: {  	[sflag:s21] =	ssyncset.done $0x0  }
0x3bf: {  	s24 =	simm.s32 $0x1388;
	[sflag:s21] =	ssyncadd.s32 $0xFFFF9C00  }
0x3c0: {  	[tilespmem:s16], [sflag:$0x2] =	stream.indirect.gather [hbm4b:s3+s12], $0x80, s24, s12, $0xb8;
	[tilespmem:$0x14500] =	vst v63  }
0x3c1: {  	s25 =	simm.s32 $0x13F0  }
0x3c2: {  	[tilespmem:s17], [sflag:$0x2] =	stream.indirect.gather [hbm4b:s3+s14], $0x80, s25, s14, $0xb8;
	[tilespmem:$0x14500] =	vst v63  }
0x3c3: {  	_ =	swait.ge [sflag:s18], $0x3400  }
0x3c4: {  	[sflag:s18] =	ssyncset.done $0x0  }
0x3c5: {  	[sflag:s18] =	ssyncadd.s32 $0xFFFFCC00  }
0x3c6: {  	_ =	swait.ge [sflag:s18], $0x3000  }
0x3c7: {  	[sflag:s18] =	ssyncset.done $0x0  }
0x3c8: {  	s23 =	simm.s32 $0x0;
	[sflag:s18] =	ssyncadd.s32 $0xFFFFD000  }
0x3c9: {  	v1 =	vld [tilespmem:s23+$0x1900]  }
0x3ca: {  	v0 =	vld [tilespmem:s23+$0x1910]  }
0x3cb: {  	v3 =	vld [tilespmem:s23+$0x7D00]  }
0x3cc: {  	v4 =	vld [tilespmem:s23+$0x7D10]  }
0x3cd: {  	s24 =	simm.s32 $0x200;
	v2 =	vld [tilespmem:s23+$0x7D20]  }
.LBB2_50:
0x3ce: {  	p0 =	sne.s32 s24, $0x18E00;
	v5 =	vld [tilespmem:s23+$0x7D30]  }
0x3cf: {  	v6 =	vld [tilespmem:s23+$0x1920]  }
0x3d0: {  	v3 =	vmul.f32 $8.000000000e+00, v3;
	v7 =	vld [tilespmem:s23+$0x1930]  }
0x3d1: {  	v4 =	vmul.f32 $8.000000000e+00, v4  }
0x3d2: {  	s25 =	sshra.s32 s24, $0x2;
	v3 =	vadd.f32 v1, v3;
	v2 =	vmul.f32 $8.000000000e+00, v2  }
.Ltmp24:
0x3d3: {  	v1 =	vld [tilespmem:s25+$0x1900];
	v4 =	vadd.f32 v0, v4;
	v5 =	vmul.f32 $8.000000000e+00, v5;
	(pc) =	sbr.rel @p0 .LBB2_50-.Ltmp24, $4  }
0x3d4: {  	v0 =	vld [tilespmem:s25+$0x1910];
	[tilespmem:s23+$0x7D00] =	vst v3;
	v2 =	vadd.f32 v6, v2  }
0x3d5: {  	v3 =	vld [tilespmem:s25+$0x7D00];
	[tilespmem:s23+$0x7D10] =	vst v4;
	v5 =	vadd.f32 v7, v5  }
0x3d6: {  	v4 =	vld [tilespmem:s25+$0x7D10];
	[tilespmem:s23+$0x7D20] =	vst v2  }
0x3d7: {  	s24 =	sadd.s32 $0x200, s24;
	v2 =	vld [tilespmem:s25+$0x7D20];
	[tilespmem:s23+$0x7D30] =	vst v5;
	s23 =	smov.u32 s25  }
0x3d8: {  	v5 =	vld [tilespmem:s23+$0x7D30]  }
0x3d9: {  	v6 =	vld [tilespmem:s23+$0x1920]  }
0x3da: {  	v7 =	vld [tilespmem:s23+$0x1930];
	v3 =	vmul.f32 $8.000000000e+00, v3  }
0x3db: {  	v4 =	vmul.f32 $8.000000000e+00, v4  }
0x3dc: {  	v1 =	vadd.f32 v1, v3;
	v2 =	vmul.f32 $8.000000000e+00, v2  }
0x3dd: {  	v0 =	vadd.f32 v0, v4;
	v3 =	vmul.f32 $8.000000000e+00, v5  }
0x3de: {  	[tilespmem:s23+$0x7D00] =	vst v1;
	v1 =	vadd.f32 v6, v2  }
0x3df: {  	[tilespmem:s23+$0x7D10] =	vst v0;
	v0 =	vadd.f32 v7, v3  }
0x3e0: {  	[tilespmem:s23+$0x7D20] =	vst v1  }
0x3e1: {  	s25 =	simm.s32 $0x0;
	[tilespmem:s23+$0x7D30] =	vst v0  }
0x3e2: {  	[hbm4b:s30+s25] =	stream.linear.scatter [tilespmem:s13], [sflag:$0x3], $0x6400, $0x38;
	[tilespmem:$0x14500] =	vst v63  }
0x3e3: {  	_ =	swait.ge [sflag:s19], $0x6400  }
0x3e4: {  	[sflag:s19] =	ssyncset.done $0x0  }
0x3e5: {  	s24 =	simm.s32 $0x1450;
	[sflag:s19] =	ssyncadd.s32 $0xFFFF9C00  }
0x3e6: {  	[tilespmem:s13], [sflag:$0x1] =	stream.indirect.gather [hbm4b:s3+s12], $0x80, s24, s12, $0xb8;
	[tilespmem:$0x14500] =	vst v63  }
0x3e7: {  	s25 =	simm.s32 $0x14B8  }
0x3e8: {  	[tilespmem:s15], [sflag:$0x1] =	stream.indirect.gather [hbm4b:s3+s14], $0x80, s25, s14, $0xb8;
	[tilespmem:$0x14500] =	vst v63  }
0x3e9: {  	_ =	swait.ge [sflag:s20], $0x3400  }
0x3ea: {  	[sflag:s20] =	ssyncset.done $0x0  }
0x3eb: {  	[sflag:s20] =	ssyncadd.s32 $0xFFFFCC00  }
0x3ec: {  	_ =	swait.ge [sflag:s20], $0x3000  }
0x3ed: {  	[sflag:s20] =	ssyncset.done $0x0  }
0x3ee: {  	s23 =	simm.s32 $0x0;
	[sflag:s20] =	ssyncadd.s32 $0xFFFFD000  }
0x3ef: {  	v1 =	vld [tilespmem:s23+$0x1900]  }
0x3f0: {  	v0 =	vld [tilespmem:s23+$0x1910]  }
0x3f1: {  	v3 =	vld [tilespmem:s23+$0xE100]  }
0x3f2: {  	v4 =	vld [tilespmem:s23+$0xE110]  }
0x3f3: {  	s24 =	simm.s32 $0x200;
	v2 =	vld [tilespmem:s23+$0xE120]  }
.LBB2_52:
0x3f4: {  	p0 =	sne.s32 s24, $0x18E00;
	v5 =	vld [tilespmem:s23+$0xE130]  }
0x3f5: {  	v6 =	vld [tilespmem:s23+$0x1920]  }
0x3f6: {  	v3 =	vmul.f32 $8.000000000e+00, v3;
	v7 =	vld [tilespmem:s23+$0x1930]  }
0x3f7: {  	v4 =	vmul.f32 $8.000000000e+00, v4  }
0x3f8: {  	s25 =	sshra.s32 s24, $0x2;
	v3 =	vadd.f32 v1, v3;
	v2 =	vmul.f32 $8.000000000e+00, v2  }
.Ltmp25:
0x3f9: {  	v1 =	vld [tilespmem:s25+$0x1900];
	v4 =	vadd.f32 v0, v4;
	v5 =	vmul.f32 $8.000000000e+00, v5;
	(pc) =	sbr.rel @p0 .LBB2_52-.Ltmp25, $4  }
0x3fa: {  	v0 =	vld [tilespmem:s25+$0x1910];
	[tilespmem:s23+$0xE100] =	vst v3;
	v2 =	vadd.f32 v6, v2  }
0x3fb: {  	v3 =	vld [tilespmem:s25+$0xE100];
	[tilespmem:s23+$0xE110] =	vst v4;
	v5 =	vadd.f32 v7, v5  }
0x3fc: {  	v4 =	vld [tilespmem:s25+$0xE110];
	[tilespmem:s23+$0xE120] =	vst v2  }
0x3fd: {  	s24 =	sadd.s32 $0x200, s24;
	v2 =	vld [tilespmem:s25+$0xE120];
	[tilespmem:s23+$0xE130] =	vst v5;
	s23 =	smov.u32 s25  }
0x3fe: {  	v5 =	vld [tilespmem:s23+$0xE130]  }
0x3ff: {  	v6 =	vld [tilespmem:s23+$0x1920]  }
0x400: {  	v7 =	vld [tilespmem:s23+$0x1930];
	v3 =	vmul.f32 $8.000000000e+00, v3  }
0x401: {  	v4 =	vmul.f32 $8.000000000e+00, v4  }
0x402: {  	v1 =	vadd.f32 v1, v3;
	v2 =	vmul.f32 $8.000000000e+00, v2  }
0x403: {  	v0 =	vadd.f32 v0, v4;
	v3 =	vmul.f32 $8.000000000e+00, v5  }
0x404: {  	[tilespmem:s23+$0xE100] =	vst v1;
	v1 =	vadd.f32 v6, v2  }
0x405: {  	[tilespmem:s23+$0xE110] =	vst v0;
	v0 =	vadd.f32 v7, v3  }
0x406: {  	[tilespmem:s23+$0xE120] =	vst v1  }
0x407: {  	s25 =	simm.s32 $0x0;
	[tilespmem:s23+$0xE130] =	vst v0  }
0x408: {  	[hbm4b:s31+s25] =	stream.linear.scatter [tilespmem:s16], [sflag:$0x4], $0x6400, $0x38;
	[tilespmem:$0x14500] =	vst v63  }
0x409: {  	_ =	swait.ge [sflag:s21], $0x6400  }
0x40a: {  	[sflag:s21] =	ssyncset.done $0x0  }
0x40b: {  	s24 =	simm.s32 $0x1518;
	[sflag:s21] =	ssyncadd.s32 $0xFFFF9C00  }
0x40c: {  	[tilespmem:s16], [sflag:$0x2] =	stream.indirect.gather [hbm4b:s3+s12], $0x80, s24, s12, $0xb8;
	[tilespmem:$0x14500] =	vst v63  }
0x40d: {  	s25 =	simm.s32 $0x1580  }
0x40e: {  	[tilespmem:s17], [sflag:$0x2] =	stream.indirect.gather [hbm4b:s3+s14], $0x80, s25, s14, $0xb8;
	[tilespmem:$0x14500] =	vst v63  }
0x40f: {  	_ =	swait.ge [sflag:s18], $0x3400  }
0x410: {  	[sflag:s18] =	ssyncset.done $0x0  }
0x411: {  	[sflag:s18] =	ssyncadd.s32 $0xFFFFCC00  }
0x412: {  	_ =	swait.ge [sflag:s18], $0x3000  }
0x413: {  	[sflag:s18] =	ssyncset.done $0x0  }
0x414: {  	s23 =	simm.s32 $0x0;
	[sflag:s18] =	ssyncadd.s32 $0xFFFFD000  }
0x415: {  	v1 =	vld [tilespmem:s23+$0x1900]  }
0x416: {  	v0 =	vld [tilespmem:s23+$0x1910]  }
0x417: {  	v3 =	vld [tilespmem:s23+$0x7D00]  }
0x418: {  	v4 =	vld [tilespmem:s23+$0x7D10]  }
0x419: {  	s24 =	simm.s32 $0x200;
	v2 =	vld [tilespmem:s23+$0x7D20]  }
.LBB2_54:
0x41a: {  	p0 =	sne.s32 s24, $0x18E00;
	v5 =	vld [tilespmem:s23+$0x7D30]  }
0x41b: {  	v6 =	vld [tilespmem:s23+$0x1920]  }
0x41c: {  	v3 =	vmul.f32 $8.000000000e+00, v3;
	v7 =	vld [tilespmem:s23+$0x1930]  }
0x41d: {  	v4 =	vmul.f32 $8.000000000e+00, v4  }
0x41e: {  	s25 =	sshra.s32 s24, $0x2;
	v3 =	vadd.f32 v1, v3;
	v2 =	vmul.f32 $8.000000000e+00, v2  }
.Ltmp26:
0x41f: {  	v1 =	vld [tilespmem:s25+$0x1900];
	v4 =	vadd.f32 v0, v4;
	v5 =	vmul.f32 $8.000000000e+00, v5;
	(pc) =	sbr.rel @p0 .LBB2_54-.Ltmp26, $4  }
0x420: {  	v0 =	vld [tilespmem:s25+$0x1910];
	[tilespmem:s23+$0x7D00] =	vst v3;
	v2 =	vadd.f32 v6, v2  }
0x421: {  	v3 =	vld [tilespmem:s25+$0x7D00];
	[tilespmem:s23+$0x7D10] =	vst v4;
	v5 =	vadd.f32 v7, v5  }
0x422: {  	v4 =	vld [tilespmem:s25+$0x7D10];
	[tilespmem:s23+$0x7D20] =	vst v2  }
0x423: {  	s24 =	sadd.s32 $0x200, s24;
	v2 =	vld [tilespmem:s25+$0x7D20];
	[tilespmem:s23+$0x7D30] =	vst v5;
	s23 =	smov.u32 s25  }
0x424: {  	v5 =	vld [tilespmem:s23+$0x7D30]  }
0x425: {  	v6 =	vld [tilespmem:s23+$0x1920]  }
0x426: {  	v7 =	vld [tilespmem:s23+$0x1930];
	v3 =	vmul.f32 $8.000000000e+00, v3  }
0x427: {  	v4 =	vmul.f32 $8.000000000e+00, v4  }
0x428: {  	v1 =	vadd.f32 v1, v3;
	v2 =	vmul.f32 $8.000000000e+00, v2  }
0x429: {  	v0 =	vadd.f32 v0, v4;
	v3 =	vmul.f32 $8.000000000e+00, v5  }
0x42a: {  	[tilespmem:s23+$0x7D00] =	vst v1;
	v1 =	vadd.f32 v6, v2  }
0x42b: {  	[tilespmem:s23+$0x7D10] =	vst v0;
	v0 =	vadd.f32 v7, v3  }
0x42c: {  	[tilespmem:s23+$0x7D20] =	vst v1  }
0x42d: {  	s25 =	simm.s32 $0x0;
	[tilespmem:s23+$0x7D30] =	vst v0  }
0x42e: {  	[hbm4b:s0+s25] =	stream.linear.scatter [tilespmem:s13], [sflag:$0x3], $0x6400, $0x38;
	[tilespmem:$0x14500] =	vst v63  }
0x42f: {  	_ =	swait.ge [sflag:s19], $0x6400  }
0x430: {  	[sflag:s19] =	ssyncset.done $0x0  }
0x431: {  	s24 =	simm.s32 $0x15E0;
	[sflag:s19] =	ssyncadd.s32 $0xFFFF9C00  }
0x432: {  	[tilespmem:s13], [sflag:$0x1] =	stream.indirect.gather [hbm4b:s3+s12], $0x80, s24, s12, $0xb8;
	[tilespmem:$0x14500] =	vst v63  }
0x433: {  	s25 =	simm.s32 $0x1648  }
0x434: {  	[tilespmem:s15], [sflag:$0x1] =	stream.indirect.gather [hbm4b:s3+s14], $0x80, s25, s14, $0xb8;
	[tilespmem:$0x14500] =	vst v63  }
0x435: {  	_ =	swait.ge [sflag:s20], $0x3400  }
0x436: {  	[sflag:s20] =	ssyncset.done $0x0  }
0x437: {  	[sflag:s20] =	ssyncadd.s32 $0xFFFFCC00  }
0x438: {  	_ =	swait.ge [sflag:s20], $0x3000  }
0x439: {  	[sflag:s20] =	ssyncset.done $0x0  }
0x43a: {  	s23 =	simm.s32 $0x0;
	[sflag:s20] =	ssyncadd.s32 $0xFFFFD000  }
0x43b: {  	v1 =	vld [tilespmem:s23+$0x1900]  }
0x43c: {  	v0 =	vld [tilespmem:s23+$0x1910]  }
0x43d: {  	v3 =	vld [tilespmem:s23+$0xE100]  }
0x43e: {  	v4 =	vld [tilespmem:s23+$0xE110]  }
0x43f: {  	s24 =	simm.s32 $0x200;
	v2 =	vld [tilespmem:s23+$0xE120]  }
.LBB2_56:
0x440: {  	p0 =	sne.s32 s24, $0x18E00;
	v5 =	vld [tilespmem:s23+$0xE130]  }
0x441: {  	v6 =	vld [tilespmem:s23+$0x1920]  }
0x442: {  	v3 =	vmul.f32 $8.000000000e+00, v3;
	v7 =	vld [tilespmem:s23+$0x1930]  }
0x443: {  	v4 =	vmul.f32 $8.000000000e+00, v4  }
0x444: {  	s25 =	sshra.s32 s24, $0x2;
	v3 =	vadd.f32 v1, v3;
	v2 =	vmul.f32 $8.000000000e+00, v2  }
.Ltmp27:
0x445: {  	v1 =	vld [tilespmem:s25+$0x1900];
	v4 =	vadd.f32 v0, v4;
	v5 =	vmul.f32 $8.000000000e+00, v5;
	(pc) =	sbr.rel @p0 .LBB2_56-.Ltmp27, $4  }
0x446: {  	v0 =	vld [tilespmem:s25+$0x1910];
	[tilespmem:s23+$0xE100] =	vst v3;
	v2 =	vadd.f32 v6, v2  }
0x447: {  	v3 =	vld [tilespmem:s25+$0xE100];
	[tilespmem:s23+$0xE110] =	vst v4;
	v5 =	vadd.f32 v7, v5  }
0x448: {  	v4 =	vld [tilespmem:s25+$0xE110];
	[tilespmem:s23+$0xE120] =	vst v2  }
0x449: {  	s24 =	sadd.s32 $0x200, s24;
	v2 =	vld [tilespmem:s25+$0xE120];
	[tilespmem:s23+$0xE130] =	vst v5;
	s23 =	smov.u32 s25  }
0x44a: {  	v5 =	vld [tilespmem:s23+$0xE130]  }
0x44b: {  	v6 =	vld [tilespmem:s23+$0x1920]  }
0x44c: {  	v7 =	vld [tilespmem:s23+$0x1930];
	v3 =	vmul.f32 $8.000000000e+00, v3  }
0x44d: {  	v4 =	vmul.f32 $8.000000000e+00, v4  }
0x44e: {  	v1 =	vadd.f32 v1, v3;
	v2 =	vmul.f32 $8.000000000e+00, v2  }
0x44f: {  	v0 =	vadd.f32 v0, v4;
	v3 =	vmul.f32 $8.000000000e+00, v5  }
0x450: {  	[tilespmem:s23+$0xE100] =	vst v1;
	v1 =	vadd.f32 v6, v2  }
0x451: {  	[tilespmem:s23+$0xE110] =	vst v0;
	v0 =	vadd.f32 v7, v3  }
0x452: {  	[tilespmem:s23+$0xE120] =	vst v1  }
0x453: {  	s25 =	simm.s32 $0x0;
	[tilespmem:s23+$0xE130] =	vst v0  }
0x454: {  	[hbm4b:s1+s25] =	stream.linear.scatter [tilespmem:s16], [sflag:$0x4], $0x6400, $0x38;
	[tilespmem:$0x14500] =	vst v63  }
0x455: {  	_ =	swait.ge [sflag:s21], $0x6400  }
0x456: {  	[sflag:s21] =	ssyncset.done $0x0  }
0x457: {  	s24 =	simm.s32 $0x16A8;
	[sflag:s21] =	ssyncadd.s32 $0xFFFF9C00  }
0x458: {  	[tilespmem:s16], [sflag:$0x2] =	stream.indirect.gather [hbm4b:s3+s12], $0x80, s24, s12, $0xb8;
	[tilespmem:$0x14500] =	vst v63  }
0x459: {  	s25 =	simm.s32 $0x1710  }
0x45a: {  	[tilespmem:s17], [sflag:$0x2] =	stream.indirect.gather [hbm4b:s3+s14], $0x80, s25, s14, $0xb8;
	[tilespmem:$0x14500] =	vst v63  }
0x45b: {  	_ =	swait.ge [sflag:s18], $0x3400  }
0x45c: {  	[sflag:s18] =	ssyncset.done $0x0  }
0x45d: {  	[sflag:s18] =	ssyncadd.s32 $0xFFFFCC00  }
0x45e: {  	_ =	swait.ge [sflag:s18], $0x3000  }
0x45f: {  	[sflag:s18] =	ssyncset.done $0x0  }
0x460: {  	s23 =	simm.s32 $0x0;
	[sflag:s18] =	ssyncadd.s32 $0xFFFFD000  }
0x461: {  	v1 =	vld [tilespmem:s23+$0x1900]  }
0x462: {  	v0 =	vld [tilespmem:s23+$0x1910]  }
0x463: {  	v3 =	vld [tilespmem:s23+$0x7D00]  }
0x464: {  	v4 =	vld [tilespmem:s23+$0x7D10]  }
0x465: {  	s24 =	simm.s32 $0x200;
	v2 =	vld [tilespmem:s23+$0x7D20]  }
.LBB2_58:
0x466: {  	p0 =	sne.s32 s24, $0x18E00;
	v5 =	vld [tilespmem:s23+$0x7D30]  }
0x467: {  	v6 =	vld [tilespmem:s23+$0x1920]  }
0x468: {  	v3 =	vmul.f32 $8.000000000e+00, v3;
	v7 =	vld [tilespmem:s23+$0x1930]  }
0x469: {  	v4 =	vmul.f32 $8.000000000e+00, v4  }
0x46a: {  	s25 =	sshra.s32 s24, $0x2;
	v3 =	vadd.f32 v1, v3;
	v2 =	vmul.f32 $8.000000000e+00, v2  }
.Ltmp28:
0x46b: {  	v1 =	vld [tilespmem:s25+$0x1900];
	v4 =	vadd.f32 v0, v4;
	v5 =	vmul.f32 $8.000000000e+00, v5;
	(pc) =	sbr.rel @p0 .LBB2_58-.Ltmp28, $4  }
0x46c: {  	v0 =	vld [tilespmem:s25+$0x1910];
	[tilespmem:s23+$0x7D00] =	vst v3;
	v2 =	vadd.f32 v6, v2  }
0x46d: {  	v3 =	vld [tilespmem:s25+$0x7D00];
	[tilespmem:s23+$0x7D10] =	vst v4;
	v5 =	vadd.f32 v7, v5  }
0x46e: {  	v4 =	vld [tilespmem:s25+$0x7D10];
	[tilespmem:s23+$0x7D20] =	vst v2  }
0x46f: {  	s24 =	sadd.s32 $0x200, s24;
	v2 =	vld [tilespmem:s25+$0x7D20];
	[tilespmem:s23+$0x7D30] =	vst v5;
	s23 =	smov.u32 s25  }
0x470: {  	v5 =	vld [tilespmem:s23+$0x7D30]  }
0x471: {  	v6 =	vld [tilespmem:s23+$0x1920]  }
0x472: {  	v7 =	vld [tilespmem:s23+$0x1930];
	v3 =	vmul.f32 $8.000000000e+00, v3  }
0x473: {  	v4 =	vmul.f32 $8.000000000e+00, v4  }
0x474: {  	v1 =	vadd.f32 v1, v3;
	v2 =	vmul.f32 $8.000000000e+00, v2  }
0x475: {  	v0 =	vadd.f32 v0, v4;
	v3 =	vmul.f32 $8.000000000e+00, v5  }
0x476: {  	[tilespmem:s23+$0x7D00] =	vst v1;
	v1 =	vadd.f32 v6, v2  }
0x477: {  	[tilespmem:s23+$0x7D10] =	vst v0;
	v0 =	vadd.f32 v7, v3  }
0x478: {  	[tilespmem:s23+$0x7D20] =	vst v1  }
0x479: {  	s25 =	simm.s32 $0x0;
	[tilespmem:s23+$0x7D30] =	vst v0  }
0x47a: {  	[hbm4b:s4+s25] =	stream.linear.scatter [tilespmem:s13], [sflag:$0x3], $0x6400, $0x38;
	[tilespmem:$0x14500] =	vst v63  }
0x47b: {  	_ =	swait.ge [sflag:s19], $0x6400  }
0x47c: {  	[sflag:s19] =	ssyncset.done $0x0  }
0x47d: {  	s24 =	simm.s32 $0x1770;
	[sflag:s19] =	ssyncadd.s32 $0xFFFF9C00  }
0x47e: {  	[tilespmem:s13], [sflag:$0x1] =	stream.indirect.gather [hbm4b:s3+s12], $0x80, s24, s12, $0xb8;
	[tilespmem:$0x14500] =	vst v63  }
0x47f: {  	s25 =	simm.s32 $0x17D8  }
0x480: {  	[tilespmem:s15], [sflag:$0x1] =	stream.indirect.gather [hbm4b:s3+s14], $0x80, s25, s14, $0xb8;
	[tilespmem:$0x14500] =	vst v63  }
0x481: {  	_ =	swait.ge [sflag:s20], $0x3400  }
0x482: {  	[sflag:s20] =	ssyncset.done $0x0  }
0x483: {  	[sflag:s20] =	ssyncadd.s32 $0xFFFFCC00  }
0x484: {  	_ =	swait.ge [sflag:s20], $0x3000  }
0x485: {  	[sflag:s20] =	ssyncset.done $0x0  }
0x486: {  	s23 =	simm.s32 $0x0;
	[sflag:s20] =	ssyncadd.s32 $0xFFFFD000  }
0x487: {  	v1 =	vld [tilespmem:s23+$0x1900]  }
0x488: {  	v0 =	vld [tilespmem:s23+$0x1910]  }
0x489: {  	v3 =	vld [tilespmem:s23+$0xE100]  }
0x48a: {  	v4 =	vld [tilespmem:s23+$0xE110]  }
0x48b: {  	s24 =	simm.s32 $0x200;
	v2 =	vld [tilespmem:s23+$0xE120]  }
.LBB2_60:
0x48c: {  	p0 =	sne.s32 s24, $0x18E00;
	v5 =	vld [tilespmem:s23+$0xE130]  }
0x48d: {  	v6 =	vld [tilespmem:s23+$0x1920]  }
0x48e: {  	v3 =	vmul.f32 $8.000000000e+00, v3;
	v7 =	vld [tilespmem:s23+$0x1930]  }
0x48f: {  	v4 =	vmul.f32 $8.000000000e+00, v4  }
0x490: {  	s25 =	sshra.s32 s24, $0x2;
	v3 =	vadd.f32 v1, v3;
	v2 =	vmul.f32 $8.000000000e+00, v2  }
.Ltmp29:
0x491: {  	v1 =	vld [tilespmem:s25+$0x1900];
	v4 =	vadd.f32 v0, v4;
	v5 =	vmul.f32 $8.000000000e+00, v5;
	(pc) =	sbr.rel @p0 .LBB2_60-.Ltmp29, $4  }
0x492: {  	v0 =	vld [tilespmem:s25+$0x1910];
	[tilespmem:s23+$0xE100] =	vst v3;
	v2 =	vadd.f32 v6, v2  }
0x493: {  	v3 =	vld [tilespmem:s25+$0xE100];
	[tilespmem:s23+$0xE110] =	vst v4;
	v5 =	vadd.f32 v7, v5  }
0x494: {  	v4 =	vld [tilespmem:s25+$0xE110];
	[tilespmem:s23+$0xE120] =	vst v2  }
0x495: {  	s24 =	sadd.s32 $0x200, s24;
	v2 =	vld [tilespmem:s25+$0xE120];
	[tilespmem:s23+$0xE130] =	vst v5;
	s23 =	smov.u32 s25  }
0x496: {  	v5 =	vld [tilespmem:s23+$0xE130]  }
0x497: {  	v6 =	vld [tilespmem:s23+$0x1920]  }
0x498: {  	v7 =	vld [tilespmem:s23+$0x1930];
	v3 =	vmul.f32 $8.000000000e+00, v3  }
0x499: {  	v4 =	vmul.f32 $8.000000000e+00, v4  }
0x49a: {  	v1 =	vadd.f32 v1, v3;
	v2 =	vmul.f32 $8.000000000e+00, v2  }
0x49b: {  	v0 =	vadd.f32 v0, v4;
	v3 =	vmul.f32 $8.000000000e+00, v5  }
0x49c: {  	[tilespmem:s23+$0xE100] =	vst v1;
	v1 =	vadd.f32 v6, v2  }
0x49d: {  	[tilespmem:s23+$0xE110] =	vst v0;
	v0 =	vadd.f32 v7, v3  }
0x49e: {  	[tilespmem:s23+$0xE120] =	vst v1  }
0x49f: {  	s25 =	simm.s32 $0x0;
	[tilespmem:s23+$0xE130] =	vst v0  }
0x4a0: {  	[hbm4b:s5+s25] =	stream.linear.scatter [tilespmem:s16], [sflag:$0x4], $0x6400, $0x38;
	[tilespmem:$0x14500] =	vst v63  }
0x4a1: {  	_ =	swait.ge [sflag:s21], $0x6400  }
0x4a2: {  	[sflag:s21] =	ssyncset.done $0x0  }
0x4a3: {  	s24 =	simm.s32 $0x1838;
	[sflag:s21] =	ssyncadd.s32 $0xFFFF9C00  }
0x4a4: {  	[tilespmem:s16], [sflag:$0x2] =	stream.indirect.gather [hbm4b:s3+s12], $0x80, s24, s12, $0xb8;
	[tilespmem:$0x14500] =	vst v63  }
0x4a5: {  	s25 =	simm.s32 $0x18A0  }
0x4a6: {  	[tilespmem:s17], [sflag:$0x2] =	stream.indirect.gather [hbm4b:s3+s14], $0x80, s25, s14, $0xb8;
	[tilespmem:$0x14500] =	vst v63  }
0x4a7: {  	_ =	swait.ge [sflag:s18], $0x3400  }
0x4a8: {  	[sflag:s18] =	ssyncset.done $0x0  }
0x4a9: {  	[sflag:s18] =	ssyncadd.s32 $0xFFFFCC00  }
0x4aa: {  	_ =	swait.ge [sflag:s18], $0x3000  }
0x4ab: {  	[sflag:s18] =	ssyncset.done $0x0  }
0x4ac: {  	s23 =	simm.s32 $0x0;
	[sflag:s18] =	ssyncadd.s32 $0xFFFFD000  }
0x4ad: {  	v1 =	vld [tilespmem:s23+$0x1900]  }
0x4ae: {  	v0 =	vld [tilespmem:s23+$0x1910]  }
0x4af: {  	v3 =	vld [tilespmem:s23+$0x7D00]  }
0x4b0: {  	v4 =	vld [tilespmem:s23+$0x7D10]  }
0x4b1: {  	s24 =	simm.s32 $0x200;
	v2 =	vld [tilespmem:s23+$0x7D20]  }
.LBB2_62:
0x4b2: {  	p0 =	sne.s32 s24, $0x18E00;
	v5 =	vld [tilespmem:s23+$0x7D30]  }
0x4b3: {  	v6 =	vld [tilespmem:s23+$0x1920]  }
0x4b4: {  	v3 =	vmul.f32 $8.000000000e+00, v3;
	v7 =	vld [tilespmem:s23+$0x1930]  }
0x4b5: {  	v4 =	vmul.f32 $8.000000000e+00, v4  }
0x4b6: {  	s25 =	sshra.s32 s24, $0x2;
	v3 =	vadd.f32 v1, v3;
	v2 =	vmul.f32 $8.000000000e+00, v2  }
.Ltmp30:
0x4b7: {  	v1 =	vld [tilespmem:s25+$0x1900];
	v4 =	vadd.f32 v0, v4;
	v5 =	vmul.f32 $8.000000000e+00, v5;
	(pc) =	sbr.rel @p0 .LBB2_62-.Ltmp30, $4  }
0x4b8: {  	v0 =	vld [tilespmem:s25+$0x1910];
	[tilespmem:s23+$0x7D00] =	vst v3;
	v2 =	vadd.f32 v6, v2  }
0x4b9: {  	v3 =	vld [tilespmem:s25+$0x7D00];
	[tilespmem:s23+$0x7D10] =	vst v4;
	v5 =	vadd.f32 v7, v5  }
0x4ba: {  	v4 =	vld [tilespmem:s25+$0x7D10];
	[tilespmem:s23+$0x7D20] =	vst v2  }
0x4bb: {  	s24 =	sadd.s32 $0x200, s24;
	v2 =	vld [tilespmem:s25+$0x7D20];
	[tilespmem:s23+$0x7D30] =	vst v5;
	s23 =	smov.u32 s25  }
0x4bc: {  	v5 =	vld [tilespmem:s23+$0x7D30]  }
0x4bd: {  	v6 =	vld [tilespmem:s23+$0x1920]  }
0x4be: {  	v7 =	vld [tilespmem:s23+$0x1930];
	v3 =	vmul.f32 $8.000000000e+00, v3  }
0x4bf: {  	v4 =	vmul.f32 $8.000000000e+00, v4  }
0x4c0: {  	v1 =	vadd.f32 v1, v3;
	v2 =	vmul.f32 $8.000000000e+00, v2  }
0x4c1: {  	v0 =	vadd.f32 v0, v4;
	v3 =	vmul.f32 $8.000000000e+00, v5  }
0x4c2: {  	[tilespmem:s23+$0x7D00] =	vst v1;
	v1 =	vadd.f32 v6, v2  }
0x4c3: {  	[tilespmem:s23+$0x7D10] =	vst v0;
	v0 =	vadd.f32 v7, v3  }
0x4c4: {  	[tilespmem:s23+$0x7D20] =	vst v1  }
0x4c5: {  	s25 =	simm.s32 $0x0;
	[tilespmem:s23+$0x7D30] =	vst v0  }
0x4c6: {  	[hbm4b:s7+s25] =	stream.linear.scatter [tilespmem:s13], [sflag:$0x3], $0x6400, $0x38;
	[tilespmem:$0x14500] =	vst v63  }
0x4c7: {  	_ =	swait.ge [sflag:s20], $0x3400  }
0x4c8: {  	[sflag:s20] =	ssyncset.done $0x0  }
0x4c9: {  	[sflag:s20] =	ssyncadd.s32 $0xFFFFCC00  }
0x4ca: {  	_ =	swait.ge [sflag:s20], $0x3000  }
0x4cb: {  	[sflag:s20] =	ssyncset.done $0x0  }
0x4cc: {  	s23 =	simm.s32 $0x0;
	[sflag:s20] =	ssyncadd.s32 $0xFFFFD000  }
0x4cd: {  	v1 =	vld [tilespmem:s23+$0x1900]  }
0x4ce: {  	v0 =	vld [tilespmem:s23+$0x1910]  }
0x4cf: {  	v3 =	vld [tilespmem:s23+$0xE100]  }
0x4d0: {  	v4 =	vld [tilespmem:s23+$0xE110]  }
0x4d1: {  	s24 =	simm.s32 $0x200;
	v2 =	vld [tilespmem:s23+$0xE120]  }
.LBB2_64:
0x4d2: {  	p0 =	sne.s32 s24, $0x18E00;
	v5 =	vld [tilespmem:s23+$0xE130]  }
0x4d3: {  	v6 =	vld [tilespmem:s23+$0x1920]  }
0x4d4: {  	v3 =	vmul.f32 $8.000000000e+00, v3;
	v7 =	vld [tilespmem:s23+$0x1930]  }
0x4d5: {  	v4 =	vmul.f32 $8.000000000e+00, v4  }
0x4d6: {  	s25 =	sshra.s32 s24, $0x2;
	v3 =	vadd.f32 v1, v3;
	v2 =	vmul.f32 $8.000000000e+00, v2  }
.Ltmp31:
0x4d7: {  	v1 =	vld [tilespmem:s25+$0x1900];
	v4 =	vadd.f32 v0, v4;
	v5 =	vmul.f32 $8.000000000e+00, v5;
	(pc) =	sbr.rel @p0 .LBB2_64-.Ltmp31, $4  }
0x4d8: {  	v0 =	vld [tilespmem:s25+$0x1910];
	[tilespmem:s23+$0xE100] =	vst v3;
	v2 =	vadd.f32 v6, v2  }
0x4d9: {  	v3 =	vld [tilespmem:s25+$0xE100];
	[tilespmem:s23+$0xE110] =	vst v4;
	v5 =	vadd.f32 v7, v5  }
0x4da: {  	v4 =	vld [tilespmem:s25+$0xE110];
	[tilespmem:s23+$0xE120] =	vst v2  }
0x4db: {  	s24 =	sadd.s32 $0x200, s24;
	v2 =	vld [tilespmem:s25+$0xE120];
	[tilespmem:s23+$0xE130] =	vst v5;
	s23 =	smov.u32 s25  }
0x4dc: {  	v5 =	vld [tilespmem:s23+$0xE130]  }
0x4dd: {  	v6 =	vld [tilespmem:s23+$0x1920]  }
0x4de: {  	v7 =	vld [tilespmem:s23+$0x1930];
	v3 =	vmul.f32 $8.000000000e+00, v3  }
0x4df: {  	v4 =	vmul.f32 $8.000000000e+00, v4  }
0x4e0: {  	v1 =	vadd.f32 v1, v3;
	v2 =	vmul.f32 $8.000000000e+00, v2  }
0x4e1: {  	v0 =	vadd.f32 v0, v4;
	v61 =	vmul.f32 $8.000000000e+00, v5  }
0x4e2: {  	[tilespmem:s23+$0xE100] =	vst v1;
	v62 =	vadd.f32 v6, v2  }
0x4e3: {  	[tilespmem:s23+$0xE110] =	vst v0;
	v63 =	vadd.f32 v7, v61  }
0x4e4: {  	[tilespmem:s23+$0xE120] =	vst v62  }
0x4e5: {  	s22 =	sadd.s32 $0x1, s22;
	[tilespmem:s23+$0xE130] =	vst v63  }
0x4e6: {  	[hbm4b:s8+s2] =	stream.linear.scatter [tilespmem:s16], [sflag:$0x4], $0x6400, $0x38;
	[tilespmem:$0x14500] =	vst v63  }
0x4e7: {  	p0 =	sne.s32 s22, s9;
	_ =	swait.ge [sflag:s19], $0x6400  }
.Ltmp32:
0x4e8: {  	[sflag:s19] =	ssyncset.done $0x0;
	(pc) =	sbr.rel @p0 .LBB2_1-.Ltmp32, $4  }
0x4e9: {  	[sflag:s19] =	ssyncadd.s32 $0xFFFF9C00  }
0x4ea: {  	_ =	swait.ge [sflag:s21], $0x6400  }
0x4eb: {  	[sflag:s21] =	ssyncset.done $0x0  }
0x4ec: {  	[sflag:s21] =	ssyncadd.s32 $0xFFFF9C00  }
0x4ed: {  	_ =	sfence.sel $0x180000  }
0x4ee: {  	[bflag:$0x0] =	sbarrier.arrive $0xFFFF  }
0x4ef: {  	_ =	strace $0x90000047  }
0x4f0: {  	s0 =	stileid.u32;
	[bflag:$0x2] =	sbarrier.arrive $0xFFFF  }
0x4f1: {  	p0 =	sne.s32 s0, $0x0;
	s0 =	rddreg [dreg:$0x2]  }
0x4f2: {  	s0 =	sadd.s32 @!p0 $0x100000, s0  }
0x4f3: {  	[sflag:s0] =	ssyncadd.tile.s32 @!p0 $0x1;
	_ =	shalt  }
.Lfunc_end2:
_tile_overlayer_lowered:
.L_overlay_start_2:
0x4f4: {  	(tag) =	ssettag $0x2  }
0x4f5: {  	s0 =	rddreg [dreg:$0x0];
	s2 =	stileid.u32  }
0x4f6: {  	s1 =	rddreg [dreg:$0x1];
	p0 =	sne.s32 s2, $0x0  }
0x4f7: {  	s3 =	rddreg [dreg:$0x2];
	[bflag:$0x3] =	sbarrier.arrive $0xFFFF;
	s2 =	simm.s32 @!p0 $0x1C05  }
0x4f8: {  	[timem:s3], [sflag:s2] =	dma.local @!p0 [hbm:s0], s1  }
0x4f9: {  	s0 =	simm.s32 @!p0 $0x5  }
0x4fa: {  	_ =	swait.ge @!p0 [sflag:s0], s1  }
0x4fb: {  	s1 =	ssub.s32 @!p0 $0x0, s1;
	[sflag:s0] =	ssyncset.done @!p0 $0x0  }
0x4fc: {  	[sflag:s0] =	ssyncadd.s32 @!p0 s1  }
0x4fd: {  	[bflag:$0x3] =	sbarrier.arrive $0xFFFF  }
0x4fe: {  	_ =	shalt  }

// kernel: sparse-core-data-format-call.cloned.1.call-start
scs
called_computation_lowered:
.L_overlay_start_0:
0x0: {  	s2 =	sld [smem:$0x3FD9]  }
0x1: {  	s3 =	sld [smem:$0x3FFE];
	_ =	sdelay $0x1  }
0x2: {  	s1 =	srdreg.scid  }
0x3: {  	s0 =	sand.u32 $0x1, s1  }
0x4: {  	s18 =	sshll.u32 s0, $0xA;
	s2 =	sadd.s32 s3, s2  }
0x5: {  	s2 =	sadd.s32 s2, s18  }
0x6: {  	[smem:$0x3FC5] =	sst s2  }
0x7: {  	_ = 	snop  }
0x8: {  	s2 =	sld [smem:$0x3FD0];
	(tm) =	ssettm $0x1  }
0x9: {  	s19 =	sld [smem:$0x3FFB];
	_ =	sdelay $0x3  }
0xa: {  	_ =	strace s19  }
0xb: {  	s3 =	sld [smem:$0x3FFC];
	_ =	sdelay $0x3  }
0xc: {  	_ =	strace s3  }
0xd: {  	s3 =	sld [smem:$0x3FFD];
	_ =	sdelay $0x3  }
0xe: {  	_ =	strace s3  }
0xf: {  	_ =	strace $0x8FFFFFFF  }
0x10: {  	s20 =	sld [smem:$0x3FDB];
	_ =	sdelay $0x1  }
0x11: {  	s4 =	simm.s32 $_scs_section_size  }
0x12: {  	s5 =	simm.s32 $_size__tile_overlayer_lowered;
	s6 =	simm.s32 $_tile_overlayer_lowered  }
0x13: {  	s23 =	simm.s32 $0x1BFF;
	s22 =	sshll.u32 s6, $0x1;
	s3 =	sadd.s32 s4, s20  }
0x14: {  	s7 =	simm.s32 $0x0;
	s21 =	sshll.u32 s5, $0x1;
	s5 =	sadd.s32 s22, s3  }
0x15: {  	[timem:s7], [sflag:s23] =	dma.local [hbm:s5], s21  }
0x16: {  	_ =	swait.ge [sflag:s23], s21  }
0x17: {  	s4 =	ssub.s32 $0x0, s21;
	[sflag:s23] =	ssyncset.done $0x0  }
0x18: {  	[sflag:s23] =	ssyncadd.s32 s4;
	_ =	sdelay $0x1  }
0x19: {  	s24 =	simm.s32 $0x1B8B  }
0x1a: {  	_ =	swait.ge [sflag:s24], $0x1  }
0x1b: {  	[sflag:s24] =	ssyncset.done $0x0  }
0x1c: {  	s26 =	simm.s32 $0x1B8E;
	s25 =	sld [smem:$0x3FFE];
	[sflag:s24] =	ssyncadd.s32 $0xFFFFFFFF  }
0x1d: {  	s27 =	simm.s32 $execute0_lowered;
	[smem:$0x3FD2] =	sst s26  }
0x1e: {  	s5 =	sshll.u32 s27, $0x1;
	_ =	strace $0x80000049;
	[dreg:$0x1] =	wrdreg $0xFFFFFFFF  }
0x1f: {  	s28 =	simm.s32 $_size_execute0_lowered;
	s3 =	sadd.s32 s3, s5;
	[dreg:$0x0] =	wrdreg $0x0  }
0x20: {  	s5 =	sshll.u32 s28, $0x1;
	[dreg:$0x2] =	wrdreg s3  }
0x21: {  	[dreg:$0x3] =	wrdreg s5  }
0x22: {  	[dreg:$0x4] =	wrdreg $0xC0  }
0x23: {  	_ =	task [dreg:s7], $0x5FFFF  }
0x24: {  	[dreg:$0x1] =	wrdreg $0xFFFFFFFF  }
0x25: {  	[dreg:$0x0] =	wrdreg $0x60  }
0x26: {  	[dreg:$0x2] =	wrdreg s25  }
0x27: {  	[dreg:$0x3] =	wrdreg s2  }
0x28: {  	[dreg:$0x4] =	wrdreg $0x9  }
0x29: {  	_ =	task.clear_ibuf [dreg:s7], $0x5FFFF;
	_ =	strace $0x90000049  }
0x2a: {  	s29 =	simm.s32 $0x9;
	_ =	strace $0x8000004B  }
0x2b: {  	_ =	swait.ge [sflag:s29], $0x1  }
0x2c: {  	[sflag:s29] =	ssyncadd.s32 $0xFFFFFFFF  }
0x2d: {  	_ =	strace $0x9000004B  }
0x2e: {  	_ =	sfence  }
0x2f: {  	s30 =	sld [smem:$0x0];
	_ =	sdelay $0x2  }
0x30: {  	s31 =	sshll.u32 s1, $0xD;
	s1 =	sshrl.u32 s1, $0x2  }
0x31: {  	s3 =	sand.u32 $0x4000, s31;
	s1 =	sadd.s32 s1, s30  }
0x32: {  	s0 =	sor.u32 s3, s0;
	s1 =	sshll.u32 s1, $0x11  }
0x33: {  	s0 =	sor.u32 s1, s0  }
0x34: {  	s0 =	sadd.s32 $0x8F2B, s0  }
0x35: {  	[sflag:s0] =	ssyncadd.remote.s32 $0x1  }
0x36: {  	_ =	sfence.sel $0xFFFF  }
0x37: {  	[dreg:$0x0] =	wrdreg $0xFFFFFFFF;
	(pc) =	sbr.abs _section_cstart, $3  }
0x38: {  	[dreg:$0x1] =	wrdreg $0xFFFFFFFF  }
0x39: {  	_ =	task.clear_ibuf [dreg:s7], $0x2FFFF;
	_ =	strace $0x9FFFFFFF  }
0x3a: {  	(tm) =	ssettm $0x7FFFFFFF  }
0x3b: {  	_ =	shalt  }
tec
execute0_lowered:
.L_overlay_start_1:
0x0: {  	(tag) =	ssettag $0x1  }
0x1: {  	s0 =	stileid.u32;
	s6 =	rddreg [dreg:$0x0]  }
0x2: {  	s2 =	rddreg [dreg:$0x1];
	s5 =	srdreg.scid  }
0x3: {  	s31 =	simm.s32 $0x2;
	s13 =	simm.s32 $0x0;
	s1 =	sshll.u32 s0, $0x7  }
0x4: {  	s14 =	simm.s32 $0x0;
	s12 =	simm.s32 $0x0;
	s3 =	sand.u32 $0x380, s1  }
0x5: {  	s5 =	sshll.u32 s5, $0x4;
	s6 =	sadd.s32 $0xC00, s6;
	s4 =	ssub.s32 $0x400, s3  }
0x6: {  	s1 =	rddreg [dreg:$0x2];
	_ =	strace $0x8000004A;
	s7 =	sand.u32 $0x380, s4  }
0x7: {  	s5 =	sand.u32 $0x10, s5;
	p0 =	sne.s32 s7, $0x0;
	s7 =	simm.s32 $0x1  }
.Ltmp0:
0x8: {  	s8 =	sshrl.u32 s4, $0xA;
	s7 =	simm.s32 @!p0 $0x0;
	(pc) =	sbr.rel .LBB1_1-.Ltmp0, $4  }
0x9: {  	s9 =	sor.u32 s0, s5;
	s4 =	simm.s32 $0x1;
	s30 =	sadd.s32 s7, s8  }
0xa: {  	s11 =	smov.u32 s3;
	[sflag:s4] =	ssyncpa.u1 $0x0;
	s5 =	smul.u32 $0x32, s30  }
0xb: {  	[sflag:s31] =	ssyncpa.u1 $0x0;
	p0 =	por $0x0, $0x0;
	s7 =	sshrl.u32 s9, $0x3  }
0xc: {  	s9 =	simm.s32 $0x2000;
	s10 =	smov.u32 s7;
	s8 =	sor.u32 $0x1, s5  }
.LBB1_4:
0xd: {  	s17 =	sand.u32 $0x1F80, s14;
	s13 =	sshll.u32 s13, $0xD  }
0xe: {  	[tilespmem:s16+$0x810 ss:$0x81] =	vst.msk $0xffff, v2;
	s18 =	sshrl.u32 s14, $0x3;
	s31 =	sand.u32 $0x7, s14;
	s17 =	sadd.s32 s2, s17  }
0xf: {  	[tilespmem:s16+$0x1020 ss:$0x81] =	vst.msk $0xffff, v0;
	s18 =	sand.u32 $0xF, s18;
	s14 =	sshll.u32 s31, $0x12;
	s13 =	sadd.s32 s13, s17  }
0x10: {  	[tilespmem:s16+$0x0 ss:$0x81] =	vst.msk $0xffff, v1;
	s14 =	sor.u32 $0x400, s14;
	s13 =	sadd.s32 s18, s13  }
0x11: {  	[hbm4b:s13+s14] =	stream.strided.scatter [tilespmem:s15], [sflag:$0x2], $0x2000, s9, s14, $0x20;
	[tilespmem:$0x8080] =	vst v63  }
.LBB1_5:
0x12: {  	s15 =	sadd.s32 $0x4, s10  }
0x13: {  	s13 =	sadd.s32 $0x400, s11;
	s17 =	smov.u32 s11;
	p2 =	sgt.s32 s15, $0xC7  }
0x14: {  	s17 =	smov.u32 @p2 s13  }
0x15: {  	s15 =	smov.u32 @p2 s7;
	p2 =	sgt.s32 s17, $0x3FF  }
0x16: {  	s17 =	smov.u32 @p2 s3;
	p2 =	sne.s32 s12, s8  }
.Ltmp1:
0x17: {  	p1 =	slt.u32 s12, $0x2;
	(pc) =	sbr.rel @!p2 .LBB1_6-.Ltmp1, $4  }
0x18: {  	s16 =	simm.s32 @!p1 $0x2  }
0x19: {  	s14 =	smov.u32 s11;
	p0 =	por !p0, !p0;
	_ =	swait.ge @!p1 [sflag:s16], $0x2000  }
0x1a: {  	s13 =	smov.u32 s10;
	[sflag:s16] =	ssyncset.done @!p1 $0x0;
	s10 =	smov.u32 s15  }
0x1b: {  	s12 =	sadd.s32 $0x1, s12;
	[sflag:s16] =	ssyncadd.s32 @!p1 $0xFFFFE000;
	s11 =	smov.u32 s17  }
.LBB1_1:
0x1c: {  	p1 =	sge.u32 s12, s5  }
0x1d: {  	s15 =	sand.u32 @!p1 $0x1FFFFFF, s10  }
0x1e: {  	s16 =	smulhi.u32 @!p1 $0x147AE15, s15;
	_ =	sdelay $0x1  }
0x1f: {  	s16 =	smul.u32 @!p1 $0xC8, s16  }
0x20: {  	s17 =	sxor.u32 @!p1 $0xFFFFFFFF, s12;
	s18 =	smul.u32 @!p1 $0xC80, s11  }
0x21: {  	s31 =	sadd.s32 $0xFFFFFFFF, s12;
	s17 =	sshll.u32 @!p1 s17, $0xD;
	s15 =	ssub.s32 @!p1 s15, s16  }
0x22: {  	s16 =	sand.u32 @!p1 $0x2000, s17;
	s17 =	sadd.s32 @!p1 s6, s18;
	s15 =	sshll.u32 @!p1 s15, $0x4  }
0x23: {  	s18 =	simm.s32 @!p1 $0x6400;
	s15 =	sadd.s32 @!p1 s15, s17;
	s17 =	simm.s32 @!p1 $0x40  }
0x24: {  	[tilespmem:s16], [sflag:$0x1] =	stream.strided.gather @!p1 [hbm4b:s15+s17], $0x2000, s18, s17, $0x38;
	[tilespmem:$0x8080] =	vst v63  }
0x25: {  	p1 =	sge.u32 s31, s5  }
.Ltmp2:
0x26: {  	_ = 	snop;
	(pc) =	sbr.rel @p1 .LBB1_5-.Ltmp2, $1  }
0x27: {  	_ =	sdelay $0x3  }
0x28: {  	s15 =	simm.s32 $0x1  }
0x29: {  	_ =	swait.ge [sflag:s4], $0x2000;
	s15 =	simm.s32 @!p0 $0x0  }
0x2a: {  	[sflag:s4] =	ssyncset.done $0x0;
	s16 =	sshll.u32 s15, $0xD  }
0x2b: {  	[sflag:s4] =	ssyncadd.s32 $0xFFFFE000;
	s19 =	sor.u32 $0x20, s16  }
0x2c: {  	s15 =	smul.u32 $0x8100, s15;
	v3 =	vld [tilespmem:s19+$0x10]  }
0x2d: {  	s30 =	sand.u32 $0x1, s12;
	v2 =	vld [tilespmem:s19+$0xFFFFFFF0]  }
0x2e: {  	s16 =	smul.u32 $0x8100, s30;
	s15 =	sshrl.u32 s15, $0x2;
	v0 =	vld [tilespmem:s19+$0x0]  }
0x2f: {  	v1 =	vld [tilespmem:s19+$0xFFFFFFE0];
	s17 =	sor.u32 $0x4000, s15  }
0x30: {  	s31 =	sshrl.u32 s16, $0x2;
	s16 =	sadd.s32 $0x0, s17  }
0x31: {  	s18 =	simm.s32 $0x4;
	s19 =	sadd.s32 $0x40, s19;
	s15 =	sor.u32 $0x4000, s31;
	[tilespmem:s16+$0x1830 ss:$0x81] =	vst.msk $0xffff, v3  }
.LBB1_3:
0x32: {  	v3 =	vld [tilespmem:s19+$0x10];
	p1 =	sne.s32 s18, $0x1FC;
	[tilespmem:s16+$0x810 ss:$0x81] =	vst.msk $0xffff, v2;
	s20 =	smov.u32 s18;
	s18 =	sadd.s32 $0x4, s18  }
.Ltmp3:
0x33: {  	v2 =	vld [tilespmem:s19+$0xFFFFFFF0];
	[tilespmem:s16+$0x1020 ss:$0x81] =	vst.msk $0xffff, v0;
	(pc) =	sbr.rel @p1 .LBB1_3-.Ltmp3, $4  }
0x34: {  	v0 =	vld [tilespmem:s19+$0x0];
	[tilespmem:s16+$0x0 ss:$0x81] =	vst.msk $0xffff, v1  }
0x35: {  	s16 =	sshra.s32 s20, $0x2;
	v1 =	vld [tilespmem:s19+$0xFFFFFFE0]  }
0x36: {  	s16 =	sadd.s32 s16, s17  }
0x37: {  	s19 =	sadd.s32 $0x40, s19;
	[tilespmem:s16+$0x1830 ss:$0x81] =	vst.msk $0xffff, v3  }
.Ltmp4:
0x38: {  	_ = 	snop;
	(pc) =	sbr.rel .LBB1_4-.Ltmp4, $1  }
0x39: {  	_ =	sdelay $0x3  }
.LBB1_6:
0x3a: {  	_ =	sfence.sel $0x180000  }
0x3b: {  	s2 =	simm.s32 $0x1;
	[bflag:$0x0] =	sbarrier.arrive $0xFFFF  }
0x3c: {  	s31 =	simm.s32 $0x2;
	[sflag:s2] =	ssyncpa.u1 $0x1  }
0x3d: {  	[sflag:s31] =	ssyncpa.u1 $0x1  }
0x3e: {  	p0 =	sne.s32 s0, $0x0;
	_ =	strace $0x9000004A  }
0x3f: {  	s0 =	sadd.s32 @!p0 $0x100000, s1;
	[bflag:$0x2] =	sbarrier.arrive $0xFFFF  }
0x40: {  	[sflag:s0] =	ssyncadd.tile.s32 @!p0 $0x1;
	_ =	shalt  }
.Lfunc_end1:
_tile_overlayer_lowered:
.L_overlay_start_2:
0x41: {  	(tag) =	ssettag $0x2  }
0x42: {  	s0 =	rddreg [dreg:$0x0];
	s2 =	stileid.u32  }
0x43: {  	s1 =	rddreg [dreg:$0x1];
	p0 =	sne.s32 s2, $0x0  }
0x44: {  	s3 =	rddreg [dreg:$0x2];
	[bflag:$0x3] =	sbarrier.arrive $0xFFFF;
	s2 =	simm.s32 @!p0 $0x1C01  }
0x45: {  	[timem:s3], [sflag:s2] =	dma.local @!p0 [hbm:s0], s1  }
0x46: {  	s0 =	simm.s32 @!p0 $0x1  }
0x47: {  	_ =	swait.ge @!p0 [sflag:s0], s1  }
0x48: {  	s1 =	ssub.s32 @!p0 $0x0, s1;
	[sflag:s0] =	ssyncset.done @!p0 $0x0  }
0x49: {  	[sflag:s0] =	ssyncadd.s32 @!p0 s1  }
0x4a: {  	[bflag:$0x3] =	sbarrier.arrive $0xFFFF  }
0x4b: {  	_ =	shalt  }

</sc_bundles>
